<compile_context>
chip_gen: v7x
topology: tpu7x:2x2x1
jax: 0.10.2.dev20260603
libtpu: 0.0.44.dev20260713+nightly
codegen_flags: <defaults>
</compile_context>

<pallas_src>
import functools

import jax
import jax.numpy as jnp
from jax import lax
from jax.experimental import pallas as pl
from jax.experimental.pallas import tpu as pltpu
from jax.experimental.pallas import tpu_sc as plsc

NC, NS, LANES = 2, 16, 16
NW = NC * NS
K = 128
SCCH = 16
NBUF = 2
BN_EPS = 1e-5
BLK = 2000



ZR = 128


def _acc_rows(N):
    return -(-N // (NS * ZR)) * ZR


@functools.cache
def _seg_sum_kernel(N, D, CH):
    RPT = _acc_rows(N)
    NP = NS * RPT
    NSUP = CH // SCCH
    assert D % (2 * LANES) == 0 and K % LANES == 0 and CH % SCCH == 0
    assert SCCH % NBUF == 0

    mesh = plsc.VectorSubcoreMesh(core_axis_name="c", subcore_axis_name="s")

    @functools.partial(
        pl.kernel,
        out_type=jax.ShapeDtypeStruct((NC, NP, D), jnp.float32),
        mesh=mesh,
        compiler_params=pltpu.CompilerParams(use_tc_tiling_on_sc=False),
        scratch_types=[
            pltpu.VMEM((SCCH, K), jnp.int32),
            pltpu.VMEM((SCCH, K), jnp.int32),
            pltpu.VMEM((SCCH, K), jnp.float32),
            pltpu.VMEM((K, D // 2), jnp.int32),
            pltpu.VMEM((K, D // 2), jnp.int32),
            pltpu.VMEM((K, D), jnp.float32),
            pltpu.VMEM_SHARED((NP, D), jnp.float32),
            pltpu.SemaphoreType.DMA,
            pltpu.SemaphoreType.DMA,
        ],
    )
    def seg(xb_hbm, src_hbm, dst_hbm, w_hbm, out_hbm,
            src_v, dst_v, w_v, rows0, rows1, frows, acc_s, sem0, sem1):
        c = lax.axis_index("c")
        s = lax.axis_index("s")
        wid = s * NC + c
        rows = (rows0, rows1)
        sems = (sem0, sem1)

        def zrow(i, carry):
            for j in range(D // LANES):
                frows[i, pl.ds(j * LANES, LANES)] = jnp.zeros((LANES,), jnp.float32)
            return carry
        lax.fori_loop(0, K, zrow, 0)
        for r in range(RPT // K):
            pltpu.sync_copy(frows, acc_s.at[pl.ds(s * RPT + r * K, K)])
        plsc.subcore_barrier()

        def gather_start(b, ch):
            h = K // 2
            pltpu.async_copy(xb_hbm.at[src_v.at[ch, pl.ds(0, h)]],
                             rows[b].at[pl.ds(0, h)], sems[b])
            pltpu.async_copy(xb_hbm.at[src_v.at[ch, pl.ds(h, h)]],
                             rows[b].at[pl.ds(h, h)], sems[b])

        def gather_wait(b, ch):
            pltpu.make_async_copy(xb_hbm.at[src_v.at[ch]], rows[b], sems[b]).wait()

        def scale(buf, ch):
            def grp(g, carry):
                wv = w_v[ch, pl.ds(g * LANES, LANES)]
                for l in range(LANES):
                    w = wv[l]
                    k = g * LANES + l
                    for j in range(D // (2 * LANES)):
                        pk = buf[k, pl.ds(j * LANES, LANES)]
                        lo = lax.bitcast_convert_type(pk << 16, jnp.float32)
                        hi = lax.bitcast_convert_type(pk & jnp.int32(-65536),
                                                      jnp.float32)
                        frows[k, pl.ds(j * 2 * LANES, LANES)] = lo * w
                        frows[k, pl.ds(j * 2 * LANES + LANES, LANES)] = hi * w
                return carry
            lax.fori_loop(0, K // LANES, grp, 0)

        def super_chunk(sup, carry):
            ssl = pl.ds(sup * SCCH, SCCH)
            pltpu.sync_copy(src_hbm.at[wid, ssl], src_v)
            pltpu.sync_copy(dst_hbm.at[wid, ssl], dst_v)
            pltpu.sync_copy(w_hbm.at[wid, ssl], w_v)
            for b in range(NBUF):
                gather_start(b, b)

            def rotation(i, carry2):
                ch0 = NBUF * i
                for b in range(NBUF):
                    ch = ch0 + b
                    gather_wait(b, ch)
                    scale(rows[b], ch)
                    pltpu.sync_copy(frows, acc_s.at[dst_v.at[ch]], add=True)

                    @pl.when(ch + NBUF < SCCH)
                    def _():
                        gather_start(b, ch + NBUF)
                return carry2
            lax.fori_loop(0, SCCH // NBUF, rotation, 0)
            return carry
        lax.fori_loop(0, NSUP, super_chunk, 0)

        plsc.subcore_barrier()
        pltpu.sync_copy(acc_s.at[pl.ds(s * RPT, RPT)],
                        out_hbm.at[c, pl.ds(s * RPT, RPT)])

    return seg



def _dot_t(a, w):
    return lax.dot_general(a, w, (((1,), (1,)), ((), ())),
                           preferred_element_type=jnp.float32)


def _gate_body(p0_ref, p1_ref, x_ref,
               w1, u1, w2, u2, w3, u3, b1, b2, b3,
               out_ref, st_ref):
    i = pl.program_id(0)
    x = x_ref[...]
    agg = p0_ref[0] + p1_ref[0]
    ul = jax.nn.relu(_dot_t(agg, w1[...]) + _dot_t(x, u1[...]) + b1[...])
    rl = jax.nn.relu(_dot_t(agg, w2[...]) + _dot_t(x, u2[...]) + b2[...])
    fl = jnp.tanh(_dot_t(agg, w3[...]) + _dot_t(rl * x, u3[...]) + b3[...])
    out = ul * fl + (1.0 - ul) * x
    out_ref[...] = out

    @pl.when(i == 0)
    def _():
        st_ref[...] = jnp.zeros_like(st_ref)
    st_ref[0:1, :] += jnp.sum(out, axis=0, keepdims=True)
    st_ref[1:2, :] += jnp.sum(out * out, axis=0, keepdims=True)


def _bn_mlp_body(n_total, a_ref, st_in, g_ref, b_ref, w_ref, bias_ref,
                 out_ref, st_out):
    i = pl.program_id(0)
    mu = st_in[0:1, :] / n_total
    var = st_in[1:2, :] / n_total - mu * mu
    inv = lax.rsqrt(var + BN_EPS)
    a = (a_ref[...] - mu) * inv * g_ref[...] + b_ref[...]
    a = jax.nn.relu(a)
    h = _dot_t(a, w_ref[...]) + bias_ref[...]
    out_ref[...] = h

    @pl.when(i == 0)
    def _():
        st_out[...] = jnp.zeros_like(st_out)
    st_out[0:1, :] += jnp.sum(h, axis=0, keepdims=True)
    st_out[1:2, :] += jnp.sum(h * h, axis=0, keepdims=True)


def _bn_final_body(n_total, a_ref, st_in, g_ref, b_ref, w_ref, bias_ref,
                   out_ref):
    mu = st_in[0:1, :] / n_total
    var = st_in[1:2, :] / n_total - mu * mu
    inv = lax.rsqrt(var + BN_EPS)
    a = (a_ref[...] - mu) * inv * g_ref[...] + b_ref[...]
    a = jax.nn.relu(a)
    out_ref[...] = _dot_t(a, w_ref[...]) + bias_ref[...]


def _full(shape):
    return pl.BlockSpec(shape, lambda i: (0, 0))


def kernel(x, edge_index, edge_weight, W1_w, W1_b, U1_w, U1_b, W2_w, W2_b,
           U2_w, U2_b, W3_w, W3_b, U3_w, U3_b, bn_g, bn_b,
           m0_w, m0_b, mbn_g, mbn_b, m1_w, m1_b):
    N, D = x.shape
    E = edge_weight.shape[0]
    dst = edge_index[0]
    src = edge_index[1]

    e_w = -(-E // NW)
    CH = -(--(-e_w // K) // SCCH) * SCCH
    pad = NW * CH * K - E
    src_p = jnp.pad(src, (0, pad)).reshape(NW, CH, K)
    dst_p = jnp.pad(dst, (0, pad)).reshape(NW, CH, K)
    wgt_p = jnp.pad(edge_weight, (0, pad)).reshape(NW, CH, K)

    xb = (x.reshape(N, D // 32, 2, 16).transpose(0, 1, 3, 2)
          .reshape(N, D // 2, 2).astype(jnp.bfloat16))
    xb32 = lax.bitcast_convert_type(xb, jnp.int32)

    parts = _seg_sum_kernel(N, D, CH)(xb32, src_p, dst_p, wgt_p)

    grid = (N // BLK,)
    row_blk = pl.BlockSpec((BLK, D), lambda i: (i, 0))
    part0 = pl.BlockSpec((1, BLK, D), lambda i: (0, i, 0))
    part1 = pl.BlockSpec((1, BLK, D), lambda i: (1, i, 0))
    wspec = _full((D, D))
    vspec = _full((1, D))
    st_spec = _full((8, D))

    b1 = (W1_b + U1_b).reshape(1, D)
    b2 = (W2_b + U2_b).reshape(1, D)
    b3 = (W3_b + U3_b).reshape(1, D)

    out_pre, st1 = pl.pallas_call(
        _gate_body,
        grid=grid,
        in_specs=[part0, part1, row_blk] + [wspec] * 6 + [vspec] * 3,
        out_specs=[row_blk, st_spec],
        out_shape=[jax.ShapeDtypeStruct((N, D), jnp.float32),
                   jax.ShapeDtypeStruct((8, D), jnp.float32)],
    )(parts, parts, x, W1_w, U1_w, W2_w, U2_w, W3_w, U3_w, b1, b2, b3)

    h, st2 = pl.pallas_call(
        functools.partial(_bn_mlp_body, float(N)),
        grid=grid,
        in_specs=[row_blk, st_spec, vspec, vspec, wspec, vspec],
        out_specs=[row_blk, st_spec],
        out_shape=[jax.ShapeDtypeStruct((N, D), jnp.float32),
                   jax.ShapeDtypeStruct((8, D), jnp.float32)],
    )(out_pre, st1, bn_g.reshape(1, D), bn_b.reshape(1, D),
      m0_w, m0_b.reshape(1, D))

    y = pl.pallas_call(
        functools.partial(_bn_final_body, float(N)),
        grid=grid,
        in_specs=[row_blk, st_spec, vspec, vspec, wspec, vspec],
        out_specs=row_blk,
        out_shape=jax.ShapeDtypeStruct((N, D), jnp.float32),
    )(h, st2, mbn_g.reshape(1, D), mbn_b.reshape(1, D),
      m1_w, m1_b.reshape(1, D))

    return y

# --- scband reference (transcript-rebuilt; emitter-appended) ---
"""Pipeline reference for scband-gated-graph-convolution-50835232916339 (READ-ONLY COPY).

The authoritative reference and input builder live on the scoring server;
editing this copy changes nothing except your own understanding.
"""

import jax, jax.numpy as jnp
import numpy as np

N = 10000
E = 320000
D = 128


def _lin_params(k, din, dout):
    w = jax.random.normal(k, (dout, din), dtype=jnp.float32) * (1.0 / np.sqrt(din))
    b = jnp.zeros((dout,), dtype=jnp.float32)
    return w, b


def setup_inputs(seed: int = 0) -> dict:
    key = jax.random.key(seed)
    ks = jax.random.split(key, 16)
    inp = {}
    inp['x'] = jax.random.normal(ks[0], (N, D), dtype=jnp.float32)
    inp['edge_index'] = jax.random.randint(ks[1], (2, E), 0, N, dtype=jnp.int32)
    inp['edge_weight'] = jax.random.uniform(ks[2], (E,), dtype=jnp.float32)
    names = ['W1', 'U1', 'W2', 'U2', 'W3', 'U3']
    for i, name in enumerate(names):
        w, b = _lin_params(ks[3 + i], D, D)
        inp[name + '_w'] = w
        inp[name + '_b'] = b
    inp['bn_g'] = jnp.ones((D,), dtype=jnp.float32)
    inp['bn_b'] = jnp.zeros((D,), dtype=jnp.float32)
    w, b = _lin_params(ks[9], D, D)
    inp['m0_w'] = w
    inp['m0_b'] = b
    inp['mbn_g'] = jnp.ones((D,), dtype=jnp.float32)
    inp['mbn_b'] = jnp.zeros((D,), dtype=jnp.float32)
    w, b = _lin_params(ks[10], D, D)
    inp['m1_w'] = w
    inp['m1_b'] = b
    return inp


def _bn(x, g, b, eps=1e-5):
    mu = jnp.mean(x, axis=0, keepdims=True)
    var = jnp.var(x, axis=0, keepdims=True)
    return (x - mu) / jnp.sqrt(var + eps) * g + b


def _L(a, w, b):
    return a @ w.T + b


def reference(x, edge_index, edge_weight, W1_w, W1_b, U1_w, U1_b, W2_w, W2_b,
              U2_w, U2_b, W3_w, W3_b, U3_w, U3_b, bn_g, bn_b,
              m0_w, m0_b, mbn_g, mbn_b, m1_w, m1_b):
    dst = edge_index[0]
    src = edge_index[1]
    # torch.spmm(adj, input): out[i] = sum_{(i,j) in adj} w_ij * x[j]
    msg = x[src] * edge_weight[:, None]
    agg = jax.ops.segment_sum(msg, dst, num_segments=x.shape[0])
    ul = jax.nn.relu(_L(agg, W1_w, W1_b) + _L(x, U1_w, U1_b))
    rl = jax.nn.relu(_L(agg, W2_w, W2_b) + _L(x, U2_w, U2_b))
    fl = jnp.tanh(_L(agg, W3_w, W3_b) + _L(rl * x, U3_w, U3_b))
    out = ul * fl + (1.0 - ul) * x
    out = _bn(out, bn_g, bn_b)
    out = jax.nn.relu(out)
    # MLP(num_layers=2): linear -> bn -> relu -> linear (dropout disabled)
    h = _L(out, m0_w, m0_b)
    h = _bn(h, mbn_g, mbn_b)
    h = jax.nn.relu(h)
    y = _L(h, m1_w, m1_b)
    return y

if __name__ == "__main__":
    import jax
    _d = setup_inputs()
    print(jax.jit(kernel)(*tuple(_d.values())))

</pallas_src>

<mosaic_0001>
#map = affine_map<(d0, d1) -> (0, 0)>
#map1 = affine_map<(d0, d1) -> (0, 0, 0)>
module attributes {stable_mosaic.version = 14 : i64} {
  func.func @seg(%arg0: i32, %arg1: i32, %arg2: memref<10000x64xi32, #tpu.memory_space<hbm>>, %arg3: memref<32x80x128xi32, #tpu.memory_space<hbm>>, %arg4: memref<32x80x128xi32, #tpu.memory_space<hbm>>, %arg5: memref<32x80x128xf32, #tpu.memory_space<hbm>>, %arg6: memref<2x10240x128xf32, #tpu.memory_space<hbm>>, %arg7: memref<16x128xi32, #tpu.memory_space<vmem>>, %arg8: memref<16x128xi32, #tpu.memory_space<vmem>>, %arg9: memref<16x128xf32, #tpu.memory_space<vmem>>, %arg10: memref<128x64xi32, #tpu.memory_space<vmem>>, %arg11: memref<128x64xi32, #tpu.memory_space<vmem>>, %arg12: memref<128x128xf32, #tpu.memory_space<vmem>>, %arg13: memref<10240x128xf32, #tpu.memory_space<vmem_shared>>, %arg14: memref<!tpu.dma_semaphore, #tpu.memory_space<semaphore_mem>>, %arg15: memref<!tpu.dma_semaphore, #tpu.memory_space<semaphore_mem>>) attributes {dimension_semantics = [#tpu.dimension_semantics<core_parallel>, #tpu.dimension_semantics<subcore_parallel>], iteration_bounds = array<i64: 2, 16>, scalar_prefetch = 0 : i64, scratch_operands = 9 : i64, tpu.core_type = #tpu.core_type<sc_vector_subcore>, window_params = [{transform_indices = #map}, {transform_indices = #map1}, {transform_indices = #map1}, {transform_indices = #map1}, {transform_indices = #map1}]} {
    %mul3A = arith.constant 2 : i32
    %mul3A_0 = arith.muli %arg1, %mul3A : i32
    %add3A = arith.addi %mul3A_0, %arg0 : i32
    %scan3A = arith.constant 0 : i32
    %scan3A_1 = arith.constant 0 : i32
    %scan3A_2 = arith.constant 128 : i32
    %scan3A_3 = arith.addi %scan3A_1, %scan3A_2 : i32
    %scan3A_4 = arith.constant 1 : i32
    scf.for %scan3A_37 = %scan3A_1 to %scan3A_3 step %scan3A_4  : i32 {
      %broadcast_in_dim3A = arith.constant 0.000000e+00 : f32
      %broadcast_in_dim3A_38 = vector.broadcast %broadcast_in_dim3A : f32 to vector<16xf32>
      %swap3A = arith.index_cast %scan3A_37 : i32 to index
      %swap3A_39 = arith.constant 0 : index
      %swap3A_40 = tpu.vector_load %arg12[%swap3A, %swap3A_39] {strides = array<i32>} : memref<128x128xf32, #tpu.memory_space<vmem>>, vector<1x16xf32>,
      %swap3A_41 = vector.shape_cast %swap3A_40 : vector<1x16xf32> to vector<16xf32>
      %swap3A_42 = vector.shape_cast %broadcast_in_dim3A_38 : vector<16xf32> to vector<1x16xf32>
      tpu.vector_store %arg12[%swap3A, %swap3A_39], %swap3A_42 {strides = array<i32>} : memref<128x128xf32, #tpu.memory_space<vmem>>, vector<1x16xf32>,
      %broadcast_in_dim3A_43 = arith.constant 0.000000e+00 : f32
      %broadcast_in_dim3A_44 = vector.broadcast %broadcast_in_dim3A_43 : f32 to vector<16xf32>
      %swap3A_45 = arith.index_cast %scan3A_37 : i32 to index
      %swap3A_46 = arith.constant 16 : index
      %swap3A_47 = tpu.vector_load %arg12[%swap3A_45, %swap3A_46] {strides = array<i32>} : memref<128x128xf32, #tpu.memory_space<vmem>>, vector<1x16xf32>,
      %swap3A_48 = vector.shape_cast %swap3A_47 : vector<1x16xf32> to vector<16xf32>
      %swap3A_49 = vector.shape_cast %broadcast_in_dim3A_44 : vector<16xf32> to vector<1x16xf32>
      tpu.vector_store %arg12[%swap3A_45, %swap3A_46], %swap3A_49 {strides = array<i32>} : memref<128x128xf32, #tpu.memory_space<vmem>>, vector<1x16xf32>,
      %broadcast_in_dim3A_50 = arith.constant 0.000000e+00 : f32
      %broadcast_in_dim3A_51 = vector.broadcast %broadcast_in_dim3A_50 : f32 to vector<16xf32>
      %swap3A_52 = arith.index_cast %scan3A_37 : i32 to index
      %swap3A_53 = arith.constant 32 : index
      %swap3A_54 = tpu.vector_load %arg12[%swap3A_52, %swap3A_53] {strides = array<i32>} : memref<128x128xf32, #tpu.memory_space<vmem>>, vector<1x16xf32>,
      %swap3A_55 = vector.shape_cast %swap3A_54 : vector<1x16xf32> to vector<16xf32>
      %swap3A_56 = vector.shape_cast %broadcast_in_dim3A_51 : vector<16xf32> to vector<1x16xf32>
      tpu.vector_store %arg12[%swap3A_52, %swap3A_53], %swap3A_56 {strides = array<i32>} : memref<128x128xf32, #tpu.memory_space<vmem>>, vector<1x16xf32>,
      %broadcast_in_dim3A_57 = arith.constant 0.000000e+00 : f32
      %broadcast_in_dim3A_58 = vector.broadcast %broadcast_in_dim3A_57 : f32 to vector<16xf32>
      %swap3A_59 = arith.index_cast %scan3A_37 : i32 to index
      %swap3A_60 = arith.constant 48 : index
      %swap3A_61 = tpu.vector_load %arg12[%swap3A_59, %swap3A_60] {strides = array<i32>} : memref<128x128xf32, #tpu.memory_space<vmem>>, vector<1x16xf32>,
      %swap3A_62 = vector.shape_cast %swap3A_61 : vector<1x16xf32> to vector<16xf32>
      %swap3A_63 = vector.shape_cast %broadcast_in_dim3A_58 : vector<16xf32> to vector<1x16xf32>
      tpu.vector_store %arg12[%swap3A_59, %swap3A_60], %swap3A_63 {strides = array<i32>} : memref<128x128xf32, #tpu.memory_space<vmem>>, vector<1x16xf32>,
      %broadcast_in_dim3A_64 = arith.constant 0.000000e+00 : f32
      %broadcast_in_dim3A_65 = vector.broadcast %broadcast_in_dim3A_64 : f32 to vector<16xf32>
      %swap3A_66 = arith.index_cast %scan3A_37 : i32 to index
      %swap3A_67 = arith.constant 64 : index
      %swap3A_68 = tpu.vector_load %arg12[%swap3A_66, %swap3A_67] {strides = array<i32>} : memref<128x128xf32, #tpu.memory_space<vmem>>, vector<1x16xf32>,
      %swap3A_69 = vector.shape_cast %swap3A_68 : vector<1x16xf32> to vector<16xf32>
      %swap3A_70 = vector.shape_cast %broadcast_in_dim3A_65 : vector<16xf32> to vector<1x16xf32>
      tpu.vector_store %arg12[%swap3A_66, %swap3A_67], %swap3A_70 {strides = array<i32>} : memref<128x128xf32, #tpu.memory_space<vmem>>, vector<1x16xf32>,
      %broadcast_in_dim3A_71 = arith.constant 0.000000e+00 : f32
      %broadcast_in_dim3A_72 = vector.broadcast %broadcast_in_dim3A_71 : f32 to vector<16xf32>
      %swap3A_73 = arith.index_cast %scan3A_37 : i32 to index
      %swap3A_74 = arith.constant 80 : index
      %swap3A_75 = tpu.vector_load %arg12[%swap3A_73, %swap3A_74] {strides = array<i32>} : memref<128x128xf32, #tpu.memory_space<vmem>>, vector<1x16xf32>,
      %swap3A_76 = vector.shape_cast %swap3A_75 : vector<1x16xf32> to vector<16xf32>
      %swap3A_77 = vector.shape_cast %broadcast_in_dim3A_72 : vector<16xf32> to vector<1x16xf32>
      tpu.vector_store %arg12[%swap3A_73, %swap3A_74], %swap3A_77 {strides = array<i32>} : memref<128x128xf32, #tpu.memory_space<vmem>>, vector<1x16xf32>,
      %broadcast_in_dim3A_78 = arith.constant 0.000000e+00 : f32
      %broadcast_in_dim3A_79 = vector.broadcast %broadcast_in_dim3A_78 : f32 to vector<16xf32>
      %swap3A_80 = arith.index_cast %scan3A_37 : i32 to index
      %swap3A_81 = arith.constant 96 : index
      %swap3A_82 = tpu.vector_load %arg12[%swap3A_80, %swap3A_81] {strides = array<i32>} : memref<128x128xf32, #tpu.memory_space<vmem>>, vector<1x16xf32>,
      %swap3A_83 = vector.shape_cast %swap3A_82 : vector<1x16xf32> to vector<16xf32>
      %swap3A_84 = vector.shape_cast %broadcast_in_dim3A_79 : vector<16xf32> to vector<1x16xf32>
      tpu.vector_store %arg12[%swap3A_80, %swap3A_81], %swap3A_84 {strides = array<i32>} : memref<128x128xf32, #tpu.memory_space<vmem>>, vector<1x16xf32>,
      %broadcast_in_dim3A_85 = arith.constant 0.000000e+00 : f32
      %broadcast_in_dim3A_86 = vector.broadcast %broadcast_in_dim3A_85 : f32 to vector<16xf32>
      %swap3A_87 = arith.index_cast %scan3A_37 : i32 to index
      %swap3A_88 = arith.constant 112 : index
      %swap3A_89 = tpu.vector_load %arg12[%swap3A_87, %swap3A_88] {strides = array<i32>} : memref<128x128xf32, #tpu.memory_space<vmem>>, vector<1x16xf32>,
      %swap3A_90 = vector.shape_cast %swap3A_89 : vector<1x16xf32> to vector<16xf32>
      %swap3A_91 = vector.shape_cast %broadcast_in_dim3A_86 : vector<16xf32> to vector<1x16xf32>
      tpu.vector_store %arg12[%swap3A_87, %swap3A_88], %swap3A_91 {strides = array<i32>} : memref<128x128xf32, #tpu.memory_space<vmem>>, vector<1x16xf32>,
    }
    %scan3A_5 = arith.constant 128 : i32
    %mul3A_6 = arith.constant 640 : i32
    %mul3A_7 = arith.muli %arg1, %mul3A_6 : i32
    %add3A_8 = arith.constant 0 : i32
    %add3A_9 = arith.addi %mul3A_7, %add3A_8 : i32
    "tpu.region"() ({
      %run_scoped3A = tpu.sem_alloc : memref<!tpu.dma_semaphore, #tpu.memory_space<semaphore_mem>>
      %dma_start3A = arith.constant 0 : i32
      %dma_start3A_37 = tpu.memref_slice %arg13[%add3A_9, %dma_start3A] : memref<10240x128xf32, #tpu.memory_space<vmem_shared>> -> memref<128x128xf32, #tpu.memory_space<vmem_shared>>
      %dma_start3A_38 = arith.constant 0 : i32
      %dma_start3A_39 = tpu.memref_slice %arg13[%add3A_9, %dma_start3A_38] : memref<10240x128xf32, #tpu.memory_space<vmem_shared>> -> memref<128x128xf32, #tpu.memory_space<vmem_shared>>
      tpu.enqueue_dma source(%arg12 : memref<128x128xf32, #tpu.memory_space<vmem>>) target(%dma_start3A_39 : memref<128x128xf32, #tpu.memory_space<vmem_shared>>) target_semaphore(%run_scoped3A : memref<!tpu.dma_semaphore, #tpu.memory_space<semaphore_mem>>)
      %dma_wait3A = arith.constant 0 : i32
      %dma_wait3A_40 = tpu.memref_slice %arg13[%add3A_9, %dma_wait3A] : memref<10240x128xf32, #tpu.memory_space<vmem_shared>> -> memref<128x128xf32, #tpu.memory_space<vmem_shared>>
      %dma_wait3A_41 = arith.constant 0 : i32
      %dma_wait3A_42 = tpu.memref_slice %arg13[%add3A_9, %dma_wait3A_41] : memref<10240x128xf32, #tpu.memory_space<vmem_shared>> -> memref<128x128xf32, #tpu.memory_space<vmem_shared>>
      tpu.wait_dma2 semaphore(%run_scoped3A : memref<!tpu.dma_semaphore, #tpu.memory_space<semaphore_mem>>) src(%arg12 : memref<128x128xf32, #tpu.memory_space<vmem>>) dst(%dma_wait3A_42 : memref<128x128xf32, #tpu.memory_space<vmem_shared>>)
      tpu.yield
    }) : () -> ()
    %mul3A_10 = arith.constant 640 : i32
    %mul3A_11 = arith.muli %arg1, %mul3A_10 : i32
    %add3A_12 = arith.constant 128 : i32
    %add3A_13 = arith.addi %mul3A_11, %add3A_12 : i32
    "tpu.region"() ({
      %run_scoped3A = tpu.sem_alloc : memref<!tpu.dma_semaphore, #tpu.memory_space<semaphore_mem>>
      %dma_start3A = arith.constant 0 : i32
      %dma_start3A_37 = tpu.memref_slice %arg13[%add3A_13, %dma_start3A] : memref<10240x128xf32, #tpu.memory_space<vmem_shared>> -> memref<128x128xf32, #tpu.memory_space<vmem_shared>>
      %dma_start3A_38 = arith.constant 0 : i32
      %dma_start3A_39 = tpu.memref_slice %arg13[%add3A_13, %dma_start3A_38] : memref<10240x128xf32, #tpu.memory_space<vmem_shared>> -> memref<128x128xf32, #tpu.memory_space<vmem_shared>>
      tpu.enqueue_dma source(%arg12 : memref<128x128xf32, #tpu.memory_space<vmem>>) target(%dma_start3A_39 : memref<128x128xf32, #tpu.memory_space<vmem_shared>>) target_semaphore(%run_scoped3A : memref<!tpu.dma_semaphore, #tpu.memory_space<semaphore_mem>>)
      %dma_wait3A = arith.constant 0 : i32
      %dma_wait3A_40 = tpu.memref_slice %arg13[%add3A_13, %dma_wait3A] : memref<10240x128xf32, #tpu.memory_space<vmem_shared>> -> memref<128x128xf32, #tpu.memory_space<vmem_shared>>
      %dma_wait3A_41 = arith.constant 0 : i32
      %dma_wait3A_42 = tpu.memref_slice %arg13[%add3A_13, %dma_wait3A_41] : memref<10240x128xf32, #tpu.memory_space<vmem_shared>> -> memref<128x128xf32, #tpu.memory_space<vmem_shared>>
      tpu.wait_dma2 semaphore(%run_scoped3A : memref<!tpu.dma_semaphore, #tpu.memory_space<semaphore_mem>>) src(%arg12 : memref<128x128xf32, #tpu.memory_space<vmem>>) dst(%dma_wait3A_42 : memref<128x128xf32, #tpu.memory_space<vmem_shared>>)
      tpu.yield
    }) : () -> ()
    %mul3A_14 = arith.constant 640 : i32
    %mul3A_15 = arith.muli %arg1, %mul3A_14 : i32
    %add3A_16 = arith.constant 256 : i32
    %add3A_17 = arith.addi %mul3A_15, %add3A_16 : i32
    "tpu.region"() ({
      %run_scoped3A = tpu.sem_alloc : memref<!tpu.dma_semaphore, #tpu.memory_space<semaphore_mem>>
      %dma_start3A = arith.constant 0 : i32
      %dma_start3A_37 = tpu.memref_slice %arg13[%add3A_17, %dma_start3A] : memref<10240x128xf32, #tpu.memory_space<vmem_shared>> -> memref<128x128xf32, #tpu.memory_space<vmem_shared>>
      %dma_start3A_38 = arith.constant 0 : i32
      %dma_start3A_39 = tpu.memref_slice %arg13[%add3A_17, %dma_start3A_38] : memref<10240x128xf32, #tpu.memory_space<vmem_shared>> -> memref<128x128xf32, #tpu.memory_space<vmem_shared>>
      tpu.enqueue_dma source(%arg12 : memref<128x128xf32, #tpu.memory_space<vmem>>) target(%dma_start3A_39 : memref<128x128xf32, #tpu.memory_space<vmem_shared>>) target_semaphore(%run_scoped3A : memref<!tpu.dma_semaphore, #tpu.memory_space<semaphore_mem>>)
      %dma_wait3A = arith.constant 0 : i32
      %dma_wait3A_40 = tpu.memref_slice %arg13[%add3A_17, %dma_wait3A] : memref<10240x128xf32, #tpu.memory_space<vmem_shared>> -> memref<128x128xf32, #tpu.memory_space<vmem_shared>>
      %dma_wait3A_41 = arith.constant 0 : i32
      %dma_wait3A_42 = tpu.memref_slice %arg13[%add3A_17, %dma_wait3A_41] : memref<10240x128xf32, #tpu.memory_space<vmem_shared>> -> memref<128x128xf32, #tpu.memory_space<vmem_shared>>
      tpu.wait_dma2 semaphore(%run_scoped3A : memref<!tpu.dma_semaphore, #tpu.memory_space<semaphore_mem>>) src(%arg12 : memref<128x128xf32, #tpu.memory_space<vmem>>) dst(%dma_wait3A_42 : memref<128x128xf32, #tpu.memory_space<vmem_shared>>)
      tpu.yield
    }) : () -> ()
    %mul3A_18 = arith.constant 640 : i32
    %mul3A_19 = arith.muli %arg1, %mul3A_18 : i32
    %add3A_20 = arith.constant 384 : i32
    %add3A_21 = arith.addi %mul3A_19, %add3A_20 : i32
    "tpu.region"() ({
      %run_scoped3A = tpu.sem_alloc : memref<!tpu.dma_semaphore, #tpu.memory_space<semaphore_mem>>
      %dma_start3A = arith.constant 0 : i32
      %dma_start3A_37 = tpu.memref_slice %arg13[%add3A_21, %dma_start3A] : memref<10240x128xf32, #tpu.memory_space<vmem_shared>> -> memref<128x128xf32, #tpu.memory_space<vmem_shared>>
      %dma_start3A_38 = arith.constant 0 : i32
      %dma_start3A_39 = tpu.memref_slice %arg13[%add3A_21, %dma_start3A_38] : memref<10240x128xf32, #tpu.memory_space<vmem_shared>> -> memref<128x128xf32, #tpu.memory_space<vmem_shared>>
      tpu.enqueue_dma source(%arg12 : memref<128x128xf32, #tpu.memory_space<vmem>>) target(%dma_start3A_39 : memref<128x128xf32, #tpu.memory_space<vmem_shared>>) target_semaphore(%run_scoped3A : memref<!tpu.dma_semaphore, #tpu.memory_space<semaphore_mem>>)
      %dma_wait3A = arith.constant 0 : i32
      %dma_wait3A_40 = tpu.memref_slice %arg13[%add3A_21, %dma_wait3A] : memref<10240x128xf32, #tpu.memory_space<vmem_shared>> -> memref<128x128xf32, #tpu.memory_space<vmem_shared>>
      %dma_wait3A_41 = arith.constant 0 : i32
      %dma_wait3A_42 = tpu.memref_slice %arg13[%add3A_21, %dma_wait3A_41] : memref<10240x128xf32, #tpu.memory_space<vmem_shared>> -> memref<128x128xf32, #tpu.memory_space<vmem_shared>>
      tpu.wait_dma2 semaphore(%run_scoped3A : memref<!tpu.dma_semaphore, #tpu.memory_space<semaphore_mem>>) src(%arg12 : memref<128x128xf32, #tpu.memory_space<vmem>>) dst(%dma_wait3A_42 : memref<128x128xf32, #tpu.memory_space<vmem_shared>>)
      tpu.yield
    }) : () -> ()
    %mul3A_22 = arith.constant 640 : i32
    %mul3A_23 = arith.muli %arg1, %mul3A_22 : i32
    %add3A_24 = arith.constant 512 : i32
    %add3A_25 = arith.addi %mul3A_23, %add3A_24 : i32
    "tpu.region"() ({
      %run_scoped3A = tpu.sem_alloc : memref<!tpu.dma_semaphore, #tpu.memory_space<semaphore_mem>>
      %dma_start3A = arith.constant 0 : i32
      %dma_start3A_37 = tpu.memref_slice %arg13[%add3A_25, %dma_start3A] : memref<10240x128xf32, #tpu.memory_space<vmem_shared>> -> memref<128x128xf32, #tpu.memory_space<vmem_shared>>
      %dma_start3A_38 = arith.constant 0 : i32
      %dma_start3A_39 = tpu.memref_slice %arg13[%add3A_25, %dma_start3A_38] : memref<10240x128xf32, #tpu.memory_space<vmem_shared>> -> memref<128x128xf32, #tpu.memory_space<vmem_shared>>
      tpu.enqueue_dma source(%arg12 : memref<128x128xf32, #tpu.memory_space<vmem>>) target(%dma_start3A_39 : memref<128x128xf32, #tpu.memory_space<vmem_shared>>) target_semaphore(%run_scoped3A : memref<!tpu.dma_semaphore, #tpu.memory_space<semaphore_mem>>)
      %dma_wait3A = arith.constant 0 : i32
      %dma_wait3A_40 = tpu.memref_slice %arg13[%add3A_25, %dma_wait3A] : memref<10240x128xf32, #tpu.memory_space<vmem_shared>> -> memref<128x128xf32, #tpu.memory_space<vmem_shared>>
      %dma_wait3A_41 = arith.constant 0 : i32
      %dma_wait3A_42 = tpu.memref_slice %arg13[%add3A_25, %dma_wait3A_41] : memref<10240x128xf32, #tpu.memory_space<vmem_shared>> -> memref<128x128xf32, #tpu.memory_space<vmem_shared>>
      tpu.wait_dma2 semaphore(%run_scoped3A : memref<!tpu.dma_semaphore, #tpu.memory_space<semaphore_mem>>) src(%arg12 : memref<128x128xf32, #tpu.memory_space<vmem>>) dst(%dma_wait3A_42 : memref<128x128xf32, #tpu.memory_space<vmem_shared>>)
      tpu.yield
    }) : () -> ()
    %barrier3A = arith.constant 0 : index
    tpu.barrier barrier_id(%barrier3A)
    %scan3A_26 = arith.constant 0 : i32
    %scan3A_27 = arith.constant 0 : i32
    %scan3A_28 = arith.constant 5 : i32
    %scan3A_29 = arith.addi %scan3A_27, %scan3A_28 : i32
    %scan3A_30 = arith.constant 1 : i32
    scf.for %scan3A_37 = %scan3A_27 to %scan3A_29 step %scan3A_30  : i32 {
      %mul3A_38 = arith.constant 16 : i32
      %mul3A_39 = arith.muli %scan3A_37, %mul3A_38 : i32
      "tpu.region"() ({
        %run_scoped3A = tpu.sem_alloc : memref<!tpu.dma_semaphore, #tpu.memory_space<semaphore_mem>>
        %dma_start3A_85 = arith.constant 0 : i32
        %dma_start3A_86 = tpu.memref_slice %arg3[%add3A, %mul3A_39, %dma_start3A_85] : memref<32x80x128xi32, #tpu.memory_space<hbm>> -> memref<1x16x128xi32, #tpu.memory_space<hbm>>
        %dma_start3A_87 = tpu.memref_squeeze %dma_start3A_86 : memref<1x16x128xi32, #tpu.memory_space<hbm>> -> memref<16x128xi32, #tpu.memory_space<hbm>>
        %dma_start3A_88 = arith.constant 0 : i32
        %dma_start3A_89 = tpu.memref_slice %arg3[%add3A, %mul3A_39, %dma_start3A_88] : memref<32x80x128xi32, #tpu.memory_space<hbm>> -> memref<1x16x128xi32, #tpu.memory_space<hbm>>
        %dma_start3A_90 = tpu.memref_squeeze %dma_start3A_89 : memref<1x16x128xi32, #tpu.memory_space<hbm>> -> memref<16x128xi32, #tpu.memory_space<hbm>>
        tpu.enqueue_dma source(%dma_start3A_90 : memref<16x128xi32, #tpu.memory_space<hbm>>) target(%arg7 : memref<16x128xi32, #tpu.memory_space<vmem>>) target_semaphore(%run_scoped3A : memref<!tpu.dma_semaphore, #tpu.memory_space<semaphore_mem>>)
        %dma_wait3A = arith.constant 0 : i32
        %dma_wait3A_91 = tpu.memref_slice %arg3[%add3A, %mul3A_39, %dma_wait3A] : memref<32x80x128xi32, #tpu.memory_space<hbm>> -> memref<1x16x128xi32, #tpu.memory_space<hbm>>
        %dma_wait3A_92 = tpu.memref_squeeze %dma_wait3A_91 : memref<1x16x128xi32, #tpu.memory_space<hbm>> -> memref<16x128xi32, #tpu.memory_space<hbm>>
        %dma_wait3A_93 = arith.constant 0 : i32
        %dma_wait3A_94 = tpu.memref_slice %arg3[%add3A, %mul3A_39, %dma_wait3A_93] : memref<32x80x128xi32, #tpu.memory_space<hbm>> -> memref<1x16x128xi32, #tpu.memory_space<hbm>>
        %dma_wait3A_95 = tpu.memref_squeeze %dma_wait3A_94 : memref<1x16x128xi32, #tpu.memory_space<hbm>> -> memref<16x128xi32, #tpu.memory_space<hbm>>
        tpu.wait_dma2 semaphore(%run_scoped3A : memref<!tpu.dma_semaphore, #tpu.memory_space<semaphore_mem>>) src(%dma_wait3A_95 : memref<16x128xi32, #tpu.memory_space<hbm>>) dst(%arg7 : memref<16x128xi32, #tpu.memory_space<vmem>>)
        tpu.yield
      }) : () -> ()
      "tpu.region"() ({
        %run_scoped3A = tpu.sem_alloc : memref<!tpu.dma_semaphore, #tpu.memory_space<semaphore_mem>>
        %dma_start3A_85 = arith.constant 0 : i32
        %dma_start3A_86 = tpu.memref_slice %arg4[%add3A, %mul3A_39, %dma_start3A_85] : memref<32x80x128xi32, #tpu.memory_space<hbm>> -> memref<1x16x128xi32, #tpu.memory_space<hbm>>
        %dma_start3A_87 = tpu.memref_squeeze %dma_start3A_86 : memref<1x16x128xi32, #tpu.memory_space<hbm>> -> memref<16x128xi32, #tpu.memory_space<hbm>>
        %dma_start3A_88 = arith.constant 0 : i32
        %dma_start3A_89 = tpu.memref_slice %arg4[%add3A, %mul3A_39, %dma_start3A_88] : memref<32x80x128xi32, #tpu.memory_space<hbm>> -> memref<1x16x128xi32, #tpu.memory_space<hbm>>
        %dma_start3A_90 = tpu.memref_squeeze %dma_start3A_89 : memref<1x16x128xi32, #tpu.memory_space<hbm>> -> memref<16x128xi32, #tpu.memory_space<hbm>>
        tpu.enqueue_dma source(%dma_start3A_90 : memref<16x128xi32, #tpu.memory_space<hbm>>) target(%arg8 : memref<16x128xi32, #tpu.memory_space<vmem>>) target_semaphore(%run_scoped3A : memref<!tpu.dma_semaphore, #tpu.memory_space<semaphore_mem>>)
        %dma_wait3A = arith.constant 0 : i32
        %dma_wait3A_91 = tpu.memref_slice %arg4[%add3A, %mul3A_39, %dma_wait3A] : memref<32x80x128xi32, #tpu.memory_space<hbm>> -> memref<1x16x128xi32, #tpu.memory_space<hbm>>
        %dma_wait3A_92 = tpu.memref_squeeze %dma_wait3A_91 : memref<1x16x128xi32, #tpu.memory_space<hbm>> -> memref<16x128xi32, #tpu.memory_space<hbm>>
        %dma_wait3A_93 = arith.constant 0 : i32
        %dma_wait3A_94 = tpu.memref_slice %arg4[%add3A, %mul3A_39, %dma_wait3A_93] : memref<32x80x128xi32, #tpu.memory_space<hbm>> -> memref<1x16x128xi32, #tpu.memory_space<hbm>>
        %dma_wait3A_95 = tpu.memref_squeeze %dma_wait3A_94 : memref<1x16x128xi32, #tpu.memory_space<hbm>> -> memref<16x128xi32, #tpu.memory_space<hbm>>
        tpu.wait_dma2 semaphore(%run_scoped3A : memref<!tpu.dma_semaphore, #tpu.memory_space<semaphore_mem>>) src(%dma_wait3A_95 : memref<16x128xi32, #tpu.memory_space<hbm>>) dst(%arg8 : memref<16x128xi32, #tpu.memory_space<vmem>>)
        tpu.yield
      }) : () -> ()
      "tpu.region"() ({
        %run_scoped3A = tpu.sem_alloc : memref<!tpu.dma_semaphore, #tpu.memory_space<semaphore_mem>>
        %dma_start3A_85 = arith.constant 0 : i32
        %dma_start3A_86 = tpu.memref_slice %arg5[%add3A, %mul3A_39, %dma_start3A_85] : memref<32x80x128xf32, #tpu.memory_space<hbm>> -> memref<1x16x128xf32, #tpu.memory_space<hbm>>
        %dma_start3A_87 = tpu.memref_squeeze %dma_start3A_86 : memref<1x16x128xf32, #tpu.memory_space<hbm>> -> memref<16x128xf32, #tpu.memory_space<hbm>>
        %dma_start3A_88 = arith.constant 0 : i32
        %dma_start3A_89 = tpu.memref_slice %arg5[%add3A, %mul3A_39, %dma_start3A_88] : memref<32x80x128xf32, #tpu.memory_space<hbm>> -> memref<1x16x128xf32, #tpu.memory_space<hbm>>
        %dma_start3A_90 = tpu.memref_squeeze %dma_start3A_89 : memref<1x16x128xf32, #tpu.memory_space<hbm>> -> memref<16x128xf32, #tpu.memory_space<hbm>>
        tpu.enqueue_dma source(%dma_start3A_90 : memref<16x128xf32, #tpu.memory_space<hbm>>) target(%arg9 : memref<16x128xf32, #tpu.memory_space<vmem>>) target_semaphore(%run_scoped3A : memref<!tpu.dma_semaphore, #tpu.memory_space<semaphore_mem>>)
        %dma_wait3A = arith.constant 0 : i32
        %dma_wait3A_91 = tpu.memref_slice %arg5[%add3A, %mul3A_39, %dma_wait3A] : memref<32x80x128xf32, #tpu.memory_space<hbm>> -> memref<1x16x128xf32, #tpu.memory_space<hbm>>
        %dma_wait3A_92 = tpu.memref_squeeze %dma_wait3A_91 : memref<1x16x128xf32, #tpu.memory_space<hbm>> -> memref<16x128xf32, #tpu.memory_space<hbm>>
        %dma_wait3A_93 = arith.constant 0 : i32
        %dma_wait3A_94 = tpu.memref_slice %arg5[%add3A, %mul3A_39, %dma_wait3A_93] : memref<32x80x128xf32, #tpu.memory_space<hbm>> -> memref<1x16x128xf32, #tpu.memory_space<hbm>>
        %dma_wait3A_95 = tpu.memref_squeeze %dma_wait3A_94 : memref<1x16x128xf32, #tpu.memory_space<hbm>> -> memref<16x128xf32, #tpu.memory_space<hbm>>
        tpu.wait_dma2 semaphore(%run_scoped3A : memref<!tpu.dma_semaphore, #tpu.memory_space<semaphore_mem>>) src(%dma_wait3A_95 : memref<16x128xf32, #tpu.memory_space<hbm>>) dst(%arg9 : memref<16x128xf32, #tpu.memory_space<vmem>>)
        tpu.yield
      }) : () -> ()
      %dma_start3A = arith.constant 0 : i32
      %dma_start3A_40 = arith.constant 0 : i32
      %dma_start3A_41 = arith.constant 0 : i32
      %dma_start3A_42 = tpu.memref_slice %arg10[%dma_start3A_40, %dma_start3A_41] : memref<128x64xi32, #tpu.memory_space<vmem>> -> memref<64x64xi32, #tpu.memory_space<vmem>>
      %dma_start3A_43 = arith.constant 0 : i32
      %dma_start3A_44 = tpu.memref_slice %arg7[%dma_start3A, %dma_start3A_43] : memref<16x128xi32, #tpu.memory_space<vmem>> -> memref<1x64xi32, #tpu.memory_space<vmem>>
      %dma_start3A_45 = tpu.memref_squeeze %dma_start3A_44 : memref<1x64xi32, #tpu.memory_space<vmem>> -> memref<64xi32, #tpu.memory_space<vmem>>
      %dma_start3A_46 = arith.constant 0 : i32
      %dma_start3A_47 = arith.constant 0 : i32
      %dma_start3A_48 = tpu.memref_slice %arg2[%dma_start3A_46, %dma_start3A_47] : memref<10000x64xi32, #tpu.memory_space<hbm>> -> memref<10000x64xi32, #tpu.memory_space<hbm>>
      tpu.enqueue_indirect_dma source(%dma_start3A_48 : memref<10000x64xi32, #tpu.memory_space<hbm>>) target(%dma_start3A_42 : memref<64x64xi32, #tpu.memory_space<vmem>>) offsets(%dma_start3A_45 : memref<64xi32, #tpu.memory_space<vmem>>) semaphore(%arg14 : memref<!tpu.dma_semaphore, #tpu.memory_space<semaphore_mem>>)
      %dma_start3A_49 = arith.constant 0 : i32
      %dma_start3A_50 = arith.constant 64 : i32
      %dma_start3A_51 = arith.constant 0 : i32
      %dma_start3A_52 = tpu.memref_slice %arg10[%dma_start3A_50, %dma_start3A_51] : memref<128x64xi32, #tpu.memory_space<vmem>> -> memref<64x64xi32, #tpu.memory_space<vmem>>
      %dma_start3A_53 = arith.constant 64 : i32
      %dma_start3A_54 = tpu.memref_slice %arg7[%dma_start3A_49, %dma_start3A_53] : memref<16x128xi32, #tpu.memory_space<vmem>> -> memref<1x64xi32, #tpu.memory_space<vmem>>
      %dma_start3A_55 = tpu.memref_squeeze %dma_start3A_54 : memref<1x64xi32, #tpu.memory_space<vmem>> -> memref<64xi32, #tpu.memory_space<vmem>>
      %dma_start3A_56 = arith.constant 0 : i32
      %dma_start3A_57 = arith.constant 0 : i32
      %dma_start3A_58 = tpu.memref_slice %arg2[%dma_start3A_56, %dma_start3A_57] : memref<10000x64xi32, #tpu.memory_space<hbm>> -> memref<10000x64xi32, #tpu.memory_space<hbm>>
      tpu.enqueue_indirect_dma source(%dma_start3A_58 : memref<10000x64xi32, #tpu.memory_space<hbm>>) target(%dma_start3A_52 : memref<64x64xi32, #tpu.memory_space<vmem>>) offsets(%dma_start3A_55 : memref<64xi32, #tpu.memory_space<vmem>>) semaphore(%arg14 : memref<!tpu.dma_semaphore, #tpu.memory_space<semaphore_mem>>)
      %dma_start3A_59 = arith.constant 1 : i32
      %dma_start3A_60 = arith.constant 0 : i32
      %dma_start3A_61 = arith.constant 0 : i32
      %dma_start3A_62 = tpu.memref_slice %arg11[%dma_start3A_60, %dma_start3A_61] : memref<128x64xi32, #tpu.memory_space<vmem>> -> memref<64x64xi32, #tpu.memory_space<vmem>>
      %dma_start3A_63 = arith.constant 0 : i32
      %dma_start3A_64 = tpu.memref_slice %arg7[%dma_start3A_59, %dma_start3A_63] : memref<16x128xi32, #tpu.memory_space<vmem>> -> memref<1x64xi32, #tpu.memory_space<vmem>>
      %dma_start3A_65 = tpu.memref_squeeze %dma_start3A_64 : memref<1x64xi32, #tpu.memory_space<vmem>> -> memref<64xi32, #tpu.memory_space<vmem>>
      %dma_start3A_66 = arith.constant 0 : i32
      %dma_start3A_67 = arith.constant 0 : i32
      %dma_start3A_68 = tpu.memref_slice %arg2[%dma_start3A_66, %dma_start3A_67] : memref<10000x64xi32, #tpu.memory_space<hbm>> -> memref<10000x64xi32, #tpu.memory_space<hbm>>
      tpu.enqueue_indirect_dma source(%dma_start3A_68 : memref<10000x64xi32, #tpu.memory_space<hbm>>) target(%dma_start3A_62 : memref<64x64xi32, #tpu.memory_space<vmem>>) offsets(%dma_start3A_65 : memref<64xi32, #tpu.memory_space<vmem>>) semaphore(%arg15 : memref<!tpu.dma_semaphore, #tpu.memory_space<semaphore_mem>>)
      %dma_start3A_69 = arith.constant 1 : i32
      %dma_start3A_70 = arith.constant 64 : i32
      %dma_start3A_71 = arith.constant 0 : i32
      %dma_start3A_72 = tpu.memref_slice %arg11[%dma_start3A_70, %dma_start3A_71] : memref<128x64xi32, #tpu.memory_space<vmem>> -> memref<64x64xi32, #tpu.memory_space<vmem>>
      %dma_start3A_73 = arith.constant 64 : i32
      %dma_start3A_74 = tpu.memref_slice %arg7[%dma_start3A_69, %dma_start3A_73] : memref<16x128xi32, #tpu.memory_space<vmem>> -> memref<1x64xi32, #tpu.memory_space<vmem>>
      %dma_start3A_75 = tpu.memref_squeeze %dma_start3A_74 : memref<1x64xi32, #tpu.memory_space<vmem>> -> memref<64xi32, #tpu.memory_space<vmem>>
      %dma_start3A_76 = arith.constant 0 : i32
      %dma_start3A_77 = arith.constant 0 : i32
      %dma_start3A_78 = tpu.memref_slice %arg2[%dma_start3A_76, %dma_start3A_77] : memref<10000x64xi32, #tpu.memory_space<hbm>> -> memref<10000x64xi32, #tpu.memory_space<hbm>>
      tpu.enqueue_indirect_dma source(%dma_start3A_78 : memref<10000x64xi32, #tpu.memory_space<hbm>>) target(%dma_start3A_72 : memref<64x64xi32, #tpu.memory_space<vmem>>) offsets(%dma_start3A_75 : memref<64xi32, #tpu.memory_space<vmem>>) semaphore(%arg15 : memref<!tpu.dma_semaphore, #tpu.memory_space<semaphore_mem>>)
      %scan3A_79 = arith.constant 0 : i32
      %scan3A_80 = arith.constant 0 : i32
      %scan3A_81 = arith.constant 8 : i32
      %scan3A_82 = arith.addi %scan3A_80, %scan3A_81 : i32
      %scan3A_83 = arith.constant 1 : i32
      scf.for %scan3A_85 = %scan3A_80 to %scan3A_82 step %scan3A_83  : i32 {
        %mul3A_86 = arith.constant 2 : i32
        %mul3A_87 = arith.muli %mul3A_86, %scan3A_85 : i32
        %add3A_88 = arith.constant 0 : i32
        %add3A_89 = arith.addi %mul3A_87, %add3A_88 : i32
        %dma_wait3A = arith.constant 0 : i32
        %dma_wait3A_90 = tpu.memref_slice %arg7[%add3A_89, %dma_wait3A] : memref<16x128xi32, #tpu.memory_space<vmem>> -> memref<1x128xi32, #tpu.memory_space<vmem>>
        %dma_wait3A_91 = tpu.memref_squeeze %dma_wait3A_90 : memref<1x128xi32, #tpu.memory_space<vmem>> -> memref<128xi32, #tpu.memory_space<vmem>>
        %dma_wait3A_92 = arith.constant 0 : i32
        %dma_wait3A_93 = arith.constant 0 : i32
        %dma_wait3A_94 = tpu.memref_slice %arg2[%dma_wait3A_92, %dma_wait3A_93] : memref<10000x64xi32, #tpu.memory_space<hbm>> -> memref<10000x64xi32, #tpu.memory_space<hbm>>
        tpu.wait_indirect_dma semaphore(%arg14 : memref<!tpu.dma_semaphore, #tpu.memory_space<semaphore_mem>>) src(%dma_wait3A_94 : memref<10000x64xi32, #tpu.memory_space<hbm>>) dst(%arg10 : memref<128x64xi32, #tpu.memory_space<vmem>>)
        %scan3A_95 = arith.constant 0 : i32
        %scan3A_96 = arith.constant 0 : i32
        %scan3A_97 = arith.constant 8 : i32
        %scan3A_98 = arith.addi %scan3A_96, %scan3A_97 : i32
        %scan3A_99 = arith.constant 1 : i32
        scf.for %scan3A_126 = %scan3A_96 to %scan3A_98 step %scan3A_99  : i32 {
          %mul3A_127 = arith.constant 16 : i32
          %mul3A_128 = arith.muli %scan3A_126, %mul3A_127 : i32
          %get3A = arith.index_cast %add3A_89 : i32 to index
          %get3A_129 = arith.index_cast %mul3A_128 : i32 to index
          %get3A_130 = tpu.vector_load %arg9[%get3A, %get3A_129] {strides = array<i32>} : memref<16x128xf32, #tpu.memory_space<vmem>>, vector<1x16xf32>,
          %get3A_131 = vector.shape_cast %get3A_130 : vector<1x16xf32> to vector<16xf32>
          %slice3A = vector.extract_strided_slice %get3A_131 {offsets = [0], sizes = [1], strides = [1]} : vector<16xf32> to vector<1xf32>
          %squeeze3A = vector.extract %slice3A[0] : f32 from vector<1xf32>
          %mul3A_132 = arith.constant 16 : i32
          %mul3A_133 = arith.muli %scan3A_126, %mul3A_132 : i32
          %add3A_134 = arith.constant 0 : i32
          %add3A_135 = arith.addi %mul3A_133, %add3A_134 : i32
          %get3A_136 = arith.index_cast %add3A_135 : i32 to index
          %get3A_137 = arith.constant 0 : index
          %get3A_138 = tpu.vector_load %arg10[%get3A_136, %get3A_137] {strides = array<i32>} : memref<128x64xi32, #tpu.memory_space<vmem>>, vector<1x16xi32>,
          %get3A_139 = vector.shape_cast %get3A_138 : vector<1x16xi32> to vector<16xi32>
          %shift_left3A = arith.constant 16 : i32
          %shift_left3A_140 = vector.broadcast %shift_left3A : i32 to vector<16xi32>
          %shift_left3A_141 = arith.shli %get3A_139, %shift_left3A_140 : vector<16xi32>
          %bitcast_convert_type3A = tpu.bitcast %shift_left3A_141 : vector<16xi32> -> vector<16xf32>
          %and3A = arith.constant -65536 : i32
          %and3A_142 = vector.broadcast %and3A : i32 to vector<16xi32>
          %and3A_143 = arith.andi %get3A_139, %and3A_142 : vector<16xi32>
          %bitcast_convert_type3A_144 = tpu.bitcast %and3A_143 : vector<16xi32> -> vector<16xf32>
          %mul3A_145 = vector.broadcast %squeeze3A : f32 to vector<16xf32>
          %mul3A_146 = arith.mulf %bitcast_convert_type3A, %mul3A_145 : vector<16xf32>
          %swap3A = arith.index_cast %add3A_135 : i32 to index
          %swap3A_147 = arith.constant 0 : index
          %swap3A_148 = tpu.vector_load %arg12[%swap3A, %swap3A_147] {strides = array<i32>} : memref<128x128xf32, #tpu.memory_space<vmem>>, vector<1x16xf32>,
          %swap3A_149 = vector.shape_cast %swap3A_148 : vector<1x16xf32> to vector<16xf32>
          %swap3A_150 = vector.shape_cast %mul3A_146 : vector<16xf32> to vector<1x16xf32>
          tpu.vector_store %arg12[%swap3A, %swap3A_147], %swap3A_150 {strides = array<i32>} : memref<128x128xf32, #tpu.memory_space<vmem>>, vector<1x16xf32>,
          %mul3A_151 = vector.broadcast %squeeze3A : f32 to vector<16xf32>
          %mul3A_152 = arith.mulf %bitcast_convert_type3A_144, %mul3A_151 : vector<16xf32>
          %swap3A_153 = arith.index_cast %add3A_135 : i32 to index
          %swap3A_154 = arith.constant 16 : index
          %swap3A_155 = tpu.vector_load %arg12[%swap3A_153, %swap3A_154] {strides = array<i32>} : memref<128x128xf32, #tpu.memory_space<vmem>>, vector<1x16xf32>,
          %swap3A_156 = vector.shape_cast %swap3A_155 : vector<1x16xf32> to vector<16xf32>
          %swap3A_157 = vector.shape_cast %mul3A_152 : vector<16xf32> to vector<1x16xf32>
          tpu.vector_store %arg12[%swap3A_153, %swap3A_154], %swap3A_157 {strides = array<i32>} : memref<128x128xf32, #tpu.memory_space<vmem>>, vector<1x16xf32>,
          %get3A_158 = arith.index_cast %add3A_135 : i32 to index
          %get3A_159 = arith.constant 16 : index
          %get3A_160 = tpu.vector_load %arg10[%get3A_158, %get3A_159] {strides = array<i32>} : memref<128x64xi32, #tpu.memory_space<vmem>>, vector<1x16xi32>,
          %get3A_161 = vector.shape_cast %get3A_160 : vector<1x16xi32> to vector<16xi32>
          %shift_left3A_162 = arith.constant 16 : i32
          %shift_left3A_163 = vector.broadcast %shift_left3A_162 : i32 to vector<16xi32>
          %shift_left3A_164 = arith.shli %get3A_161, %shift_left3A_163 : vector<16xi32>
          %bitcast_convert_type3A_165 = tpu.bitcast %shift_left3A_164 : vector<16xi32> -> vector<16xf32>
          %and3A_166 = arith.constant -65536 : i32
          %and3A_167 = vector.broadcast %and3A_166 : i32 to vector<16xi32>
          %and3A_168 = arith.andi %get3A_161, %and3A_167 : vector<16xi32>
          %bitcast_convert_type3A_169 = tpu.bitcast %and3A_168 : vector<16xi32> -> vector<16xf32>
          %mul3A_170 = vector.broadcast %squeeze3A : f32 to vector<16xf32>
          %mul3A_171 = arith.mulf %bitcast_convert_type3A_165, %mul3A_170 : vector<16xf32>
          %swap3A_172 = arith.index_cast %add3A_135 : i32 to index
          %swap3A_173 = arith.constant 32 : index
          %swap3A_174 = tpu.vector_load %arg12[%swap3A_172, %swap3A_173] {strides = array<i32>} : memref<128x128xf32, #tpu.memory_space<vmem>>, vector<1x16xf32>,
          %swap3A_175 = vector.shape_cast %swap3A_174 : vector<1x16xf32> to vector<16xf32>
          %swap3A_176 = vector.shape_cast %mul3A_171 : vector<16xf32> to vector<1x16xf32>
          tpu.vector_store %arg12[%swap3A_172, %swap3A_173], %swap3A_176 {strides = array<i32>} : memref<128x128xf32, #tpu.memory_space<vmem>>, vector<1x16xf32>,
          %mul3A_177 = vector.broadcast %squeeze3A : f32 to vector<16xf32>
          %mul3A_178 = arith.mulf %bitcast_convert_type3A_169, %mul3A_177 : vector<16xf32>
          %swap3A_179 = arith.index_cast %add3A_135 : i32 to index
          %swap3A_180 = arith.constant 48 : index
          %swap3A_181 = tpu.vector_load %arg12[%swap3A_179, %swap3A_180] {strides = array<i32>} : memref<128x128xf32, #tpu.memory_space<vmem>>, vector<1x16xf32>,
          %swap3A_182 = vector.shape_cast %swap3A_181 : vector<1x16xf32> to vector<16xf32>
          %swap3A_183 = vector.shape_cast %mul3A_178 : vector<16xf32> to vector<1x16xf32>
          tpu.vector_store %arg12[%swap3A_179, %swap3A_180], %swap3A_183 {strides = array<i32>} : memref<128x128xf32, #tpu.memory_space<vmem>>, vector<1x16xf32>,
          %get3A_184 = arith.index_cast %add3A_135 : i32 to index
          %get3A_185 = arith.constant 32 : index
          %get3A_186 = tpu.vector_load %arg10[%get3A_184, %get3A_185] {strides = array<i32>} : memref<128x64xi32, #tpu.memory_space<vmem>>, vector<1x16xi32>,
          %get3A_187 = vector.shape_cast %get3A_186 : vector<1x16xi32> to vector<16xi32>
          %shift_left3A_188 = arith.constant 16 : i32
          %shift_left3A_189 = vector.broadcast %shift_left3A_188 : i32 to vector<16xi32>
          %shift_left3A_190 = arith.shli %get3A_187, %shift_left3A_189 : vector<16xi32>
          %bitcast_convert_type3A_191 = tpu.bitcast %shift_left3A_190 : vector<16xi32> -> vector<16xf32>
          %and3A_192 = arith.constant -65536 : i32
          %and3A_193 = vector.broadcast %and3A_192 : i32 to vector<16xi32>
          %and3A_194 = arith.andi %get3A_187, %and3A_193 : vector<16xi32>
          %bitcast_convert_type3A_195 = tpu.bitcast %and3A_194 : vector<16xi32> -> vector<16xf32>
          %mul3A_196 = vector.broadcast %squeeze3A : f32 to vector<16xf32>
          %mul3A_197 = arith.mulf %bitcast_convert_type3A_191, %mul3A_196 : vector<16xf32>
          %swap3A_198 = arith.index_cast %add3A_135 : i32 to index
          %swap3A_199 = arith.constant 64 : index
          %swap3A_200 = tpu.vector_load %arg12[%swap3A_198, %swap3A_199] {strides = array<i32>} : memref<128x128xf32, #tpu.memory_space<vmem>>, vector<1x16xf32>,
          %swap3A_201 = vector.shape_cast %swap3A_200 : vector<1x16xf32> to vector<16xf32>
          %swap3A_202 = vector.shape_cast %mul3A_197 : vector<16xf32> to vector<1x16xf32>
          tpu.vector_store %arg12[%swap3A_198, %swap3A_199], %swap3A_202 {strides = array<i32>} : memref<128x128xf32, #tpu.memory_space<vmem>>, vector<1x16xf32>,
          %mul3A_203 = vector.broadcast %squeeze3A : f32 to vector<16xf32>
          %mul3A_204 = arith.mulf %bitcast_convert_type3A_195, %mul3A_203 : vector<16xf32>
          %swap3A_205 = arith.index_cast %add3A_135 : i32 to index
          %swap3A_206 = arith.constant 80 : index
          %swap3A_207 = tpu.vector_load %arg12[%swap3A_205, %swap3A_206] {strides = array<i32>} : memref<128x128xf32, #tpu.memory_space<vmem>>, vector<1x16xf32>,
          %swap3A_208 = vector.shape_cast %swap3A_207 : vector<1x16xf32> to vector<16xf32>
          %swap3A_209 = vector.shape_cast %mul3A_204 : vector<16xf32> to vector<1x16xf32>
          tpu.vector_store %arg12[%swap3A_205, %swap3A_206], %swap3A_209 {strides = array<i32>} : memref<128x128xf32, #tpu.memory_space<vmem>>, vector<1x16xf32>,
          %get3A_210 = arith.index_cast %add3A_135 : i32 to index
          %get3A_211 = arith.constant 48 : index
          %get3A_212 = tpu.vector_load %arg10[%get3A_210, %get3A_211] {strides = array<i32>} : memref<128x64xi32, #tpu.memory_space<vmem>>, vector<1x16xi32>,
          %get3A_213 = vector.shape_cast %get3A_212 : vector<1x16xi32> to vector<16xi32>
          %shift_left3A_214 = arith.constant 16 : i32
          %shift_left3A_215 = vector.broadcast %shift_left3A_214 : i32 to vector<16xi32>
          %shift_left3A_216 = arith.shli %get3A_213, %shift_left3A_215 : vector<16xi32>
          %bitcast_convert_type3A_217 = tpu.bitcast %shift_left3A_216 : vector<16xi32> -> vector<16xf32>
          %and3A_218 = arith.constant -65536 : i32
          %and3A_219 = vector.broadcast %and3A_218 : i32 to vector<16xi32>
          %and3A_220 = arith.andi %get3A_213, %and3A_219 : vector<16xi32>
          %bitcast_convert_type3A_221 = tpu.bitcast %and3A_220 : vector<16xi32> -> vector<16xf32>
          %mul3A_222 = vector.broadcast %squeeze3A : f32 to vector<16xf32>
          %mul3A_223 = arith.mulf %bitcast_convert_type3A_217, %mul3A_222 : vector<16xf32>
          %swap3A_224 = arith.index_cast %add3A_135 : i32 to index
          %swap3A_225 = arith.constant 96 : index
          %swap3A_226 = tpu.vector_load %arg12[%swap3A_224, %swap3A_225] {strides = array<i32>} : memref<128x128xf32, #tpu.memory_space<vmem>>, vector<1x16xf32>,
          %swap3A_227 = vector.shape_cast %swap3A_226 : vector<1x16xf32> to vector<16xf32>
          %swap3A_228 = vector.shape_cast %mul3A_223 : vector<16xf32> to vector<1x16xf32>
          tpu.vector_store %arg12[%swap3A_224, %swap3A_225], %swap3A_228 {strides = array<i32>} : memref<128x128xf32, #tpu.memory_space<vmem>>, vector<1x16xf32>,
          %mul3A_229 = vector.broadcast %squeeze3A : f32 to vector<16xf32>
          %mul3A_230 = arith.mulf %bitcast_convert_type3A_221, %mul3A_229 : vector<16xf32>
          %swap3A_231 = arith.index_cast %add3A_135 : i32 to index
          %swap3A_232 = arith.constant 112 : index
          %swap3A_233 = tpu.vector_load %arg12[%swap3A_231, %swap3A_232] {strides = array<i32>} : memref<128x128xf32, #tpu.memory_space<vmem>>, vector<1x16xf32>,
          %swap3A_234 = vector.shape_cast %swap3A_233 : vector<1x16xf32> to vector<16xf32>
          %swap3A_235 = vector.shape_cast %mul3A_230 : vector<16xf32> to vector<1x16xf32>
          tpu.vector_store %arg12[%swap3A_231, %swap3A_232], %swap3A_235 {strides = array<i32>} : memref<128x128xf32, #tpu.memory_space<vmem>>, vector<1x16xf32>,
          %slice3A_236 = vector.extract_strided_slice %get3A_131 {offsets = [1], sizes = [1], strides = [1]} : vector<16xf32> to vector<1xf32>
          %squeeze3A_237 = vector.extract %slice3A_236[0] : f32 from vector<1xf32>
          %mul3A_238 = arith.constant 16 : i32
          %mul3A_239 = arith.muli %scan3A_126, %mul3A_238 : i32
          %add3A_240 = arith.constant 1 : i32
          %add3A_241 = arith.addi %mul3A_239, %add3A_240 : i32
          %get3A_242 = arith.index_cast %add3A_241 : i32 to index
          %get3A_243 = arith.constant 0 : index
          %get3A_244 = tpu.vector_load %arg10[%get3A_242, %get3A_243] {strides = array<i32>} : memref<128x64xi32, #tpu.memory_space<vmem>>, vector<1x16xi32>,
          %get3A_245 = vector.shape_cast %get3A_244 : vector<1x16xi32> to vector<16xi32>
          %shift_left3A_246 = arith.constant 16 : i32
          %shift_left3A_247 = vector.broadcast %shift_left3A_246 : i32 to vector<16xi32>
          %shift_left3A_248 = arith.shli %get3A_245, %shift_left3A_247 : vector<16xi32>
          %bitcast_convert_type3A_249 = tpu.bitcast %shift_left3A_248 : vector<16xi32> -> vector<16xf32>
          %and3A_250 = arith.constant -65536 : i32
          %and3A_251 = vector.broadcast %and3A_250 : i32 to vector<16xi32>
          %and3A_252 = arith.andi %get3A_245, %and3A_251 : vector<16xi32>
          %bitcast_convert_type3A_253 = tpu.bitcast %and3A_252 : vector<16xi32> -> vector<16xf32>
          %mul3A_254 = vector.broadcast %squeeze3A_237 : f32 to vector<16xf32>
          %mul3A_255 = arith.mulf %bitcast_convert_type3A_249, %mul3A_254 : vector<16xf32>
          %swap3A_256 = arith.index_cast %add3A_241 : i32 to index
          %swap3A_257 = arith.constant 0 : index
          %swap3A_258 = tpu.vector_load %arg12[%swap3A_256, %swap3A_257] {strides = array<i32>} : memref<128x128xf32, #tpu.memory_space<vmem>>, vector<1x16xf32>,
          %swap3A_259 = vector.shape_cast %swap3A_258 : vector<1x16xf32> to vector<16xf32>
          %swap3A_260 = vector.shape_cast %mul3A_255 : vector<16xf32> to vector<1x16xf32>
          tpu.vector_store %arg12[%swap3A_256, %swap3A_257], %swap3A_260 {strides = array<i32>} : memref<128x128xf32, #tpu.memory_space<vmem>>, vector<1x16xf32>,
          %mul3A_261 = vector.broadcast %squeeze3A_237 : f32 to vector<16xf32>
          %mul3A_262 = arith.mulf %bitcast_convert_type3A_253, %mul3A_261 : vector<16xf32>
          %swap3A_263 = arith.index_cast %add3A_241 : i32 to index
          %swap3A_264 = arith.constant 16 : index
          %swap3A_265 = tpu.vector_load %arg12[%swap3A_263, %swap3A_264] {strides = array<i32>} : memref<128x128xf32, #tpu.memory_space<vmem>>, vector<1x16xf32>,
          %swap3A_266 = vector.shape_cast %swap3A_265 : vector<1x16xf32> to vector<16xf32>
          %swap3A_267 = vector.shape_cast %mul3A_262 : vector<16xf32> to vector<1x16xf32>
          tpu.vector_store %arg12[%swap3A_263, %swap3A_264], %swap3A_267 {strides = array<i32>} : memref<128x128xf32, #tpu.memory_space<vmem>>, vector<1x16xf32>,
          %get3A_268 = arith.index_cast %add3A_241 : i32 to index
          %get3A_269 = arith.constant 16 : index
          %get3A_270 = tpu.vector_load %arg10[%get3A_268, %get3A_269] {strides = array<i32>} : memref<128x64xi32, #tpu.memory_space<vmem>>, vector<1x16xi32>,
          %get3A_271 = vector.shape_cast %get3A_270 : vector<1x16xi32> to vector<16xi32>
          %shift_left3A_272 = arith.constant 16 : i32
          %shift_left3A_273 = vector.broadcast %shift_left3A_272 : i32 to vector<16xi32>
          %shift_left3A_274 = arith.shli %get3A_271, %shift_left3A_273 : vector<16xi32>
          %bitcast_convert_type3A_275 = tpu.bitcast %shift_left3A_274 : vector<16xi32> -> vector<16xf32>
          %and3A_276 = arith.constant -65536 : i32
          %and3A_277 = vector.broadcast %and3A_276 : i32 to vector<16xi32>
          %and3A_278 = arith.andi %get3A_271, %and3A_277 : vector<16xi32>
          %bitcast_convert_type3A_279 = tpu.bitcast %and3A_278 : vector<16xi32> -> vector<16xf32>
          %mul3A_280 = vector.broadcast %squeeze3A_237 : f32 to vector<16xf32>
          %mul3A_281 = arith.mulf %bitcast_convert_type3A_275, %mul3A_280 : vector<16xf32>
          %swap3A_282 = arith.index_cast %add3A_241 : i32 to index
          %swap3A_283 = arith.constant 32 : index
          %swap3A_284 = tpu.vector_load %arg12[%swap3A_282, %swap3A_283] {strides = array<i32>} : memref<128x128xf32, #tpu.memory_space<vmem>>, vector<1x16xf32>,
          %swap3A_285 = vector.shape_cast %swap3A_284 : vector<1x16xf32> to vector<16xf32>
          %swap3A_286 = vector.shape_cast %mul3A_281 : vector<16xf32> to vector<1x16xf32>
          tpu.vector_store %arg12[%swap3A_282, %swap3A_283], %swap3A_286 {strides = array<i32>} : memref<128x128xf32, #tpu.memory_space<vmem>>, vector<1x16xf32>,
          %mul3A_287 = vector.broadcast %squeeze3A_237 : f32 to vector<16xf32>
          %mul3A_288 = arith.mulf %bitcast_convert_type3A_279, %mul3A_287 : vector<16xf32>
          %swap3A_289 = arith.index_cast %add3A_241 : i32 to index
          %swap3A_290 = arith.constant 48 : index
          %swap3A_291 = tpu.vector_load %arg12[%swap3A_289, %swap3A_290] {strides = array<i32>} : memref<128x128xf32, #tpu.memory_space<vmem>>, vector<1x16xf32>,
          %swap3A_292 = vector.shape_cast %swap3A_291 : vector<1x16xf32> to vector<16xf32>
          %swap3A_293 = vector.shape_cast %mul3A_288 : vector<16xf32> to vector<1x16xf32>
          tpu.vector_store %arg12[%swap3A_289, %swap3A_290], %swap3A_293 {strides = array<i32>} : memref<128x128xf32, #tpu.memory_space<vmem>>, vector<1x16xf32>,
          %get3A_294 = arith.index_cast %add3A_241 : i32 to index
          %get3A_295 = arith.constant 32 : index
          %get3A_296 = tpu.vector_load %arg10[%get3A_294, %get3A_295] {strides = array<i32>} : memref<128x64xi32, #tpu.memory_space<vmem>>, vector<1x16xi32>,
          %get3A_297 = vector.shape_cast %get3A_296 : vector<1x16xi32> to vector<16xi32>
          %shift_left3A_298 = arith.constant 16 : i32
          %shift_left3A_299 = vector.broadcast %shift_left3A_298 : i32 to vector<16xi32>
          %shift_left3A_300 = arith.shli %get3A_297, %shift_left3A_299 : vector<16xi32>
          %bitcast_convert_type3A_301 = tpu.bitcast %shift_left3A_300 : vector<16xi32> -> vector<16xf32>
          %and3A_302 = arith.constant -65536 : i32
          %and3A_303 = vector.broadcast %and3A_302 : i32 to vector<16xi32>
          %and3A_304 = arith.andi %get3A_297, %and3A_303 : vector<16xi32>
          %bitcast_convert_type3A_305 = tpu.bitcast %and3A_304 : vector<16xi32> -> vector<16xf32>
          %mul3A_306 = vector.broadcast %squeeze3A_237 : f32 to vector<16xf32>
          %mul3A_307 = arith.mulf %bitcast_convert_type3A_301, %mul3A_306 : vector<16xf32>
          %swap3A_308 = arith.index_cast %add3A_241 : i32 to index
          %swap3A_309 = arith.constant 64 : index
          %swap3A_310 = tpu.vector_load %arg12[%swap3A_308, %swap3A_309] {strides = array<i32>} : memref<128x128xf32, #tpu.memory_space<vmem>>, vector<1x16xf32>,
          %swap3A_311 = vector.shape_cast %swap3A_310 : vector<1x16xf32> to vector<16xf32>
          %swap3A_312 = vector.shape_cast %mul3A_307 : vector<16xf32> to vector<1x16xf32>
          tpu.vector_store %arg12[%swap3A_308, %swap3A_309], %swap3A_312 {strides = array<i32>} : memref<128x128xf32, #tpu.memory_space<vmem>>, vector<1x16xf32>,
          %mul3A_313 = vector.broadcast %squeeze3A_237 : f32 to vector<16xf32>
          %mul3A_314 = arith.mulf %bitcast_convert_type3A_305, %mul3A_313 : vector<16xf32>
          %swap3A_315 = arith.index_cast %add3A_241 : i32 to index
          %swap3A_316 = arith.constant 80 : index
          %swap3A_317 = tpu.vector_load %arg12[%swap3A_315, %swap3A_316] {strides = array<i32>} : memref<128x128xf32, #tpu.memory_space<vmem>>, vector<1x16xf32>,
          %swap3A_318 = vector.shape_cast %swap3A_317 : vector<1x16xf32> to vector<16xf32>
          %swap3A_319 = vector.shape_cast %mul3A_314 : vector<16xf32> to vector<1x16xf32>
          tpu.vector_store %arg12[%swap3A_315, %swap3A_316], %swap3A_319 {strides = array<i32>} : memref<128x128xf32, #tpu.memory_space<vmem>>, vector<1x16xf32>,
          %get3A_320 = arith.index_cast %add3A_241 : i32 to index
          %get3A_321 = arith.constant 48 : index
          %get3A_322 = tpu.vector_load %arg10[%get3A_320, %get3A_321] {strides = array<i32>} : memref<128x64xi32, #tpu.memory_space<vmem>>, vector<1x16xi32>,
          %get3A_323 = vector.shape_cast %get3A_322 : vector<1x16xi32> to vector<16xi32>
          %shift_left3A_324 = arith.constant 16 : i32
          %shift_left3A_325 = vector.broadcast %shift_left3A_324 : i32 to vector<16xi32>
          %shift_left3A_326 = arith.shli %get3A_323, %shift_left3A_325 : vector<16xi32>
          %bitcast_convert_type3A_327 = tpu.bitcast %shift_left3A_326 : vector<16xi32> -> vector<16xf32>
          %and3A_328 = arith.constant -65536 : i32
          %and3A_329 = vector.broadcast %and3A_328 : i32 to vector<16xi32>
          %and3A_330 = arith.andi %get3A_323, %and3A_329 : vector<16xi32>
          %bitcast_convert_type3A_331 = tpu.bitcast %and3A_330 : vector<16xi32> -> vector<16xf32>
          %mul3A_332 = vector.broadcast %squeeze3A_237 : f32 to vector<16xf32>
          %mul3A_333 = arith.mulf %bitcast_convert_type3A_327, %mul3A_332 : vector<16xf32>
          %swap3A_334 = arith.index_cast %add3A_241 : i32 to index
          %swap3A_335 = arith.constant 96 : index
          %swap3A_336 = tpu.vector_load %arg12[%swap3A_334, %swap3A_335] {strides = array<i32>} : memref<128x128xf32, #tpu.memory_space<vmem>>, vector<1x16xf32>,
          %swap3A_337 = vector.shape_cast %swap3A_336 : vector<1x16xf32> to vector<16xf32>
          %swap3A_338 = vector.shape_cast %mul3A_333 : vector<16xf32> to vector<1x16xf32>
          tpu.vector_store %arg12[%swap3A_334, %swap3A_335], %swap3A_338 {strides = array<i32>} : memref<128x128xf32, #tpu.memory_space<vmem>>, vector<1x16xf32>,
          %mul3A_339 = vector.broadcast %squeeze3A_237 : f32 to vector<16xf32>
          %mul3A_340 = arith.mulf %bitcast_convert_type3A_331, %mul3A_339 : vector<16xf32>
          %swap3A_341 = arith.index_cast %add3A_241 : i32 to index
          %swap3A_342 = arith.constant 112 : index
          %swap3A_343 = tpu.vector_load %arg12[%swap3A_341, %swap3A_342] {strides = array<i32>} : memref<128x128xf32, #tpu.memory_space<vmem>>, vector<1x16xf32>,
          %swap3A_344 = vector.shape_cast %swap3A_343 : vector<1x16xf32> to vector<16xf32>
          %swap3A_345 = vector.shape_cast %mul3A_340 : vector<16xf32> to vector<1x16xf32>
          tpu.vector_store %arg12[%swap3A_341, %swap3A_342], %swap3A_345 {strides = array<i32>} : memref<128x128xf32, #tpu.memory_space<vmem>>, vector<1x16xf32>,
          %slice3A_346 = vector.extract_strided_slice %get3A_131 {offsets = [2], sizes = [1], strides = [1]} : vector<16xf32> to vector<1xf32>
          %squeeze3A_347 = vector.extract %slice3A_346[0] : f32 from vector<1xf32>
          %mul3A_348 = arith.constant 16 : i32
          %mul3A_349 = arith.muli %scan3A_126, %mul3A_348 : i32
          %add3A_350 = arith.constant 2 : i32
          %add3A_351 = arith.addi %mul3A_349, %add3A_350 : i32
          %get3A_352 = arith.index_cast %add3A_351 : i32 to index
          %get3A_353 = arith.constant 0 : index
          %get3A_354 = tpu.vector_load %arg10[%get3A_352, %get3A_353] {strides = array<i32>} : memref<128x64xi32, #tpu.memory_space<vmem>>, vector<1x16xi32>,
          %get3A_355 = vector.shape_cast %get3A_354 : vector<1x16xi32> to vector<16xi32>
          %shift_left3A_356 = arith.constant 16 : i32
          %shift_left3A_357 = vector.broadcast %shift_left3A_356 : i32 to vector<16xi32>
          %shift_left3A_358 = arith.shli %get3A_355, %shift_left3A_357 : vector<16xi32>
          %bitcast_convert_type3A_359 = tpu.bitcast %shift_left3A_358 : vector<16xi32> -> vector<16xf32>
          %and3A_360 = arith.constant -65536 : i32
          %and3A_361 = vector.broadcast %and3A_360 : i32 to vector<16xi32>
          %and3A_362 = arith.andi %get3A_355, %and3A_361 : vector<16xi32>
          %bitcast_convert_type3A_363 = tpu.bitcast %and3A_362 : vector<16xi32> -> vector<16xf32>
          %mul3A_364 = vector.broadcast %squeeze3A_347 : f32 to vector<16xf32>
          %mul3A_365 = arith.mulf %bitcast_convert_type3A_359, %mul3A_364 : vector<16xf32>
          %swap3A_366 = arith.index_cast %add3A_351 : i32 to index
          %swap3A_367 = arith.constant 0 : index
          %swap3A_368 = tpu.vector_load %arg12[%swap3A_366, %swap3A_367] {strides = array<i32>} : memref<128x128xf32, #tpu.memory_space<vmem>>, vector<1x16xf32>,
          %swap3A_369 = vector.shape_cast %swap3A_368 : vector<1x16xf32> to vector<16xf32>
          %swap3A_370 = vector.shape_cast %mul3A_365 : vector<16xf32> to vector<1x16xf32>
          tpu.vector_store %arg12[%swap3A_366, %swap3A_367], %swap3A_370 {strides = array<i32>} : memref<128x128xf32, #tpu.memory_space<vmem>>, vector<1x16xf32>,
          %mul3A_371 = vector.broadcast %squeeze3A_347 : f32 to vector<16xf32>
          %mul3A_372 = arith.mulf %bitcast_convert_type3A_363, %mul3A_371 : vector<16xf32>
          %swap3A_373 = arith.index_cast %add3A_351 : i32 to index
          %swap3A_374 = arith.constant 16 : index
          %swap3A_375 = tpu.vector_load %arg12[%swap3A_373, %swap3A_374] {strides = array<i32>} : memref<128x128xf32, #tpu.memory_space<vmem>>, vector<1x16xf32>,
          %swap3A_376 = vector.shape_cast %swap3A_375 : vector<1x16xf32> to vector<16xf32>
          %swap3A_377 = vector.shape_cast %mul3A_372 : vector<16xf32> to vector<1x16xf32>
          tpu.vector_store %arg12[%swap3A_373, %swap3A_374], %swap3A_377 {strides = array<i32>} : memref<128x128xf32, #tpu.memory_space<vmem>>, vector<1x16xf32>,
          %get3A_378 = arith.index_cast %add3A_351 : i32 to index
          %get3A_379 = arith.constant 16 : index
          %get3A_380 = tpu.vector_load %arg10[%get3A_378, %get3A_379] {strides = array<i32>} : memref<128x64xi32, #tpu.memory_space<vmem>>, vector<1x16xi32>,
          %get3A_381 = vector.shape_cast %get3A_380 : vector<1x16xi32> to vector<16xi32>
          %shift_left3A_382 = arith.constant 16 : i32
          %shift_left3A_383 = vector.broadcast %shift_left3A_382 : i32 to vector<16xi32>
          %shift_left3A_384 = arith.shli %get3A_381, %shift_left3A_383 : vector<16xi32>
          %bitcast_convert_type3A_385 = tpu.bitcast %shift_left3A_384 : vector<16xi32> -> vector<16xf32>
          %and3A_386 = arith.constant -65536 : i32
          %and3A_387 = vector.broadcast %and3A_386 : i32 to vector<16xi32>
          %and3A_388 = arith.andi %get3A_381, %and3A_387 : vector<16xi32>
          %bitcast_convert_type3A_389 = tpu.bitcast %and3A_388 : vector<16xi32> -> vector<16xf32>
          %mul3A_390 = vector.broadcast %squeeze3A_347 : f32 to vector<16xf32>
          %mul3A_391 = arith.mulf %bitcast_convert_type3A_385, %mul3A_390 : vector<16xf32>
          %swap3A_392 = arith.index_cast %add3A_351 : i32 to index
          %swap3A_393 = arith.constant 32 : index
          %swap3A_394 = tpu.vector_load %arg12[%swap3A_392, %swap3A_393] {strides = array<i32>} : memref<128x128xf32, #tpu.memory_space<vmem>>, vector<1x16xf32>,
          %swap3A_395 = vector.shape_cast %swap3A_394 : vector<1x16xf32> to vector<16xf32>
          %swap3A_396 = vector.shape_cast %mul3A_391 : vector<16xf32> to vector<1x16xf32>
          tpu.vector_store %arg12[%swap3A_392, %swap3A_393], %swap3A_396 {strides = array<i32>} : memref<128x128xf32, #tpu.memory_space<vmem>>, vector<1x16xf32>,
          %mul3A_397 = vector.broadcast %squeeze3A_347 : f32 to vector<16xf32>
          %mul3A_398 = arith.mulf %bitcast_convert_type3A_389, %mul3A_397 : vector<16xf32>
          %swap3A_399 = arith.index_cast %add3A_351 : i32 to index
          %swap3A_400 = arith.constant 48 : index
          %swap3A_401 = tpu.vector_load %arg12[%swap3A_399, %swap3A_400] {strides = array<i32>} : memref<128x128xf32, #tpu.memory_space<vmem>>, vector<1x16xf32>,
          %swap3A_402 = vector.shape_cast %swap3A_401 : vector<1x16xf32> to vector<16xf32>
          %swap3A_403 = vector.shape_cast %mul3A_398 : vector<16xf32> to vector<1x16xf32>
          tpu.vector_store %arg12[%swap3A_399, %swap3A_400], %swap3A_403 {strides = array<i32>} : memref<128x128xf32, #tpu.memory_space<vmem>>, vector<1x16xf32>,
          %get3A_404 = arith.index_cast %add3A_351 : i32 to index
          %get3A_405 = arith.constant 32 : index
          %get3A_406 = tpu.vector_load %arg10[%get3A_404, %get3A_405] {strides = array<i32>} : memref<128x64xi32, #tpu.memory_space<vmem>>, vector<1x16xi32>,
          %get3A_407 = vector.shape_cast %get3A_406 : vector<1x16xi32> to vector<16xi32>
          %shift_left3A_408 = arith.constant 16 : i32
          %shift_left3A_409 = vector.broadcast %shift_left3A_408 : i32 to vector<16xi32>
          %shift_left3A_410 = arith.shli %get3A_407, %shift_left3A_409 : vector<16xi32>
          %bitcast_convert_type3A_411 = tpu.bitcast %shift_left3A_410 : vector<16xi32> -> vector<16xf32>
          %and3A_412 = arith.constant -65536 : i32
          %and3A_413 = vector.broadcast %and3A_412 : i32 to vector<16xi32>
          %and3A_414 = arith.andi %get3A_407, %and3A_413 : vector<16xi32>
          %bitcast_convert_type3A_415 = tpu.bitcast %and3A_414 : vector<16xi32> -> vector<16xf32>
          %mul3A_416 = vector.broadcast %squeeze3A_347 : f32 to vector<16xf32>
          %mul3A_417 = arith.mulf %bitcast_convert_type3A_411, %mul3A_416 : vector<16xf32>
          %swap3A_418 = arith.index_cast %add3A_351 : i32 to index
          %swap3A_419 = arith.constant 64 : index
          %swap3A_420 = tpu.vector_load %arg12[%swap3A_418, %swap3A_419] {strides = array<i32>} : memref<128x128xf32, #tpu.memory_space<vmem>>, vector<1x16xf32>,
          %swap3A_421 = vector.shape_cast %swap3A_420 : vector<1x16xf32> to vector<16xf32>
          %swap3A_422 = vector.shape_cast %mul3A_417 : vector<16xf32> to vector<1x16xf32>
          tpu.vector_store %arg12[%swap3A_418, %swap3A_419], %swap3A_422 {strides = array<i32>} : memref<128x128xf32, #tpu.memory_space<vmem>>, vector<1x16xf32>,
          %mul3A_423 = vector.broadcast %squeeze3A_347 : f32 to vector<16xf32>
          %mul3A_424 = arith.mulf %bitcast_convert_type3A_415, %mul3A_423 : vector<16xf32>
          %swap3A_425 = arith.index_cast %add3A_351 : i32 to index
          %swap3A_426 = arith.constant 80 : index
          %swap3A_427 = tpu.vector_load %arg12[%swap3A_425, %swap3A_426] {strides = array<i32>} : memref<128x128xf32, #tpu.memory_space<vmem>>, vector<1x16xf32>,
          %swap3A_428 = vector.shape_cast %swap3A_427 : vector<1x16xf32> to vector<16xf32>
          %swap3A_429 = vector.shape_cast %mul3A_424 : vector<16xf32> to vector<1x16xf32>
          tpu.vector_store %arg12[%swap3A_425, %swap3A_426], %swap3A_429 {strides = array<i32>} : memref<128x128xf32, #tpu.memory_space<vmem>>, vector<1x16xf32>,
          %get3A_430 = arith.index_cast %add3A_351 : i32 to index
          %get3A_431 = arith.constant 48 : index
          %get3A_432 = tpu.vector_load %arg10[%get3A_430, %get3A_431] {strides = array<i32>} : memref<128x64xi32, #tpu.memory_space<vmem>>, vector<1x16xi32>,
          %get3A_433 = vector.shape_cast %get3A_432 : vector<1x16xi32> to vector<16xi32>
          %shift_left3A_434 = arith.constant 16 : i32
          %shift_left3A_435 = vector.broadcast %shift_left3A_434 : i32 to vector<16xi32>
          %shift_left3A_436 = arith.shli %get3A_433, %shift_left3A_435 : vector<16xi32>
          %bitcast_convert_type3A_437 = tpu.bitcast %shift_left3A_436 : vector<16xi32> -> vector<16xf32>
          %and3A_438 = arith.constant -65536 : i32
          %and3A_439 = vector.broadcast %and3A_438 : i32 to vector<16xi32>
          %and3A_440 = arith.andi %get3A_433, %and3A_439 : vector<16xi32>
          %bitcast_convert_type3A_441 = tpu.bitcast %and3A_440 : vector<16xi32> -> vector<16xf32>
          %mul3A_442 = vector.broadcast %squeeze3A_347 : f32 to vector<16xf32>
          %mul3A_443 = arith.mulf %bitcast_convert_type3A_437, %mul3A_442 : vector<16xf32>
          %swap3A_444 = arith.index_cast %add3A_351 : i32 to index
          %swap3A_445 = arith.constant 96 : index
          %swap3A_446 = tpu.vector_load %arg12[%swap3A_444, %swap3A_445] {strides = array<i32>} : memref<128x128xf32, #tpu.memory_space<vmem>>, vector<1x16xf32>,
          %swap3A_447 = vector.shape_cast %swap3A_446 : vector<1x16xf32> to vector<16xf32>
          %swap3A_448 = vector.shape_cast %mul3A_443 : vector<16xf32> to vector<1x16xf32>
          tpu.vector_store %arg12[%swap3A_444, %swap3A_445], %swap3A_448 {strides = array<i32>} : memref<128x128xf32, #tpu.memory_space<vmem>>, vector<1x16xf32>,
          %mul3A_449 = vector.broadcast %squeeze3A_347 : f32 to vector<16xf32>
          %mul3A_450 = arith.mulf %bitcast_convert_type3A_441, %mul3A_449 : vector<16xf32>
          %swap3A_451 = arith.index_cast %add3A_351 : i32 to index
          %swap3A_452 = arith.constant 112 : index
          %swap3A_453 = tpu.vector_load %arg12[%swap3A_451, %swap3A_452] {strides = array<i32>} : memref<128x128xf32, #tpu.memory_space<vmem>>, vector<1x16xf32>,
          %swap3A_454 = vector.shape_cast %swap3A_453 : vector<1x16xf32> to vector<16xf32>
          %swap3A_455 = vector.shape_cast %mul3A_450 : vector<16xf32> to vector<1x16xf32>
          tpu.vector_store %arg12[%swap3A_451, %swap3A_452], %swap3A_455 {strides = array<i32>} : memref<128x128xf32, #tpu.memory_space<vmem>>, vector<1x16xf32>,
          %slice3A_456 = vector.extract_strided_slice %get3A_131 {offsets = [3], sizes = [1], strides = [1]} : vector<16xf32> to vector<1xf32>
          %squeeze3A_457 = vector.extract %slice3A_456[0] : f32 from vector<1xf32>
          %mul3A_458 = arith.constant 16 : i32
          %mul3A_459 = arith.muli %scan3A_126, %mul3A_458 : i32
          %add3A_460 = arith.constant 3 : i32
          %add3A_461 = arith.addi %mul3A_459, %add3A_460 : i32
          %get3A_462 = arith.index_cast %add3A_461 : i32 to index
          %get3A_463 = arith.constant 0 : index
          %get3A_464 = tpu.vector_load %arg10[%get3A_462, %get3A_463] {strides = array<i32>} : memref<128x64xi32, #tpu.memory_space<vmem>>, vector<1x16xi32>,
          %get3A_465 = vector.shape_cast %get3A_464 : vector<1x16xi32> to vector<16xi32>
          %shift_left3A_466 = arith.constant 16 : i32
          %shift_left3A_467 = vector.broadcast %shift_left3A_466 : i32 to vector<16xi32>
          %shift_left3A_468 = arith.shli %get3A_465, %shift_left3A_467 : vector<16xi32>
          %bitcast_convert_type3A_469 = tpu.bitcast %shift_left3A_468 : vector<16xi32> -> vector<16xf32>
          %and3A_470 = arith.constant -65536 : i32
          %and3A_471 = vector.broadcast %and3A_470 : i32 to vector<16xi32>
          %and3A_472 = arith.andi %get3A_465, %and3A_471 : vector<16xi32>
          %bitcast_convert_type3A_473 = tpu.bitcast %and3A_472 : vector<16xi32> -> vector<16xf32>
          %mul3A_474 = vector.broadcast %squeeze3A_457 : f32 to vector<16xf32>
          %mul3A_475 = arith.mulf %bitcast_convert_type3A_469, %mul3A_474 : vector<16xf32>
          %swap3A_476 = arith.index_cast %add3A_461 : i32 to index
          %swap3A_477 = arith.constant 0 : index
          %swap3A_478 = tpu.vector_load %arg12[%swap3A_476, %swap3A_477] {strides = array<i32>} : memref<128x128xf32, #tpu.memory_space<vmem>>, vector<1x16xf32>,
          %swap3A_479 = vector.shape_cast %swap3A_478 : vector<1x16xf32> to vector<16xf32>
          %swap3A_480 = vector.shape_cast %mul3A_475 : vector<16xf32> to vector<1x16xf32>
          tpu.vector_store %arg12[%swap3A_476, %swap3A_477], %swap3A_480 {strides = array<i32>} : memref<128x128xf32, #tpu.memory_space<vmem>>, vector<1x16xf32>,
          %mul3A_481 = vector.broadcast %squeeze3A_457 : f32 to vector<16xf32>
          %mul3A_482 = arith.mulf %bitcast_convert_type3A_473, %mul3A_481 : vector<16xf32>
          %swap3A_483 = arith.index_cast %add3A_461 : i32 to index
          %swap3A_484 = arith.constant 16 : index
          %swap3A_485 = tpu.vector_load %arg12[%swap3A_483, %swap3A_484] {strides = array<i32>} : memref<128x128xf32, #tpu.memory_space<vmem>>, vector<1x16xf32>,
          %swap3A_486 = vector.shape_cast %swap3A_485 : vector<1x16xf32> to vector<16xf32>
          %swap3A_487 = vector.shape_cast %mul3A_482 : vector<16xf32> to vector<1x16xf32>
          tpu.vector_store %arg12[%swap3A_483, %swap3A_484], %swap3A_487 {strides = array<i32>} : memref<128x128xf32, #tpu.memory_space<vmem>>, vector<1x16xf32>,
          %get3A_488 = arith.index_cast %add3A_461 : i32 to index
          %get3A_489 = arith.constant 16 : index
          %get3A_490 = tpu.vector_load %arg10[%get3A_488, %get3A_489] {strides = array<i32>} : memref<128x64xi32, #tpu.memory_space<vmem>>, vector<1x16xi32>,
          %get3A_491 = vector.shape_cast %get3A_490 : vector<1x16xi32> to vector<16xi32>
          %shift_left3A_492 = arith.constant 16 : i32
          %shift_left3A_493 = vector.broadcast %shift_left3A_492 : i32 to vector<16xi32>
          %shift_left3A_494 = arith.shli %get3A_491, %shift_left3A_493 : vector<16xi32>
          %bitcast_convert_type3A_495 = tpu.bitcast %shift_left3A_494 : vector<16xi32> -> vector<16xf32>
          %and3A_496 = arith.constant -65536 : i32
          %and3A_497 = vector.broadcast %and3A_496 : i32 to vector<16xi32>
          %and3A_498 = arith.andi %get3A_491, %and3A_497 : vector<16xi32>
          %bitcast_convert_type3A_499 = tpu.bitcast %and3A_498 : vector<16xi32> -> vector<16xf32>
          %mul3A_500 = vector.broadcast %squeeze3A_457 : f32 to vector<16xf32>
          %mul3A_501 = arith.mulf %bitcast_convert_type3A_495, %mul3A_500 : vector<16xf32>
          %swap3A_502 = arith.index_cast %add3A_461 : i32 to index
          %swap3A_503 = arith.constant 32 : index
          %swap3A_504 = tpu.vector_load %arg12[%swap3A_502, %swap3A_503] {strides = array<i32>} : memref<128x128xf32, #tpu.memory_space<vmem>>, vector<1x16xf32>,
          %swap3A_505 = vector.shape_cast %swap3A_504 : vector<1x16xf32> to vector<16xf32>
          %swap3A_506 = vector.shape_cast %mul3A_501 : vector<16xf32> to vector<1x16xf32>
          tpu.vector_store %arg12[%swap3A_502, %swap3A_503], %swap3A_506 {strides = array<i32>} : memref<128x128xf32, #tpu.memory_space<vmem>>, vector<1x16xf32>,
          %mul3A_507 = vector.broadcast %squeeze3A_457 : f32 to vector<16xf32>
          %mul3A_508 = arith.mulf %bitcast_convert_type3A_499, %mul3A_507 : vector<16xf32>
          %swap3A_509 = arith.index_cast %add3A_461 : i32 to index
          %swap3A_510 = arith.constant 48 : index
          %swap3A_511 = tpu.vector_load %arg12[%swap3A_509, %swap3A_510] {strides = array<i32>} : memref<128x128xf32, #tpu.memory_space<vmem>>, vector<1x16xf32>,
          %swap3A_512 = vector.shape_cast %swap3A_511 : vector<1x16xf32> to vector<16xf32>
          %swap3A_513 = vector.shape_cast %mul3A_508 : vector<16xf32> to vector<1x16xf32>
          tpu.vector_store %arg12[%swap3A_509, %swap3A_510], %swap3A_513 {strides = array<i32>} : memref<128x128xf32, #tpu.memory_space<vmem>>, vector<1x16xf32>,
          %get3A_514 = arith.index_cast %add3A_461 : i32 to index
          %get3A_515 = arith.constant 32 : index
          %get3A_516 = tpu.vector_load %arg10[%get3A_514, %get3A_515] {strides = array<i32>} : memref<128x64xi32, #tpu.memory_space<vmem>>, vector<1x16xi32>,
          %get3A_517 = vector.shape_cast %get3A_516 : vector<1x16xi32> to vector<16xi32>
          %shift_left3A_518 = arith.constant 16 : i32
          %shift_left3A_519 = vector.broadcast %shift_left3A_518 : i32 to vector<16xi32>
          %shift_left3A_520 = arith.shli %get3A_517, %shift_left3A_519 : vector<16xi32>
          %bitcast_convert_type3A_521 = tpu.bitcast %shift_left3A_520 : vector<16xi32> -> vector<16xf32>
          %and3A_522 = arith.constant -65536 : i32
          %and3A_523 = vector.broadcast %and3A_522 : i32 to vector<16xi32>
          %and3A_524 = arith.andi %get3A_517, %and3A_523 : vector<16xi32>
          %bitcast_convert_type3A_525 = tpu.bitcast %and3A_524 : vector<16xi32> -> vector<16xf32>
          %mul3A_526 = vector.broadcast %squeeze3A_457 : f32 to vector<16xf32>
          %mul3A_527 = arith.mulf %bitcast_convert_type3A_521, %mul3A_526 : vector<16xf32>
          %swap3A_528 = arith.index_cast %add3A_461 : i32 to index
          %swap3A_529 = arith.constant 64 : index
          %swap3A_530 = tpu.vector_load %arg12[%swap3A_528, %swap3A_529] {strides = array<i32>} : memref<128x128xf32, #tpu.memory_space<vmem>>, vector<1x16xf32>,
          %swap3A_531 = vector.shape_cast %swap3A_530 : vector<1x16xf32> to vector<16xf32>
          %swap3A_532 = vector.shape_cast %mul3A_527 : vector<16xf32> to vector<1x16xf32>
          tpu.vector_store %arg12[%swap3A_528, %swap3A_529], %swap3A_532 {strides = array<i32>} : memref<128x128xf32, #tpu.memory_space<vmem>>, vector<1x16xf32>,
          %mul3A_533 = vector.broadcast %squeeze3A_457 : f32 to vector<16xf32>
          %mul3A_534 = arith.mulf %bitcast_convert_type3A_525, %mul3A_533 : vector<16xf32>
          %swap3A_535 = arith.index_cast %add3A_461 : i32 to index
          %swap3A_536 = arith.constant 80 : index
          %swap3A_537 = tpu.vector_load %arg12[%swap3A_535, %swap3A_536] {strides = array<i32>} : memref<128x128xf32, #tpu.memory_space<vmem>>, vector<1x16xf32>,
          %swap3A_538 = vector.shape_cast %swap3A_537 : vector<1x16xf32> to vector<16xf32>
          %swap3A_539 = vector.shape_cast %mul3A_534 : vector<16xf32> to vector<1x16xf32>
          tpu.vector_store %arg12[%swap3A_535, %swap3A_536], %swap3A_539 {strides = array<i32>} : memref<128x128xf32, #tpu.memory_space<vmem>>, vector<1x16xf32>,
          %get3A_540 = arith.index_cast %add3A_461 : i32 to index
          %get3A_541 = arith.constant 48 : index
          %get3A_542 = tpu.vector_load %arg10[%get3A_540, %get3A_541] {strides = array<i32>} : memref<128x64xi32, #tpu.memory_space<vmem>>, vector<1x16xi32>,
          %get3A_543 = vector.shape_cast %get3A_542 : vector<1x16xi32> to vector<16xi32>
          %shift_left3A_544 = arith.constant 16 : i32
          %shift_left3A_545 = vector.broadcast %shift_left3A_544 : i32 to vector<16xi32>
          %shift_left3A_546 = arith.shli %get3A_543, %shift_left3A_545 : vector<16xi32>
          %bitcast_convert_type3A_547 = tpu.bitcast %shift_left3A_546 : vector<16xi32> -> vector<16xf32>
          %and3A_548 = arith.constant -65536 : i32
          %and3A_549 = vector.broadcast %and3A_548 : i32 to vector<16xi32>
          %and3A_550 = arith.andi %get3A_543, %and3A_549 : vector<16xi32>
          %bitcast_convert_type3A_551 = tpu.bitcast %and3A_550 : vector<16xi32> -> vector<16xf32>
          %mul3A_552 = vector.broadcast %squeeze3A_457 : f32 to vector<16xf32>
          %mul3A_553 = arith.mulf %bitcast_convert_type3A_547, %mul3A_552 : vector<16xf32>
          %swap3A_554 = arith.index_cast %add3A_461 : i32 to index
          %swap3A_555 = arith.constant 96 : index
          %swap3A_556 = tpu.vector_load %arg12[%swap3A_554, %swap3A_555] {strides = array<i32>} : memref<128x128xf32, #tpu.memory_space<vmem>>, vector<1x16xf32>,
          %swap3A_557 = vector.shape_cast %swap3A_556 : vector<1x16xf32> to vector<16xf32>
          %swap3A_558 = vector.shape_cast %mul3A_553 : vector<16xf32> to vector<1x16xf32>
          tpu.vector_store %arg12[%swap3A_554, %swap3A_555], %swap3A_558 {strides = array<i32>} : memref<128x128xf32, #tpu.memory_space<vmem>>, vector<1x16xf32>,
          %mul3A_559 = vector.broadcast %squeeze3A_457 : f32 to vector<16xf32>
          %mul3A_560 = arith.mulf %bitcast_convert_type3A_551, %mul3A_559 : vector<16xf32>
          %swap3A_561 = arith.index_cast %add3A_461 : i32 to index
          %swap3A_562 = arith.constant 112 : index
          %swap3A_563 = tpu.vector_load %arg12[%swap3A_561, %swap3A_562] {strides = array<i32>} : memref<128x128xf32, #tpu.memory_space<vmem>>, vector<1x16xf32>,
          %swap3A_564 = vector.shape_cast %swap3A_563 : vector<1x16xf32> to vector<16xf32>
          %swap3A_565 = vector.shape_cast %mul3A_560 : vector<16xf32> to vector<1x16xf32>
          tpu.vector_store %arg12[%swap3A_561, %swap3A_562], %swap3A_565 {strides = array<i32>} : memref<128x128xf32, #tpu.memory_space<vmem>>, vector<1x16xf32>,
          %slice3A_566 = vector.extract_strided_slice %get3A_131 {offsets = [4], sizes = [1], strides = [1]} : vector<16xf32> to vector<1xf32>
          %squeeze3A_567 = vector.extract %slice3A_566[0] : f32 from vector<1xf32>
          %mul3A_568 = arith.constant 16 : i32
          %mul3A_569 = arith.muli %scan3A_126, %mul3A_568 : i32
          %add3A_570 = arith.constant 4 : i32
          %add3A_571 = arith.addi %mul3A_569, %add3A_570 : i32
          %get3A_572 = arith.index_cast %add3A_571 : i32 to index
          %get3A_573 = arith.constant 0 : index
          %get3A_574 = tpu.vector_load %arg10[%get3A_572, %get3A_573] {strides = array<i32>} : memref<128x64xi32, #tpu.memory_space<vmem>>, vector<1x16xi32>,
          %get3A_575 = vector.shape_cast %get3A_574 : vector<1x16xi32> to vector<16xi32>
          %shift_left3A_576 = arith.constant 16 : i32
          %shift_left3A_577 = vector.broadcast %shift_left3A_576 : i32 to vector<16xi32>
          %shift_left3A_578 = arith.shli %get3A_575, %shift_left3A_577 : vector<16xi32>
          %bitcast_convert_type3A_579 = tpu.bitcast %shift_left3A_578 : vector<16xi32> -> vector<16xf32>
          %and3A_580 = arith.constant -65536 : i32
          %and3A_581 = vector.broadcast %and3A_580 : i32 to vector<16xi32>
          %and3A_582 = arith.andi %get3A_575, %and3A_581 : vector<16xi32>
          %bitcast_convert_type3A_583 = tpu.bitcast %and3A_582 : vector<16xi32> -> vector<16xf32>
          %mul3A_584 = vector.broadcast %squeeze3A_567 : f32 to vector<16xf32>
          %mul3A_585 = arith.mulf %bitcast_convert_type3A_579, %mul3A_584 : vector<16xf32>
          %swap3A_586 = arith.index_cast %add3A_571 : i32 to index
          %swap3A_587 = arith.constant 0 : index
          %swap3A_588 = tpu.vector_load %arg12[%swap3A_586, %swap3A_587] {strides = array<i32>} : memref<128x128xf32, #tpu.memory_space<vmem>>, vector<1x16xf32>,
          %swap3A_589 = vector.shape_cast %swap3A_588 : vector<1x16xf32> to vector<16xf32>
          %swap3A_590 = vector.shape_cast %mul3A_585 : vector<16xf32> to vector<1x16xf32>
          tpu.vector_store %arg12[%swap3A_586, %swap3A_587], %swap3A_590 {strides = array<i32>} : memref<128x128xf32, #tpu.memory_space<vmem>>, vector<1x16xf32>,
          %mul3A_591 = vector.broadcast %squeeze3A_567 : f32 to vector<16xf32>
          %mul3A_592 = arith.mulf %bitcast_convert_type3A_583, %mul3A_591 : vector<16xf32>
          %swap3A_593 = arith.index_cast %add3A_571 : i32 to index
          %swap3A_594 = arith.constant 16 : index
          %swap3A_595 = tpu.vector_load %arg12[%swap3A_593, %swap3A_594] {strides = array<i32>} : memref<128x128xf32, #tpu.memory_space<vmem>>, vector<1x16xf32>,
          %swap3A_596 = vector.shape_cast %swap3A_595 : vector<1x16xf32> to vector<16xf32>
          %swap3A_597 = vector.shape_cast %mul3A_592 : vector<16xf32> to vector<1x16xf32>
          tpu.vector_store %arg12[%swap3A_593, %swap3A_594], %swap3A_597 {strides = array<i32>} : memref<128x128xf32, #tpu.memory_space<vmem>>, vector<1x16xf32>,
          %get3A_598 = arith.index_cast %add3A_571 : i32 to index
          %get3A_599 = arith.constant 16 : index
          %get3A_600 = tpu.vector_load %arg10[%get3A_598, %get3A_599] {strides = array<i32>} : memref<128x64xi32, #tpu.memory_space<vmem>>, vector<1x16xi32>,
          %get3A_601 = vector.shape_cast %get3A_600 : vector<1x16xi32> to vector<16xi32>
          %shift_left3A_602 = arith.constant 16 : i32
          %shift_left3A_603 = vector.broadcast %shift_left3A_602 : i32 to vector<16xi32>
          %shift_left3A_604 = arith.shli %get3A_601, %shift_left3A_603 : vector<16xi32>
          %bitcast_convert_type3A_605 = tpu.bitcast %shift_left3A_604 : vector<16xi32> -> vector<16xf32>
          %and3A_606 = arith.constant -65536 : i32
          %and3A_607 = vector.broadcast %and3A_606 : i32 to vector<16xi32>
          %and3A_608 = arith.andi %get3A_601, %and3A_607 : vector<16xi32>
          %bitcast_convert_type3A_609 = tpu.bitcast %and3A_608 : vector<16xi32> -> vector<16xf32>
          %mul3A_610 = vector.broadcast %squeeze3A_567 : f32 to vector<16xf32>
          %mul3A_611 = arith.mulf %bitcast_convert_type3A_605, %mul3A_610 : vector<16xf32>
          %swap3A_612 = arith.index_cast %add3A_571 : i32 to index
          %swap3A_613 = arith.constant 32 : index
          %swap3A_614 = tpu.vector_load %arg12[%swap3A_612, %swap3A_613] {strides = array<i32>} : memref<128x128xf32, #tpu.memory_space<vmem>>, vector<1x16xf32>,
          %swap3A_615 = vector.shape_cast %swap3A_614 : vector<1x16xf32> to vector<16xf32>
          %swap3A_616 = vector.shape_cast %mul3A_611 : vector<16xf32> to vector<1x16xf32>
          tpu.vector_store %arg12[%swap3A_612, %swap3A_613], %swap3A_616 {strides = array<i32>} : memref<128x128xf32, #tpu.memory_space<vmem>>, vector<1x16xf32>,
          %mul3A_617 = vector.broadcast %squeeze3A_567 : f32 to vector<16xf32>
          %mul3A_618 = arith.mulf %bitcast_convert_type3A_609, %mul3A_617 : vector<16xf32>
          %swap3A_619 = arith.index_cast %add3A_571 : i32 to index
          %swap3A_620 = arith.constant 48 : index
          %swap3A_621 = tpu.vector_load %arg12[%swap3A_619, %swap3A_620] {strides = array<i32>} : memref<128x128xf32, #tpu.memory_space<vmem>>, vector<1x16xf32>,
          %swap3A_622 = vector.shape_cast %swap3A_621 : vector<1x16xf32> to vector<16xf32>
          %swap3A_623 = vector.shape_cast %mul3A_618 : vector<16xf32> to vector<1x16xf32>
          tpu.vector_store %arg12[%swap3A_619, %swap3A_620], %swap3A_623 {strides = array<i32>} : memref<128x128xf32, #tpu.memory_space<vmem>>, vector<1x16xf32>,
          %get3A_624 = arith.index_cast %add3A_571 : i32 to index
          %get3A_625 = arith.constant 32 : index
          %get3A_626 = tpu.vector_load %arg10[%get3A_624, %get3A_625] {strides = array<i32>} : memref<128x64xi32, #tpu.memory_space<vmem>>, vector<1x16xi32>,
          %get3A_627 = vector.shape_cast %get3A_626 : vector<1x16xi32> to vector<16xi32>
          %shift_left3A_628 = arith.constant 16 : i32
          %shift_left3A_629 = vector.broadcast %shift_left3A_628 : i32 to vector<16xi32>
          %shift_left3A_630 = arith.shli %get3A_627, %shift_left3A_629 : vector<16xi32>
          %bitcast_convert_type3A_631 = tpu.bitcast %shift_left3A_630 : vector<16xi32> -> vector<16xf32>
          %and3A_632 = arith.constant -65536 : i32
          %and3A_633 = vector.broadcast %and3A_632 : i32 to vector<16xi32>
          %and3A_634 = arith.andi %get3A_627, %and3A_633 : vector<16xi32>
          %bitcast_convert_type3A_635 = tpu.bitcast %and3A_634 : vector<16xi32> -> vector<16xf32>
          %mul3A_636 = vector.broadcast %squeeze3A_567 : f32 to vector<16xf32>
          %mul3A_637 = arith.mulf %bitcast_convert_type3A_631, %mul3A_636 : vector<16xf32>
          %swap3A_638 = arith.index_cast %add3A_571 : i32 to index
          %swap3A_639 = arith.constant 64 : index
          %swap3A_640 = tpu.vector_load %arg12[%swap3A_638, %swap3A_639] {strides = array<i32>} : memref<128x128xf32, #tpu.memory_space<vmem>>, vector<1x16xf32>,
          %swap3A_641 = vector.shape_cast %swap3A_640 : vector<1x16xf32> to vector<16xf32>
          %swap3A_642 = vector.shape_cast %mul3A_637 : vector<16xf32> to vector<1x16xf32>
          tpu.vector_store %arg12[%swap3A_638, %swap3A_639], %swap3A_642 {strides = array<i32>} : memref<128x128xf32, #tpu.memory_space<vmem>>, vector<1x16xf32>,
          %mul3A_643 = vector.broadcast %squeeze3A_567 : f32 to vector<16xf32>
          %mul3A_644 = arith.mulf %bitcast_convert_type3A_635, %mul3A_643 : vector<16xf32>
          %swap3A_645 = arith.index_cast %add3A_571 : i32 to index
          %swap3A_646 = arith.constant 80 : index
          %swap3A_647 = tpu.vector_load %arg12[%swap3A_645, %swap3A_646] {strides = array<i32>} : memref<128x128xf32, #tpu.memory_space<vmem>>, vector<1x16xf32>,
          %swap3A_648 = vector.shape_cast %swap3A_647 : vector<1x16xf32> to vector<16xf32>
          %swap3A_649 = vector.shape_cast %mul3A_644 : vector<16xf32> to vector<1x16xf32>
          tpu.vector_store %arg12[%swap3A_645, %swap3A_646], %swap3A_649 {strides = array<i32>} : memref<128x128xf32, #tpu.memory_space<vmem>>, vector<1x16xf32>,
          %get3A_650 = arith.index_cast %add3A_571 : i32 to index
          %get3A_651 = arith.constant 48 : index
          %get3A_652 = tpu.vector_load %arg10[%get3A_650, %get3A_651] {strides = array<i32>} : memref<128x64xi32, #tpu.memory_space<vmem>>, vector<1x16xi32>,
          %get3A_653 = vector.shape_cast %get3A_652 : vector<1x16xi32> to vector<16xi32>
          %shift_left3A_654 = arith.constant 16 : i32
          %shift_left3A_655 = vector.broadcast %shift_left3A_654 : i32 to vector<16xi32>
          %shift_left3A_656 = arith.shli %get3A_653, %shift_left3A_655 : vector<16xi32>
          %bitcast_convert_type3A_657 = tpu.bitcast %shift_left3A_656 : vector<16xi32> -> vector<16xf32>
          %and3A_658 = arith.constant -65536 : i32
          %and3A_659 = vector.broadcast %and3A_658 : i32 to vector<16xi32>
          %and3A_660 = arith.andi %get3A_653, %and3A_659 : vector<16xi32>
          %bitcast_convert_type3A_661 = tpu.bitcast %and3A_660 : vector<16xi32> -> vector<16xf32>
          %mul3A_662 = vector.broadcast %squeeze3A_567 : f32 to vector<16xf32>
          %mul3A_663 = arith.mulf %bitcast_convert_type3A_657, %mul3A_662 : vector<16xf32>
          %swap3A_664 = arith.index_cast %add3A_571 : i32 to index
          %swap3A_665 = arith.constant 96 : index
          %swap3A_666 = tpu.vector_load %arg12[%swap3A_664, %swap3A_665] {strides = array<i32>} : memref<128x128xf32, #tpu.memory_space<vmem>>, vector<1x16xf32>,
          %swap3A_667 = vector.shape_cast %swap3A_666 : vector<1x16xf32> to vector<16xf32>
          %swap3A_668 = vector.shape_cast %mul3A_663 : vector<16xf32> to vector<1x16xf32>
          tpu.vector_store %arg12[%swap3A_664, %swap3A_665], %swap3A_668 {strides = array<i32>} : memref<128x128xf32, #tpu.memory_space<vmem>>, vector<1x16xf32>,
          %mul3A_669 = vector.broadcast %squeeze3A_567 : f32 to vector<16xf32>
          %mul3A_670 = arith.mulf %bitcast_convert_type3A_661, %mul3A_669 : vector<16xf32>
          %swap3A_671 = arith.index_cast %add3A_571 : i32 to index
          %swap3A_672 = arith.constant 112 : index
          %swap3A_673 = tpu.vector_load %arg12[%swap3A_671, %swap3A_672] {strides = array<i32>} : memref<128x128xf32, #tpu.memory_space<vmem>>, vector<1x16xf32>,
          %swap3A_674 = vector.shape_cast %swap3A_673 : vector<1x16xf32> to vector<16xf32>
          %swap3A_675 = vector.shape_cast %mul3A_670 : vector<16xf32> to vector<1x16xf32>
          tpu.vector_store %arg12[%swap3A_671, %swap3A_672], %swap3A_675 {strides = array<i32>} : memref<128x128xf32, #tpu.memory_space<vmem>>, vector<1x16xf32>,
          %slice3A_676 = vector.extract_strided_slice %get3A_131 {offsets = [5], sizes = [1], strides = [1]} : vector<16xf32> to vector<1xf32>
          %squeeze3A_677 = vector.extract %slice3A_676[0] : f32 from vector<1xf32>
          %mul3A_678 = arith.constant 16 : i32
          %mul3A_679 = arith.muli %scan3A_126, %mul3A_678 : i32
          %add3A_680 = arith.constant 5 : i32
          %add3A_681 = arith.addi %mul3A_679, %add3A_680 : i32
          %get3A_682 = arith.index_cast %add3A_681 : i32 to index
          %get3A_683 = arith.constant 0 : index
          %get3A_684 = tpu.vector_load %arg10[%get3A_682, %get3A_683] {strides = array<i32>} : memref<128x64xi32, #tpu.memory_space<vmem>>, vector<1x16xi32>,
          %get3A_685 = vector.shape_cast %get3A_684 : vector<1x16xi32> to vector<16xi32>
          %shift_left3A_686 = arith.constant 16 : i32
          %shift_left3A_687 = vector.broadcast %shift_left3A_686 : i32 to vector<16xi32>
          %shift_left3A_688 = arith.shli %get3A_685, %shift_left3A_687 : vector<16xi32>
          %bitcast_convert_type3A_689 = tpu.bitcast %shift_left3A_688 : vector<16xi32> -> vector<16xf32>
          %and3A_690 = arith.constant -65536 : i32
          %and3A_691 = vector.broadcast %and3A_690 : i32 to vector<16xi32>
          %and3A_692 = arith.andi %get3A_685, %and3A_691 : vector<16xi32>
          %bitcast_convert_type3A_693 = tpu.bitcast %and3A_692 : vector<16xi32> -> vector<16xf32>
          %mul3A_694 = vector.broadcast %squeeze3A_677 : f32 to vector<16xf32>
          %mul3A_695 = arith.mulf %bitcast_convert_type3A_689, %mul3A_694 : vector<16xf32>
          %swap3A_696 = arith.index_cast %add3A_681 : i32 to index
          %swap3A_697 = arith.constant 0 : index
          %swap3A_698 = tpu.vector_load %arg12[%swap3A_696, %swap3A_697] {strides = array<i32>} : memref<128x128xf32, #tpu.memory_space<vmem>>, vector<1x16xf32>,
          %swap3A_699 = vector.shape_cast %swap3A_698 : vector<1x16xf32> to vector<16xf32>
          %swap3A_700 = vector.shape_cast %mul3A_695 : vector<16xf32> to vector<1x16xf32>
          tpu.vector_store %arg12[%swap3A_696, %swap3A_697], %swap3A_700 {strides = array<i32>} : memref<128x128xf32, #tpu.memory_space<vmem>>, vector<1x16xf32>,
          %mul3A_701 = vector.broadcast %squeeze3A_677 : f32 to vector<16xf32>
          %mul3A_702 = arith.mulf %bitcast_convert_type3A_693, %mul3A_701 : vector<16xf32>
          %swap3A_703 = arith.index_cast %add3A_681 : i32 to index
          %swap3A_704 = arith.constant 16 : index
          %swap3A_705 = tpu.vector_load %arg12[%swap3A_703, %swap3A_704] {strides = array<i32>} : memref<128x128xf32, #tpu.memory_space<vmem>>, vector<1x16xf32>,
          %swap3A_706 = vector.shape_cast %swap3A_705 : vector<1x16xf32> to vector<16xf32>
          %swap3A_707 = vector.shape_cast %mul3A_702 : vector<16xf32> to vector<1x16xf32>
          tpu.vector_store %arg12[%swap3A_703, %swap3A_704], %swap3A_707 {strides = array<i32>} : memref<128x128xf32, #tpu.memory_space<vmem>>, vector<1x16xf32>,
          %get3A_708 = arith.index_cast %add3A_681 : i32 to index
          %get3A_709 = arith.constant 16 : index
          %get3A_710 = tpu.vector_load %arg10[%get3A_708, %get3A_709] {strides = array<i32>} : memref<128x64xi32, #tpu.memory_space<vmem>>, vector<1x16xi32>,
          %get3A_711 = vector.shape_cast %get3A_710 : vector<1x16xi32> to vector<16xi32>
          %shift_left3A_712 = arith.constant 16 : i32
          %shift_left3A_713 = vector.broadcast %shift_left3A_712 : i32 to vector<16xi32>
          %shift_left3A_714 = arith.shli %get3A_711, %shift_left3A_713 : vector<16xi32>
          %bitcast_convert_type3A_715 = tpu.bitcast %shift_left3A_714 : vector<16xi32> -> vector<16xf32>
          %and3A_716 = arith.constant -65536 : i32
          %and3A_717 = vector.broadcast %and3A_716 : i32 to vector<16xi32>
          %and3A_718 = arith.andi %get3A_711, %and3A_717 : vector<16xi32>
          %bitcast_convert_type3A_719 = tpu.bitcast %and3A_718 : vector<16xi32> -> vector<16xf32>
          %mul3A_720 = vector.broadcast %squeeze3A_677 : f32 to vector<16xf32>
          %mul3A_721 = arith.mulf %bitcast_convert_type3A_715, %mul3A_720 : vector<16xf32>
          %swap3A_722 = arith.index_cast %add3A_681 : i32 to index
          %swap3A_723 = arith.constant 32 : index
          %swap3A_724 = tpu.vector_load %arg12[%swap3A_722, %swap3A_723] {strides = array<i32>} : memref<128x128xf32, #tpu.memory_space<vmem>>, vector<1x16xf32>,
          %swap3A_725 = vector.shape_cast %swap3A_724 : vector<1x16xf32> to vector<16xf32>
          %swap3A_726 = vector.shape_cast %mul3A_721 : vector<16xf32> to vector<1x16xf32>
          tpu.vector_store %arg12[%swap3A_722, %swap3A_723], %swap3A_726 {strides = array<i32>} : memref<128x128xf32, #tpu.memory_space<vmem>>, vector<1x16xf32>,
          %mul3A_727 = vector.broadcast %squeeze3A_677 : f32 to vector<16xf32>
          %mul3A_728 = arith.mulf %bitcast_convert_type3A_719, %mul3A_727 : vector<16xf32>
          %swap3A_729 = arith.index_cast %add3A_681 : i32 to index
          %swap3A_730 = arith.constant 48 : index
          %swap3A_731 = tpu.vector_load %arg12[%swap3A_729, %swap3A_730] {strides = array<i32>} : memref<128x128xf32, #tpu.memory_space<vmem>>, vector<1x16xf32>,
          %swap3A_732 = vector.shape_cast %swap3A_731 : vector<1x16xf32> to vector<16xf32>
          %swap3A_733 = vector.shape_cast %mul3A_728 : vector<16xf32> to vector<1x16xf32>
          tpu.vector_store %arg12[%swap3A_729, %swap3A_730], %swap3A_733 {strides = array<i32>} : memref<128x128xf32, #tpu.memory_space<vmem>>, vector<1x16xf32>,
          %get3A_734 = arith.index_cast %add3A_681 : i32 to index
          %get3A_735 = arith.constant 32 : index
          %get3A_736 = tpu.vector_load %arg10[%get3A_734, %get3A_735] {strides = array<i32>} : memref<128x64xi32, #tpu.memory_space<vmem>>, vector<1x16xi32>,
          %get3A_737 = vector.shape_cast %get3A_736 : vector<1x16xi32> to vector<16xi32>
          %shift_left3A_738 = arith.constant 16 : i32
          %shift_left3A_739 = vector.broadcast %shift_left3A_738 : i32 to vector<16xi32>
          %shift_left3A_740 = arith.shli %get3A_737, %shift_left3A_739 : vector<16xi32>
          %bitcast_convert_type3A_741 = tpu.bitcast %shift_left3A_740 : vector<16xi32> -> vector<16xf32>
          %and3A_742 = arith.constant -65536 : i32
          %and3A_743 = vector.broadcast %and3A_742 : i32 to vector<16xi32>
          %and3A_744 = arith.andi %get3A_737, %and3A_743 : vector<16xi32>
          %bitcast_convert_type3A_745 = tpu.bitcast %and3A_744 : vector<16xi32> -> vector<16xf32>
          %mul3A_746 = vector.broadcast %squeeze3A_677 : f32 to vector<16xf32>
          %mul3A_747 = arith.mulf %bitcast_convert_type3A_741, %mul3A_746 : vector<16xf32>
          %swap3A_748 = arith.index_cast %add3A_681 : i32 to index
          %swap3A_749 = arith.constant 64 : index
          %swap3A_750 = tpu.vector_load %arg12[%swap3A_748, %swap3A_749] {strides = array<i32>} : memref<128x128xf32, #tpu.memory_space<vmem>>, vector<1x16xf32>,
          %swap3A_751 = vector.shape_cast %swap3A_750 : vector<1x16xf32> to vector<16xf32>
          %swap3A_752 = vector.shape_cast %mul3A_747 : vector<16xf32> to vector<1x16xf32>
          tpu.vector_store %arg12[%swap3A_748, %swap3A_749], %swap3A_752 {strides = array<i32>} : memref<128x128xf32, #tpu.memory_space<vmem>>, vector<1x16xf32>,
          %mul3A_753 = vector.broadcast %squeeze3A_677 : f32 to vector<16xf32>
          %mul3A_754 = arith.mulf %bitcast_convert_type3A_745, %mul3A_753 : vector<16xf32>
          %swap3A_755 = arith.index_cast %add3A_681 : i32 to index
          %swap3A_756 = arith.constant 80 : index
          %swap3A_757 = tpu.vector_load %arg12[%swap3A_755, %swap3A_756] {strides = array<i32>} : memref<128x128xf32, #tpu.memory_space<vmem>>, vector<1x16xf32>,
          %swap3A_758 = vector.shape_cast %swap3A_757 : vector<1x16xf32> to vector<16xf32>
          %swap3A_759 = vector.shape_cast %mul3A_754 : vector<16xf32> to vector<1x16xf32>
          tpu.vector_store %arg12[%swap3A_755, %swap3A_756], %swap3A_759 {strides = array<i32>} : memref<128x128xf32, #tpu.memory_space<vmem>>, vector<1x16xf32>,
          %get3A_760 = arith.index_cast %add3A_681 : i32 to index
          %get3A_761 = arith.constant 48 : index
          %get3A_762 = tpu.vector_load %arg10[%get3A_760, %get3A_761] {strides = array<i32>} : memref<128x64xi32, #tpu.memory_space<vmem>>, vector<1x16xi32>,
          %get3A_763 = vector.shape_cast %get3A_762 : vector<1x16xi32> to vector<16xi32>
          %shift_left3A_764 = arith.constant 16 : i32
          %shift_left3A_765 = vector.broadcast %shift_left3A_764 : i32 to vector<16xi32>
          %shift_left3A_766 = arith.shli %get3A_763, %shift_left3A_765 : vector<16xi32>
          %bitcast_convert_type3A_767 = tpu.bitcast %shift_left3A_766 : vector<16xi32> -> vector<16xf32>
          %and3A_768 = arith.constant -65536 : i32
          %and3A_769 = vector.broadcast %and3A_768 : i32 to vector<16xi32>
          %and3A_770 = arith.andi %get3A_763, %and3A_769 : vector<16xi32>
          %bitcast_convert_type3A_771 = tpu.bitcast %and3A_770 : vector<16xi32> -> vector<16xf32>
          %mul3A_772 = vector.broadcast %squeeze3A_677 : f32 to vector<16xf32>
          %mul3A_773 = arith.mulf %bitcast_convert_type3A_767, %mul3A_772 : vector<16xf32>
          %swap3A_774 = arith.index_cast %add3A_681 : i32 to index
          %swap3A_775 = arith.constant 96 : index
          %swap3A_776 = tpu.vector_load %arg12[%swap3A_774, %swap3A_775] {strides = array<i32>} : memref<128x128xf32, #tpu.memory_space<vmem>>, vector<1x16xf32>,
          %swap3A_777 = vector.shape_cast %swap3A_776 : vector<1x16xf32> to vector<16xf32>
          %swap3A_778 = vector.shape_cast %mul3A_773 : vector<16xf32> to vector<1x16xf32>
          tpu.vector_store %arg12[%swap3A_774, %swap3A_775], %swap3A_778 {strides = array<i32>} : memref<128x128xf32, #tpu.memory_space<vmem>>, vector<1x16xf32>,
          %mul3A_779 = vector.broadcast %squeeze3A_677 : f32 to vector<16xf32>
          %mul3A_780 = arith.mulf %bitcast_convert_type3A_771, %mul3A_779 : vector<16xf32>
          %swap3A_781 = arith.index_cast %add3A_681 : i32 to index
          %swap3A_782 = arith.constant 112 : index
          %swap3A_783 = tpu.vector_load %arg12[%swap3A_781, %swap3A_782] {strides = array<i32>} : memref<128x128xf32, #tpu.memory_space<vmem>>, vector<1x16xf32>,
          %swap3A_784 = vector.shape_cast %swap3A_783 : vector<1x16xf32> to vector<16xf32>
          %swap3A_785 = vector.shape_cast %mul3A_780 : vector<16xf32> to vector<1x16xf32>
          tpu.vector_store %arg12[%swap3A_781, %swap3A_782], %swap3A_785 {strides = array<i32>} : memref<128x128xf32, #tpu.memory_space<vmem>>, vector<1x16xf32>,
          %slice3A_786 = vector.extract_strided_slice %get3A_131 {offsets = [6], sizes = [1], strides = [1]} : vector<16xf32> to vector<1xf32>
          %squeeze3A_787 = vector.extract %slice3A_786[0] : f32 from vector<1xf32>
          %mul3A_788 = arith.constant 16 : i32
          %mul3A_789 = arith.muli %scan3A_126, %mul3A_788 : i32
          %add3A_790 = arith.constant 6 : i32
          %add3A_791 = arith.addi %mul3A_789, %add3A_790 : i32
          %get3A_792 = arith.index_cast %add3A_791 : i32 to index
          %get3A_793 = arith.constant 0 : index
          %get3A_794 = tpu.vector_load %arg10[%get3A_792, %get3A_793] {strides = array<i32>} : memref<128x64xi32, #tpu.memory_space<vmem>>, vector<1x16xi32>,
          %get3A_795 = vector.shape_cast %get3A_794 : vector<1x16xi32> to vector<16xi32>
          %shift_left3A_796 = arith.constant 16 : i32
          %shift_left3A_797 = vector.broadcast %shift_left3A_796 : i32 to vector<16xi32>
          %shift_left3A_798 = arith.shli %get3A_795, %shift_left3A_797 : vector<16xi32>
          %bitcast_convert_type3A_799 = tpu.bitcast %shift_left3A_798 : vector<16xi32> -> vector<16xf32>
          %and3A_800 = arith.constant -65536 : i32
          %and3A_801 = vector.broadcast %and3A_800 : i32 to vector<16xi32>
          %and3A_802 = arith.andi %get3A_795, %and3A_801 : vector<16xi32>
          %bitcast_convert_type3A_803 = tpu.bitcast %and3A_802 : vector<16xi32> -> vector<16xf32>
          %mul3A_804 = vector.broadcast %squeeze3A_787 : f32 to vector<16xf32>
          %mul3A_805 = arith.mulf %bitcast_convert_type3A_799, %mul3A_804 : vector<16xf32>
          %swap3A_806 = arith.index_cast %add3A_791 : i32 to index
          %swap3A_807 = arith.constant 0 : index
          %swap3A_808 = tpu.vector_load %arg12[%swap3A_806, %swap3A_807] {strides = array<i32>} : memref<128x128xf32, #tpu.memory_space<vmem>>, vector<1x16xf32>,
          %swap3A_809 = vector.shape_cast %swap3A_808 : vector<1x16xf32> to vector<16xf32>
          %swap3A_810 = vector.shape_cast %mul3A_805 : vector<16xf32> to vector<1x16xf32>
          tpu.vector_store %arg12[%swap3A_806, %swap3A_807], %swap3A_810 {strides = array<i32>} : memref<128x128xf32, #tpu.memory_space<vmem>>, vector<1x16xf32>,
          %mul3A_811 = vector.broadcast %squeeze3A_787 : f32 to vector<16xf32>
          %mul3A_812 = arith.mulf %bitcast_convert_type3A_803, %mul3A_811 : vector<16xf32>
          %swap3A_813 = arith.index_cast %add3A_791 : i32 to index
          %swap3A_814 = arith.constant 16 : index
          %swap3A_815 = tpu.vector_load %arg12[%swap3A_813, %swap3A_814] {strides = array<i32>} : memref<128x128xf32, #tpu.memory_space<vmem>>, vector<1x16xf32>,
          %swap3A_816 = vector.shape_cast %swap3A_815 : vector<1x16xf32> to vector<16xf32>
          %swap3A_817 = vector.shape_cast %mul3A_812 : vector<16xf32> to vector<1x16xf32>
          tpu.vector_store %arg12[%swap3A_813, %swap3A_814], %swap3A_817 {strides = array<i32>} : memref<128x128xf32, #tpu.memory_space<vmem>>, vector<1x16xf32>,
          %get3A_818 = arith.index_cast %add3A_791 : i32 to index
          %get3A_819 = arith.constant 16 : index
          %get3A_820 = tpu.vector_load %arg10[%get3A_818, %get3A_819] {strides = array<i32>} : memref<128x64xi32, #tpu.memory_space<vmem>>, vector<1x16xi32>,
          %get3A_821 = vector.shape_cast %get3A_820 : vector<1x16xi32> to vector<16xi32>
          %shift_left3A_822 = arith.constant 16 : i32
          %shift_left3A_823 = vector.broadcast %shift_left3A_822 : i32 to vector<16xi32>
          %shift_left3A_824 = arith.shli %get3A_821, %shift_left3A_823 : vector<16xi32>
          %bitcast_convert_type3A_825 = tpu.bitcast %shift_left3A_824 : vector<16xi32> -> vector<16xf32>
          %and3A_826 = arith.constant -65536 : i32
          %and3A_827 = vector.broadcast %and3A_826 : i32 to vector<16xi32>
          %and3A_828 = arith.andi %get3A_821, %and3A_827 : vector<16xi32>
          %bitcast_convert_type3A_829 = tpu.bitcast %and3A_828 : vector<16xi32> -> vector<16xf32>
          %mul3A_830 = vector.broadcast %squeeze3A_787 : f32 to vector<16xf32>
          %mul3A_831 = arith.mulf %bitcast_convert_type3A_825, %mul3A_830 : vector<16xf32>
          %swap3A_832 = arith.index_cast %add3A_791 : i32 to index
          %swap3A_833 = arith.constant 32 : index
          %swap3A_834 = tpu.vector_load %arg12[%swap3A_832, %swap3A_833] {strides = array<i32>} : memref<128x128xf32, #tpu.memory_space<vmem>>, vector<1x16xf32>,
          %swap3A_835 = vector.shape_cast %swap3A_834 : vector<1x16xf32> to vector<16xf32>
          %swap3A_836 = vector.shape_cast %mul3A_831 : vector<16xf32> to vector<1x16xf32>
          tpu.vector_store %arg12[%swap3A_832, %swap3A_833], %swap3A_836 {strides = array<i32>} : memref<128x128xf32, #tpu.memory_space<vmem>>, vector<1x16xf32>,
          %mul3A_837 = vector.broadcast %squeeze3A_787 : f32 to vector<16xf32>
          %mul3A_838 = arith.mulf %bitcast_convert_type3A_829, %mul3A_837 : vector<16xf32>
          %swap3A_839 = arith.index_cast %add3A_791 : i32 to index
          %swap3A_840 = arith.constant 48 : index
          %swap3A_841 = tpu.vector_load %arg12[%swap3A_839, %swap3A_840] {strides = array<i32>} : memref<128x128xf32, #tpu.memory_space<vmem>>, vector<1x16xf32>,
          %swap3A_842 = vector.shape_cast %swap3A_841 : vector<1x16xf32> to vector<16xf32>
          %swap3A_843 = vector.shape_cast %mul3A_838 : vector<16xf32> to vector<1x16xf32>
          tpu.vector_store %arg12[%swap3A_839, %swap3A_840], %swap3A_843 {strides = array<i32>} : memref<128x128xf32, #tpu.memory_space<vmem>>, vector<1x16xf32>,
          %get3A_844 = arith.index_cast %add3A_791 : i32 to index
          %get3A_845 = arith.constant 32 : index
          %get3A_846 = tpu.vector_load %arg10[%get3A_844, %get3A_845] {strides = array<i32>} : memref<128x64xi32, #tpu.memory_space<vmem>>, vector<1x16xi32>,
          %get3A_847 = vector.shape_cast %get3A_846 : vector<1x16xi32> to vector<16xi32>
          %shift_left3A_848 = arith.constant 16 : i32
          %shift_left3A_849 = vector.broadcast %shift_left3A_848 : i32 to vector<16xi32>
          %shift_left3A_850 = arith.shli %get3A_847, %shift_left3A_849 : vector<16xi32>
          %bitcast_convert_type3A_851 = tpu.bitcast %shift_left3A_850 : vector<16xi32> -> vector<16xf32>
          %and3A_852 = arith.constant -65536 : i32
          %and3A_853 = vector.broadcast %and3A_852 : i32 to vector<16xi32>
          %and3A_854 = arith.andi %get3A_847, %and3A_853 : vector<16xi32>
          %bitcast_convert_type3A_855 = tpu.bitcast %and3A_854 : vector<16xi32> -> vector<16xf32>
          %mul3A_856 = vector.broadcast %squeeze3A_787 : f32 to vector<16xf32>
          %mul3A_857 = arith.mulf %bitcast_convert_type3A_851, %mul3A_856 : vector<16xf32>
          %swap3A_858 = arith.index_cast %add3A_791 : i32 to index
          %swap3A_859 = arith.constant 64 : index
          %swap3A_860 = tpu.vector_load %arg12[%swap3A_858, %swap3A_859] {strides = array<i32>} : memref<128x128xf32, #tpu.memory_space<vmem>>, vector<1x16xf32>,
          %swap3A_861 = vector.shape_cast %swap3A_860 : vector<1x16xf32> to vector<16xf32>
          %swap3A_862 = vector.shape_cast %mul3A_857 : vector<16xf32> to vector<1x16xf32>
          tpu.vector_store %arg12[%swap3A_858, %swap3A_859], %swap3A_862 {strides = array<i32>} : memref<128x128xf32, #tpu.memory_space<vmem>>, vector<1x16xf32>,
          %mul3A_863 = vector.broadcast %squeeze3A_787 : f32 to vector<16xf32>
          %mul3A_864 = arith.mulf %bitcast_convert_type3A_855, %mul3A_863 : vector<16xf32>
          %swap3A_865 = arith.index_cast %add3A_791 : i32 to index
          %swap3A_866 = arith.constant 80 : index
          %swap3A_867 = tpu.vector_load %arg12[%swap3A_865, %swap3A_866] {strides = array<i32>} : memref<128x128xf32, #tpu.memory_space<vmem>>, vector<1x16xf32>,
          %swap3A_868 = vector.shape_cast %swap3A_867 : vector<1x16xf32> to vector<16xf32>
          %swap3A_869 = vector.shape_cast %mul3A_864 : vector<16xf32> to vector<1x16xf32>
          tpu.vector_store %arg12[%swap3A_865, %swap3A_866], %swap3A_869 {strides = array<i32>} : memref<128x128xf32, #tpu.memory_space<vmem>>, vector<1x16xf32>,
          %get3A_870 = arith.index_cast %add3A_791 : i32 to index
          %get3A_871 = arith.constant 48 : index
          %get3A_872 = tpu.vector_load %arg10[%get3A_870, %get3A_871] {strides = array<i32>} : memref<128x64xi32, #tpu.memory_space<vmem>>, vector<1x16xi32>,
          %get3A_873 = vector.shape_cast %get3A_872 : vector<1x16xi32> to vector<16xi32>
          %shift_left3A_874 = arith.constant 16 : i32
          %shift_left3A_875 = vector.broadcast %shift_left3A_874 : i32 to vector<16xi32>
          %shift_left3A_876 = arith.shli %get3A_873, %shift_left3A_875 : vector<16xi32>
          %bitcast_convert_type3A_877 = tpu.bitcast %shift_left3A_876 : vector<16xi32> -> vector<16xf32>
          %and3A_878 = arith.constant -65536 : i32
          %and3A_879 = vector.broadcast %and3A_878 : i32 to vector<16xi32>
          %and3A_880 = arith.andi %get3A_873, %and3A_879 : vector<16xi32>
          %bitcast_convert_type3A_881 = tpu.bitcast %and3A_880 : vector<16xi32> -> vector<16xf32>
          %mul3A_882 = vector.broadcast %squeeze3A_787 : f32 to vector<16xf32>
          %mul3A_883 = arith.mulf %bitcast_convert_type3A_877, %mul3A_882 : vector<16xf32>
          %swap3A_884 = arith.index_cast %add3A_791 : i32 to index
          %swap3A_885 = arith.constant 96 : index
          %swap3A_886 = tpu.vector_load %arg12[%swap3A_884, %swap3A_885] {strides = array<i32>} : memref<128x128xf32, #tpu.memory_space<vmem>>, vector<1x16xf32>,
          %swap3A_887 = vector.shape_cast %swap3A_886 : vector<1x16xf32> to vector<16xf32>
          %swap3A_888 = vector.shape_cast %mul3A_883 : vector<16xf32> to vector<1x16xf32>
          tpu.vector_store %arg12[%swap3A_884, %swap3A_885], %swap3A_888 {strides = array<i32>} : memref<128x128xf32, #tpu.memory_space<vmem>>, vector<1x16xf32>,
          %mul3A_889 = vector.broadcast %squeeze3A_787 : f32 to vector<16xf32>
          %mul3A_890 = arith.mulf %bitcast_convert_type3A_881, %mul3A_889 : vector<16xf32>
          %swap3A_891 = arith.index_cast %add3A_791 : i32 to index
          %swap3A_892 = arith.constant 112 : index
          %swap3A_893 = tpu.vector_load %arg12[%swap3A_891, %swap3A_892] {strides = array<i32>} : memref<128x128xf32, #tpu.memory_space<vmem>>, vector<1x16xf32>,
          %swap3A_894 = vector.shape_cast %swap3A_893 : vector<1x16xf32> to vector<16xf32>
          %swap3A_895 = vector.shape_cast %mul3A_890 : vector<16xf32> to vector<1x16xf32>
          tpu.vector_store %arg12[%swap3A_891, %swap3A_892], %swap3A_895 {strides = array<i32>} : memref<128x128xf32, #tpu.memory_space<vmem>>, vector<1x16xf32>,
          %slice3A_896 = vector.extract_strided_slice %get3A_131 {offsets = [7], sizes = [1], strides = [1]} : vector<16xf32> to vector<1xf32>
          %squeeze3A_897 = vector.extract %slice3A_896[0] : f32 from vector<1xf32>
          %mul3A_898 = arith.constant 16 : i32
          %mul3A_899 = arith.muli %scan3A_126, %mul3A_898 : i32
          %add3A_900 = arith.constant 7 : i32
          %add3A_901 = arith.addi %mul3A_899, %add3A_900 : i32
          %get3A_902 = arith.index_cast %add3A_901 : i32 to index
          %get3A_903 = arith.constant 0 : index
          %get3A_904 = tpu.vector_load %arg10[%get3A_902, %get3A_903] {strides = array<i32>} : memref<128x64xi32, #tpu.memory_space<vmem>>, vector<1x16xi32>,
          %get3A_905 = vector.shape_cast %get3A_904 : vector<1x16xi32> to vector<16xi32>
          %shift_left3A_906 = arith.constant 16 : i32
          %shift_left3A_907 = vector.broadcast %shift_left3A_906 : i32 to vector<16xi32>
          %shift_left3A_908 = arith.shli %get3A_905, %shift_left3A_907 : vector<16xi32>
          %bitcast_convert_type3A_909 = tpu.bitcast %shift_left3A_908 : vector<16xi32> -> vector<16xf32>
          %and3A_910 = arith.constant -65536 : i32
          %and3A_911 = vector.broadcast %and3A_910 : i32 to vector<16xi32>
          %and3A_912 = arith.andi %get3A_905, %and3A_911 : vector<16xi32>
          %bitcast_convert_type3A_913 = tpu.bitcast %and3A_912 : vector<16xi32> -> vector<16xf32>
          %mul3A_914 = vector.broadcast %squeeze3A_897 : f32 to vector<16xf32>
          %mul3A_915 = arith.mulf %bitcast_convert_type3A_909, %mul3A_914 : vector<16xf32>
          %swap3A_916 = arith.index_cast %add3A_901 : i32 to index
          %swap3A_917 = arith.constant 0 : index
          %swap3A_918 = tpu.vector_load %arg12[%swap3A_916, %swap3A_917] {strides = array<i32>} : memref<128x128xf32, #tpu.memory_space<vmem>>, vector<1x16xf32>,
          %swap3A_919 = vector.shape_cast %swap3A_918 : vector<1x16xf32> to vector<16xf32>
          %swap3A_920 = vector.shape_cast %mul3A_915 : vector<16xf32> to vector<1x16xf32>
          tpu.vector_store %arg12[%swap3A_916, %swap3A_917], %swap3A_920 {strides = array<i32>} : memref<128x128xf32, #tpu.memory_space<vmem>>, vector<1x16xf32>,
          %mul3A_921 = vector.broadcast %squeeze3A_897 : f32 to vector<16xf32>
          %mul3A_922 = arith.mulf %bitcast_convert_type3A_913, %mul3A_921 : vector<16xf32>
          %swap3A_923 = arith.index_cast %add3A_901 : i32 to index
          %swap3A_924 = arith.constant 16 : index
          %swap3A_925 = tpu.vector_load %arg12[%swap3A_923, %swap3A_924] {strides = array<i32>} : memref<128x128xf32, #tpu.memory_space<vmem>>, vector<1x16xf32>,
          %swap3A_926 = vector.shape_cast %swap3A_925 : vector<1x16xf32> to vector<16xf32>
          %swap3A_927 = vector.shape_cast %mul3A_922 : vector<16xf32> to vector<1x16xf32>
          tpu.vector_store %arg12[%swap3A_923, %swap3A_924], %swap3A_927 {strides = array<i32>} : memref<128x128xf32, #tpu.memory_space<vmem>>, vector<1x16xf32>,
          %get3A_928 = arith.index_cast %add3A_901 : i32 to index
          %get3A_929 = arith.constant 16 : index
          %get3A_930 = tpu.vector_load %arg10[%get3A_928, %get3A_929] {strides = array<i32>} : memref<128x64xi32, #tpu.memory_space<vmem>>, vector<1x16xi32>,
          %get3A_931 = vector.shape_cast %get3A_930 : vector<1x16xi32> to vector<16xi32>
          %shift_left3A_932 = arith.constant 16 : i32
          %shift_left3A_933 = vector.broadcast %shift_left3A_932 : i32 to vector<16xi32>
          %shift_left3A_934 = arith.shli %get3A_931, %shift_left3A_933 : vector<16xi32>
          %bitcast_convert_type3A_935 = tpu.bitcast %shift_left3A_934 : vector<16xi32> -> vector<16xf32>
          %and3A_936 = arith.constant -65536 : i32
          %and3A_937 = vector.broadcast %and3A_936 : i32 to vector<16xi32>
          %and3A_938 = arith.andi %get3A_931, %and3A_937 : vector<16xi32>
          %bitcast_convert_type3A_939 = tpu.bitcast %and3A_938 : vector<16xi32> -> vector<16xf32>
          %mul3A_940 = vector.broadcast %squeeze3A_897 : f32 to vector<16xf32>
          %mul3A_941 = arith.mulf %bitcast_convert_type3A_935, %mul3A_940 : vector<16xf32>
          %swap3A_942 = arith.index_cast %add3A_901 : i32 to index
          %swap3A_943 = arith.constant 32 : index
          %swap3A_944 = tpu.vector_load %arg12[%swap3A_942, %swap3A_943] {strides = array<i32>} : memref<128x128xf32, #tpu.memory_space<vmem>>, vector<1x16xf32>,
          %swap3A_945 = vector.shape_cast %swap3A_944 : vector<1x16xf32> to vector<16xf32>
          %swap3A_946 = vector.shape_cast %mul3A_941 : vector<16xf32> to vector<1x16xf32>
          tpu.vector_store %arg12[%swap3A_942, %swap3A_943], %swap3A_946 {strides = array<i32>} : memref<128x128xf32, #tpu.memory_space<vmem>>, vector<1x16xf32>,
          %mul3A_947 = vector.broadcast %squeeze3A_897 : f32 to vector<16xf32>
          %mul3A_948 = arith.mulf %bitcast_convert_type3A_939, %mul3A_947 : vector<16xf32>
          %swap3A_949 = arith.index_cast %add3A_901 : i32 to index
          %swap3A_950 = arith.constant 48 : index
          %swap3A_951 = tpu.vector_load %arg12[%swap3A_949, %swap3A_950] {strides = array<i32>} : memref<128x128xf32, #tpu.memory_space<vmem>>, vector<1x16xf32>,
          %swap3A_952 = vector.shape_cast %swap3A_951 : vector<1x16xf32> to vector<16xf32>
          %swap3A_953 = vector.shape_cast %mul3A_948 : vector<16xf32> to vector<1x16xf32>
          tpu.vector_store %arg12[%swap3A_949, %swap3A_950], %swap3A_953 {strides = array<i32>} : memref<128x128xf32, #tpu.memory_space<vmem>>, vector<1x16xf32>,
          %get3A_954 = arith.index_cast %add3A_901 : i32 to index
          %get3A_955 = arith.constant 32 : index
          %get3A_956 = tpu.vector_load %arg10[%get3A_954, %get3A_955] {strides = array<i32>} : memref<128x64xi32, #tpu.memory_space<vmem>>, vector<1x16xi32>,
          %get3A_957 = vector.shape_cast %get3A_956 : vector<1x16xi32> to vector<16xi32>
          %shift_left3A_958 = arith.constant 16 : i32
          %shift_left3A_959 = vector.broadcast %shift_left3A_958 : i32 to vector<16xi32>
          %shift_left3A_960 = arith.shli %get3A_957, %shift_left3A_959 : vector<16xi32>
          %bitcast_convert_type3A_961 = tpu.bitcast %shift_left3A_960 : vector<16xi32> -> vector<16xf32>
          %and3A_962 = arith.constant -65536 : i32
          %and3A_963 = vector.broadcast %and3A_962 : i32 to vector<16xi32>
          %and3A_964 = arith.andi %get3A_957, %and3A_963 : vector<16xi32>
          %bitcast_convert_type3A_965 = tpu.bitcast %and3A_964 : vector<16xi32> -> vector<16xf32>
          %mul3A_966 = vector.broadcast %squeeze3A_897 : f32 to vector<16xf32>
          %mul3A_967 = arith.mulf %bitcast_convert_type3A_961, %mul3A_966 : vector<16xf32>
          %swap3A_968 = arith.index_cast %add3A_901 : i32 to index
          %swap3A_969 = arith.constant 64 : index
          %swap3A_970 = tpu.vector_load %arg12[%swap3A_968, %swap3A_969] {strides = array<i32>} : memref<128x128xf32, #tpu.memory_space<vmem>>, vector<1x16xf32>,
          %swap3A_971 = vector.shape_cast %swap3A_970 : vector<1x16xf32> to vector<16xf32>
          %swap3A_972 = vector.shape_cast %mul3A_967 : vector<16xf32> to vector<1x16xf32>
          tpu.vector_store %arg12[%swap3A_968, %swap3A_969], %swap3A_972 {strides = array<i32>} : memref<128x128xf32, #tpu.memory_space<vmem>>, vector<1x16xf32>,
          %mul3A_973 = vector.broadcast %squeeze3A_897 : f32 to vector<16xf32>
          %mul3A_974 = arith.mulf %bitcast_convert_type3A_965, %mul3A_973 : vector<16xf32>
          %swap3A_975 = arith.index_cast %add3A_901 : i32 to index
          %swap3A_976 = arith.constant 80 : index
          %swap3A_977 = tpu.vector_load %arg12[%swap3A_975, %swap3A_976] {strides = array<i32>} : memref<128x128xf32, #tpu.memory_space<vmem>>, vector<1x16xf32>,
          %swap3A_978 = vector.shape_cast %swap3A_977 : vector<1x16xf32> to vector<16xf32>
          %swap3A_979 = vector.shape_cast %mul3A_974 : vector<16xf32> to vector<1x16xf32>
          tpu.vector_store %arg12[%swap3A_975, %swap3A_976], %swap3A_979 {strides = array<i32>} : memref<128x128xf32, #tpu.memory_space<vmem>>, vector<1x16xf32>,
          %get3A_980 = arith.index_cast %add3A_901 : i32 to index
          %get3A_981 = arith.constant 48 : index
          %get3A_982 = tpu.vector_load %arg10[%get3A_980, %get3A_981] {strides = array<i32>} : memref<128x64xi32, #tpu.memory_space<vmem>>, vector<1x16xi32>,
          %get3A_983 = vector.shape_cast %get3A_982 : vector<1x16xi32> to vector<16xi32>
          %shift_left3A_984 = arith.constant 16 : i32
          %shift_left3A_985 = vector.broadcast %shift_left3A_984 : i32 to vector<16xi32>
          %shift_left3A_986 = arith.shli %get3A_983, %shift_left3A_985 : vector<16xi32>
          %bitcast_convert_type3A_987 = tpu.bitcast %shift_left3A_986 : vector<16xi32> -> vector<16xf32>
          %and3A_988 = arith.constant -65536 : i32
          %and3A_989 = vector.broadcast %and3A_988 : i32 to vector<16xi32>
          %and3A_990 = arith.andi %get3A_983, %and3A_989 : vector<16xi32>
          %bitcast_convert_type3A_991 = tpu.bitcast %and3A_990 : vector<16xi32> -> vector<16xf32>
          %mul3A_992 = vector.broadcast %squeeze3A_897 : f32 to vector<16xf32>
          %mul3A_993 = arith.mulf %bitcast_convert_type3A_987, %mul3A_992 : vector<16xf32>
          %swap3A_994 = arith.index_cast %add3A_901 : i32 to index
          %swap3A_995 = arith.constant 96 : index
          %swap3A_996 = tpu.vector_load %arg12[%swap3A_994, %swap3A_995] {strides = array<i32>} : memref<128x128xf32, #tpu.memory_space<vmem>>, vector<1x16xf32>,
          %swap3A_997 = vector.shape_cast %swap3A_996 : vector<1x16xf32> to vector<16xf32>
          %swap3A_998 = vector.shape_cast %mul3A_993 : vector<16xf32> to vector<1x16xf32>
          tpu.vector_store %arg12[%swap3A_994, %swap3A_995], %swap3A_998 {strides = array<i32>} : memref<128x128xf32, #tpu.memory_space<vmem>>, vector<1x16xf32>,
          %mul3A_999 = vector.broadcast %squeeze3A_897 : f32 to vector<16xf32>
          %mul3A_1000 = arith.mulf %bitcast_convert_type3A_991, %mul3A_999 : vector<16xf32>
          %swap3A_1001 = arith.index_cast %add3A_901 : i32 to index
          %swap3A_1002 = arith.constant 112 : index
          %swap3A_1003 = tpu.vector_load %arg12[%swap3A_1001, %swap3A_1002] {strides = array<i32>} : memref<128x128xf32, #tpu.memory_space<vmem>>, vector<1x16xf32>,
          %swap3A_1004 = vector.shape_cast %swap3A_1003 : vector<1x16xf32> to vector<16xf32>
          %swap3A_1005 = vector.shape_cast %mul3A_1000 : vector<16xf32> to vector<1x16xf32>
          tpu.vector_store %arg12[%swap3A_1001, %swap3A_1002], %swap3A_1005 {strides = array<i32>} : memref<128x128xf32, #tpu.memory_space<vmem>>, vector<1x16xf32>,
          %slice3A_1006 = vector.extract_strided_slice %get3A_131 {offsets = [8], sizes = [1], strides = [1]} : vector<16xf32> to vector<1xf32>
          %squeeze3A_1007 = vector.extract %slice3A_1006[0] : f32 from vector<1xf32>
          %mul3A_1008 = arith.constant 16 : i32
          %mul3A_1009 = arith.muli %scan3A_126, %mul3A_1008 : i32
          %add3A_1010 = arith.constant 8 : i32
          %add3A_1011 = arith.addi %mul3A_1009, %add3A_1010 : i32
          %get3A_1012 = arith.index_cast %add3A_1011 : i32 to index
          %get3A_1013 = arith.constant 0 : index
          %get3A_1014 = tpu.vector_load %arg10[%get3A_1012, %get3A_1013] {strides = array<i32>} : memref<128x64xi32, #tpu.memory_space<vmem>>, vector<1x16xi32>,
          %get3A_1015 = vector.shape_cast %get3A_1014 : vector<1x16xi32> to vector<16xi32>
          %shift_left3A_1016 = arith.constant 16 : i32
          %shift_left3A_1017 = vector.broadcast %shift_left3A_1016 : i32 to vector<16xi32>
          %shift_left3A_1018 = arith.shli %get3A_1015, %shift_left3A_1017 : vector<16xi32>
          %bitcast_convert_type3A_1019 = tpu.bitcast %shift_left3A_1018 : vector<16xi32> -> vector<16xf32>
          %and3A_1020 = arith.constant -65536 : i32
          %and3A_1021 = vector.broadcast %and3A_1020 : i32 to vector<16xi32>
          %and3A_1022 = arith.andi %get3A_1015, %and3A_1021 : vector<16xi32>
          %bitcast_convert_type3A_1023 = tpu.bitcast %and3A_1022 : vector<16xi32> -> vector<16xf32>
          %mul3A_1024 = vector.broadcast %squeeze3A_1007 : f32 to vector<16xf32>
          %mul3A_1025 = arith.mulf %bitcast_convert_type3A_1019, %mul3A_1024 : vector<16xf32>
          %swap3A_1026 = arith.index_cast %add3A_1011 : i32 to index
          %swap3A_1027 = arith.constant 0 : index
          %swap3A_1028 = tpu.vector_load %arg12[%swap3A_1026, %swap3A_1027] {strides = array<i32>} : memref<128x128xf32, #tpu.memory_space<vmem>>, vector<1x16xf32>,
          %swap3A_1029 = vector.shape_cast %swap3A_1028 : vector<1x16xf32> to vector<16xf32>
          %swap3A_1030 = vector.shape_cast %mul3A_1025 : vector<16xf32> to vector<1x16xf32>
          tpu.vector_store %arg12[%swap3A_1026, %swap3A_1027], %swap3A_1030 {strides = array<i32>} : memref<128x128xf32, #tpu.memory_space<vmem>>, vector<1x16xf32>,
          %mul3A_1031 = vector.broadcast %squeeze3A_1007 : f32 to vector<16xf32>
          %mul3A_1032 = arith.mulf %bitcast_convert_type3A_1023, %mul3A_1031 : vector<16xf32>
          %swap3A_1033 = arith.index_cast %add3A_1011 : i32 to index
          %swap3A_1034 = arith.constant 16 : index
          %swap3A_1035 = tpu.vector_load %arg12[%swap3A_1033, %swap3A_1034] {strides = array<i32>} : memref<128x128xf32, #tpu.memory_space<vmem>>, vector<1x16xf32>,
          %swap3A_1036 = vector.shape_cast %swap3A_1035 : vector<1x16xf32> to vector<16xf32>
          %swap3A_1037 = vector.shape_cast %mul3A_1032 : vector<16xf32> to vector<1x16xf32>
          tpu.vector_store %arg12[%swap3A_1033, %swap3A_1034], %swap3A_1037 {strides = array<i32>} : memref<128x128xf32, #tpu.memory_space<vmem>>, vector<1x16xf32>,
          %get3A_1038 = arith.index_cast %add3A_1011 : i32 to index
          %get3A_1039 = arith.constant 16 : index
          %get3A_1040 = tpu.vector_load %arg10[%get3A_1038, %get3A_1039] {strides = array<i32>} : memref<128x64xi32, #tpu.memory_space<vmem>>, vector<1x16xi32>,
          %get3A_1041 = vector.shape_cast %get3A_1040 : vector<1x16xi32> to vector<16xi32>
          %shift_left3A_1042 = arith.constant 16 : i32
          %shift_left3A_1043 = vector.broadcast %shift_left3A_1042 : i32 to vector<16xi32>
          %shift_left3A_1044 = arith.shli %get3A_1041, %shift_left3A_1043 : vector<16xi32>
          %bitcast_convert_type3A_1045 = tpu.bitcast %shift_left3A_1044 : vector<16xi32> -> vector<16xf32>
          %and3A_1046 = arith.constant -65536 : i32
          %and3A_1047 = vector.broadcast %and3A_1046 : i32 to vector<16xi32>
          %and3A_1048 = arith.andi %get3A_1041, %and3A_1047 : vector<16xi32>
          %bitcast_convert_type3A_1049 = tpu.bitcast %and3A_1048 : vector<16xi32> -> vector<16xf32>
          %mul3A_1050 = vector.broadcast %squeeze3A_1007 : f32 to vector<16xf32>
          %mul3A_1051 = arith.mulf %bitcast_convert_type3A_1045, %mul3A_1050 : vector<16xf32>
          %swap3A_1052 = arith.index_cast %add3A_1011 : i32 to index
          %swap3A_1053 = arith.constant 32 : index
          %swap3A_1054 = tpu.vector_load %arg12[%swap3A_1052, %swap3A_1053] {strides = array<i32>} : memref<128x128xf32, #tpu.memory_space<vmem>>, vector<1x16xf32>,
          %swap3A_1055 = vector.shape_cast %swap3A_1054 : vector<1x16xf32> to vector<16xf32>
          %swap3A_1056 = vector.shape_cast %mul3A_1051 : vector<16xf32> to vector<1x16xf32>
          tpu.vector_store %arg12[%swap3A_1052, %swap3A_1053], %swap3A_1056 {strides = array<i32>} : memref<128x128xf32, #tpu.memory_space<vmem>>, vector<1x16xf32>,
          %mul3A_1057 = vector.broadcast %squeeze3A_1007 : f32 to vector<16xf32>
          %mul3A_1058 = arith.mulf %bitcast_convert_type3A_1049, %mul3A_1057 : vector<16xf32>
          %swap3A_1059 = arith.index_cast %add3A_1011 : i32 to index
          %swap3A_1060 = arith.constant 48 : index
          %swap3A_1061 = tpu.vector_load %arg12[%swap3A_1059, %swap3A_1060] {strides = array<i32>} : memref<128x128xf32, #tpu.memory_space<vmem>>, vector<1x16xf32>,
          %swap3A_1062 = vector.shape_cast %swap3A_1061 : vector<1x16xf32> to vector<16xf32>
          %swap3A_1063 = vector.shape_cast %mul3A_1058 : vector<16xf32> to vector<1x16xf32>
          tpu.vector_store %arg12[%swap3A_1059, %swap3A_1060], %swap3A_1063 {strides = array<i32>} : memref<128x128xf32, #tpu.memory_space<vmem>>, vector<1x16xf32>,
          %get3A_1064 = arith.index_cast %add3A_1011 : i32 to index
          %get3A_1065 = arith.constant 32 : index
          %get3A_1066 = tpu.vector_load %arg10[%get3A_1064, %get3A_1065] {strides = array<i32>} : memref<128x64xi32, #tpu.memory_space<vmem>>, vector<1x16xi32>,
          %get3A_1067 = vector.shape_cast %get3A_1066 : vector<1x16xi32> to vector<16xi32>
          %shift_left3A_1068 = arith.constant 16 : i32
          %shift_left3A_1069 = vector.broadcast %shift_left3A_1068 : i32 to vector<16xi32>
          %shift_left3A_1070 = arith.shli %get3A_1067, %shift_left3A_1069 : vector<16xi32>
          %bitcast_convert_type3A_1071 = tpu.bitcast %shift_left3A_1070 : vector<16xi32> -> vector<16xf32>
          %and3A_1072 = arith.constant -65536 : i32
          %and3A_1073 = vector.broadcast %and3A_1072 : i32 to vector<16xi32>
          %and3A_1074 = arith.andi %get3A_1067, %and3A_1073 : vector<16xi32>
          %bitcast_convert_type3A_1075 = tpu.bitcast %and3A_1074 : vector<16xi32> -> vector<16xf32>
          %mul3A_1076 = vector.broadcast %squeeze3A_1007 : f32 to vector<16xf32>
          %mul3A_1077 = arith.mulf %bitcast_convert_type3A_1071, %mul3A_1076 : vector<16xf32>
          %swap3A_1078 = arith.index_cast %add3A_1011 : i32 to index
          %swap3A_1079 = arith.constant 64 : index
          %swap3A_1080 = tpu.vector_load %arg12[%swap3A_1078, %swap3A_1079] {strides = array<i32>} : memref<128x128xf32, #tpu.memory_space<vmem>>, vector<1x16xf32>,
          %swap3A_1081 = vector.shape_cast %swap3A_1080 : vector<1x16xf32> to vector<16xf32>
          %swap3A_1082 = vector.shape_cast %mul3A_1077 : vector<16xf32> to vector<1x16xf32>
          tpu.vector_store %arg12[%swap3A_1078, %swap3A_1079], %swap3A_1082 {strides = array<i32>} : memref<128x128xf32, #tpu.memory_space<vmem>>, vector<1x16xf32>,
          %mul3A_1083 = vector.broadcast %squeeze3A_1007 : f32 to vector<16xf32>
          %mul3A_1084 = arith.mulf %bitcast_convert_type3A_1075, %mul3A_1083 : vector<16xf32>
          %swap3A_1085 = arith.index_cast %add3A_1011 : i32 to index
          %swap3A_1086 = arith.constant 80 : index
          %swap3A_1087 = tpu.vector_load %arg12[%swap3A_1085, %swap3A_1086] {strides = array<i32>} : memref<128x128xf32, #tpu.memory_space<vmem>>, vector<1x16xf32>,
          %swap3A_1088 = vector.shape_cast %swap3A_1087 : vector<1x16xf32> to vector<16xf32>
          %swap3A_1089 = vector.shape_cast %mul3A_1084 : vector<16xf32> to vector<1x16xf32>
          tpu.vector_store %arg12[%swap3A_1085, %swap3A_1086], %swap3A_1089 {strides = array<i32>} : memref<128x128xf32, #tpu.memory_space<vmem>>, vector<1x16xf32>,
          %get3A_1090 = arith.index_cast %add3A_1011 : i32 to index
          %get3A_1091 = arith.constant 48 : index
          %get3A_1092 = tpu.vector_load %arg10[%get3A_1090, %get3A_1091] {strides = array<i32>} : memref<128x64xi32, #tpu.memory_space<vmem>>, vector<1x16xi32>,
          %get3A_1093 = vector.shape_cast %get3A_1092 : vector<1x16xi32> to vector<16xi32>
          %shift_left3A_1094 = arith.constant 16 : i32
          %shift_left3A_1095 = vector.broadcast %shift_left3A_1094 : i32 to vector<16xi32>
          %shift_left3A_1096 = arith.shli %get3A_1093, %shift_left3A_1095 : vector<16xi32>
          %bitcast_convert_type3A_1097 = tpu.bitcast %shift_left3A_1096 : vector<16xi32> -> vector<16xf32>
          %and3A_1098 = arith.constant -65536 : i32
          %and3A_1099 = vector.broadcast %and3A_1098 : i32 to vector<16xi32>
          %and3A_1100 = arith.andi %get3A_1093, %and3A_1099 : vector<16xi32>
          %bitcast_convert_type3A_1101 = tpu.bitcast %and3A_1100 : vector<16xi32> -> vector<16xf32>
          %mul3A_1102 = vector.broadcast %squeeze3A_1007 : f32 to vector<16xf32>
          %mul3A_1103 = arith.mulf %bitcast_convert_type3A_1097, %mul3A_1102 : vector<16xf32>
          %swap3A_1104 = arith.index_cast %add3A_1011 : i32 to index
          %swap3A_1105 = arith.constant 96 : index
          %swap3A_1106 = tpu.vector_load %arg12[%swap3A_1104, %swap3A_1105] {strides = array<i32>} : memref<128x128xf32, #tpu.memory_space<vmem>>, vector<1x16xf32>,
          %swap3A_1107 = vector.shape_cast %swap3A_1106 : vector<1x16xf32> to vector<16xf32>
          %swap3A_1108 = vector.shape_cast %mul3A_1103 : vector<16xf32> to vector<1x16xf32>
          tpu.vector_store %arg12[%swap3A_1104, %swap3A_1105], %swap3A_1108 {strides = array<i32>} : memref<128x128xf32, #tpu.memory_space<vmem>>, vector<1x16xf32>,
          %mul3A_1109 = vector.broadcast %squeeze3A_1007 : f32 to vector<16xf32>
          %mul3A_1110 = arith.mulf %bitcast_convert_type3A_1101, %mul3A_1109 : vector<16xf32>
          %swap3A_1111 = arith.index_cast %add3A_1011 : i32 to index
          %swap3A_1112 = arith.constant 112 : index
          %swap3A_1113 = tpu.vector_load %arg12[%swap3A_1111, %swap3A_1112] {strides = array<i32>} : memref<128x128xf32, #tpu.memory_space<vmem>>, vector<1x16xf32>,
          %swap3A_1114 = vector.shape_cast %swap3A_1113 : vector<1x16xf32> to vector<16xf32>
          %swap3A_1115 = vector.shape_cast %mul3A_1110 : vector<16xf32> to vector<1x16xf32>
          tpu.vector_store %arg12[%swap3A_1111, %swap3A_1112], %swap3A_1115 {strides = array<i32>} : memref<128x128xf32, #tpu.memory_space<vmem>>, vector<1x16xf32>,
          %slice3A_1116 = vector.extract_strided_slice %get3A_131 {offsets = [9], sizes = [1], strides = [1]} : vector<16xf32> to vector<1xf32>
          %squeeze3A_1117 = vector.extract %slice3A_1116[0] : f32 from vector<1xf32>
          %mul3A_1118 = arith.constant 16 : i32
          %mul3A_1119 = arith.muli %scan3A_126, %mul3A_1118 : i32
          %add3A_1120 = arith.constant 9 : i32
          %add3A_1121 = arith.addi %mul3A_1119, %add3A_1120 : i32
          %get3A_1122 = arith.index_cast %add3A_1121 : i32 to index
          %get3A_1123 = arith.constant 0 : index
          %get3A_1124 = tpu.vector_load %arg10[%get3A_1122, %get3A_1123] {strides = array<i32>} : memref<128x64xi32, #tpu.memory_space<vmem>>, vector<1x16xi32>,
          %get3A_1125 = vector.shape_cast %get3A_1124 : vector<1x16xi32> to vector<16xi32>
          %shift_left3A_1126 = arith.constant 16 : i32
          %shift_left3A_1127 = vector.broadcast %shift_left3A_1126 : i32 to vector<16xi32>
          %shift_left3A_1128 = arith.shli %get3A_1125, %shift_left3A_1127 : vector<16xi32>
          %bitcast_convert_type3A_1129 = tpu.bitcast %shift_left3A_1128 : vector<16xi32> -> vector<16xf32>
          %and3A_1130 = arith.constant -65536 : i32
          %and3A_1131 = vector.broadcast %and3A_1130 : i32 to vector<16xi32>
          %and3A_1132 = arith.andi %get3A_1125, %and3A_1131 : vector<16xi32>
          %bitcast_convert_type3A_1133 = tpu.bitcast %and3A_1132 : vector<16xi32> -> vector<16xf32>
          %mul3A_1134 = vector.broadcast %squeeze3A_1117 : f32 to vector<16xf32>
          %mul3A_1135 = arith.mulf %bitcast_convert_type3A_1129, %mul3A_1134 : vector<16xf32>
          %swap3A_1136 = arith.index_cast %add3A_1121 : i32 to index
          %swap3A_1137 = arith.constant 0 : index
          %swap3A_1138 = tpu.vector_load %arg12[%swap3A_1136, %swap3A_1137] {strides = array<i32>} : memref<128x128xf32, #tpu.memory_space<vmem>>, vector<1x16xf32>,
          %swap3A_1139 = vector.shape_cast %swap3A_1138 : vector<1x16xf32> to vector<16xf32>
          %swap3A_1140 = vector.shape_cast %mul3A_1135 : vector<16xf32> to vector<1x16xf32>
          tpu.vector_store %arg12[%swap3A_1136, %swap3A_1137], %swap3A_1140 {strides = array<i32>} : memref<128x128xf32, #tpu.memory_space<vmem>>, vector<1x16xf32>,
          %mul3A_1141 = vector.broadcast %squeeze3A_1117 : f32 to vector<16xf32>
          %mul3A_1142 = arith.mulf %bitcast_convert_type3A_1133, %mul3A_1141 : vector<16xf32>
          %swap3A_1143 = arith.index_cast %add3A_1121 : i32 to index
          %swap3A_1144 = arith.constant 16 : index
          %swap3A_1145 = tpu.vector_load %arg12[%swap3A_1143, %swap3A_1144] {strides = array<i32>} : memref<128x128xf32, #tpu.memory_space<vmem>>, vector<1x16xf32>,
          %swap3A_1146 = vector.shape_cast %swap3A_1145 : vector<1x16xf32> to vector<16xf32>
          %swap3A_1147 = vector.shape_cast %mul3A_1142 : vector<16xf32> to vector<1x16xf32>
          tpu.vector_store %arg12[%swap3A_1143, %swap3A_1144], %swap3A_1147 {strides = array<i32>} : memref<128x128xf32, #tpu.memory_space<vmem>>, vector<1x16xf32>,
          %get3A_1148 = arith.index_cast %add3A_1121 : i32 to index
          %get3A_1149 = arith.constant 16 : index
          %get3A_1150 = tpu.vector_load %arg10[%get3A_1148, %get3A_1149] {strides = array<i32>} : memref<128x64xi32, #tpu.memory_space<vmem>>, vector<1x16xi32>,
          %get3A_1151 = vector.shape_cast %get3A_1150 : vector<1x16xi32> to vector<16xi32>
          %shift_left3A_1152 = arith.constant 16 : i32
          %shift_left3A_1153 = vector.broadcast %shift_left3A_1152 : i32 to vector<16xi32>
          %shift_left3A_1154 = arith.shli %get3A_1151, %shift_left3A_1153 : vector<16xi32>
          %bitcast_convert_type3A_1155 = tpu.bitcast %shift_left3A_1154 : vector<16xi32> -> vector<16xf32>
          %and3A_1156 = arith.constant -65536 : i32
          %and3A_1157 = vector.broadcast %and3A_1156 : i32 to vector<16xi32>
          %and3A_1158 = arith.andi %get3A_1151, %and3A_1157 : vector<16xi32>
          %bitcast_convert_type3A_1159 = tpu.bitcast %and3A_1158 : vector<16xi32> -> vector<16xf32>
          %mul3A_1160 = vector.broadcast %squeeze3A_1117 : f32 to vector<16xf32>
          %mul3A_1161 = arith.mulf %bitcast_convert_type3A_1155, %mul3A_1160 : vector<16xf32>
          %swap3A_1162 = arith.index_cast %add3A_1121 : i32 to index
          %swap3A_1163 = arith.constant 32 : index
          %swap3A_1164 = tpu.vector_load %arg12[%swap3A_1162, %swap3A_1163] {strides = array<i32>} : memref<128x128xf32, #tpu.memory_space<vmem>>, vector<1x16xf32>,
          %swap3A_1165 = vector.shape_cast %swap3A_1164 : vector<1x16xf32> to vector<16xf32>
          %swap3A_1166 = vector.shape_cast %mul3A_1161 : vector<16xf32> to vector<1x16xf32>
          tpu.vector_store %arg12[%swap3A_1162, %swap3A_1163], %swap3A_1166 {strides = array<i32>} : memref<128x128xf32, #tpu.memory_space<vmem>>, vector<1x16xf32>,
          %mul3A_1167 = vector.broadcast %squeeze3A_1117 : f32 to vector<16xf32>
          %mul3A_1168 = arith.mulf %bitcast_convert_type3A_1159, %mul3A_1167 : vector<16xf32>
          %swap3A_1169 = arith.index_cast %add3A_1121 : i32 to index
          %swap3A_1170 = arith.constant 48 : index
          %swap3A_1171 = tpu.vector_load %arg12[%swap3A_1169, %swap3A_1170] {strides = array<i32>} : memref<128x128xf32, #tpu.memory_space<vmem>>, vector<1x16xf32>,
          %swap3A_1172 = vector.shape_cast %swap3A_1171 : vector<1x16xf32> to vector<16xf32>
          %swap3A_1173 = vector.shape_cast %mul3A_1168 : vector<16xf32> to vector<1x16xf32>
          tpu.vector_store %arg12[%swap3A_1169, %swap3A_1170], %swap3A_1173 {strides = array<i32>} : memref<128x128xf32, #tpu.memory_space<vmem>>, vector<1x16xf32>,
          %get3A_1174 = arith.index_cast %add3A_1121 : i32 to index
          %get3A_1175 = arith.constant 32 : index
          %get3A_1176 = tpu.vector_load %arg10[%get3A_1174, %get3A_1175] {strides = array<i32>} : memref<128x64xi32, #tpu.memory_space<vmem>>, vector<1x16xi32>,
          %get3A_1177 = vector.shape_cast %get3A_1176 : vector<1x16xi32> to vector<16xi32>
          %shift_left3A_1178 = arith.constant 16 : i32
          %shift_left3A_1179 = vector.broadcast %shift_left3A_1178 : i32 to vector<16xi32>
          %shift_left3A_1180 = arith.shli %get3A_1177, %shift_left3A_1179 : vector<16xi32>
          %bitcast_convert_type3A_1181 = tpu.bitcast %shift_left3A_1180 : vector<16xi32> -> vector<16xf32>
          %and3A_1182 = arith.constant -65536 : i32
          %and3A_1183 = vector.broadcast %and3A_1182 : i32 to vector<16xi32>
          %and3A_1184 = arith.andi %get3A_1177, %and3A_1183 : vector<16xi32>
          %bitcast_convert_type3A_1185 = tpu.bitcast %and3A_1184 : vector<16xi32> -> vector<16xf32>
          %mul3A_1186 = vector.broadcast %squeeze3A_1117 : f32 to vector<16xf32>
          %mul3A_1187 = arith.mulf %bitcast_convert_type3A_1181, %mul3A_1186 : vector<16xf32>
          %swap3A_1188 = arith.index_cast %add3A_1121 : i32 to index
          %swap3A_1189 = arith.constant 64 : index
          %swap3A_1190 = tpu.vector_load %arg12[%swap3A_1188, %swap3A_1189] {strides = array<i32>} : memref<128x128xf32, #tpu.memory_space<vmem>>, vector<1x16xf32>,
          %swap3A_1191 = vector.shape_cast %swap3A_1190 : vector<1x16xf32> to vector<16xf32>
          %swap3A_1192 = vector.shape_cast %mul3A_1187 : vector<16xf32> to vector<1x16xf32>
          tpu.vector_store %arg12[%swap3A_1188, %swap3A_1189], %swap3A_1192 {strides = array<i32>} : memref<128x128xf32, #tpu.memory_space<vmem>>, vector<1x16xf32>,
          %mul3A_1193 = vector.broadcast %squeeze3A_1117 : f32 to vector<16xf32>
          %mul3A_1194 = arith.mulf %bitcast_convert_type3A_1185, %mul3A_1193 : vector<16xf32>
          %swap3A_1195 = arith.index_cast %add3A_1121 : i32 to index
          %swap3A_1196 = arith.constant 80 : index
          %swap3A_1197 = tpu.vector_load %arg12[%swap3A_1195, %swap3A_1196] {strides = array<i32>} : memref<128x128xf32, #tpu.memory_space<vmem>>, vector<1x16xf32>,
          %swap3A_1198 = vector.shape_cast %swap3A_1197 : vector<1x16xf32> to vector<16xf32>
          %swap3A_1199 = vector.shape_cast %mul3A_1194 : vector<16xf32> to vector<1x16xf32>
          tpu.vector_store %arg12[%swap3A_1195, %swap3A_1196], %swap3A_1199 {strides = array<i32>} : memref<128x128xf32, #tpu.memory_space<vmem>>, vector<1x16xf32>,
          %get3A_1200 = arith.index_cast %add3A_1121 : i32 to index
          %get3A_1201 = arith.constant 48 : index
          %get3A_1202 = tpu.vector_load %arg10[%get3A_1200, %get3A_1201] {strides = array<i32>} : memref<128x64xi32, #tpu.memory_space<vmem>>, vector<1x16xi32>,
          %get3A_1203 = vector.shape_cast %get3A_1202 : vector<1x16xi32> to vector<16xi32>
          %shift_left3A_1204 = arith.constant 16 : i32
          %shift_left3A_1205 = vector.broadcast %shift_left3A_1204 : i32 to vector<16xi32>
          %shift_left3A_1206 = arith.shli %get3A_1203, %shift_left3A_1205 : vector<16xi32>
          %bitcast_convert_type3A_1207 = tpu.bitcast %shift_left3A_1206 : vector<16xi32> -> vector<16xf32>
          %and3A_1208 = arith.constant -65536 : i32
          %and3A_1209 = vector.broadcast %and3A_1208 : i32 to vector<16xi32>
          %and3A_1210 = arith.andi %get3A_1203, %and3A_1209 : vector<16xi32>
          %bitcast_convert_type3A_1211 = tpu.bitcast %and3A_1210 : vector<16xi32> -> vector<16xf32>
          %mul3A_1212 = vector.broadcast %squeeze3A_1117 : f32 to vector<16xf32>
          %mul3A_1213 = arith.mulf %bitcast_convert_type3A_1207, %mul3A_1212 : vector<16xf32>
          %swap3A_1214 = arith.index_cast %add3A_1121 : i32 to index
          %swap3A_1215 = arith.constant 96 : index
          %swap3A_1216 = tpu.vector_load %arg12[%swap3A_1214, %swap3A_1215] {strides = array<i32>} : memref<128x128xf32, #tpu.memory_space<vmem>>, vector<1x16xf32>,
          %swap3A_1217 = vector.shape_cast %swap3A_1216 : vector<1x16xf32> to vector<16xf32>
          %swap3A_1218 = vector.shape_cast %mul3A_1213 : vector<16xf32> to vector<1x16xf32>
          tpu.vector_store %arg12[%swap3A_1214, %swap3A_1215], %swap3A_1218 {strides = array<i32>} : memref<128x128xf32, #tpu.memory_space<vmem>>, vector<1x16xf32>,
          %mul3A_1219 = vector.broadcast %squeeze3A_1117 : f32 to vector<16xf32>
          %mul3A_1220 = arith.mulf %bitcast_convert_type3A_1211, %mul3A_1219 : vector<16xf32>
          %swap3A_1221 = arith.index_cast %add3A_1121 : i32 to index
          %swap3A_1222 = arith.constant 112 : index
          %swap3A_1223 = tpu.vector_load %arg12[%swap3A_1221, %swap3A_1222] {strides = array<i32>} : memref<128x128xf32, #tpu.memory_space<vmem>>, vector<1x16xf32>,
          %swap3A_1224 = vector.shape_cast %swap3A_1223 : vector<1x16xf32> to vector<16xf32>
          %swap3A_1225 = vector.shape_cast %mul3A_1220 : vector<16xf32> to vector<1x16xf32>
          tpu.vector_store %arg12[%swap3A_1221, %swap3A_1222], %swap3A_1225 {strides = array<i32>} : memref<128x128xf32, #tpu.memory_space<vmem>>, vector<1x16xf32>,
          %slice3A_1226 = vector.extract_strided_slice %get3A_131 {offsets = [10], sizes = [1], strides = [1]} : vector<16xf32> to vector<1xf32>
          %squeeze3A_1227 = vector.extract %slice3A_1226[0] : f32 from vector<1xf32>
          %mul3A_1228 = arith.constant 16 : i32
          %mul3A_1229 = arith.muli %scan3A_126, %mul3A_1228 : i32
          %add3A_1230 = arith.constant 10 : i32
          %add3A_1231 = arith.addi %mul3A_1229, %add3A_1230 : i32
          %get3A_1232 = arith.index_cast %add3A_1231 : i32 to index
          %get3A_1233 = arith.constant 0 : index
          %get3A_1234 = tpu.vector_load %arg10[%get3A_1232, %get3A_1233] {strides = array<i32>} : memref<128x64xi32, #tpu.memory_space<vmem>>, vector<1x16xi32>,
          %get3A_1235 = vector.shape_cast %get3A_1234 : vector<1x16xi32> to vector<16xi32>
          %shift_left3A_1236 = arith.constant 16 : i32
          %shift_left3A_1237 = vector.broadcast %shift_left3A_1236 : i32 to vector<16xi32>
          %shift_left3A_1238 = arith.shli %get3A_1235, %shift_left3A_1237 : vector<16xi32>
          %bitcast_convert_type3A_1239 = tpu.bitcast %shift_left3A_1238 : vector<16xi32> -> vector<16xf32>
          %and3A_1240 = arith.constant -65536 : i32
          %and3A_1241 = vector.broadcast %and3A_1240 : i32 to vector<16xi32>
          %and3A_1242 = arith.andi %get3A_1235, %and3A_1241 : vector<16xi32>
          %bitcast_convert_type3A_1243 = tpu.bitcast %and3A_1242 : vector<16xi32> -> vector<16xf32>
          %mul3A_1244 = vector.broadcast %squeeze3A_1227 : f32 to vector<16xf32>
          %mul3A_1245 = arith.mulf %bitcast_convert_type3A_1239, %mul3A_1244 : vector<16xf32>
          %swap3A_1246 = arith.index_cast %add3A_1231 : i32 to index
          %swap3A_1247 = arith.constant 0 : index
          %swap3A_1248 = tpu.vector_load %arg12[%swap3A_1246, %swap3A_1247] {strides = array<i32>} : memref<128x128xf32, #tpu.memory_space<vmem>>, vector<1x16xf32>,
          %swap3A_1249 = vector.shape_cast %swap3A_1248 : vector<1x16xf32> to vector<16xf32>
          %swap3A_1250 = vector.shape_cast %mul3A_1245 : vector<16xf32> to vector<1x16xf32>
          tpu.vector_store %arg12[%swap3A_1246, %swap3A_1247], %swap3A_1250 {strides = array<i32>} : memref<128x128xf32, #tpu.memory_space<vmem>>, vector<1x16xf32>,
          %mul3A_1251 = vector.broadcast %squeeze3A_1227 : f32 to vector<16xf32>
          %mul3A_1252 = arith.mulf %bitcast_convert_type3A_1243, %mul3A_1251 : vector<16xf32>
          %swap3A_1253 = arith.index_cast %add3A_1231 : i32 to index
          %swap3A_1254 = arith.constant 16 : index
          %swap3A_1255 = tpu.vector_load %arg12[%swap3A_1253, %swap3A_1254] {strides = array<i32>} : memref<128x128xf32, #tpu.memory_space<vmem>>, vector<1x16xf32>,
          %swap3A_1256 = vector.shape_cast %swap3A_1255 : vector<1x16xf32> to vector<16xf32>
          %swap3A_1257 = vector.shape_cast %mul3A_1252 : vector<16xf32> to vector<1x16xf32>
          tpu.vector_store %arg12[%swap3A_1253, %swap3A_1254], %swap3A_1257 {strides = array<i32>} : memref<128x128xf32, #tpu.memory_space<vmem>>, vector<1x16xf32>,
          %get3A_1258 = arith.index_cast %add3A_1231 : i32 to index
          %get3A_1259 = arith.constant 16 : index
          %get3A_1260 = tpu.vector_load %arg10[%get3A_1258, %get3A_1259] {strides = array<i32>} : memref<128x64xi32, #tpu.memory_space<vmem>>, vector<1x16xi32>,
          %get3A_1261 = vector.shape_cast %get3A_1260 : vector<1x16xi32> to vector<16xi32>
          %shift_left3A_1262 = arith.constant 16 : i32
          %shift_left3A_1263 = vector.broadcast %shift_left3A_1262 : i32 to vector<16xi32>
          %shift_left3A_1264 = arith.shli %get3A_1261, %shift_left3A_1263 : vector<16xi32>
          %bitcast_convert_type3A_1265 = tpu.bitcast %shift_left3A_1264 : vector<16xi32> -> vector<16xf32>
          %and3A_1266 = arith.constant -65536 : i32
          %and3A_1267 = vector.broadcast %and3A_1266 : i32 to vector<16xi32>
          %and3A_1268 = arith.andi %get3A_1261, %and3A_1267 : vector<16xi32>
          %bitcast_convert_type3A_1269 = tpu.bitcast %and3A_1268 : vector<16xi32> -> vector<16xf32>
          %mul3A_1270 = vector.broadcast %squeeze3A_1227 : f32 to vector<16xf32>
          %mul3A_1271 = arith.mulf %bitcast_convert_type3A_1265, %mul3A_1270 : vector<16xf32>
          %swap3A_1272 = arith.index_cast %add3A_1231 : i32 to index
          %swap3A_1273 = arith.constant 32 : index
          %swap3A_1274 = tpu.vector_load %arg12[%swap3A_1272, %swap3A_1273] {strides = array<i32>} : memref<128x128xf32, #tpu.memory_space<vmem>>, vector<1x16xf32>,
          %swap3A_1275 = vector.shape_cast %swap3A_1274 : vector<1x16xf32> to vector<16xf32>
          %swap3A_1276 = vector.shape_cast %mul3A_1271 : vector<16xf32> to vector<1x16xf32>
          tpu.vector_store %arg12[%swap3A_1272, %swap3A_1273], %swap3A_1276 {strides = array<i32>} : memref<128x128xf32, #tpu.memory_space<vmem>>, vector<1x16xf32>,
          %mul3A_1277 = vector.broadcast %squeeze3A_1227 : f32 to vector<16xf32>
          %mul3A_1278 = arith.mulf %bitcast_convert_type3A_1269, %mul3A_1277 : vector<16xf32>
          %swap3A_1279 = arith.index_cast %add3A_1231 : i32 to index
          %swap3A_1280 = arith.constant 48 : index
          %swap3A_1281 = tpu.vector_load %arg12[%swap3A_1279, %swap3A_1280] {strides = array<i32>} : memref<128x128xf32, #tpu.memory_space<vmem>>, vector<1x16xf32>,
          %swap3A_1282 = vector.shape_cast %swap3A_1281 : vector<1x16xf32> to vector<16xf32>
          %swap3A_1283 = vector.shape_cast %mul3A_1278 : vector<16xf32> to vector<1x16xf32>
          tpu.vector_store %arg12[%swap3A_1279, %swap3A_1280], %swap3A_1283 {strides = array<i32>} : memref<128x128xf32, #tpu.memory_space<vmem>>, vector<1x16xf32>,
          %get3A_1284 = arith.index_cast %add3A_1231 : i32 to index
          %get3A_1285 = arith.constant 32 : index
          %get3A_1286 = tpu.vector_load %arg10[%get3A_1284, %get3A_1285] {strides = array<i32>} : memref<128x64xi32, #tpu.memory_space<vmem>>, vector<1x16xi32>,
          %get3A_1287 = vector.shape_cast %get3A_1286 : vector<1x16xi32> to vector<16xi32>
          %shift_left3A_1288 = arith.constant 16 : i32
          %shift_left3A_1289 = vector.broadcast %shift_left3A_1288 : i32 to vector<16xi32>
          %shift_left3A_1290 = arith.shli %get3A_1287, %shift_left3A_1289 : vector<16xi32>
          %bitcast_convert_type3A_1291 = tpu.bitcast %shift_left3A_1290 : vector<16xi32> -> vector<16xf32>
          %and3A_1292 = arith.constant -65536 : i32
          %and3A_1293 = vector.broadcast %and3A_1292 : i32 to vector<16xi32>
          %and3A_1294 = arith.andi %get3A_1287, %and3A_1293 : vector<16xi32>
          %bitcast_convert_type3A_1295 = tpu.bitcast %and3A_1294 : vector<16xi32> -> vector<16xf32>
          %mul3A_1296 = vector.broadcast %squeeze3A_1227 : f32 to vector<16xf32>
          %mul3A_1297 = arith.mulf %bitcast_convert_type3A_1291, %mul3A_1296 : vector<16xf32>
          %swap3A_1298 = arith.index_cast %add3A_1231 : i32 to index
          %swap3A_1299 = arith.constant 64 : index
          %swap3A_1300 = tpu.vector_load %arg12[%swap3A_1298, %swap3A_1299] {strides = array<i32>} : memref<128x128xf32, #tpu.memory_space<vmem>>, vector<1x16xf32>,
          %swap3A_1301 = vector.shape_cast %swap3A_1300 : vector<1x16xf32> to vector<16xf32>
          %swap3A_1302 = vector.shape_cast %mul3A_1297 : vector<16xf32> to vector<1x16xf32>
          tpu.vector_store %arg12[%swap3A_1298, %swap3A_1299], %swap3A_1302 {strides = array<i32>} : memref<128x128xf32, #tpu.memory_space<vmem>>, vector<1x16xf32>,
          %mul3A_1303 = vector.broadcast %squeeze3A_1227 : f32 to vector<16xf32>
          %mul3A_1304 = arith.mulf %bitcast_convert_type3A_1295, %mul3A_1303 : vector<16xf32>
          %swap3A_1305 = arith.index_cast %add3A_1231 : i32 to index
          %swap3A_1306 = arith.constant 80 : index
          %swap3A_1307 = tpu.vector_load %arg12[%swap3A_1305, %swap3A_1306] {strides = array<i32>} : memref<128x128xf32, #tpu.memory_space<vmem>>, vector<1x16xf32>,
          %swap3A_1308 = vector.shape_cast %swap3A_1307 : vector<1x16xf32> to vector<16xf32>
          %swap3A_1309 = vector.shape_cast %mul3A_1304 : vector<16xf32> to vector<1x16xf32>
          tpu.vector_store %arg12[%swap3A_1305, %swap3A_1306], %swap3A_1309 {strides = array<i32>} : memref<128x128xf32, #tpu.memory_space<vmem>>, vector<1x16xf32>,
          %get3A_1310 = arith.index_cast %add3A_1231 : i32 to index
          %get3A_1311 = arith.constant 48 : index
          %get3A_1312 = tpu.vector_load %arg10[%get3A_1310, %get3A_1311] {strides = array<i32>} : memref<128x64xi32, #tpu.memory_space<vmem>>, vector<1x16xi32>,
          %get3A_1313 = vector.shape_cast %get3A_1312 : vector<1x16xi32> to vector<16xi32>
          %shift_left3A_1314 = arith.constant 16 : i32
          %shift_left3A_1315 = vector.broadcast %shift_left3A_1314 : i32 to vector<16xi32>
          %shift_left3A_1316 = arith.shli %get3A_1313, %shift_left3A_1315 : vector<16xi32>
          %bitcast_convert_type3A_1317 = tpu.bitcast %shift_left3A_1316 : vector<16xi32> -> vector<16xf32>
          %and3A_1318 = arith.constant -65536 : i32
          %and3A_1319 = vector.broadcast %and3A_1318 : i32 to vector<16xi32>
          %and3A_1320 = arith.andi %get3A_1313, %and3A_1319 : vector<16xi32>
          %bitcast_convert_type3A_1321 = tpu.bitcast %and3A_1320 : vector<16xi32> -> vector<16xf32>
          %mul3A_1322 = vector.broadcast %squeeze3A_1227 : f32 to vector<16xf32>
          %mul3A_1323 = arith.mulf %bitcast_convert_type3A_1317, %mul3A_1322 : vector<16xf32>
          %swap3A_1324 = arith.index_cast %add3A_1231 : i32 to index
          %swap3A_1325 = arith.constant 96 : index
          %swap3A_1326 = tpu.vector_load %arg12[%swap3A_1324, %swap3A_1325] {strides = array<i32>} : memref<128x128xf32, #tpu.memory_space<vmem>>, vector<1x16xf32>,
          %swap3A_1327 = vector.shape_cast %swap3A_1326 : vector<1x16xf32> to vector<16xf32>
          %swap3A_1328 = vector.shape_cast %mul3A_1323 : vector<16xf32> to vector<1x16xf32>
          tpu.vector_store %arg12[%swap3A_1324, %swap3A_1325], %swap3A_1328 {strides = array<i32>} : memref<128x128xf32, #tpu.memory_space<vmem>>, vector<1x16xf32>,
          %mul3A_1329 = vector.broadcast %squeeze3A_1227 : f32 to vector<16xf32>
          %mul3A_1330 = arith.mulf %bitcast_convert_type3A_1321, %mul3A_1329 : vector<16xf32>
          %swap3A_1331 = arith.index_cast %add3A_1231 : i32 to index
          %swap3A_1332 = arith.constant 112 : index
          %swap3A_1333 = tpu.vector_load %arg12[%swap3A_1331, %swap3A_1332] {strides = array<i32>} : memref<128x128xf32, #tpu.memory_space<vmem>>, vector<1x16xf32>,
          %swap3A_1334 = vector.shape_cast %swap3A_1333 : vector<1x16xf32> to vector<16xf32>
          %swap3A_1335 = vector.shape_cast %mul3A_1330 : vector<16xf32> to vector<1x16xf32>
          tpu.vector_store %arg12[%swap3A_1331, %swap3A_1332], %swap3A_1335 {strides = array<i32>} : memref<128x128xf32, #tpu.memory_space<vmem>>, vector<1x16xf32>,
          %slice3A_1336 = vector.extract_strided_slice %get3A_131 {offsets = [11], sizes = [1], strides = [1]} : vector<16xf32> to vector<1xf32>
          %squeeze3A_1337 = vector.extract %slice3A_1336[0] : f32 from vector<1xf32>
          %mul3A_1338 = arith.constant 16 : i32
          %mul3A_1339 = arith.muli %scan3A_126, %mul3A_1338 : i32
          %add3A_1340 = arith.constant 11 : i32
          %add3A_1341 = arith.addi %mul3A_1339, %add3A_1340 : i32
          %get3A_1342 = arith.index_cast %add3A_1341 : i32 to index
          %get3A_1343 = arith.constant 0 : index
          %get3A_1344 = tpu.vector_load %arg10[%get3A_1342, %get3A_1343] {strides = array<i32>} : memref<128x64xi32, #tpu.memory_space<vmem>>, vector<1x16xi32>,
          %get3A_1345 = vector.shape_cast %get3A_1344 : vector<1x16xi32> to vector<16xi32>
          %shift_left3A_1346 = arith.constant 16 : i32
          %shift_left3A_1347 = vector.broadcast %shift_left3A_1346 : i32 to vector<16xi32>
          %shift_left3A_1348 = arith.shli %get3A_1345, %shift_left3A_1347 : vector<16xi32>
          %bitcast_convert_type3A_1349 = tpu.bitcast %shift_left3A_1348 : vector<16xi32> -> vector<16xf32>
          %and3A_1350 = arith.constant -65536 : i32
          %and3A_1351 = vector.broadcast %and3A_1350 : i32 to vector<16xi32>
          %and3A_1352 = arith.andi %get3A_1345, %and3A_1351 : vector<16xi32>
          %bitcast_convert_type3A_1353 = tpu.bitcast %and3A_1352 : vector<16xi32> -> vector<16xf32>
          %mul3A_1354 = vector.broadcast %squeeze3A_1337 : f32 to vector<16xf32>
          %mul3A_1355 = arith.mulf %bitcast_convert_type3A_1349, %mul3A_1354 : vector<16xf32>
          %swap3A_1356 = arith.index_cast %add3A_1341 : i32 to index
          %swap3A_1357 = arith.constant 0 : index
          %swap3A_1358 = tpu.vector_load %arg12[%swap3A_1356, %swap3A_1357] {strides = array<i32>} : memref<128x128xf32, #tpu.memory_space<vmem>>, vector<1x16xf32>,
          %swap3A_1359 = vector.shape_cast %swap3A_1358 : vector<1x16xf32> to vector<16xf32>
          %swap3A_1360 = vector.shape_cast %mul3A_1355 : vector<16xf32> to vector<1x16xf32>
          tpu.vector_store %arg12[%swap3A_1356, %swap3A_1357], %swap3A_1360 {strides = array<i32>} : memref<128x128xf32, #tpu.memory_space<vmem>>, vector<1x16xf32>,
          %mul3A_1361 = vector.broadcast %squeeze3A_1337 : f32 to vector<16xf32>
          %mul3A_1362 = arith.mulf %bitcast_convert_type3A_1353, %mul3A_1361 : vector<16xf32>
          %swap3A_1363 = arith.index_cast %add3A_1341 : i32 to index
          %swap3A_1364 = arith.constant 16 : index
          %swap3A_1365 = tpu.vector_load %arg12[%swap3A_1363, %swap3A_1364] {strides = array<i32>} : memref<128x128xf32, #tpu.memory_space<vmem>>, vector<1x16xf32>,
          %swap3A_1366 = vector.shape_cast %swap3A_1365 : vector<1x16xf32> to vector<16xf32>
          %swap3A_1367 = vector.shape_cast %mul3A_1362 : vector<16xf32> to vector<1x16xf32>
          tpu.vector_store %arg12[%swap3A_1363, %swap3A_1364], %swap3A_1367 {strides = array<i32>} : memref<128x128xf32, #tpu.memory_space<vmem>>, vector<1x16xf32>,
          %get3A_1368 = arith.index_cast %add3A_1341 : i32 to index
          %get3A_1369 = arith.constant 16 : index
          %get3A_1370 = tpu.vector_load %arg10[%get3A_1368, %get3A_1369] {strides = array<i32>} : memref<128x64xi32, #tpu.memory_space<vmem>>, vector<1x16xi32>,
          %get3A_1371 = vector.shape_cast %get3A_1370 : vector<1x16xi32> to vector<16xi32>
          %shift_left3A_1372 = arith.constant 16 : i32
          %shift_left3A_1373 = vector.broadcast %shift_left3A_1372 : i32 to vector<16xi32>
          %shift_left3A_1374 = arith.shli %get3A_1371, %shift_left3A_1373 : vector<16xi32>
          %bitcast_convert_type3A_1375 = tpu.bitcast %shift_left3A_1374 : vector<16xi32> -> vector<16xf32>
          %and3A_1376 = arith.constant -65536 : i32
          %and3A_1377 = vector.broadcast %and3A_1376 : i32 to vector<16xi32>
          %and3A_1378 = arith.andi %get3A_1371, %and3A_1377 : vector<16xi32>
          %bitcast_convert_type3A_1379 = tpu.bitcast %and3A_1378 : vector<16xi32> -> vector<16xf32>
          %mul3A_1380 = vector.broadcast %squeeze3A_1337 : f32 to vector<16xf32>
          %mul3A_1381 = arith.mulf %bitcast_convert_type3A_1375, %mul3A_1380 : vector<16xf32>
          %swap3A_1382 = arith.index_cast %add3A_1341 : i32 to index
          %swap3A_1383 = arith.constant 32 : index
          %swap3A_1384 = tpu.vector_load %arg12[%swap3A_1382, %swap3A_1383] {strides = array<i32>} : memref<128x128xf32, #tpu.memory_space<vmem>>, vector<1x16xf32>,
          %swap3A_1385 = vector.shape_cast %swap3A_1384 : vector<1x16xf32> to vector<16xf32>
          %swap3A_1386 = vector.shape_cast %mul3A_1381 : vector<16xf32> to vector<1x16xf32>
          tpu.vector_store %arg12[%swap3A_1382, %swap3A_1383], %swap3A_1386 {strides = array<i32>} : memref<128x128xf32, #tpu.memory_space<vmem>>, vector<1x16xf32>,
          %mul3A_1387 = vector.broadcast %squeeze3A_1337 : f32 to vector<16xf32>
          %mul3A_1388 = arith.mulf %bitcast_convert_type3A_1379, %mul3A_1387 : vector<16xf32>
          %swap3A_1389 = arith.index_cast %add3A_1341 : i32 to index
          %swap3A_1390 = arith.constant 48 : index
          %swap3A_1391 = tpu.vector_load %arg12[%swap3A_1389, %swap3A_1390] {strides = array<i32>} : memref<128x128xf32, #tpu.memory_space<vmem>>, vector<1x16xf32>,
          %swap3A_1392 = vector.shape_cast %swap3A_1391 : vector<1x16xf32> to vector<16xf32>
          %swap3A_1393 = vector.shape_cast %mul3A_1388 : vector<16xf32> to vector<1x16xf32>
          tpu.vector_store %arg12[%swap3A_1389, %swap3A_1390], %swap3A_1393 {strides = array<i32>} : memref<128x128xf32, #tpu.memory_space<vmem>>, vector<1x16xf32>,
          %get3A_1394 = arith.index_cast %add3A_1341 : i32 to index
          %get3A_1395 = arith.constant 32 : index
          %get3A_1396 = tpu.vector_load %arg10[%get3A_1394, %get3A_1395] {strides = array<i32>} : memref<128x64xi32, #tpu.memory_space<vmem>>, vector<1x16xi32>,
          %get3A_1397 = vector.shape_cast %get3A_1396 : vector<1x16xi32> to vector<16xi32>
          %shift_left3A_1398 = arith.constant 16 : i32
          %shift_left3A_1399 = vector.broadcast %shift_left3A_1398 : i32 to vector<16xi32>
          %shift_left3A_1400 = arith.shli %get3A_1397, %shift_left3A_1399 : vector<16xi32>
          %bitcast_convert_type3A_1401 = tpu.bitcast %shift_left3A_1400 : vector<16xi32> -> vector<16xf32>
          %and3A_1402 = arith.constant -65536 : i32
          %and3A_1403 = vector.broadcast %and3A_1402 : i32 to vector<16xi32>
          %and3A_1404 = arith.andi %get3A_1397, %and3A_1403 : vector<16xi32>
          %bitcast_convert_type3A_1405 = tpu.bitcast %and3A_1404 : vector<16xi32> -> vector<16xf32>
          %mul3A_1406 = vector.broadcast %squeeze3A_1337 : f32 to vector<16xf32>
          %mul3A_1407 = arith.mulf %bitcast_convert_type3A_1401, %mul3A_1406 : vector<16xf32>
          %swap3A_1408 = arith.index_cast %add3A_1341 : i32 to index
          %swap3A_1409 = arith.constant 64 : index
          %swap3A_1410 = tpu.vector_load %arg12[%swap3A_1408, %swap3A_1409] {strides = array<i32>} : memref<128x128xf32, #tpu.memory_space<vmem>>, vector<1x16xf32>,
          %swap3A_1411 = vector.shape_cast %swap3A_1410 : vector<1x16xf32> to vector<16xf32>
          %swap3A_1412 = vector.shape_cast %mul3A_1407 : vector<16xf32> to vector<1x16xf32>
          tpu.vector_store %arg12[%swap3A_1408, %swap3A_1409], %swap3A_1412 {strides = array<i32>} : memref<128x128xf32, #tpu.memory_space<vmem>>, vector<1x16xf32>,
          %mul3A_1413 = vector.broadcast %squeeze3A_1337 : f32 to vector<16xf32>
          %mul3A_1414 = arith.mulf %bitcast_convert_type3A_1405, %mul3A_1413 : vector<16xf32>
          %swap3A_1415 = arith.index_cast %add3A_1341 : i32 to index
          %swap3A_1416 = arith.constant 80 : index
          %swap3A_1417 = tpu.vector_load %arg12[%swap3A_1415, %swap3A_1416] {strides = array<i32>} : memref<128x128xf32, #tpu.memory_space<vmem>>, vector<1x16xf32>,
          %swap3A_1418 = vector.shape_cast %swap3A_1417 : vector<1x16xf32> to vector<16xf32>
          %swap3A_1419 = vector.shape_cast %mul3A_1414 : vector<16xf32> to vector<1x16xf32>
          tpu.vector_store %arg12[%swap3A_1415, %swap3A_1416], %swap3A_1419 {strides = array<i32>} : memref<128x128xf32, #tpu.memory_space<vmem>>, vector<1x16xf32>,
          %get3A_1420 = arith.index_cast %add3A_1341 : i32 to index
          %get3A_1421 = arith.constant 48 : index
          %get3A_1422 = tpu.vector_load %arg10[%get3A_1420, %get3A_1421] {strides = array<i32>} : memref<128x64xi32, #tpu.memory_space<vmem>>, vector<1x16xi32>,
          %get3A_1423 = vector.shape_cast %get3A_1422 : vector<1x16xi32> to vector<16xi32>
          %shift_left3A_1424 = arith.constant 16 : i32
          %shift_left3A_1425 = vector.broadcast %shift_left3A_1424 : i32 to vector<16xi32>
          %shift_left3A_1426 = arith.shli %get3A_1423, %shift_left3A_1425 : vector<16xi32>
          %bitcast_convert_type3A_1427 = tpu.bitcast %shift_left3A_1426 : vector<16xi32> -> vector<16xf32>
          %and3A_1428 = arith.constant -65536 : i32
          %and3A_1429 = vector.broadcast %and3A_1428 : i32 to vector<16xi32>
          %and3A_1430 = arith.andi %get3A_1423, %and3A_1429 : vector<16xi32>
          %bitcast_convert_type3A_1431 = tpu.bitcast %and3A_1430 : vector<16xi32> -> vector<16xf32>
          %mul3A_1432 = vector.broadcast %squeeze3A_1337 : f32 to vector<16xf32>
          %mul3A_1433 = arith.mulf %bitcast_convert_type3A_1427, %mul3A_1432 : vector<16xf32>
          %swap3A_1434 = arith.index_cast %add3A_1341 : i32 to index
          %swap3A_1435 = arith.constant 96 : index
          %swap3A_1436 = tpu.vector_load %arg12[%swap3A_1434, %swap3A_1435] {strides = array<i32>} : memref<128x128xf32, #tpu.memory_space<vmem>>, vector<1x16xf32>,
          %swap3A_1437 = vector.shape_cast %swap3A_1436 : vector<1x16xf32> to vector<16xf32>
          %swap3A_1438 = vector.shape_cast %mul3A_1433 : vector<16xf32> to vector<1x16xf32>
          tpu.vector_store %arg12[%swap3A_1434, %swap3A_1435], %swap3A_1438 {strides = array<i32>} : memref<128x128xf32, #tpu.memory_space<vmem>>, vector<1x16xf32>,
          %mul3A_1439 = vector.broadcast %squeeze3A_1337 : f32 to vector<16xf32>
          %mul3A_1440 = arith.mulf %bitcast_convert_type3A_1431, %mul3A_1439 : vector<16xf32>
          %swap3A_1441 = arith.index_cast %add3A_1341 : i32 to index
          %swap3A_1442 = arith.constant 112 : index
          %swap3A_1443 = tpu.vector_load %arg12[%swap3A_1441, %swap3A_1442] {strides = array<i32>} : memref<128x128xf32, #tpu.memory_space<vmem>>, vector<1x16xf32>,
          %swap3A_1444 = vector.shape_cast %swap3A_1443 : vector<1x16xf32> to vector<16xf32>
          %swap3A_1445 = vector.shape_cast %mul3A_1440 : vector<16xf32> to vector<1x16xf32>
          tpu.vector_store %arg12[%swap3A_1441, %swap3A_1442], %swap3A_1445 {strides = array<i32>} : memref<128x128xf32, #tpu.memory_space<vmem>>, vector<1x16xf32>,
          %slice3A_1446 = vector.extract_strided_slice %get3A_131 {offsets = [12], sizes = [1], strides = [1]} : vector<16xf32> to vector<1xf32>
          %squeeze3A_1447 = vector.extract %slice3A_1446[0] : f32 from vector<1xf32>
          %mul3A_1448 = arith.constant 16 : i32
          %mul3A_1449 = arith.muli %scan3A_126, %mul3A_1448 : i32
          %add3A_1450 = arith.constant 12 : i32
          %add3A_1451 = arith.addi %mul3A_1449, %add3A_1450 : i32
          %get3A_1452 = arith.index_cast %add3A_1451 : i32 to index
          %get3A_1453 = arith.constant 0 : index
          %get3A_1454 = tpu.vector_load %arg10[%get3A_1452, %get3A_1453] {strides = array<i32>} : memref<128x64xi32, #tpu.memory_space<vmem>>, vector<1x16xi32>,
          %get3A_1455 = vector.shape_cast %get3A_1454 : vector<1x16xi32> to vector<16xi32>
          %shift_left3A_1456 = arith.constant 16 : i32
          %shift_left3A_1457 = vector.broadcast %shift_left3A_1456 : i32 to vector<16xi32>
          %shift_left3A_1458 = arith.shli %get3A_1455, %shift_left3A_1457 : vector<16xi32>
          %bitcast_convert_type3A_1459 = tpu.bitcast %shift_left3A_1458 : vector<16xi32> -> vector<16xf32>
          %and3A_1460 = arith.constant -65536 : i32
          %and3A_1461 = vector.broadcast %and3A_1460 : i32 to vector<16xi32>
          %and3A_1462 = arith.andi %get3A_1455, %and3A_1461 : vector<16xi32>
          %bitcast_convert_type3A_1463 = tpu.bitcast %and3A_1462 : vector<16xi32> -> vector<16xf32>
          %mul3A_1464 = vector.broadcast %squeeze3A_1447 : f32 to vector<16xf32>
          %mul3A_1465 = arith.mulf %bitcast_convert_type3A_1459, %mul3A_1464 : vector<16xf32>
          %swap3A_1466 = arith.index_cast %add3A_1451 : i32 to index
          %swap3A_1467 = arith.constant 0 : index
          %swap3A_1468 = tpu.vector_load %arg12[%swap3A_1466, %swap3A_1467] {strides = array<i32>} : memref<128x128xf32, #tpu.memory_space<vmem>>, vector<1x16xf32>,
          %swap3A_1469 = vector.shape_cast %swap3A_1468 : vector<1x16xf32> to vector<16xf32>
          %swap3A_1470 = vector.shape_cast %mul3A_1465 : vector<16xf32> to vector<1x16xf32>
          tpu.vector_store %arg12[%swap3A_1466, %swap3A_1467], %swap3A_1470 {strides = array<i32>} : memref<128x128xf32, #tpu.memory_space<vmem>>, vector<1x16xf32>,
          %mul3A_1471 = vector.broadcast %squeeze3A_1447 : f32 to vector<16xf32>
          %mul3A_1472 = arith.mulf %bitcast_convert_type3A_1463, %mul3A_1471 : vector<16xf32>
          %swap3A_1473 = arith.index_cast %add3A_1451 : i32 to index
          %swap3A_1474 = arith.constant 16 : index
          %swap3A_1475 = tpu.vector_load %arg12[%swap3A_1473, %swap3A_1474] {strides = array<i32>} : memref<128x128xf32, #tpu.memory_space<vmem>>, vector<1x16xf32>,
          %swap3A_1476 = vector.shape_cast %swap3A_1475 : vector<1x16xf32> to vector<16xf32>
          %swap3A_1477 = vector.shape_cast %mul3A_1472 : vector<16xf32> to vector<1x16xf32>
          tpu.vector_store %arg12[%swap3A_1473, %swap3A_1474], %swap3A_1477 {strides = array<i32>} : memref<128x128xf32, #tpu.memory_space<vmem>>, vector<1x16xf32>,
          %get3A_1478 = arith.index_cast %add3A_1451 : i32 to index
          %get3A_1479 = arith.constant 16 : index
          %get3A_1480 = tpu.vector_load %arg10[%get3A_1478, %get3A_1479] {strides = array<i32>} : memref<128x64xi32, #tpu.memory_space<vmem>>, vector<1x16xi32>,
          %get3A_1481 = vector.shape_cast %get3A_1480 : vector<1x16xi32> to vector<16xi32>
          %shift_left3A_1482 = arith.constant 16 : i32
          %shift_left3A_1483 = vector.broadcast %shift_left3A_1482 : i32 to vector<16xi32>
          %shift_left3A_1484 = arith.shli %get3A_1481, %shift_left3A_1483 : vector<16xi32>
          %bitcast_convert_type3A_1485 = tpu.bitcast %shift_left3A_1484 : vector<16xi32> -> vector<16xf32>
          %and3A_1486 = arith.constant -65536 : i32
          %and3A_1487 = vector.broadcast %and3A_1486 : i32 to vector<16xi32>
          %and3A_1488 = arith.andi %get3A_1481, %and3A_1487 : vector<16xi32>
          %bitcast_convert_type3A_1489 = tpu.bitcast %and3A_1488 : vector<16xi32> -> vector<16xf32>
          %mul3A_1490 = vector.broadcast %squeeze3A_1447 : f32 to vector<16xf32>
          %mul3A_1491 = arith.mulf %bitcast_convert_type3A_1485, %mul3A_1490 : vector<16xf32>
          %swap3A_1492 = arith.index_cast %add3A_1451 : i32 to index
          %swap3A_1493 = arith.constant 32 : index
          %swap3A_1494 = tpu.vector_load %arg12[%swap3A_1492, %swap3A_1493] {strides = array<i32>} : memref<128x128xf32, #tpu.memory_space<vmem>>, vector<1x16xf32>,
          %swap3A_1495 = vector.shape_cast %swap3A_1494 : vector<1x16xf32> to vector<16xf32>
          %swap3A_1496 = vector.shape_cast %mul3A_1491 : vector<16xf32> to vector<1x16xf32>
          tpu.vector_store %arg12[%swap3A_1492, %swap3A_1493], %swap3A_1496 {strides = array<i32>} : memref<128x128xf32, #tpu.memory_space<vmem>>, vector<1x16xf32>,
          %mul3A_1497 = vector.broadcast %squeeze3A_1447 : f32 to vector<16xf32>
          %mul3A_1498 = arith.mulf %bitcast_convert_type3A_1489, %mul3A_1497 : vector<16xf32>
          %swap3A_1499 = arith.index_cast %add3A_1451 : i32 to index
          %swap3A_1500 = arith.constant 48 : index
          %swap3A_1501 = tpu.vector_load %arg12[%swap3A_1499, %swap3A_1500] {strides = array<i32>} : memref<128x128xf32, #tpu.memory_space<vmem>>, vector<1x16xf32>,
          %swap3A_1502 = vector.shape_cast %swap3A_1501 : vector<1x16xf32> to vector<16xf32>
          %swap3A_1503 = vector.shape_cast %mul3A_1498 : vector<16xf32> to vector<1x16xf32>
          tpu.vector_store %arg12[%swap3A_1499, %swap3A_1500], %swap3A_1503 {strides = array<i32>} : memref<128x128xf32, #tpu.memory_space<vmem>>, vector<1x16xf32>,
          %get3A_1504 = arith.index_cast %add3A_1451 : i32 to index
          %get3A_1505 = arith.constant 32 : index
          %get3A_1506 = tpu.vector_load %arg10[%get3A_1504, %get3A_1505] {strides = array<i32>} : memref<128x64xi32, #tpu.memory_space<vmem>>, vector<1x16xi32>,
          %get3A_1507 = vector.shape_cast %get3A_1506 : vector<1x16xi32> to vector<16xi32>
          %shift_left3A_1508 = arith.constant 16 : i32
          %shift_left3A_1509 = vector.broadcast %shift_left3A_1508 : i32 to vector<16xi32>
          %shift_left3A_1510 = arith.shli %get3A_1507, %shift_left3A_1509 : vector<16xi32>
          %bitcast_convert_type3A_1511 = tpu.bitcast %shift_left3A_1510 : vector<16xi32> -> vector<16xf32>
          %and3A_1512 = arith.constant -65536 : i32
          %and3A_1513 = vector.broadcast %and3A_1512 : i32 to vector<16xi32>
          %and3A_1514 = arith.andi %get3A_1507, %and3A_1513 : vector<16xi32>
          %bitcast_convert_type3A_1515 = tpu.bitcast %and3A_1514 : vector<16xi32> -> vector<16xf32>
          %mul3A_1516 = vector.broadcast %squeeze3A_1447 : f32 to vector<16xf32>
          %mul3A_1517 = arith.mulf %bitcast_convert_type3A_1511, %mul3A_1516 : vector<16xf32>
          %swap3A_1518 = arith.index_cast %add3A_1451 : i32 to index
          %swap3A_1519 = arith.constant 64 : index
          %swap3A_1520 = tpu.vector_load %arg12[%swap3A_1518, %swap3A_1519] {strides = array<i32>} : memref<128x128xf32, #tpu.memory_space<vmem>>, vector<1x16xf32>,
          %swap3A_1521 = vector.shape_cast %swap3A_1520 : vector<1x16xf32> to vector<16xf32>
          %swap3A_1522 = vector.shape_cast %mul3A_1517 : vector<16xf32> to vector<1x16xf32>
          tpu.vector_store %arg12[%swap3A_1518, %swap3A_1519], %swap3A_1522 {strides = array<i32>} : memref<128x128xf32, #tpu.memory_space<vmem>>, vector<1x16xf32>,
          %mul3A_1523 = vector.broadcast %squeeze3A_1447 : f32 to vector<16xf32>
          %mul3A_1524 = arith.mulf %bitcast_convert_type3A_1515, %mul3A_1523 : vector<16xf32>
          %swap3A_1525 = arith.index_cast %add3A_1451 : i32 to index
          %swap3A_1526 = arith.constant 80 : index
          %swap3A_1527 = tpu.vector_load %arg12[%swap3A_1525, %swap3A_1526] {strides = array<i32>} : memref<128x128xf32, #tpu.memory_space<vmem>>, vector<1x16xf32>,
          %swap3A_1528 = vector.shape_cast %swap3A_1527 : vector<1x16xf32> to vector<16xf32>
          %swap3A_1529 = vector.shape_cast %mul3A_1524 : vector<16xf32> to vector<1x16xf32>
          tpu.vector_store %arg12[%swap3A_1525, %swap3A_1526], %swap3A_1529 {strides = array<i32>} : memref<128x128xf32, #tpu.memory_space<vmem>>, vector<1x16xf32>,
          %get3A_1530 = arith.index_cast %add3A_1451 : i32 to index
          %get3A_1531 = arith.constant 48 : index
          %get3A_1532 = tpu.vector_load %arg10[%get3A_1530, %get3A_1531] {strides = array<i32>} : memref<128x64xi32, #tpu.memory_space<vmem>>, vector<1x16xi32>,
          %get3A_1533 = vector.shape_cast %get3A_1532 : vector<1x16xi32> to vector<16xi32>
          %shift_left3A_1534 = arith.constant 16 : i32
          %shift_left3A_1535 = vector.broadcast %shift_left3A_1534 : i32 to vector<16xi32>
          %shift_left3A_1536 = arith.shli %get3A_1533, %shift_left3A_1535 : vector<16xi32>
          %bitcast_convert_type3A_1537 = tpu.bitcast %shift_left3A_1536 : vector<16xi32> -> vector<16xf32>
          %and3A_1538 = arith.constant -65536 : i32
          %and3A_1539 = vector.broadcast %and3A_1538 : i32 to vector<16xi32>
          %and3A_1540 = arith.andi %get3A_1533, %and3A_1539 : vector<16xi32>
          %bitcast_convert_type3A_1541 = tpu.bitcast %and3A_1540 : vector<16xi32> -> vector<16xf32>
          %mul3A_1542 = vector.broadcast %squeeze3A_1447 : f32 to vector<16xf32>
          %mul3A_1543 = arith.mulf %bitcast_convert_type3A_1537, %mul3A_1542 : vector<16xf32>
          %swap3A_1544 = arith.index_cast %add3A_1451 : i32 to index
          %swap3A_1545 = arith.constant 96 : index
          %swap3A_1546 = tpu.vector_load %arg12[%swap3A_1544, %swap3A_1545] {strides = array<i32>} : memref<128x128xf32, #tpu.memory_space<vmem>>, vector<1x16xf32>,
          %swap3A_1547 = vector.shape_cast %swap3A_1546 : vector<1x16xf32> to vector<16xf32>
          %swap3A_1548 = vector.shape_cast %mul3A_1543 : vector<16xf32> to vector<1x16xf32>
          tpu.vector_store %arg12[%swap3A_1544, %swap3A_1545], %swap3A_1548 {strides = array<i32>} : memref<128x128xf32, #tpu.memory_space<vmem>>, vector<1x16xf32>,
          %mul3A_1549 = vector.broadcast %squeeze3A_1447 : f32 to vector<16xf32>
          %mul3A_1550 = arith.mulf %bitcast_convert_type3A_1541, %mul3A_1549 : vector<16xf32>
          %swap3A_1551 = arith.index_cast %add3A_1451 : i32 to index
          %swap3A_1552 = arith.constant 112 : index
          %swap3A_1553 = tpu.vector_load %arg12[%swap3A_1551, %swap3A_1552] {strides = array<i32>} : memref<128x128xf32, #tpu.memory_space<vmem>>, vector<1x16xf32>,
          %swap3A_1554 = vector.shape_cast %swap3A_1553 : vector<1x16xf32> to vector<16xf32>
          %swap3A_1555 = vector.shape_cast %mul3A_1550 : vector<16xf32> to vector<1x16xf32>
          tpu.vector_store %arg12[%swap3A_1551, %swap3A_1552], %swap3A_1555 {strides = array<i32>} : memref<128x128xf32, #tpu.memory_space<vmem>>, vector<1x16xf32>,
          %slice3A_1556 = vector.extract_strided_slice %get3A_131 {offsets = [13], sizes = [1], strides = [1]} : vector<16xf32> to vector<1xf32>
          %squeeze3A_1557 = vector.extract %slice3A_1556[0] : f32 from vector<1xf32>
          %mul3A_1558 = arith.constant 16 : i32
          %mul3A_1559 = arith.muli %scan3A_126, %mul3A_1558 : i32
          %add3A_1560 = arith.constant 13 : i32
          %add3A_1561 = arith.addi %mul3A_1559, %add3A_1560 : i32
          %get3A_1562 = arith.index_cast %add3A_1561 : i32 to index
          %get3A_1563 = arith.constant 0 : index
          %get3A_1564 = tpu.vector_load %arg10[%get3A_1562, %get3A_1563] {strides = array<i32>} : memref<128x64xi32, #tpu.memory_space<vmem>>, vector<1x16xi32>,
          %get3A_1565 = vector.shape_cast %get3A_1564 : vector<1x16xi32> to vector<16xi32>
          %shift_left3A_1566 = arith.constant 16 : i32
          %shift_left3A_1567 = vector.broadcast %shift_left3A_1566 : i32 to vector<16xi32>
          %shift_left3A_1568 = arith.shli %get3A_1565, %shift_left3A_1567 : vector<16xi32>
          %bitcast_convert_type3A_1569 = tpu.bitcast %shift_left3A_1568 : vector<16xi32> -> vector<16xf32>
          %and3A_1570 = arith.constant -65536 : i32
          %and3A_1571 = vector.broadcast %and3A_1570 : i32 to vector<16xi32>
          %and3A_1572 = arith.andi %get3A_1565, %and3A_1571 : vector<16xi32>
          %bitcast_convert_type3A_1573 = tpu.bitcast %and3A_1572 : vector<16xi32> -> vector<16xf32>
          %mul3A_1574 = vector.broadcast %squeeze3A_1557 : f32 to vector<16xf32>
          %mul3A_1575 = arith.mulf %bitcast_convert_type3A_1569, %mul3A_1574 : vector<16xf32>
          %swap3A_1576 = arith.index_cast %add3A_1561 : i32 to index
          %swap3A_1577 = arith.constant 0 : index
          %swap3A_1578 = tpu.vector_load %arg12[%swap3A_1576, %swap3A_1577] {strides = array<i32>} : memref<128x128xf32, #tpu.memory_space<vmem>>, vector<1x16xf32>,
          %swap3A_1579 = vector.shape_cast %swap3A_1578 : vector<1x16xf32> to vector<16xf32>
          %swap3A_1580 = vector.shape_cast %mul3A_1575 : vector<16xf32> to vector<1x16xf32>
          tpu.vector_store %arg12[%swap3A_1576, %swap3A_1577], %swap3A_1580 {strides = array<i32>} : memref<128x128xf32, #tpu.memory_space<vmem>>, vector<1x16xf32>,
          %mul3A_1581 = vector.broadcast %squeeze3A_1557 : f32 to vector<16xf32>
          %mul3A_1582 = arith.mulf %bitcast_convert_type3A_1573, %mul3A_1581 : vector<16xf32>
          %swap3A_1583 = arith.index_cast %add3A_1561 : i32 to index
          %swap3A_1584 = arith.constant 16 : index
          %swap3A_1585 = tpu.vector_load %arg12[%swap3A_1583, %swap3A_1584] {strides = array<i32>} : memref<128x128xf32, #tpu.memory_space<vmem>>, vector<1x16xf32>,
          %swap3A_1586 = vector.shape_cast %swap3A_1585 : vector<1x16xf32> to vector<16xf32>
          %swap3A_1587 = vector.shape_cast %mul3A_1582 : vector<16xf32> to vector<1x16xf32>
          tpu.vector_store %arg12[%swap3A_1583, %swap3A_1584], %swap3A_1587 {strides = array<i32>} : memref<128x128xf32, #tpu.memory_space<vmem>>, vector<1x16xf32>,
          %get3A_1588 = arith.index_cast %add3A_1561 : i32 to index
          %get3A_1589 = arith.constant 16 : index
          %get3A_1590 = tpu.vector_load %arg10[%get3A_1588, %get3A_1589] {strides = array<i32>} : memref<128x64xi32, #tpu.memory_space<vmem>>, vector<1x16xi32>,
          %get3A_1591 = vector.shape_cast %get3A_1590 : vector<1x16xi32> to vector<16xi32>
          %shift_left3A_1592 = arith.constant 16 : i32
          %shift_left3A_1593 = vector.broadcast %shift_left3A_1592 : i32 to vector<16xi32>
          %shift_left3A_1594 = arith.shli %get3A_1591, %shift_left3A_1593 : vector<16xi32>
          %bitcast_convert_type3A_1595 = tpu.bitcast %shift_left3A_1594 : vector<16xi32> -> vector<16xf32>
          %and3A_1596 = arith.constant -65536 : i32
          %and3A_1597 = vector.broadcast %and3A_1596 : i32 to vector<16xi32>
          %and3A_1598 = arith.andi %get3A_1591, %and3A_1597 : vector<16xi32>
          %bitcast_convert_type3A_1599 = tpu.bitcast %and3A_1598 : vector<16xi32> -> vector<16xf32>
          %mul3A_1600 = vector.broadcast %squeeze3A_1557 : f32 to vector<16xf32>
          %mul3A_1601 = arith.mulf %bitcast_convert_type3A_1595, %mul3A_1600 : vector<16xf32>
          %swap3A_1602 = arith.index_cast %add3A_1561 : i32 to index
          %swap3A_1603 = arith.constant 32 : index
          %swap3A_1604 = tpu.vector_load %arg12[%swap3A_1602, %swap3A_1603] {strides = array<i32>} : memref<128x128xf32, #tpu.memory_space<vmem>>, vector<1x16xf32>,
          %swap3A_1605 = vector.shape_cast %swap3A_1604 : vector<1x16xf32> to vector<16xf32>
          %swap3A_1606 = vector.shape_cast %mul3A_1601 : vector<16xf32> to vector<1x16xf32>
          tpu.vector_store %arg12[%swap3A_1602, %swap3A_1603], %swap3A_1606 {strides = array<i32>} : memref<128x128xf32, #tpu.memory_space<vmem>>, vector<1x16xf32>,
          %mul3A_1607 = vector.broadcast %squeeze3A_1557 : f32 to vector<16xf32>
          %mul3A_1608 = arith.mulf %bitcast_convert_type3A_1599, %mul3A_1607 : vector<16xf32>
          %swap3A_1609 = arith.index_cast %add3A_1561 : i32 to index
          %swap3A_1610 = arith.constant 48 : index
          %swap3A_1611 = tpu.vector_load %arg12[%swap3A_1609, %swap3A_1610] {strides = array<i32>} : memref<128x128xf32, #tpu.memory_space<vmem>>, vector<1x16xf32>,
          %swap3A_1612 = vector.shape_cast %swap3A_1611 : vector<1x16xf32> to vector<16xf32>
          %swap3A_1613 = vector.shape_cast %mul3A_1608 : vector<16xf32> to vector<1x16xf32>
          tpu.vector_store %arg12[%swap3A_1609, %swap3A_1610], %swap3A_1613 {strides = array<i32>} : memref<128x128xf32, #tpu.memory_space<vmem>>, vector<1x16xf32>,
          %get3A_1614 = arith.index_cast %add3A_1561 : i32 to index
          %get3A_1615 = arith.constant 32 : index
          %get3A_1616 = tpu.vector_load %arg10[%get3A_1614, %get3A_1615] {strides = array<i32>} : memref<128x64xi32, #tpu.memory_space<vmem>>, vector<1x16xi32>,
          %get3A_1617 = vector.shape_cast %get3A_1616 : vector<1x16xi32> to vector<16xi32>
          %shift_left3A_1618 = arith.constant 16 : i32
          %shift_left3A_1619 = vector.broadcast %shift_left3A_1618 : i32 to vector<16xi32>
          %shift_left3A_1620 = arith.shli %get3A_1617, %shift_left3A_1619 : vector<16xi32>
          %bitcast_convert_type3A_1621 = tpu.bitcast %shift_left3A_1620 : vector<16xi32> -> vector<16xf32>
          %and3A_1622 = arith.constant -65536 : i32
          %and3A_1623 = vector.broadcast %and3A_1622 : i32 to vector<16xi32>
          %and3A_1624 = arith.andi %get3A_1617, %and3A_1623 : vector<16xi32>
          %bitcast_convert_type3A_1625 = tpu.bitcast %and3A_1624 : vector<16xi32> -> vector<16xf32>
          %mul3A_1626 = vector.broadcast %squeeze3A_1557 : f32 to vector<16xf32>
          %mul3A_1627 = arith.mulf %bitcast_convert_type3A_1621, %mul3A_1626 : vector<16xf32>
          %swap3A_1628 = arith.index_cast %add3A_1561 : i32 to index
          %swap3A_1629 = arith.constant 64 : index
          %swap3A_1630 = tpu.vector_load %arg12[%swap3A_1628, %swap3A_1629] {strides = array<i32>} : memref<128x128xf32, #tpu.memory_space<vmem>>, vector<1x16xf32>,
          %swap3A_1631 = vector.shape_cast %swap3A_1630 : vector<1x16xf32> to vector<16xf32>
          %swap3A_1632 = vector.shape_cast %mul3A_1627 : vector<16xf32> to vector<1x16xf32>
          tpu.vector_store %arg12[%swap3A_1628, %swap3A_1629], %swap3A_1632 {strides = array<i32>} : memref<128x128xf32, #tpu.memory_space<vmem>>, vector<1x16xf32>,
          %mul3A_1633 = vector.broadcast %squeeze3A_1557 : f32 to vector<16xf32>
          %mul3A_1634 = arith.mulf %bitcast_convert_type3A_1625, %mul3A_1633 : vector<16xf32>
          %swap3A_1635 = arith.index_cast %add3A_1561 : i32 to index
          %swap3A_1636 = arith.constant 80 : index
          %swap3A_1637 = tpu.vector_load %arg12[%swap3A_1635, %swap3A_1636] {strides = array<i32>} : memref<128x128xf32, #tpu.memory_space<vmem>>, vector<1x16xf32>,
          %swap3A_1638 = vector.shape_cast %swap3A_1637 : vector<1x16xf32> to vector<16xf32>
          %swap3A_1639 = vector.shape_cast %mul3A_1634 : vector<16xf32> to vector<1x16xf32>
          tpu.vector_store %arg12[%swap3A_1635, %swap3A_1636], %swap3A_1639 {strides = array<i32>} : memref<128x128xf32, #tpu.memory_space<vmem>>, vector<1x16xf32>,
          %get3A_1640 = arith.index_cast %add3A_1561 : i32 to index
          %get3A_1641 = arith.constant 48 : index
          %get3A_1642 = tpu.vector_load %arg10[%get3A_1640, %get3A_1641] {strides = array<i32>} : memref<128x64xi32, #tpu.memory_space<vmem>>, vector<1x16xi32>,
          %get3A_1643 = vector.shape_cast %get3A_1642 : vector<1x16xi32> to vector<16xi32>
          %shift_left3A_1644 = arith.constant 16 : i32
          %shift_left3A_1645 = vector.broadcast %shift_left3A_1644 : i32 to vector<16xi32>
          %shift_left3A_1646 = arith.shli %get3A_1643, %shift_left3A_1645 : vector<16xi32>
          %bitcast_convert_type3A_1647 = tpu.bitcast %shift_left3A_1646 : vector<16xi32> -> vector<16xf32>
          %and3A_1648 = arith.constant -65536 : i32
          %and3A_1649 = vector.broadcast %and3A_1648 : i32 to vector<16xi32>
          %and3A_1650 = arith.andi %get3A_1643, %and3A_1649 : vector<16xi32>
          %bitcast_convert_type3A_1651 = tpu.bitcast %and3A_1650 : vector<16xi32> -> vector<16xf32>
          %mul3A_1652 = vector.broadcast %squeeze3A_1557 : f32 to vector<16xf32>
          %mul3A_1653 = arith.mulf %bitcast_convert_type3A_1647, %mul3A_1652 : vector<16xf32>
          %swap3A_1654 = arith.index_cast %add3A_1561 : i32 to index
          %swap3A_1655 = arith.constant 96 : index
          %swap3A_1656 = tpu.vector_load %arg12[%swap3A_1654, %swap3A_1655] {strides = array<i32>} : memref<128x128xf32, #tpu.memory_space<vmem>>, vector<1x16xf32>,
          %swap3A_1657 = vector.shape_cast %swap3A_1656 : vector<1x16xf32> to vector<16xf32>
          %swap3A_1658 = vector.shape_cast %mul3A_1653 : vector<16xf32> to vector<1x16xf32>
          tpu.vector_store %arg12[%swap3A_1654, %swap3A_1655], %swap3A_1658 {strides = array<i32>} : memref<128x128xf32, #tpu.memory_space<vmem>>, vector<1x16xf32>,
          %mul3A_1659 = vector.broadcast %squeeze3A_1557 : f32 to vector<16xf32>
          %mul3A_1660 = arith.mulf %bitcast_convert_type3A_1651, %mul3A_1659 : vector<16xf32>
          %swap3A_1661 = arith.index_cast %add3A_1561 : i32 to index
          %swap3A_1662 = arith.constant 112 : index
          %swap3A_1663 = tpu.vector_load %arg12[%swap3A_1661, %swap3A_1662] {strides = array<i32>} : memref<128x128xf32, #tpu.memory_space<vmem>>, vector<1x16xf32>,
          %swap3A_1664 = vector.shape_cast %swap3A_1663 : vector<1x16xf32> to vector<16xf32>
          %swap3A_1665 = vector.shape_cast %mul3A_1660 : vector<16xf32> to vector<1x16xf32>
          tpu.vector_store %arg12[%swap3A_1661, %swap3A_1662], %swap3A_1665 {strides = array<i32>} : memref<128x128xf32, #tpu.memory_space<vmem>>, vector<1x16xf32>,
          %slice3A_1666 = vector.extract_strided_slice %get3A_131 {offsets = [14], sizes = [1], strides = [1]} : vector<16xf32> to vector<1xf32>
          %squeeze3A_1667 = vector.extract %slice3A_1666[0] : f32 from vector<1xf32>
          %mul3A_1668 = arith.constant 16 : i32
          %mul3A_1669 = arith.muli %scan3A_126, %mul3A_1668 : i32
          %add3A_1670 = arith.constant 14 : i32
          %add3A_1671 = arith.addi %mul3A_1669, %add3A_1670 : i32
          %get3A_1672 = arith.index_cast %add3A_1671 : i32 to index
          %get3A_1673 = arith.constant 0 : index
          %get3A_1674 = tpu.vector_load %arg10[%get3A_1672, %get3A_1673] {strides = array<i32>} : memref<128x64xi32, #tpu.memory_space<vmem>>, vector<1x16xi32>,
          %get3A_1675 = vector.shape_cast %get3A_1674 : vector<1x16xi32> to vector<16xi32>
          %shift_left3A_1676 = arith.constant 16 : i32
          %shift_left3A_1677 = vector.broadcast %shift_left3A_1676 : i32 to vector<16xi32>
          %shift_left3A_1678 = arith.shli %get3A_1675, %shift_left3A_1677 : vector<16xi32>
          %bitcast_convert_type3A_1679 = tpu.bitcast %shift_left3A_1678 : vector<16xi32> -> vector<16xf32>
          %and3A_1680 = arith.constant -65536 : i32
          %and3A_1681 = vector.broadcast %and3A_1680 : i32 to vector<16xi32>
          %and3A_1682 = arith.andi %get3A_1675, %and3A_1681 : vector<16xi32>
          %bitcast_convert_type3A_1683 = tpu.bitcast %and3A_1682 : vector<16xi32> -> vector<16xf32>
          %mul3A_1684 = vector.broadcast %squeeze3A_1667 : f32 to vector<16xf32>
          %mul3A_1685 = arith.mulf %bitcast_convert_type3A_1679, %mul3A_1684 : vector<16xf32>
          %swap3A_1686 = arith.index_cast %add3A_1671 : i32 to index
          %swap3A_1687 = arith.constant 0 : index
          %swap3A_1688 = tpu.vector_load %arg12[%swap3A_1686, %swap3A_1687] {strides = array<i32>} : memref<128x128xf32, #tpu.memory_space<vmem>>, vector<1x16xf32>,
          %swap3A_1689 = vector.shape_cast %swap3A_1688 : vector<1x16xf32> to vector<16xf32>
          %swap3A_1690 = vector.shape_cast %mul3A_1685 : vector<16xf32> to vector<1x16xf32>
          tpu.vector_store %arg12[%swap3A_1686, %swap3A_1687], %swap3A_1690 {strides = array<i32>} : memref<128x128xf32, #tpu.memory_space<vmem>>, vector<1x16xf32>,
          %mul3A_1691 = vector.broadcast %squeeze3A_1667 : f32 to vector<16xf32>
          %mul3A_1692 = arith.mulf %bitcast_convert_type3A_1683, %mul3A_1691 : vector<16xf32>
          %swap3A_1693 = arith.index_cast %add3A_1671 : i32 to index
          %swap3A_1694 = arith.constant 16 : index
          %swap3A_1695 = tpu.vector_load %arg12[%swap3A_1693, %swap3A_1694] {strides = array<i32>} : memref<128x128xf32, #tpu.memory_space<vmem>>, vector<1x16xf32>,
          %swap3A_1696 = vector.shape_cast %swap3A_1695 : vector<1x16xf32> to vector<16xf32>
          %swap3A_1697 = vector.shape_cast %mul3A_1692 : vector<16xf32> to vector<1x16xf32>
          tpu.vector_store %arg12[%swap3A_1693, %swap3A_1694], %swap3A_1697 {strides = array<i32>} : memref<128x128xf32, #tpu.memory_space<vmem>>, vector<1x16xf32>,
          %get3A_1698 = arith.index_cast %add3A_1671 : i32 to index
          %get3A_1699 = arith.constant 16 : index
          %get3A_1700 = tpu.vector_load %arg10[%get3A_1698, %get3A_1699] {strides = array<i32>} : memref<128x64xi32, #tpu.memory_space<vmem>>, vector<1x16xi32>,
          %get3A_1701 = vector.shape_cast %get3A_1700 : vector<1x16xi32> to vector<16xi32>
          %shift_left3A_1702 = arith.constant 16 : i32
          %shift_left3A_1703 = vector.broadcast %shift_left3A_1702 : i32 to vector<16xi32>
          %shift_left3A_1704 = arith.shli %get3A_1701, %shift_left3A_1703 : vector<16xi32>
          %bitcast_convert_type3A_1705 = tpu.bitcast %shift_left3A_1704 : vector<16xi32> -> vector<16xf32>
          %and3A_1706 = arith.constant -65536 : i32
          %and3A_1707 = vector.broadcast %and3A_1706 : i32 to vector<16xi32>
          %and3A_1708 = arith.andi %get3A_1701, %and3A_1707 : vector<16xi32>
          %bitcast_convert_type3A_1709 = tpu.bitcast %and3A_1708 : vector<16xi32> -> vector<16xf32>
          %mul3A_1710 = vector.broadcast %squeeze3A_1667 : f32 to vector<16xf32>
          %mul3A_1711 = arith.mulf %bitcast_convert_type3A_1705, %mul3A_1710 : vector<16xf32>
          %swap3A_1712 = arith.index_cast %add3A_1671 : i32 to index
          %swap3A_1713 = arith.constant 32 : index
          %swap3A_1714 = tpu.vector_load %arg12[%swap3A_1712, %swap3A_1713] {strides = array<i32>} : memref<128x128xf32, #tpu.memory_space<vmem>>, vector<1x16xf32>,
          %swap3A_1715 = vector.shape_cast %swap3A_1714 : vector<1x16xf32> to vector<16xf32>
          %swap3A_1716 = vector.shape_cast %mul3A_1711 : vector<16xf32> to vector<1x16xf32>
          tpu.vector_store %arg12[%swap3A_1712, %swap3A_1713], %swap3A_1716 {strides = array<i32>} : memref<128x128xf32, #tpu.memory_space<vmem>>, vector<1x16xf32>,
          %mul3A_1717 = vector.broadcast %squeeze3A_1667 : f32 to vector<16xf32>
          %mul3A_1718 = arith.mulf %bitcast_convert_type3A_1709, %mul3A_1717 : vector<16xf32>
          %swap3A_1719 = arith.index_cast %add3A_1671 : i32 to index
          %swap3A_1720 = arith.constant 48 : index
          %swap3A_1721 = tpu.vector_load %arg12[%swap3A_1719, %swap3A_1720] {strides = array<i32>} : memref<128x128xf32, #tpu.memory_space<vmem>>, vector<1x16xf32>,
          %swap3A_1722 = vector.shape_cast %swap3A_1721 : vector<1x16xf32> to vector<16xf32>
          %swap3A_1723 = vector.shape_cast %mul3A_1718 : vector<16xf32> to vector<1x16xf32>
          tpu.vector_store %arg12[%swap3A_1719, %swap3A_1720], %swap3A_1723 {strides = array<i32>} : memref<128x128xf32, #tpu.memory_space<vmem>>, vector<1x16xf32>,
          %get3A_1724 = arith.index_cast %add3A_1671 : i32 to index
          %get3A_1725 = arith.constant 32 : index
          %get3A_1726 = tpu.vector_load %arg10[%get3A_1724, %get3A_1725] {strides = array<i32>} : memref<128x64xi32, #tpu.memory_space<vmem>>, vector<1x16xi32>,
          %get3A_1727 = vector.shape_cast %get3A_1726 : vector<1x16xi32> to vector<16xi32>
          %shift_left3A_1728 = arith.constant 16 : i32
          %shift_left3A_1729 = vector.broadcast %shift_left3A_1728 : i32 to vector<16xi32>
          %shift_left3A_1730 = arith.shli %get3A_1727, %shift_left3A_1729 : vector<16xi32>
          %bitcast_convert_type3A_1731 = tpu.bitcast %shift_left3A_1730 : vector<16xi32> -> vector<16xf32>
          %and3A_1732 = arith.constant -65536 : i32
          %and3A_1733 = vector.broadcast %and3A_1732 : i32 to vector<16xi32>
          %and3A_1734 = arith.andi %get3A_1727, %and3A_1733 : vector<16xi32>
          %bitcast_convert_type3A_1735 = tpu.bitcast %and3A_1734 : vector<16xi32> -> vector<16xf32>
          %mul3A_1736 = vector.broadcast %squeeze3A_1667 : f32 to vector<16xf32>
          %mul3A_1737 = arith.mulf %bitcast_convert_type3A_1731, %mul3A_1736 : vector<16xf32>
          %swap3A_1738 = arith.index_cast %add3A_1671 : i32 to index
          %swap3A_1739 = arith.constant 64 : index
          %swap3A_1740 = tpu.vector_load %arg12[%swap3A_1738, %swap3A_1739] {strides = array<i32>} : memref<128x128xf32, #tpu.memory_space<vmem>>, vector<1x16xf32>,
          %swap3A_1741 = vector.shape_cast %swap3A_1740 : vector<1x16xf32> to vector<16xf32>
          %swap3A_1742 = vector.shape_cast %mul3A_1737 : vector<16xf32> to vector<1x16xf32>
          tpu.vector_store %arg12[%swap3A_1738, %swap3A_1739], %swap3A_1742 {strides = array<i32>} : memref<128x128xf32, #tpu.memory_space<vmem>>, vector<1x16xf32>,
          %mul3A_1743 = vector.broadcast %squeeze3A_1667 : f32 to vector<16xf32>
          %mul3A_1744 = arith.mulf %bitcast_convert_type3A_1735, %mul3A_1743 : vector<16xf32>
          %swap3A_1745 = arith.index_cast %add3A_1671 : i32 to index
          %swap3A_1746 = arith.constant 80 : index
          %swap3A_1747 = tpu.vector_load %arg12[%swap3A_1745, %swap3A_1746] {strides = array<i32>} : memref<128x128xf32, #tpu.memory_space<vmem>>, vector<1x16xf32>,
          %swap3A_1748 = vector.shape_cast %swap3A_1747 : vector<1x16xf32> to vector<16xf32>
          %swap3A_1749 = vector.shape_cast %mul3A_1744 : vector<16xf32> to vector<1x16xf32>
          tpu.vector_store %arg12[%swap3A_1745, %swap3A_1746], %swap3A_1749 {strides = array<i32>} : memref<128x128xf32, #tpu.memory_space<vmem>>, vector<1x16xf32>,
          %get3A_1750 = arith.index_cast %add3A_1671 : i32 to index
          %get3A_1751 = arith.constant 48 : index
          %get3A_1752 = tpu.vector_load %arg10[%get3A_1750, %get3A_1751] {strides = array<i32>} : memref<128x64xi32, #tpu.memory_space<vmem>>, vector<1x16xi32>,
          %get3A_1753 = vector.shape_cast %get3A_1752 : vector<1x16xi32> to vector<16xi32>
          %shift_left3A_1754 = arith.constant 16 : i32
          %shift_left3A_1755 = vector.broadcast %shift_left3A_1754 : i32 to vector<16xi32>
          %shift_left3A_1756 = arith.shli %get3A_1753, %shift_left3A_1755 : vector<16xi32>
          %bitcast_convert_type3A_1757 = tpu.bitcast %shift_left3A_1756 : vector<16xi32> -> vector<16xf32>
          %and3A_1758 = arith.constant -65536 : i32
          %and3A_1759 = vector.broadcast %and3A_1758 : i32 to vector<16xi32>
          %and3A_1760 = arith.andi %get3A_1753, %and3A_1759 : vector<16xi32>
          %bitcast_convert_type3A_1761 = tpu.bitcast %and3A_1760 : vector<16xi32> -> vector<16xf32>
          %mul3A_1762 = vector.broadcast %squeeze3A_1667 : f32 to vector<16xf32>
          %mul3A_1763 = arith.mulf %bitcast_convert_type3A_1757, %mul3A_1762 : vector<16xf32>
          %swap3A_1764 = arith.index_cast %add3A_1671 : i32 to index
          %swap3A_1765 = arith.constant 96 : index
          %swap3A_1766 = tpu.vector_load %arg12[%swap3A_1764, %swap3A_1765] {strides = array<i32>} : memref<128x128xf32, #tpu.memory_space<vmem>>, vector<1x16xf32>,
          %swap3A_1767 = vector.shape_cast %swap3A_1766 : vector<1x16xf32> to vector<16xf32>
          %swap3A_1768 = vector.shape_cast %mul3A_1763 : vector<16xf32> to vector<1x16xf32>
          tpu.vector_store %arg12[%swap3A_1764, %swap3A_1765], %swap3A_1768 {strides = array<i32>} : memref<128x128xf32, #tpu.memory_space<vmem>>, vector<1x16xf32>,
          %mul3A_1769 = vector.broadcast %squeeze3A_1667 : f32 to vector<16xf32>
          %mul3A_1770 = arith.mulf %bitcast_convert_type3A_1761, %mul3A_1769 : vector<16xf32>
          %swap3A_1771 = arith.index_cast %add3A_1671 : i32 to index
          %swap3A_1772 = arith.constant 112 : index
          %swap3A_1773 = tpu.vector_load %arg12[%swap3A_1771, %swap3A_1772] {strides = array<i32>} : memref<128x128xf32, #tpu.memory_space<vmem>>, vector<1x16xf32>,
          %swap3A_1774 = vector.shape_cast %swap3A_1773 : vector<1x16xf32> to vector<16xf32>
          %swap3A_1775 = vector.shape_cast %mul3A_1770 : vector<16xf32> to vector<1x16xf32>
          tpu.vector_store %arg12[%swap3A_1771, %swap3A_1772], %swap3A_1775 {strides = array<i32>} : memref<128x128xf32, #tpu.memory_space<vmem>>, vector<1x16xf32>,
          %slice3A_1776 = vector.extract_strided_slice %get3A_131 {offsets = [15], sizes = [1], strides = [1]} : vector<16xf32> to vector<1xf32>
          %squeeze3A_1777 = vector.extract %slice3A_1776[0] : f32 from vector<1xf32>
          %mul3A_1778 = arith.constant 16 : i32
          %mul3A_1779 = arith.muli %scan3A_126, %mul3A_1778 : i32
          %add3A_1780 = arith.constant 15 : i32
          %add3A_1781 = arith.addi %mul3A_1779, %add3A_1780 : i32
          %get3A_1782 = arith.index_cast %add3A_1781 : i32 to index
          %get3A_1783 = arith.constant 0 : index
          %get3A_1784 = tpu.vector_load %arg10[%get3A_1782, %get3A_1783] {strides = array<i32>} : memref<128x64xi32, #tpu.memory_space<vmem>>, vector<1x16xi32>,
          %get3A_1785 = vector.shape_cast %get3A_1784 : vector<1x16xi32> to vector<16xi32>
          %shift_left3A_1786 = arith.constant 16 : i32
          %shift_left3A_1787 = vector.broadcast %shift_left3A_1786 : i32 to vector<16xi32>
          %shift_left3A_1788 = arith.shli %get3A_1785, %shift_left3A_1787 : vector<16xi32>
          %bitcast_convert_type3A_1789 = tpu.bitcast %shift_left3A_1788 : vector<16xi32> -> vector<16xf32>
          %and3A_1790 = arith.constant -65536 : i32
          %and3A_1791 = vector.broadcast %and3A_1790 : i32 to vector<16xi32>
          %and3A_1792 = arith.andi %get3A_1785, %and3A_1791 : vector<16xi32>
          %bitcast_convert_type3A_1793 = tpu.bitcast %and3A_1792 : vector<16xi32> -> vector<16xf32>
          %mul3A_1794 = vector.broadcast %squeeze3A_1777 : f32 to vector<16xf32>
          %mul3A_1795 = arith.mulf %bitcast_convert_type3A_1789, %mul3A_1794 : vector<16xf32>
          %swap3A_1796 = arith.index_cast %add3A_1781 : i32 to index
          %swap3A_1797 = arith.constant 0 : index
          %swap3A_1798 = tpu.vector_load %arg12[%swap3A_1796, %swap3A_1797] {strides = array<i32>} : memref<128x128xf32, #tpu.memory_space<vmem>>, vector<1x16xf32>,
          %swap3A_1799 = vector.shape_cast %swap3A_1798 : vector<1x16xf32> to vector<16xf32>
          %swap3A_1800 = vector.shape_cast %mul3A_1795 : vector<16xf32> to vector<1x16xf32>
          tpu.vector_store %arg12[%swap3A_1796, %swap3A_1797], %swap3A_1800 {strides = array<i32>} : memref<128x128xf32, #tpu.memory_space<vmem>>, vector<1x16xf32>,
          %mul3A_1801 = vector.broadcast %squeeze3A_1777 : f32 to vector<16xf32>
          %mul3A_1802 = arith.mulf %bitcast_convert_type3A_1793, %mul3A_1801 : vector<16xf32>
          %swap3A_1803 = arith.index_cast %add3A_1781 : i32 to index
          %swap3A_1804 = arith.constant 16 : index
          %swap3A_1805 = tpu.vector_load %arg12[%swap3A_1803, %swap3A_1804] {strides = array<i32>} : memref<128x128xf32, #tpu.memory_space<vmem>>, vector<1x16xf32>,
          %swap3A_1806 = vector.shape_cast %swap3A_1805 : vector<1x16xf32> to vector<16xf32>
          %swap3A_1807 = vector.shape_cast %mul3A_1802 : vector<16xf32> to vector<1x16xf32>
          tpu.vector_store %arg12[%swap3A_1803, %swap3A_1804], %swap3A_1807 {strides = array<i32>} : memref<128x128xf32, #tpu.memory_space<vmem>>, vector<1x16xf32>,
          %get3A_1808 = arith.index_cast %add3A_1781 : i32 to index
          %get3A_1809 = arith.constant 16 : index
          %get3A_1810 = tpu.vector_load %arg10[%get3A_1808, %get3A_1809] {strides = array<i32>} : memref<128x64xi32, #tpu.memory_space<vmem>>, vector<1x16xi32>,
          %get3A_1811 = vector.shape_cast %get3A_1810 : vector<1x16xi32> to vector<16xi32>
          %shift_left3A_1812 = arith.constant 16 : i32
          %shift_left3A_1813 = vector.broadcast %shift_left3A_1812 : i32 to vector<16xi32>
          %shift_left3A_1814 = arith.shli %get3A_1811, %shift_left3A_1813 : vector<16xi32>
          %bitcast_convert_type3A_1815 = tpu.bitcast %shift_left3A_1814 : vector<16xi32> -> vector<16xf32>
          %and3A_1816 = arith.constant -65536 : i32
          %and3A_1817 = vector.broadcast %and3A_1816 : i32 to vector<16xi32>
          %and3A_1818 = arith.andi %get3A_1811, %and3A_1817 : vector<16xi32>
          %bitcast_convert_type3A_1819 = tpu.bitcast %and3A_1818 : vector<16xi32> -> vector<16xf32>
          %mul3A_1820 = vector.broadcast %squeeze3A_1777 : f32 to vector<16xf32>
          %mul3A_1821 = arith.mulf %bitcast_convert_type3A_1815, %mul3A_1820 : vector<16xf32>
          %swap3A_1822 = arith.index_cast %add3A_1781 : i32 to index
          %swap3A_1823 = arith.constant 32 : index
          %swap3A_1824 = tpu.vector_load %arg12[%swap3A_1822, %swap3A_1823] {strides = array<i32>} : memref<128x128xf32, #tpu.memory_space<vmem>>, vector<1x16xf32>,
          %swap3A_1825 = vector.shape_cast %swap3A_1824 : vector<1x16xf32> to vector<16xf32>
          %swap3A_1826 = vector.shape_cast %mul3A_1821 : vector<16xf32> to vector<1x16xf32>
          tpu.vector_store %arg12[%swap3A_1822, %swap3A_1823], %swap3A_1826 {strides = array<i32>} : memref<128x128xf32, #tpu.memory_space<vmem>>, vector<1x16xf32>,
          %mul3A_1827 = vector.broadcast %squeeze3A_1777 : f32 to vector<16xf32>
          %mul3A_1828 = arith.mulf %bitcast_convert_type3A_1819, %mul3A_1827 : vector<16xf32>
          %swap3A_1829 = arith.index_cast %add3A_1781 : i32 to index
          %swap3A_1830 = arith.constant 48 : index
          %swap3A_1831 = tpu.vector_load %arg12[%swap3A_1829, %swap3A_1830] {strides = array<i32>} : memref<128x128xf32, #tpu.memory_space<vmem>>, vector<1x16xf32>,
          %swap3A_1832 = vector.shape_cast %swap3A_1831 : vector<1x16xf32> to vector<16xf32>
          %swap3A_1833 = vector.shape_cast %mul3A_1828 : vector<16xf32> to vector<1x16xf32>
          tpu.vector_store %arg12[%swap3A_1829, %swap3A_1830], %swap3A_1833 {strides = array<i32>} : memref<128x128xf32, #tpu.memory_space<vmem>>, vector<1x16xf32>,
          %get3A_1834 = arith.index_cast %add3A_1781 : i32 to index
          %get3A_1835 = arith.constant 32 : index
          %get3A_1836 = tpu.vector_load %arg10[%get3A_1834, %get3A_1835] {strides = array<i32>} : memref<128x64xi32, #tpu.memory_space<vmem>>, vector<1x16xi32>,
          %get3A_1837 = vector.shape_cast %get3A_1836 : vector<1x16xi32> to vector<16xi32>
          %shift_left3A_1838 = arith.constant 16 : i32
          %shift_left3A_1839 = vector.broadcast %shift_left3A_1838 : i32 to vector<16xi32>
          %shift_left3A_1840 = arith.shli %get3A_1837, %shift_left3A_1839 : vector<16xi32>
          %bitcast_convert_type3A_1841 = tpu.bitcast %shift_left3A_1840 : vector<16xi32> -> vector<16xf32>
          %and3A_1842 = arith.constant -65536 : i32
          %and3A_1843 = vector.broadcast %and3A_1842 : i32 to vector<16xi32>
          %and3A_1844 = arith.andi %get3A_1837, %and3A_1843 : vector<16xi32>
          %bitcast_convert_type3A_1845 = tpu.bitcast %and3A_1844 : vector<16xi32> -> vector<16xf32>
          %mul3A_1846 = vector.broadcast %squeeze3A_1777 : f32 to vector<16xf32>
          %mul3A_1847 = arith.mulf %bitcast_convert_type3A_1841, %mul3A_1846 : vector<16xf32>
          %swap3A_1848 = arith.index_cast %add3A_1781 : i32 to index
          %swap3A_1849 = arith.constant 64 : index
          %swap3A_1850 = tpu.vector_load %arg12[%swap3A_1848, %swap3A_1849] {strides = array<i32>} : memref<128x128xf32, #tpu.memory_space<vmem>>, vector<1x16xf32>,
          %swap3A_1851 = vector.shape_cast %swap3A_1850 : vector<1x16xf32> to vector<16xf32>
          %swap3A_1852 = vector.shape_cast %mul3A_1847 : vector<16xf32> to vector<1x16xf32>
          tpu.vector_store %arg12[%swap3A_1848, %swap3A_1849], %swap3A_1852 {strides = array<i32>} : memref<128x128xf32, #tpu.memory_space<vmem>>, vector<1x16xf32>,
          %mul3A_1853 = vector.broadcast %squeeze3A_1777 : f32 to vector<16xf32>
          %mul3A_1854 = arith.mulf %bitcast_convert_type3A_1845, %mul3A_1853 : vector<16xf32>
          %swap3A_1855 = arith.index_cast %add3A_1781 : i32 to index
          %swap3A_1856 = arith.constant 80 : index
          %swap3A_1857 = tpu.vector_load %arg12[%swap3A_1855, %swap3A_1856] {strides = array<i32>} : memref<128x128xf32, #tpu.memory_space<vmem>>, vector<1x16xf32>,
          %swap3A_1858 = vector.shape_cast %swap3A_1857 : vector<1x16xf32> to vector<16xf32>
          %swap3A_1859 = vector.shape_cast %mul3A_1854 : vector<16xf32> to vector<1x16xf32>
          tpu.vector_store %arg12[%swap3A_1855, %swap3A_1856], %swap3A_1859 {strides = array<i32>} : memref<128x128xf32, #tpu.memory_space<vmem>>, vector<1x16xf32>,
          %get3A_1860 = arith.index_cast %add3A_1781 : i32 to index
          %get3A_1861 = arith.constant 48 : index
          %get3A_1862 = tpu.vector_load %arg10[%get3A_1860, %get3A_1861] {strides = array<i32>} : memref<128x64xi32, #tpu.memory_space<vmem>>, vector<1x16xi32>,
          %get3A_1863 = vector.shape_cast %get3A_1862 : vector<1x16xi32> to vector<16xi32>
          %shift_left3A_1864 = arith.constant 16 : i32
          %shift_left3A_1865 = vector.broadcast %shift_left3A_1864 : i32 to vector<16xi32>
          %shift_left3A_1866 = arith.shli %get3A_1863, %shift_left3A_1865 : vector<16xi32>
          %bitcast_convert_type3A_1867 = tpu.bitcast %shift_left3A_1866 : vector<16xi32> -> vector<16xf32>
          %and3A_1868 = arith.constant -65536 : i32
          %and3A_1869 = vector.broadcast %and3A_1868 : i32 to vector<16xi32>
          %and3A_1870 = arith.andi %get3A_1863, %and3A_1869 : vector<16xi32>
          %bitcast_convert_type3A_1871 = tpu.bitcast %and3A_1870 : vector<16xi32> -> vector<16xf32>
          %mul3A_1872 = vector.broadcast %squeeze3A_1777 : f32 to vector<16xf32>
          %mul3A_1873 = arith.mulf %bitcast_convert_type3A_1867, %mul3A_1872 : vector<16xf32>
          %swap3A_1874 = arith.index_cast %add3A_1781 : i32 to index
          %swap3A_1875 = arith.constant 96 : index
          %swap3A_1876 = tpu.vector_load %arg12[%swap3A_1874, %swap3A_1875] {strides = array<i32>} : memref<128x128xf32, #tpu.memory_space<vmem>>, vector<1x16xf32>,
          %swap3A_1877 = vector.shape_cast %swap3A_1876 : vector<1x16xf32> to vector<16xf32>
          %swap3A_1878 = vector.shape_cast %mul3A_1873 : vector<16xf32> to vector<1x16xf32>
          tpu.vector_store %arg12[%swap3A_1874, %swap3A_1875], %swap3A_1878 {strides = array<i32>} : memref<128x128xf32, #tpu.memory_space<vmem>>, vector<1x16xf32>,
          %mul3A_1879 = vector.broadcast %squeeze3A_1777 : f32 to vector<16xf32>
          %mul3A_1880 = arith.mulf %bitcast_convert_type3A_1871, %mul3A_1879 : vector<16xf32>
          %swap3A_1881 = arith.index_cast %add3A_1781 : i32 to index
          %swap3A_1882 = arith.constant 112 : index
          %swap3A_1883 = tpu.vector_load %arg12[%swap3A_1881, %swap3A_1882] {strides = array<i32>} : memref<128x128xf32, #tpu.memory_space<vmem>>, vector<1x16xf32>,
          %swap3A_1884 = vector.shape_cast %swap3A_1883 : vector<1x16xf32> to vector<16xf32>
          %swap3A_1885 = vector.shape_cast %mul3A_1880 : vector<16xf32> to vector<1x16xf32>
          tpu.vector_store %arg12[%swap3A_1881, %swap3A_1882], %swap3A_1885 {strides = array<i32>} : memref<128x128xf32, #tpu.memory_space<vmem>>, vector<1x16xf32>,
        }
        %scan3A_100 = arith.constant 8 : i32
        "tpu.region"() ({
          %run_scoped3A = tpu.sem_alloc : memref<!tpu.dma_semaphore, #tpu.memory_space<semaphore_mem>>
          %dma_start3A_126 = arith.constant 0 : i32
          %dma_start3A_127 = tpu.memref_slice %arg8[%add3A_89, %dma_start3A_126] : memref<16x128xi32, #tpu.memory_space<vmem>> -> memref<1x128xi32, #tpu.memory_space<vmem>>
          %dma_start3A_128 = tpu.memref_squeeze %dma_start3A_127 : memref<1x128xi32, #tpu.memory_space<vmem>> -> memref<128xi32, #tpu.memory_space<vmem>>
          %dma_start3A_129 = arith.constant 0 : i32
          %dma_start3A_130 = arith.constant 0 : i32
          %dma_start3A_131 = tpu.memref_slice %arg13[%dma_start3A_129, %dma_start3A_130] : memref<10240x128xf32, #tpu.memory_space<vmem_shared>> -> memref<10240x128xf32, #tpu.memory_space<vmem_shared>>
          tpu.enqueue_indirect_dma source(%arg12 : memref<128x128xf32, #tpu.memory_space<vmem>>) target(%dma_start3A_131 : memref<10240x128xf32, #tpu.memory_space<vmem_shared>>) offsets(%dma_start3A_128 : memref<128xi32, #tpu.memory_space<vmem>>) semaphore(%run_scoped3A : memref<!tpu.dma_semaphore, #tpu.memory_space<semaphore_mem>>) {add = true}
          %dma_wait3A_132 = arith.constant 0 : i32
          %dma_wait3A_133 = tpu.memref_slice %arg8[%add3A_89, %dma_wait3A_132] : memref<16x128xi32, #tpu.memory_space<vmem>> -> memref<1x128xi32, #tpu.memory_space<vmem>>
          %dma_wait3A_134 = tpu.memref_squeeze %dma_wait3A_133 : memref<1x128xi32, #tpu.memory_space<vmem>> -> memref<128xi32, #tpu.memory_space<vmem>>
          %dma_wait3A_135 = arith.constant 0 : i32
          %dma_wait3A_136 = arith.constant 0 : i32
          %dma_wait3A_137 = tpu.memref_slice %arg13[%dma_wait3A_135, %dma_wait3A_136] : memref<10240x128xf32, #tpu.memory_space<vmem_shared>> -> memref<10240x128xf32, #tpu.memory_space<vmem_shared>>
          tpu.wait_indirect_dma semaphore(%run_scoped3A : memref<!tpu.dma_semaphore, #tpu.memory_space<semaphore_mem>>) src(%arg12 : memref<128x128xf32, #tpu.memory_space<vmem>>) dst(%dma_wait3A_137 : memref<10240x128xf32, #tpu.memory_space<vmem_shared>>)
          tpu.yield
        }) : () -> ()
        %add3A_101 = arith.constant 2 : i32
        %add3A_102 = arith.addi %add3A_89, %add3A_101 : i32
        %lt3A = arith.constant 16 : i32
        %lt3A_103 = arith.cmpi slt, %add3A_102, %lt3A : i32
        %convert_element_type3A = arith.extui %lt3A_103 : i1 to i32
        %cond3A = arith.constant 0 : i32
        %cond3A_104 = arith.cmpi ne, %convert_element_type3A, %cond3A : i32
        scf.if %cond3A_104 {
          %add3A_126 = arith.constant 2 : i32
          %add3A_127 = arith.addi %add3A_89, %add3A_126 : i32
          %dma_start3A_128 = arith.constant 0 : i32
          %dma_start3A_129 = arith.constant 0 : i32
          %dma_start3A_130 = tpu.memref_slice %arg10[%dma_start3A_128, %dma_start3A_129] : memref<128x64xi32, #tpu.memory_space<vmem>> -> memref<64x64xi32, #tpu.memory_space<vmem>>
          %dma_start3A_131 = arith.constant 0 : i32
          %dma_start3A_132 = tpu.memref_slice %arg7[%add3A_127, %dma_start3A_131] : memref<16x128xi32, #tpu.memory_space<vmem>> -> memref<1x64xi32, #tpu.memory_space<vmem>>
          %dma_start3A_133 = tpu.memref_squeeze %dma_start3A_132 : memref<1x64xi32, #tpu.memory_space<vmem>> -> memref<64xi32, #tpu.memory_space<vmem>>
          %dma_start3A_134 = arith.constant 0 : i32
          %dma_start3A_135 = arith.constant 0 : i32
          %dma_start3A_136 = tpu.memref_slice %arg2[%dma_start3A_134, %dma_start3A_135] : memref<10000x64xi32, #tpu.memory_space<hbm>> -> memref<10000x64xi32, #tpu.memory_space<hbm>>
          tpu.enqueue_indirect_dma source(%dma_start3A_136 : memref<10000x64xi32, #tpu.memory_space<hbm>>) target(%dma_start3A_130 : memref<64x64xi32, #tpu.memory_space<vmem>>) offsets(%dma_start3A_133 : memref<64xi32, #tpu.memory_space<vmem>>) semaphore(%arg14 : memref<!tpu.dma_semaphore, #tpu.memory_space<semaphore_mem>>)
          %dma_start3A_137 = arith.constant 64 : i32
          %dma_start3A_138 = arith.constant 0 : i32
          %dma_start3A_139 = tpu.memref_slice %arg10[%dma_start3A_137, %dma_start3A_138] : memref<128x64xi32, #tpu.memory_space<vmem>> -> memref<64x64xi32, #tpu.memory_space<vmem>>
          %dma_start3A_140 = arith.constant 64 : i32
          %dma_start3A_141 = tpu.memref_slice %arg7[%add3A_127, %dma_start3A_140] : memref<16x128xi32, #tpu.memory_space<vmem>> -> memref<1x64xi32, #tpu.memory_space<vmem>>
          %dma_start3A_142 = tpu.memref_squeeze %dma_start3A_141 : memref<1x64xi32, #tpu.memory_space<vmem>> -> memref<64xi32, #tpu.memory_space<vmem>>
          %dma_start3A_143 = arith.constant 0 : i32
          %dma_start3A_144 = arith.constant 0 : i32
          %dma_start3A_145 = tpu.memref_slice %arg2[%dma_start3A_143, %dma_start3A_144] : memref<10000x64xi32, #tpu.memory_space<hbm>> -> memref<10000x64xi32, #tpu.memory_space<hbm>>
          tpu.enqueue_indirect_dma source(%dma_start3A_145 : memref<10000x64xi32, #tpu.memory_space<hbm>>) target(%dma_start3A_139 : memref<64x64xi32, #tpu.memory_space<vmem>>) offsets(%dma_start3A_142 : memref<64xi32, #tpu.memory_space<vmem>>) semaphore(%arg14 : memref<!tpu.dma_semaphore, #tpu.memory_space<semaphore_mem>>)
        } else {
        }
        %add3A_105 = arith.constant 1 : i32
        %add3A_106 = arith.addi %mul3A_87, %add3A_105 : i32
        %dma_wait3A_107 = arith.constant 0 : i32
        %dma_wait3A_108 = tpu.memref_slice %arg7[%add3A_106, %dma_wait3A_107] : memref<16x128xi32, #tpu.memory_space<vmem>> -> memref<1x128xi32, #tpu.memory_space<vmem>>
        %dma_wait3A_109 = tpu.memref_squeeze %dma_wait3A_108 : memref<1x128xi32, #tpu.memory_space<vmem>> -> memref<128xi32, #tpu.memory_space<vmem>>
        %dma_wait3A_110 = arith.constant 0 : i32
        %dma_wait3A_111 = arith.constant 0 : i32
        %dma_wait3A_112 = tpu.memref_slice %arg2[%dma_wait3A_110, %dma_wait3A_111] : memref<10000x64xi32, #tpu.memory_space<hbm>> -> memref<10000x64xi32, #tpu.memory_space<hbm>>
        tpu.wait_indirect_dma semaphore(%arg15 : memref<!tpu.dma_semaphore, #tpu.memory_space<semaphore_mem>>) src(%dma_wait3A_112 : memref<10000x64xi32, #tpu.memory_space<hbm>>) dst(%arg11 : memref<128x64xi32, #tpu.memory_space<vmem>>)
        %scan3A_113 = arith.constant 0 : i32
        %scan3A_114 = arith.constant 0 : i32
        %scan3A_115 = arith.constant 8 : i32
        %scan3A_116 = arith.addi %scan3A_114, %scan3A_115 : i32
        %scan3A_117 = arith.constant 1 : i32
        scf.for %scan3A_126 = %scan3A_114 to %scan3A_116 step %scan3A_117  : i32 {
          %mul3A_127 = arith.constant 16 : i32
          %mul3A_128 = arith.muli %scan3A_126, %mul3A_127 : i32
          %get3A = arith.index_cast %add3A_106 : i32 to index
          %get3A_129 = arith.index_cast %mul3A_128 : i32 to index
          %get3A_130 = tpu.vector_load %arg9[%get3A, %get3A_129] {strides = array<i32>} : memref<16x128xf32, #tpu.memory_space<vmem>>, vector<1x16xf32>,
          %get3A_131 = vector.shape_cast %get3A_130 : vector<1x16xf32> to vector<16xf32>
          %slice3A = vector.extract_strided_slice %get3A_131 {offsets = [0], sizes = [1], strides = [1]} : vector<16xf32> to vector<1xf32>
          %squeeze3A = vector.extract %slice3A[0] : f32 from vector<1xf32>
          %mul3A_132 = arith.constant 16 : i32
          %mul3A_133 = arith.muli %scan3A_126, %mul3A_132 : i32
          %add3A_134 = arith.constant 0 : i32
          %add3A_135 = arith.addi %mul3A_133, %add3A_134 : i32
          %get3A_136 = arith.index_cast %add3A_135 : i32 to index
          %get3A_137 = arith.constant 0 : index
          %get3A_138 = tpu.vector_load %arg11[%get3A_136, %get3A_137] {strides = array<i32>} : memref<128x64xi32, #tpu.memory_space<vmem>>, vector<1x16xi32>,
          %get3A_139 = vector.shape_cast %get3A_138 : vector<1x16xi32> to vector<16xi32>
          %shift_left3A = arith.constant 16 : i32
          %shift_left3A_140 = vector.broadcast %shift_left3A : i32 to vector<16xi32>
          %shift_left3A_141 = arith.shli %get3A_139, %shift_left3A_140 : vector<16xi32>
          %bitcast_convert_type3A = tpu.bitcast %shift_left3A_141 : vector<16xi32> -> vector<16xf32>
          %and3A = arith.constant -65536 : i32
          %and3A_142 = vector.broadcast %and3A : i32 to vector<16xi32>
          %and3A_143 = arith.andi %get3A_139, %and3A_142 : vector<16xi32>
          %bitcast_convert_type3A_144 = tpu.bitcast %and3A_143 : vector<16xi32> -> vector<16xf32>
          %mul3A_145 = vector.broadcast %squeeze3A : f32 to vector<16xf32>
          %mul3A_146 = arith.mulf %bitcast_convert_type3A, %mul3A_145 : vector<16xf32>
          %swap3A = arith.index_cast %add3A_135 : i32 to index
          %swap3A_147 = arith.constant 0 : index
          %swap3A_148 = tpu.vector_load %arg12[%swap3A, %swap3A_147] {strides = array<i32>} : memref<128x128xf32, #tpu.memory_space<vmem>>, vector<1x16xf32>,
          %swap3A_149 = vector.shape_cast %swap3A_148 : vector<1x16xf32> to vector<16xf32>
          %swap3A_150 = vector.shape_cast %mul3A_146 : vector<16xf32> to vector<1x16xf32>
          tpu.vector_store %arg12[%swap3A, %swap3A_147], %swap3A_150 {strides = array<i32>} : memref<128x128xf32, #tpu.memory_space<vmem>>, vector<1x16xf32>,
          %mul3A_151 = vector.broadcast %squeeze3A : f32 to vector<16xf32>
          %mul3A_152 = arith.mulf %bitcast_convert_type3A_144, %mul3A_151 : vector<16xf32>
          %swap3A_153 = arith.index_cast %add3A_135 : i32 to index
          %swap3A_154 = arith.constant 16 : index
          %swap3A_155 = tpu.vector_load %arg12[%swap3A_153, %swap3A_154] {strides = array<i32>} : memref<128x128xf32, #tpu.memory_space<vmem>>, vector<1x16xf32>,
          %swap3A_156 = vector.shape_cast %swap3A_155 : vector<1x16xf32> to vector<16xf32>
          %swap3A_157 = vector.shape_cast %mul3A_152 : vector<16xf32> to vector<1x16xf32>
          tpu.vector_store %arg12[%swap3A_153, %swap3A_154], %swap3A_157 {strides = array<i32>} : memref<128x128xf32, #tpu.memory_space<vmem>>, vector<1x16xf32>,
          %get3A_158 = arith.index_cast %add3A_135 : i32 to index
          %get3A_159 = arith.constant 16 : index
          %get3A_160 = tpu.vector_load %arg11[%get3A_158, %get3A_159] {strides = array<i32>} : memref<128x64xi32, #tpu.memory_space<vmem>>, vector<1x16xi32>,
          %get3A_161 = vector.shape_cast %get3A_160 : vector<1x16xi32> to vector<16xi32>
          %shift_left3A_162 = arith.constant 16 : i32
          %shift_left3A_163 = vector.broadcast %shift_left3A_162 : i32 to vector<16xi32>
          %shift_left3A_164 = arith.shli %get3A_161, %shift_left3A_163 : vector<16xi32>
          %bitcast_convert_type3A_165 = tpu.bitcast %shift_left3A_164 : vector<16xi32> -> vector<16xf32>
          %and3A_166 = arith.constant -65536 : i32
          %and3A_167 = vector.broadcast %and3A_166 : i32 to vector<16xi32>
          %and3A_168 = arith.andi %get3A_161, %and3A_167 : vector<16xi32>
          %bitcast_convert_type3A_169 = tpu.bitcast %and3A_168 : vector<16xi32> -> vector<16xf32>
          %mul3A_170 = vector.broadcast %squeeze3A : f32 to vector<16xf32>
          %mul3A_171 = arith.mulf %bitcast_convert_type3A_165, %mul3A_170 : vector<16xf32>
          %swap3A_172 = arith.index_cast %add3A_135 : i32 to index
          %swap3A_173 = arith.constant 32 : index
          %swap3A_174 = tpu.vector_load %arg12[%swap3A_172, %swap3A_173] {strides = array<i32>} : memref<128x128xf32, #tpu.memory_space<vmem>>, vector<1x16xf32>,
          %swap3A_175 = vector.shape_cast %swap3A_174 : vector<1x16xf32> to vector<16xf32>
          %swap3A_176 = vector.shape_cast %mul3A_171 : vector<16xf32> to vector<1x16xf32>
          tpu.vector_store %arg12[%swap3A_172, %swap3A_173], %swap3A_176 {strides = array<i32>} : memref<128x128xf32, #tpu.memory_space<vmem>>, vector<1x16xf32>,
          %mul3A_177 = vector.broadcast %squeeze3A : f32 to vector<16xf32>
          %mul3A_178 = arith.mulf %bitcast_convert_type3A_169, %mul3A_177 : vector<16xf32>
          %swap3A_179 = arith.index_cast %add3A_135 : i32 to index
          %swap3A_180 = arith.constant 48 : index
          %swap3A_181 = tpu.vector_load %arg12[%swap3A_179, %swap3A_180] {strides = array<i32>} : memref<128x128xf32, #tpu.memory_space<vmem>>, vector<1x16xf32>,
          %swap3A_182 = vector.shape_cast %swap3A_181 : vector<1x16xf32> to vector<16xf32>
          %swap3A_183 = vector.shape_cast %mul3A_178 : vector<16xf32> to vector<1x16xf32>
          tpu.vector_store %arg12[%swap3A_179, %swap3A_180], %swap3A_183 {strides = array<i32>} : memref<128x128xf32, #tpu.memory_space<vmem>>, vector<1x16xf32>,
          %get3A_184 = arith.index_cast %add3A_135 : i32 to index
          %get3A_185 = arith.constant 32 : index
          %get3A_186 = tpu.vector_load %arg11[%get3A_184, %get3A_185] {strides = array<i32>} : memref<128x64xi32, #tpu.memory_space<vmem>>, vector<1x16xi32>,
          %get3A_187 = vector.shape_cast %get3A_186 : vector<1x16xi32> to vector<16xi32>
          %shift_left3A_188 = arith.constant 16 : i32
          %shift_left3A_189 = vector.broadcast %shift_left3A_188 : i32 to vector<16xi32>
          %shift_left3A_190 = arith.shli %get3A_187, %shift_left3A_189 : vector<16xi32>
          %bitcast_convert_type3A_191 = tpu.bitcast %shift_left3A_190 : vector<16xi32> -> vector<16xf32>
          %and3A_192 = arith.constant -65536 : i32
          %and3A_193 = vector.broadcast %and3A_192 : i32 to vector<16xi32>
          %and3A_194 = arith.andi %get3A_187, %and3A_193 : vector<16xi32>
          %bitcast_convert_type3A_195 = tpu.bitcast %and3A_194 : vector<16xi32> -> vector<16xf32>
          %mul3A_196 = vector.broadcast %squeeze3A : f32 to vector<16xf32>
          %mul3A_197 = arith.mulf %bitcast_convert_type3A_191, %mul3A_196 : vector<16xf32>
          %swap3A_198 = arith.index_cast %add3A_135 : i32 to index
          %swap3A_199 = arith.constant 64 : index
          %swap3A_200 = tpu.vector_load %arg12[%swap3A_198, %swap3A_199] {strides = array<i32>} : memref<128x128xf32, #tpu.memory_space<vmem>>, vector<1x16xf32>,
          %swap3A_201 = vector.shape_cast %swap3A_200 : vector<1x16xf32> to vector<16xf32>
          %swap3A_202 = vector.shape_cast %mul3A_197 : vector<16xf32> to vector<1x16xf32>
          tpu.vector_store %arg12[%swap3A_198, %swap3A_199], %swap3A_202 {strides = array<i32>} : memref<128x128xf32, #tpu.memory_space<vmem>>, vector<1x16xf32>,
          %mul3A_203 = vector.broadcast %squeeze3A : f32 to vector<16xf32>
          %mul3A_204 = arith.mulf %bitcast_convert_type3A_195, %mul3A_203 : vector<16xf32>
          %swap3A_205 = arith.index_cast %add3A_135 : i32 to index
          %swap3A_206 = arith.constant 80 : index
          %swap3A_207 = tpu.vector_load %arg12[%swap3A_205, %swap3A_206] {strides = array<i32>} : memref<128x128xf32, #tpu.memory_space<vmem>>, vector<1x16xf32>,
          %swap3A_208 = vector.shape_cast %swap3A_207 : vector<1x16xf32> to vector<16xf32>
          %swap3A_209 = vector.shape_cast %mul3A_204 : vector<16xf32> to vector<1x16xf32>
          tpu.vector_store %arg12[%swap3A_205, %swap3A_206], %swap3A_209 {strides = array<i32>} : memref<128x128xf32, #tpu.memory_space<vmem>>, vector<1x16xf32>,
          %get3A_210 = arith.index_cast %add3A_135 : i32 to index
          %get3A_211 = arith.constant 48 : index
          %get3A_212 = tpu.vector_load %arg11[%get3A_210, %get3A_211] {strides = array<i32>} : memref<128x64xi32, #tpu.memory_space<vmem>>, vector<1x16xi32>,
          %get3A_213 = vector.shape_cast %get3A_212 : vector<1x16xi32> to vector<16xi32>
          %shift_left3A_214 = arith.constant 16 : i32
          %shift_left3A_215 = vector.broadcast %shift_left3A_214 : i32 to vector<16xi32>
          %shift_left3A_216 = arith.shli %get3A_213, %shift_left3A_215 : vector<16xi32>
          %bitcast_convert_type3A_217 = tpu.bitcast %shift_left3A_216 : vector<16xi32> -> vector<16xf32>
          %and3A_218 = arith.constant -65536 : i32
          %and3A_219 = vector.broadcast %and3A_218 : i32 to vector<16xi32>
          %and3A_220 = arith.andi %get3A_213, %and3A_219 : vector<16xi32>
          %bitcast_convert_type3A_221 = tpu.bitcast %and3A_220 : vector<16xi32> -> vector<16xf32>
          %mul3A_222 = vector.broadcast %squeeze3A : f32 to vector<16xf32>
          %mul3A_223 = arith.mulf %bitcast_convert_type3A_217, %mul3A_222 : vector<16xf32>
          %swap3A_224 = arith.index_cast %add3A_135 : i32 to index
          %swap3A_225 = arith.constant 96 : index
          %swap3A_226 = tpu.vector_load %arg12[%swap3A_224, %swap3A_225] {strides = array<i32>} : memref<128x128xf32, #tpu.memory_space<vmem>>, vector<1x16xf32>,
          %swap3A_227 = vector.shape_cast %swap3A_226 : vector<1x16xf32> to vector<16xf32>
          %swap3A_228 = vector.shape_cast %mul3A_223 : vector<16xf32> to vector<1x16xf32>
          tpu.vector_store %arg12[%swap3A_224, %swap3A_225], %swap3A_228 {strides = array<i32>} : memref<128x128xf32, #tpu.memory_space<vmem>>, vector<1x16xf32>,
          %mul3A_229 = vector.broadcast %squeeze3A : f32 to vector<16xf32>
          %mul3A_230 = arith.mulf %bitcast_convert_type3A_221, %mul3A_229 : vector<16xf32>
          %swap3A_231 = arith.index_cast %add3A_135 : i32 to index
          %swap3A_232 = arith.constant 112 : index
          %swap3A_233 = tpu.vector_load %arg12[%swap3A_231, %swap3A_232] {strides = array<i32>} : memref<128x128xf32, #tpu.memory_space<vmem>>, vector<1x16xf32>,
          %swap3A_234 = vector.shape_cast %swap3A_233 : vector<1x16xf32> to vector<16xf32>
          %swap3A_235 = vector.shape_cast %mul3A_230 : vector<16xf32> to vector<1x16xf32>
          tpu.vector_store %arg12[%swap3A_231, %swap3A_232], %swap3A_235 {strides = array<i32>} : memref<128x128xf32, #tpu.memory_space<vmem>>, vector<1x16xf32>,
          %slice3A_236 = vector.extract_strided_slice %get3A_131 {offsets = [1], sizes = [1], strides = [1]} : vector<16xf32> to vector<1xf32>
          %squeeze3A_237 = vector.extract %slice3A_236[0] : f32 from vector<1xf32>
          %mul3A_238 = arith.constant 16 : i32
          %mul3A_239 = arith.muli %scan3A_126, %mul3A_238 : i32
          %add3A_240 = arith.constant 1 : i32
          %add3A_241 = arith.addi %mul3A_239, %add3A_240 : i32
          %get3A_242 = arith.index_cast %add3A_241 : i32 to index
          %get3A_243 = arith.constant 0 : index
          %get3A_244 = tpu.vector_load %arg11[%get3A_242, %get3A_243] {strides = array<i32>} : memref<128x64xi32, #tpu.memory_space<vmem>>, vector<1x16xi32>,
          %get3A_245 = vector.shape_cast %get3A_244 : vector<1x16xi32> to vector<16xi32>
          %shift_left3A_246 = arith.constant 16 : i32
          %shift_left3A_247 = vector.broadcast %shift_left3A_246 : i32 to vector<16xi32>
          %shift_left3A_248 = arith.shli %get3A_245, %shift_left3A_247 : vector<16xi32>
          %bitcast_convert_type3A_249 = tpu.bitcast %shift_left3A_248 : vector<16xi32> -> vector<16xf32>
          %and3A_250 = arith.constant -65536 : i32
          %and3A_251 = vector.broadcast %and3A_250 : i32 to vector<16xi32>
          %and3A_252 = arith.andi %get3A_245, %and3A_251 : vector<16xi32>
          %bitcast_convert_type3A_253 = tpu.bitcast %and3A_252 : vector<16xi32> -> vector<16xf32>
          %mul3A_254 = vector.broadcast %squeeze3A_237 : f32 to vector<16xf32>
          %mul3A_255 = arith.mulf %bitcast_convert_type3A_249, %mul3A_254 : vector<16xf32>
          %swap3A_256 = arith.index_cast %add3A_241 : i32 to index
          %swap3A_257 = arith.constant 0 : index
          %swap3A_258 = tpu.vector_load %arg12[%swap3A_256, %swap3A_257] {strides = array<i32>} : memref<128x128xf32, #tpu.memory_space<vmem>>, vector<1x16xf32>,
          %swap3A_259 = vector.shape_cast %swap3A_258 : vector<1x16xf32> to vector<16xf32>
          %swap3A_260 = vector.shape_cast %mul3A_255 : vector<16xf32> to vector<1x16xf32>
          tpu.vector_store %arg12[%swap3A_256, %swap3A_257], %swap3A_260 {strides = array<i32>} : memref<128x128xf32, #tpu.memory_space<vmem>>, vector<1x16xf32>,
          %mul3A_261 = vector.broadcast %squeeze3A_237 : f32 to vector<16xf32>
          %mul3A_262 = arith.mulf %bitcast_convert_type3A_253, %mul3A_261 : vector<16xf32>
          %swap3A_263 = arith.index_cast %add3A_241 : i32 to index
          %swap3A_264 = arith.constant 16 : index
          %swap3A_265 = tpu.vector_load %arg12[%swap3A_263, %swap3A_264] {strides = array<i32>} : memref<128x128xf32, #tpu.memory_space<vmem>>, vector<1x16xf32>,
          %swap3A_266 = vector.shape_cast %swap3A_265 : vector<1x16xf32> to vector<16xf32>
          %swap3A_267 = vector.shape_cast %mul3A_262 : vector<16xf32> to vector<1x16xf32>
          tpu.vector_store %arg12[%swap3A_263, %swap3A_264], %swap3A_267 {strides = array<i32>} : memref<128x128xf32, #tpu.memory_space<vmem>>, vector<1x16xf32>,
          %get3A_268 = arith.index_cast %add3A_241 : i32 to index
          %get3A_269 = arith.constant 16 : index
          %get3A_270 = tpu.vector_load %arg11[%get3A_268, %get3A_269] {strides = array<i32>} : memref<128x64xi32, #tpu.memory_space<vmem>>, vector<1x16xi32>,
          %get3A_271 = vector.shape_cast %get3A_270 : vector<1x16xi32> to vector<16xi32>
          %shift_left3A_272 = arith.constant 16 : i32
          %shift_left3A_273 = vector.broadcast %shift_left3A_272 : i32 to vector<16xi32>
          %shift_left3A_274 = arith.shli %get3A_271, %shift_left3A_273 : vector<16xi32>
          %bitcast_convert_type3A_275 = tpu.bitcast %shift_left3A_274 : vector<16xi32> -> vector<16xf32>
          %and3A_276 = arith.constant -65536 : i32
          %and3A_277 = vector.broadcast %and3A_276 : i32 to vector<16xi32>
          %and3A_278 = arith.andi %get3A_271, %and3A_277 : vector<16xi32>
          %bitcast_convert_type3A_279 = tpu.bitcast %and3A_278 : vector<16xi32> -> vector<16xf32>
          %mul3A_280 = vector.broadcast %squeeze3A_237 : f32 to vector<16xf32>
          %mul3A_281 = arith.mulf %bitcast_convert_type3A_275, %mul3A_280 : vector<16xf32>
          %swap3A_282 = arith.index_cast %add3A_241 : i32 to index
          %swap3A_283 = arith.constant 32 : index
          %swap3A_284 = tpu.vector_load %arg12[%swap3A_282, %swap3A_283] {strides = array<i32>} : memref<128x128xf32, #tpu.memory_space<vmem>>, vector<1x16xf32>,
          %swap3A_285 = vector.shape_cast %swap3A_284 : vector<1x16xf32> to vector<16xf32>
          %swap3A_286 = vector.shape_cast %mul3A_281 : vector<16xf32> to vector<1x16xf32>
          tpu.vector_store %arg12[%swap3A_282, %swap3A_283], %swap3A_286 {strides = array<i32>} : memref<128x128xf32, #tpu.memory_space<vmem>>, vector<1x16xf32>,
          %mul3A_287 = vector.broadcast %squeeze3A_237 : f32 to vector<16xf32>
          %mul3A_288 = arith.mulf %bitcast_convert_type3A_279, %mul3A_287 : vector<16xf32>
          %swap3A_289 = arith.index_cast %add3A_241 : i32 to index
          %swap3A_290 = arith.constant 48 : index
          %swap3A_291 = tpu.vector_load %arg12[%swap3A_289, %swap3A_290] {strides = array<i32>} : memref<128x128xf32, #tpu.memory_space<vmem>>, vector<1x16xf32>,
          %swap3A_292 = vector.shape_cast %swap3A_291 : vector<1x16xf32> to vector<16xf32>
          %swap3A_293 = vector.shape_cast %mul3A_288 : vector<16xf32> to vector<1x16xf32>
          tpu.vector_store %arg12[%swap3A_289, %swap3A_290], %swap3A_293 {strides = array<i32>} : memref<128x128xf32, #tpu.memory_space<vmem>>, vector<1x16xf32>,
          %get3A_294 = arith.index_cast %add3A_241 : i32 to index
          %get3A_295 = arith.constant 32 : index
          %get3A_296 = tpu.vector_load %arg11[%get3A_294, %get3A_295] {strides = array<i32>} : memref<128x64xi32, #tpu.memory_space<vmem>>, vector<1x16xi32>,
          %get3A_297 = vector.shape_cast %get3A_296 : vector<1x16xi32> to vector<16xi32>
          %shift_left3A_298 = arith.constant 16 : i32
          %shift_left3A_299 = vector.broadcast %shift_left3A_298 : i32 to vector<16xi32>
          %shift_left3A_300 = arith.shli %get3A_297, %shift_left3A_299 : vector<16xi32>
          %bitcast_convert_type3A_301 = tpu.bitcast %shift_left3A_300 : vector<16xi32> -> vector<16xf32>
          %and3A_302 = arith.constant -65536 : i32
          %and3A_303 = vector.broadcast %and3A_302 : i32 to vector<16xi32>
          %and3A_304 = arith.andi %get3A_297, %and3A_303 : vector<16xi32>
          %bitcast_convert_type3A_305 = tpu.bitcast %and3A_304 : vector<16xi32> -> vector<16xf32>
          %mul3A_306 = vector.broadcast %squeeze3A_237 : f32 to vector<16xf32>
          %mul3A_307 = arith.mulf %bitcast_convert_type3A_301, %mul3A_306 : vector<16xf32>
          %swap3A_308 = arith.index_cast %add3A_241 : i32 to index
          %swap3A_309 = arith.constant 64 : index
          %swap3A_310 = tpu.vector_load %arg12[%swap3A_308, %swap3A_309] {strides = array<i32>} : memref<128x128xf32, #tpu.memory_space<vmem>>, vector<1x16xf32>,
          %swap3A_311 = vector.shape_cast %swap3A_310 : vector<1x16xf32> to vector<16xf32>
          %swap3A_312 = vector.shape_cast %mul3A_307 : vector<16xf32> to vector<1x16xf32>
          tpu.vector_store %arg12[%swap3A_308, %swap3A_309], %swap3A_312 {strides = array<i32>} : memref<128x128xf32, #tpu.memory_space<vmem>>, vector<1x16xf32>,
          %mul3A_313 = vector.broadcast %squeeze3A_237 : f32 to vector<16xf32>
          %mul3A_314 = arith.mulf %bitcast_convert_type3A_305, %mul3A_313 : vector<16xf32>
          %swap3A_315 = arith.index_cast %add3A_241 : i32 to index
          %swap3A_316 = arith.constant 80 : index
          %swap3A_317 = tpu.vector_load %arg12[%swap3A_315, %swap3A_316] {strides = array<i32>} : memref<128x128xf32, #tpu.memory_space<vmem>>, vector<1x16xf32>,
          %swap3A_318 = vector.shape_cast %swap3A_317 : vector<1x16xf32> to vector<16xf32>
          %swap3A_319 = vector.shape_cast %mul3A_314 : vector<16xf32> to vector<1x16xf32>
          tpu.vector_store %arg12[%swap3A_315, %swap3A_316], %swap3A_319 {strides = array<i32>} : memref<128x128xf32, #tpu.memory_space<vmem>>, vector<1x16xf32>,
          %get3A_320 = arith.index_cast %add3A_241 : i32 to index
          %get3A_321 = arith.constant 48 : index
          %get3A_322 = tpu.vector_load %arg11[%get3A_320, %get3A_321] {strides = array<i32>} : memref<128x64xi32, #tpu.memory_space<vmem>>, vector<1x16xi32>,
          %get3A_323 = vector.shape_cast %get3A_322 : vector<1x16xi32> to vector<16xi32>
          %shift_left3A_324 = arith.constant 16 : i32
          %shift_left3A_325 = vector.broadcast %shift_left3A_324 : i32 to vector<16xi32>
          %shift_left3A_326 = arith.shli %get3A_323, %shift_left3A_325 : vector<16xi32>
          %bitcast_convert_type3A_327 = tpu.bitcast %shift_left3A_326 : vector<16xi32> -> vector<16xf32>
          %and3A_328 = arith.constant -65536 : i32
          %and3A_329 = vector.broadcast %and3A_328 : i32 to vector<16xi32>
          %and3A_330 = arith.andi %get3A_323, %and3A_329 : vector<16xi32>
          %bitcast_convert_type3A_331 = tpu.bitcast %and3A_330 : vector<16xi32> -> vector<16xf32>
          %mul3A_332 = vector.broadcast %squeeze3A_237 : f32 to vector<16xf32>
          %mul3A_333 = arith.mulf %bitcast_convert_type3A_327, %mul3A_332 : vector<16xf32>
          %swap3A_334 = arith.index_cast %add3A_241 : i32 to index
          %swap3A_335 = arith.constant 96 : index
          %swap3A_336 = tpu.vector_load %arg12[%swap3A_334, %swap3A_335] {strides = array<i32>} : memref<128x128xf32, #tpu.memory_space<vmem>>, vector<1x16xf32>,
          %swap3A_337 = vector.shape_cast %swap3A_336 : vector<1x16xf32> to vector<16xf32>
          %swap3A_338 = vector.shape_cast %mul3A_333 : vector<16xf32> to vector<1x16xf32>
          tpu.vector_store %arg12[%swap3A_334, %swap3A_335], %swap3A_338 {strides = array<i32>} : memref<128x128xf32, #tpu.memory_space<vmem>>, vector<1x16xf32>,
          %mul3A_339 = vector.broadcast %squeeze3A_237 : f32 to vector<16xf32>
          %mul3A_340 = arith.mulf %bitcast_convert_type3A_331, %mul3A_339 : vector<16xf32>
          %swap3A_341 = arith.index_cast %add3A_241 : i32 to index
          %swap3A_342 = arith.constant 112 : index
          %swap3A_343 = tpu.vector_load %arg12[%swap3A_341, %swap3A_342] {strides = array<i32>} : memref<128x128xf32, #tpu.memory_space<vmem>>, vector<1x16xf32>,
          %swap3A_344 = vector.shape_cast %swap3A_343 : vector<1x16xf32> to vector<16xf32>
          %swap3A_345 = vector.shape_cast %mul3A_340 : vector<16xf32> to vector<1x16xf32>
          tpu.vector_store %arg12[%swap3A_341, %swap3A_342], %swap3A_345 {strides = array<i32>} : memref<128x128xf32, #tpu.memory_space<vmem>>, vector<1x16xf32>,
          %slice3A_346 = vector.extract_strided_slice %get3A_131 {offsets = [2], sizes = [1], strides = [1]} : vector<16xf32> to vector<1xf32>
          %squeeze3A_347 = vector.extract %slice3A_346[0] : f32 from vector<1xf32>
          %mul3A_348 = arith.constant 16 : i32
          %mul3A_349 = arith.muli %scan3A_126, %mul3A_348 : i32
          %add3A_350 = arith.constant 2 : i32
          %add3A_351 = arith.addi %mul3A_349, %add3A_350 : i32
          %get3A_352 = arith.index_cast %add3A_351 : i32 to index
          %get3A_353 = arith.constant 0 : index
          %get3A_354 = tpu.vector_load %arg11[%get3A_352, %get3A_353] {strides = array<i32>} : memref<128x64xi32, #tpu.memory_space<vmem>>, vector<1x16xi32>,
          %get3A_355 = vector.shape_cast %get3A_354 : vector<1x16xi32> to vector<16xi32>
          %shift_left3A_356 = arith.constant 16 : i32
          %shift_left3A_357 = vector.broadcast %shift_left3A_356 : i32 to vector<16xi32>
          %shift_left3A_358 = arith.shli %get3A_355, %shift_left3A_357 : vector<16xi32>
          %bitcast_convert_type3A_359 = tpu.bitcast %shift_left3A_358 : vector<16xi32> -> vector<16xf32>
          %and3A_360 = arith.constant -65536 : i32
          %and3A_361 = vector.broadcast %and3A_360 : i32 to vector<16xi32>
          %and3A_362 = arith.andi %get3A_355, %and3A_361 : vector<16xi32>
          %bitcast_convert_type3A_363 = tpu.bitcast %and3A_362 : vector<16xi32> -> vector<16xf32>
          %mul3A_364 = vector.broadcast %squeeze3A_347 : f32 to vector<16xf32>
          %mul3A_365 = arith.mulf %bitcast_convert_type3A_359, %mul3A_364 : vector<16xf32>
          %swap3A_366 = arith.index_cast %add3A_351 : i32 to index
          %swap3A_367 = arith.constant 0 : index
          %swap3A_368 = tpu.vector_load %arg12[%swap3A_366, %swap3A_367] {strides = array<i32>} : memref<128x128xf32, #tpu.memory_space<vmem>>, vector<1x16xf32>,
          %swap3A_369 = vector.shape_cast %swap3A_368 : vector<1x16xf32> to vector<16xf32>
          %swap3A_370 = vector.shape_cast %mul3A_365 : vector<16xf32> to vector<1x16xf32>
          tpu.vector_store %arg12[%swap3A_366, %swap3A_367], %swap3A_370 {strides = array<i32>} : memref<128x128xf32, #tpu.memory_space<vmem>>, vector<1x16xf32>,
          %mul3A_371 = vector.broadcast %squeeze3A_347 : f32 to vector<16xf32>
          %mul3A_372 = arith.mulf %bitcast_convert_type3A_363, %mul3A_371 : vector<16xf32>
          %swap3A_373 = arith.index_cast %add3A_351 : i32 to index
          %swap3A_374 = arith.constant 16 : index
          %swap3A_375 = tpu.vector_load %arg12[%swap3A_373, %swap3A_374] {strides = array<i32>} : memref<128x128xf32, #tpu.memory_space<vmem>>, vector<1x16xf32>,
          %swap3A_376 = vector.shape_cast %swap3A_375 : vector<1x16xf32> to vector<16xf32>
          %swap3A_377 = vector.shape_cast %mul3A_372 : vector<16xf32> to vector<1x16xf32>
          tpu.vector_store %arg12[%swap3A_373, %swap3A_374], %swap3A_377 {strides = array<i32>} : memref<128x128xf32, #tpu.memory_space<vmem>>, vector<1x16xf32>,
          %get3A_378 = arith.index_cast %add3A_351 : i32 to index
          %get3A_379 = arith.constant 16 : index
          %get3A_380 = tpu.vector_load %arg11[%get3A_378, %get3A_379] {strides = array<i32>} : memref<128x64xi32, #tpu.memory_space<vmem>>, vector<1x16xi32>,
          %get3A_381 = vector.shape_cast %get3A_380 : vector<1x16xi32> to vector<16xi32>
          %shift_left3A_382 = arith.constant 16 : i32
          %shift_left3A_383 = vector.broadcast %shift_left3A_382 : i32 to vector<16xi32>
          %shift_left3A_384 = arith.shli %get3A_381, %shift_left3A_383 : vector<16xi32>
          %bitcast_convert_type3A_385 = tpu.bitcast %shift_left3A_384 : vector<16xi32> -> vector<16xf32>
          %and3A_386 = arith.constant -65536 : i32
          %and3A_387 = vector.broadcast %and3A_386 : i32 to vector<16xi32>
          %and3A_388 = arith.andi %get3A_381, %and3A_387 : vector<16xi32>
          %bitcast_convert_type3A_389 = tpu.bitcast %and3A_388 : vector<16xi32> -> vector<16xf32>
          %mul3A_390 = vector.broadcast %squeeze3A_347 : f32 to vector<16xf32>
          %mul3A_391 = arith.mulf %bitcast_convert_type3A_385, %mul3A_390 : vector<16xf32>
          %swap3A_392 = arith.index_cast %add3A_351 : i32 to index
          %swap3A_393 = arith.constant 32 : index
          %swap3A_394 = tpu.vector_load %arg12[%swap3A_392, %swap3A_393] {strides = array<i32>} : memref<128x128xf32, #tpu.memory_space<vmem>>, vector<1x16xf32>,
          %swap3A_395 = vector.shape_cast %swap3A_394 : vector<1x16xf32> to vector<16xf32>
          %swap3A_396 = vector.shape_cast %mul3A_391 : vector<16xf32> to vector<1x16xf32>
          tpu.vector_store %arg12[%swap3A_392, %swap3A_393], %swap3A_396 {strides = array<i32>} : memref<128x128xf32, #tpu.memory_space<vmem>>, vector<1x16xf32>,
          %mul3A_397 = vector.broadcast %squeeze3A_347 : f32 to vector<16xf32>
          %mul3A_398 = arith.mulf %bitcast_convert_type3A_389, %mul3A_397 : vector<16xf32>
          %swap3A_399 = arith.index_cast %add3A_351 : i32 to index
          %swap3A_400 = arith.constant 48 : index
          %swap3A_401 = tpu.vector_load %arg12[%swap3A_399, %swap3A_400] {strides = array<i32>} : memref<128x128xf32, #tpu.memory_space<vmem>>, vector<1x16xf32>,
          %swap3A_402 = vector.shape_cast %swap3A_401 : vector<1x16xf32> to vector<16xf32>
          %swap3A_403 = vector.shape_cast %mul3A_398 : vector<16xf32> to vector<1x16xf32>
          tpu.vector_store %arg12[%swap3A_399, %swap3A_400], %swap3A_403 {strides = array<i32>} : memref<128x128xf32, #tpu.memory_space<vmem>>, vector<1x16xf32>,
          %get3A_404 = arith.index_cast %add3A_351 : i32 to index
          %get3A_405 = arith.constant 32 : index
          %get3A_406 = tpu.vector_load %arg11[%get3A_404, %get3A_405] {strides = array<i32>} : memref<128x64xi32, #tpu.memory_space<vmem>>, vector<1x16xi32>,
          %get3A_407 = vector.shape_cast %get3A_406 : vector<1x16xi32> to vector<16xi32>
          %shift_left3A_408 = arith.constant 16 : i32
          %shift_left3A_409 = vector.broadcast %shift_left3A_408 : i32 to vector<16xi32>
          %shift_left3A_410 = arith.shli %get3A_407, %shift_left3A_409 : vector<16xi32>
          %bitcast_convert_type3A_411 = tpu.bitcast %shift_left3A_410 : vector<16xi32> -> vector<16xf32>
          %and3A_412 = arith.constant -65536 : i32
          %and3A_413 = vector.broadcast %and3A_412 : i32 to vector<16xi32>
          %and3A_414 = arith.andi %get3A_407, %and3A_413 : vector<16xi32>
          %bitcast_convert_type3A_415 = tpu.bitcast %and3A_414 : vector<16xi32> -> vector<16xf32>
          %mul3A_416 = vector.broadcast %squeeze3A_347 : f32 to vector<16xf32>
          %mul3A_417 = arith.mulf %bitcast_convert_type3A_411, %mul3A_416 : vector<16xf32>
          %swap3A_418 = arith.index_cast %add3A_351 : i32 to index
          %swap3A_419 = arith.constant 64 : index
          %swap3A_420 = tpu.vector_load %arg12[%swap3A_418, %swap3A_419] {strides = array<i32>} : memref<128x128xf32, #tpu.memory_space<vmem>>, vector<1x16xf32>,
          %swap3A_421 = vector.shape_cast %swap3A_420 : vector<1x16xf32> to vector<16xf32>
          %swap3A_422 = vector.shape_cast %mul3A_417 : vector<16xf32> to vector<1x16xf32>
          tpu.vector_store %arg12[%swap3A_418, %swap3A_419], %swap3A_422 {strides = array<i32>} : memref<128x128xf32, #tpu.memory_space<vmem>>, vector<1x16xf32>,
          %mul3A_423 = vector.broadcast %squeeze3A_347 : f32 to vector<16xf32>
          %mul3A_424 = arith.mulf %bitcast_convert_type3A_415, %mul3A_423 : vector<16xf32>
          %swap3A_425 = arith.index_cast %add3A_351 : i32 to index
          %swap3A_426 = arith.constant 80 : index
          %swap3A_427 = tpu.vector_load %arg12[%swap3A_425, %swap3A_426] {strides = array<i32>} : memref<128x128xf32, #tpu.memory_space<vmem>>, vector<1x16xf32>,
          %swap3A_428 = vector.shape_cast %swap3A_427 : vector<1x16xf32> to vector<16xf32>
          %swap3A_429 = vector.shape_cast %mul3A_424 : vector<16xf32> to vector<1x16xf32>
          tpu.vector_store %arg12[%swap3A_425, %swap3A_426], %swap3A_429 {strides = array<i32>} : memref<128x128xf32, #tpu.memory_space<vmem>>, vector<1x16xf32>,
          %get3A_430 = arith.index_cast %add3A_351 : i32 to index
          %get3A_431 = arith.constant 48 : index
          %get3A_432 = tpu.vector_load %arg11[%get3A_430, %get3A_431] {strides = array<i32>} : memref<128x64xi32, #tpu.memory_space<vmem>>, vector<1x16xi32>,
          %get3A_433 = vector.shape_cast %get3A_432 : vector<1x16xi32> to vector<16xi32>
          %shift_left3A_434 = arith.constant 16 : i32
          %shift_left3A_435 = vector.broadcast %shift_left3A_434 : i32 to vector<16xi32>
          %shift_left3A_436 = arith.shli %get3A_433, %shift_left3A_435 : vector<16xi32>
          %bitcast_convert_type3A_437 = tpu.bitcast %shift_left3A_436 : vector<16xi32> -> vector<16xf32>
          %and3A_438 = arith.constant -65536 : i32
          %and3A_439 = vector.broadcast %and3A_438 : i32 to vector<16xi32>
          %and3A_440 = arith.andi %get3A_433, %and3A_439 : vector<16xi32>
          %bitcast_convert_type3A_441 = tpu.bitcast %and3A_440 : vector<16xi32> -> vector<16xf32>
          %mul3A_442 = vector.broadcast %squeeze3A_347 : f32 to vector<16xf32>
          %mul3A_443 = arith.mulf %bitcast_convert_type3A_437, %mul3A_442 : vector<16xf32>
          %swap3A_444 = arith.index_cast %add3A_351 : i32 to index
          %swap3A_445 = arith.constant 96 : index
          %swap3A_446 = tpu.vector_load %arg12[%swap3A_444, %swap3A_445] {strides = array<i32>} : memref<128x128xf32, #tpu.memory_space<vmem>>, vector<1x16xf32>,
          %swap3A_447 = vector.shape_cast %swap3A_446 : vector<1x16xf32> to vector<16xf32>
          %swap3A_448 = vector.shape_cast %mul3A_443 : vector<16xf32> to vector<1x16xf32>
          tpu.vector_store %arg12[%swap3A_444, %swap3A_445], %swap3A_448 {strides = array<i32>} : memref<128x128xf32, #tpu.memory_space<vmem>>, vector<1x16xf32>,
          %mul3A_449 = vector.broadcast %squeeze3A_347 : f32 to vector<16xf32>
          %mul3A_450 = arith.mulf %bitcast_convert_type3A_441, %mul3A_449 : vector<16xf32>
          %swap3A_451 = arith.index_cast %add3A_351 : i32 to index
          %swap3A_452 = arith.constant 112 : index
          %swap3A_453 = tpu.vector_load %arg12[%swap3A_451, %swap3A_452] {strides = array<i32>} : memref<128x128xf32, #tpu.memory_space<vmem>>, vector<1x16xf32>,
          %swap3A_454 = vector.shape_cast %swap3A_453 : vector<1x16xf32> to vector<16xf32>
          %swap3A_455 = vector.shape_cast %mul3A_450 : vector<16xf32> to vector<1x16xf32>
          tpu.vector_store %arg12[%swap3A_451, %swap3A_452], %swap3A_455 {strides = array<i32>} : memref<128x128xf32, #tpu.memory_space<vmem>>, vector<1x16xf32>,
          %slice3A_456 = vector.extract_strided_slice %get3A_131 {offsets = [3], sizes = [1], strides = [1]} : vector<16xf32> to vector<1xf32>
          %squeeze3A_457 = vector.extract %slice3A_456[0] : f32 from vector<1xf32>
          %mul3A_458 = arith.constant 16 : i32
          %mul3A_459 = arith.muli %scan3A_126, %mul3A_458 : i32
          %add3A_460 = arith.constant 3 : i32
          %add3A_461 = arith.addi %mul3A_459, %add3A_460 : i32
          %get3A_462 = arith.index_cast %add3A_461 : i32 to index
          %get3A_463 = arith.constant 0 : index
          %get3A_464 = tpu.vector_load %arg11[%get3A_462, %get3A_463] {strides = array<i32>} : memref<128x64xi32, #tpu.memory_space<vmem>>, vector<1x16xi32>,
          %get3A_465 = vector.shape_cast %get3A_464 : vector<1x16xi32> to vector<16xi32>
          %shift_left3A_466 = arith.constant 16 : i32
          %shift_left3A_467 = vector.broadcast %shift_left3A_466 : i32 to vector<16xi32>
          %shift_left3A_468 = arith.shli %get3A_465, %shift_left3A_467 : vector<16xi32>
          %bitcast_convert_type3A_469 = tpu.bitcast %shift_left3A_468 : vector<16xi32> -> vector<16xf32>
          %and3A_470 = arith.constant -65536 : i32
          %and3A_471 = vector.broadcast %and3A_470 : i32 to vector<16xi32>
          %and3A_472 = arith.andi %get3A_465, %and3A_471 : vector<16xi32>
          %bitcast_convert_type3A_473 = tpu.bitcast %and3A_472 : vector<16xi32> -> vector<16xf32>
          %mul3A_474 = vector.broadcast %squeeze3A_457 : f32 to vector<16xf32>
          %mul3A_475 = arith.mulf %bitcast_convert_type3A_469, %mul3A_474 : vector<16xf32>
          %swap3A_476 = arith.index_cast %add3A_461 : i32 to index
          %swap3A_477 = arith.constant 0 : index
          %swap3A_478 = tpu.vector_load %arg12[%swap3A_476, %swap3A_477] {strides = array<i32>} : memref<128x128xf32, #tpu.memory_space<vmem>>, vector<1x16xf32>,
          %swap3A_479 = vector.shape_cast %swap3A_478 : vector<1x16xf32> to vector<16xf32>
          %swap3A_480 = vector.shape_cast %mul3A_475 : vector<16xf32> to vector<1x16xf32>
          tpu.vector_store %arg12[%swap3A_476, %swap3A_477], %swap3A_480 {strides = array<i32>} : memref<128x128xf32, #tpu.memory_space<vmem>>, vector<1x16xf32>,
          %mul3A_481 = vector.broadcast %squeeze3A_457 : f32 to vector<16xf32>
          %mul3A_482 = arith.mulf %bitcast_convert_type3A_473, %mul3A_481 : vector<16xf32>
          %swap3A_483 = arith.index_cast %add3A_461 : i32 to index
          %swap3A_484 = arith.constant 16 : index
          %swap3A_485 = tpu.vector_load %arg12[%swap3A_483, %swap3A_484] {strides = array<i32>} : memref<128x128xf32, #tpu.memory_space<vmem>>, vector<1x16xf32>,
          %swap3A_486 = vector.shape_cast %swap3A_485 : vector<1x16xf32> to vector<16xf32>
          %swap3A_487 = vector.shape_cast %mul3A_482 : vector<16xf32> to vector<1x16xf32>
          tpu.vector_store %arg12[%swap3A_483, %swap3A_484], %swap3A_487 {strides = array<i32>} : memref<128x128xf32, #tpu.memory_space<vmem>>, vector<1x16xf32>,
          %get3A_488 = arith.index_cast %add3A_461 : i32 to index
          %get3A_489 = arith.constant 16 : index
          %get3A_490 = tpu.vector_load %arg11[%get3A_488, %get3A_489] {strides = array<i32>} : memref<128x64xi32, #tpu.memory_space<vmem>>, vector<1x16xi32>,
          %get3A_491 = vector.shape_cast %get3A_490 : vector<1x16xi32> to vector<16xi32>
          %shift_left3A_492 = arith.constant 16 : i32
          %shift_left3A_493 = vector.broadcast %shift_left3A_492 : i32 to vector<16xi32>
          %shift_left3A_494 = arith.shli %get3A_491, %shift_left3A_493 : vector<16xi32>
          %bitcast_convert_type3A_495 = tpu.bitcast %shift_left3A_494 : vector<16xi32> -> vector<16xf32>
          %and3A_496 = arith.constant -65536 : i32
          %and3A_497 = vector.broadcast %and3A_496 : i32 to vector<16xi32>
          %and3A_498 = arith.andi %get3A_491, %and3A_497 : vector<16xi32>
          %bitcast_convert_type3A_499 = tpu.bitcast %and3A_498 : vector<16xi32> -> vector<16xf32>
          %mul3A_500 = vector.broadcast %squeeze3A_457 : f32 to vector<16xf32>
          %mul3A_501 = arith.mulf %bitcast_convert_type3A_495, %mul3A_500 : vector<16xf32>
          %swap3A_502 = arith.index_cast %add3A_461 : i32 to index
          %swap3A_503 = arith.constant 32 : index
          %swap3A_504 = tpu.vector_load %arg12[%swap3A_502, %swap3A_503] {strides = array<i32>} : memref<128x128xf32, #tpu.memory_space<vmem>>, vector<1x16xf32>,
          %swap3A_505 = vector.shape_cast %swap3A_504 : vector<1x16xf32> to vector<16xf32>
          %swap3A_506 = vector.shape_cast %mul3A_501 : vector<16xf32> to vector<1x16xf32>
          tpu.vector_store %arg12[%swap3A_502, %swap3A_503], %swap3A_506 {strides = array<i32>} : memref<128x128xf32, #tpu.memory_space<vmem>>, vector<1x16xf32>,
          %mul3A_507 = vector.broadcast %squeeze3A_457 : f32 to vector<16xf32>
          %mul3A_508 = arith.mulf %bitcast_convert_type3A_499, %mul3A_507 : vector<16xf32>
          %swap3A_509 = arith.index_cast %add3A_461 : i32 to index
          %swap3A_510 = arith.constant 48 : index
          %swap3A_511 = tpu.vector_load %arg12[%swap3A_509, %swap3A_510] {strides = array<i32>} : memref<128x128xf32, #tpu.memory_space<vmem>>, vector<1x16xf32>,
          %swap3A_512 = vector.shape_cast %swap3A_511 : vector<1x16xf32> to vector<16xf32>
          %swap3A_513 = vector.shape_cast %mul3A_508 : vector<16xf32> to vector<1x16xf32>
          tpu.vector_store %arg12[%swap3A_509, %swap3A_510], %swap3A_513 {strides = array<i32>} : memref<128x128xf32, #tpu.memory_space<vmem>>, vector<1x16xf32>,
          %get3A_514 = arith.index_cast %add3A_461 : i32 to index
          %get3A_515 = arith.constant 32 : index
          %get3A_516 = tpu.vector_load %arg11[%get3A_514, %get3A_515] {strides = array<i32>} : memref<128x64xi32, #tpu.memory_space<vmem>>, vector<1x16xi32>,
          %get3A_517 = vector.shape_cast %get3A_516 : vector<1x16xi32> to vector<16xi32>
          %shift_left3A_518 = arith.constant 16 : i32
          %shift_left3A_519 = vector.broadcast %shift_left3A_518 : i32 to vector<16xi32>
          %shift_left3A_520 = arith.shli %get3A_517, %shift_left3A_519 : vector<16xi32>
          %bitcast_convert_type3A_521 = tpu.bitcast %shift_left3A_520 : vector<16xi32> -> vector<16xf32>
          %and3A_522 = arith.constant -65536 : i32
          %and3A_523 = vector.broadcast %and3A_522 : i32 to vector<16xi32>
          %and3A_524 = arith.andi %get3A_517, %and3A_523 : vector<16xi32>
          %bitcast_convert_type3A_525 = tpu.bitcast %and3A_524 : vector<16xi32> -> vector<16xf32>
          %mul3A_526 = vector.broadcast %squeeze3A_457 : f32 to vector<16xf32>
          %mul3A_527 = arith.mulf %bitcast_convert_type3A_521, %mul3A_526 : vector<16xf32>
          %swap3A_528 = arith.index_cast %add3A_461 : i32 to index
          %swap3A_529 = arith.constant 64 : index
          %swap3A_530 = tpu.vector_load %arg12[%swap3A_528, %swap3A_529] {strides = array<i32>} : memref<128x128xf32, #tpu.memory_space<vmem>>, vector<1x16xf32>,
          %swap3A_531 = vector.shape_cast %swap3A_530 : vector<1x16xf32> to vector<16xf32>
          %swap3A_532 = vector.shape_cast %mul3A_527 : vector<16xf32> to vector<1x16xf32>
          tpu.vector_store %arg12[%swap3A_528, %swap3A_529], %swap3A_532 {strides = array<i32>} : memref<128x128xf32, #tpu.memory_space<vmem>>, vector<1x16xf32>,
          %mul3A_533 = vector.broadcast %squeeze3A_457 : f32 to vector<16xf32>
          %mul3A_534 = arith.mulf %bitcast_convert_type3A_525, %mul3A_533 : vector<16xf32>
          %swap3A_535 = arith.index_cast %add3A_461 : i32 to index
          %swap3A_536 = arith.constant 80 : index
          %swap3A_537 = tpu.vector_load %arg12[%swap3A_535, %swap3A_536] {strides = array<i32>} : memref<128x128xf32, #tpu.memory_space<vmem>>, vector<1x16xf32>,
          %swap3A_538 = vector.shape_cast %swap3A_537 : vector<1x16xf32> to vector<16xf32>
          %swap3A_539 = vector.shape_cast %mul3A_534 : vector<16xf32> to vector<1x16xf32>
          tpu.vector_store %arg12[%swap3A_535, %swap3A_536], %swap3A_539 {strides = array<i32>} : memref<128x128xf32, #tpu.memory_space<vmem>>, vector<1x16xf32>,
          %get3A_540 = arith.index_cast %add3A_461 : i32 to index
          %get3A_541 = arith.constant 48 : index
          %get3A_542 = tpu.vector_load %arg11[%get3A_540, %get3A_541] {strides = array<i32>} : memref<128x64xi32, #tpu.memory_space<vmem>>, vector<1x16xi32>,
          %get3A_543 = vector.shape_cast %get3A_542 : vector<1x16xi32> to vector<16xi32>
          %shift_left3A_544 = arith.constant 16 : i32
          %shift_left3A_545 = vector.broadcast %shift_left3A_544 : i32 to vector<16xi32>
          %shift_left3A_546 = arith.shli %get3A_543, %shift_left3A_545 : vector<16xi32>
          %bitcast_convert_type3A_547 = tpu.bitcast %shift_left3A_546 : vector<16xi32> -> vector<16xf32>
          %and3A_548 = arith.constant -65536 : i32
          %and3A_549 = vector.broadcast %and3A_548 : i32 to vector<16xi32>
          %and3A_550 = arith.andi %get3A_543, %and3A_549 : vector<16xi32>
          %bitcast_convert_type3A_551 = tpu.bitcast %and3A_550 : vector<16xi32> -> vector<16xf32>
          %mul3A_552 = vector.broadcast %squeeze3A_457 : f32 to vector<16xf32>
          %mul3A_553 = arith.mulf %bitcast_convert_type3A_547, %mul3A_552 : vector<16xf32>
          %swap3A_554 = arith.index_cast %add3A_461 : i32 to index
          %swap3A_555 = arith.constant 96 : index
          %swap3A_556 = tpu.vector_load %arg12[%swap3A_554, %swap3A_555] {strides = array<i32>} : memref<128x128xf32, #tpu.memory_space<vmem>>, vector<1x16xf32>,
          %swap3A_557 = vector.shape_cast %swap3A_556 : vector<1x16xf32> to vector<16xf32>
          %swap3A_558 = vector.shape_cast %mul3A_553 : vector<16xf32> to vector<1x16xf32>
          tpu.vector_store %arg12[%swap3A_554, %swap3A_555], %swap3A_558 {strides = array<i32>} : memref<128x128xf32, #tpu.memory_space<vmem>>, vector<1x16xf32>,
          %mul3A_559 = vector.broadcast %squeeze3A_457 : f32 to vector<16xf32>
          %mul3A_560 = arith.mulf %bitcast_convert_type3A_551, %mul3A_559 : vector<16xf32>
          %swap3A_561 = arith.index_cast %add3A_461 : i32 to index
          %swap3A_562 = arith.constant 112 : index
          %swap3A_563 = tpu.vector_load %arg12[%swap3A_561, %swap3A_562] {strides = array<i32>} : memref<128x128xf32, #tpu.memory_space<vmem>>, vector<1x16xf32>,
          %swap3A_564 = vector.shape_cast %swap3A_563 : vector<1x16xf32> to vector<16xf32>
          %swap3A_565 = vector.shape_cast %mul3A_560 : vector<16xf32> to vector<1x16xf32>
          tpu.vector_store %arg12[%swap3A_561, %swap3A_562], %swap3A_565 {strides = array<i32>} : memref<128x128xf32, #tpu.memory_space<vmem>>, vector<1x16xf32>,
          %slice3A_566 = vector.extract_strided_slice %get3A_131 {offsets = [4], sizes = [1], strides = [1]} : vector<16xf32> to vector<1xf32>
          %squeeze3A_567 = vector.extract %slice3A_566[0] : f32 from vector<1xf32>
          %mul3A_568 = arith.constant 16 : i32
          %mul3A_569 = arith.muli %scan3A_126, %mul3A_568 : i32
          %add3A_570 = arith.constant 4 : i32
          %add3A_571 = arith.addi %mul3A_569, %add3A_570 : i32
          %get3A_572 = arith.index_cast %add3A_571 : i32 to index
          %get3A_573 = arith.constant 0 : index
          %get3A_574 = tpu.vector_load %arg11[%get3A_572, %get3A_573] {strides = array<i32>} : memref<128x64xi32, #tpu.memory_space<vmem>>, vector<1x16xi32>,
          %get3A_575 = vector.shape_cast %get3A_574 : vector<1x16xi32> to vector<16xi32>
          %shift_left3A_576 = arith.constant 16 : i32
          %shift_left3A_577 = vector.broadcast %shift_left3A_576 : i32 to vector<16xi32>
          %shift_left3A_578 = arith.shli %get3A_575, %shift_left3A_577 : vector<16xi32>
          %bitcast_convert_type3A_579 = tpu.bitcast %shift_left3A_578 : vector<16xi32> -> vector<16xf32>
          %and3A_580 = arith.constant -65536 : i32
          %and3A_581 = vector.broadcast %and3A_580 : i32 to vector<16xi32>
          %and3A_582 = arith.andi %get3A_575, %and3A_581 : vector<16xi32>
          %bitcast_convert_type3A_583 = tpu.bitcast %and3A_582 : vector<16xi32> -> vector<16xf32>
          %mul3A_584 = vector.broadcast %squeeze3A_567 : f32 to vector<16xf32>
          %mul3A_585 = arith.mulf %bitcast_convert_type3A_579, %mul3A_584 : vector<16xf32>
          %swap3A_586 = arith.index_cast %add3A_571 : i32 to index
          %swap3A_587 = arith.constant 0 : index
          %swap3A_588 = tpu.vector_load %arg12[%swap3A_586, %swap3A_587] {strides = array<i32>} : memref<128x128xf32, #tpu.memory_space<vmem>>, vector<1x16xf32>,
          %swap3A_589 = vector.shape_cast %swap3A_588 : vector<1x16xf32> to vector<16xf32>
          %swap3A_590 = vector.shape_cast %mul3A_585 : vector<16xf32> to vector<1x16xf32>
          tpu.vector_store %arg12[%swap3A_586, %swap3A_587], %swap3A_590 {strides = array<i32>} : memref<128x128xf32, #tpu.memory_space<vmem>>, vector<1x16xf32>,
          %mul3A_591 = vector.broadcast %squeeze3A_567 : f32 to vector<16xf32>
          %mul3A_592 = arith.mulf %bitcast_convert_type3A_583, %mul3A_591 : vector<16xf32>
          %swap3A_593 = arith.index_cast %add3A_571 : i32 to index
          %swap3A_594 = arith.constant 16 : index
          %swap3A_595 = tpu.vector_load %arg12[%swap3A_593, %swap3A_594] {strides = array<i32>} : memref<128x128xf32, #tpu.memory_space<vmem>>, vector<1x16xf32>,
          %swap3A_596 = vector.shape_cast %swap3A_595 : vector<1x16xf32> to vector<16xf32>
          %swap3A_597 = vector.shape_cast %mul3A_592 : vector<16xf32> to vector<1x16xf32>
          tpu.vector_store %arg12[%swap3A_593, %swap3A_594], %swap3A_597 {strides = array<i32>} : memref<128x128xf32, #tpu.memory_space<vmem>>, vector<1x16xf32>,
          %get3A_598 = arith.index_cast %add3A_571 : i32 to index
          %get3A_599 = arith.constant 16 : index
          %get3A_600 = tpu.vector_load %arg11[%get3A_598, %get3A_599] {strides = array<i32>} : memref<128x64xi32, #tpu.memory_space<vmem>>, vector<1x16xi32>,
          %get3A_601 = vector.shape_cast %get3A_600 : vector<1x16xi32> to vector<16xi32>
          %shift_left3A_602 = arith.constant 16 : i32
          %shift_left3A_603 = vector.broadcast %shift_left3A_602 : i32 to vector<16xi32>
          %shift_left3A_604 = arith.shli %get3A_601, %shift_left3A_603 : vector<16xi32>
          %bitcast_convert_type3A_605 = tpu.bitcast %shift_left3A_604 : vector<16xi32> -> vector<16xf32>
          %and3A_606 = arith.constant -65536 : i32
          %and3A_607 = vector.broadcast %and3A_606 : i32 to vector<16xi32>
          %and3A_608 = arith.andi %get3A_601, %and3A_607 : vector<16xi32>
          %bitcast_convert_type3A_609 = tpu.bitcast %and3A_608 : vector<16xi32> -> vector<16xf32>
          %mul3A_610 = vector.broadcast %squeeze3A_567 : f32 to vector<16xf32>
          %mul3A_611 = arith.mulf %bitcast_convert_type3A_605, %mul3A_610 : vector<16xf32>
          %swap3A_612 = arith.index_cast %add3A_571 : i32 to index
          %swap3A_613 = arith.constant 32 : index
          %swap3A_614 = tpu.vector_load %arg12[%swap3A_612, %swap3A_613] {strides = array<i32>} : memref<128x128xf32, #tpu.memory_space<vmem>>, vector<1x16xf32>,
          %swap3A_615 = vector.shape_cast %swap3A_614 : vector<1x16xf32> to vector<16xf32>
          %swap3A_616 = vector.shape_cast %mul3A_611 : vector<16xf32> to vector<1x16xf32>
          tpu.vector_store %arg12[%swap3A_612, %swap3A_613], %swap3A_616 {strides = array<i32>} : memref<128x128xf32, #tpu.memory_space<vmem>>, vector<1x16xf32>,
          %mul3A_617 = vector.broadcast %squeeze3A_567 : f32 to vector<16xf32>
          %mul3A_618 = arith.mulf %bitcast_convert_type3A_609, %mul3A_617 : vector<16xf32>
          %swap3A_619 = arith.index_cast %add3A_571 : i32 to index
          %swap3A_620 = arith.constant 48 : index
          %swap3A_621 = tpu.vector_load %arg12[%swap3A_619, %swap3A_620] {strides = array<i32>} : memref<128x128xf32, #tpu.memory_space<vmem>>, vector<1x16xf32>,
          %swap3A_622 = vector.shape_cast %swap3A_621 : vector<1x16xf32> to vector<16xf32>
          %swap3A_623 = vector.shape_cast %mul3A_618 : vector<16xf32> to vector<1x16xf32>
          tpu.vector_store %arg12[%swap3A_619, %swap3A_620], %swap3A_623 {strides = array<i32>} : memref<128x128xf32, #tpu.memory_space<vmem>>, vector<1x16xf32>,
          %get3A_624 = arith.index_cast %add3A_571 : i32 to index
          %get3A_625 = arith.constant 32 : index
          %get3A_626 = tpu.vector_load %arg11[%get3A_624, %get3A_625] {strides = array<i32>} : memref<128x64xi32, #tpu.memory_space<vmem>>, vector<1x16xi32>,
          %get3A_627 = vector.shape_cast %get3A_626 : vector<1x16xi32> to vector<16xi32>
          %shift_left3A_628 = arith.constant 16 : i32
          %shift_left3A_629 = vector.broadcast %shift_left3A_628 : i32 to vector<16xi32>
          %shift_left3A_630 = arith.shli %get3A_627, %shift_left3A_629 : vector<16xi32>
          %bitcast_convert_type3A_631 = tpu.bitcast %shift_left3A_630 : vector<16xi32> -> vector<16xf32>
          %and3A_632 = arith.constant -65536 : i32
          %and3A_633 = vector.broadcast %and3A_632 : i32 to vector<16xi32>
          %and3A_634 = arith.andi %get3A_627, %and3A_633 : vector<16xi32>
          %bitcast_convert_type3A_635 = tpu.bitcast %and3A_634 : vector<16xi32> -> vector<16xf32>
          %mul3A_636 = vector.broadcast %squeeze3A_567 : f32 to vector<16xf32>
          %mul3A_637 = arith.mulf %bitcast_convert_type3A_631, %mul3A_636 : vector<16xf32>
          %swap3A_638 = arith.index_cast %add3A_571 : i32 to index
          %swap3A_639 = arith.constant 64 : index
          %swap3A_640 = tpu.vector_load %arg12[%swap3A_638, %swap3A_639] {strides = array<i32>} : memref<128x128xf32, #tpu.memory_space<vmem>>, vector<1x16xf32>,
          %swap3A_641 = vector.shape_cast %swap3A_640 : vector<1x16xf32> to vector<16xf32>
          %swap3A_642 = vector.shape_cast %mul3A_637 : vector<16xf32> to vector<1x16xf32>
          tpu.vector_store %arg12[%swap3A_638, %swap3A_639], %swap3A_642 {strides = array<i32>} : memref<128x128xf32, #tpu.memory_space<vmem>>, vector<1x16xf32>,
          %mul3A_643 = vector.broadcast %squeeze3A_567 : f32 to vector<16xf32>
          %mul3A_644 = arith.mulf %bitcast_convert_type3A_635, %mul3A_643 : vector<16xf32>
          %swap3A_645 = arith.index_cast %add3A_571 : i32 to index
          %swap3A_646 = arith.constant 80 : index
          %swap3A_647 = tpu.vector_load %arg12[%swap3A_645, %swap3A_646] {strides = array<i32>} : memref<128x128xf32, #tpu.memory_space<vmem>>, vector<1x16xf32>,
          %swap3A_648 = vector.shape_cast %swap3A_647 : vector<1x16xf32> to vector<16xf32>
          %swap3A_649 = vector.shape_cast %mul3A_644 : vector<16xf32> to vector<1x16xf32>
          tpu.vector_store %arg12[%swap3A_645, %swap3A_646], %swap3A_649 {strides = array<i32>} : memref<128x128xf32, #tpu.memory_space<vmem>>, vector<1x16xf32>,
          %get3A_650 = arith.index_cast %add3A_571 : i32 to index
          %get3A_651 = arith.constant 48 : index
          %get3A_652 = tpu.vector_load %arg11[%get3A_650, %get3A_651] {strides = array<i32>} : memref<128x64xi32, #tpu.memory_space<vmem>>, vector<1x16xi32>,
          %get3A_653 = vector.shape_cast %get3A_652 : vector<1x16xi32> to vector<16xi32>
          %shift_left3A_654 = arith.constant 16 : i32
          %shift_left3A_655 = vector.broadcast %shift_left3A_654 : i32 to vector<16xi32>
          %shift_left3A_656 = arith.shli %get3A_653, %shift_left3A_655 : vector<16xi32>
          %bitcast_convert_type3A_657 = tpu.bitcast %shift_left3A_656 : vector<16xi32> -> vector<16xf32>
          %and3A_658 = arith.constant -65536 : i32
          %and3A_659 = vector.broadcast %and3A_658 : i32 to vector<16xi32>
          %and3A_660 = arith.andi %get3A_653, %and3A_659 : vector<16xi32>
          %bitcast_convert_type3A_661 = tpu.bitcast %and3A_660 : vector<16xi32> -> vector<16xf32>
          %mul3A_662 = vector.broadcast %squeeze3A_567 : f32 to vector<16xf32>
          %mul3A_663 = arith.mulf %bitcast_convert_type3A_657, %mul3A_662 : vector<16xf32>
          %swap3A_664 = arith.index_cast %add3A_571 : i32 to index
          %swap3A_665 = arith.constant 96 : index
          %swap3A_666 = tpu.vector_load %arg12[%swap3A_664, %swap3A_665] {strides = array<i32>} : memref<128x128xf32, #tpu.memory_space<vmem>>, vector<1x16xf32>,
          %swap3A_667 = vector.shape_cast %swap3A_666 : vector<1x16xf32> to vector<16xf32>
          %swap3A_668 = vector.shape_cast %mul3A_663 : vector<16xf32> to vector<1x16xf32>
          tpu.vector_store %arg12[%swap3A_664, %swap3A_665], %swap3A_668 {strides = array<i32>} : memref<128x128xf32, #tpu.memory_space<vmem>>, vector<1x16xf32>,
          %mul3A_669 = vector.broadcast %squeeze3A_567 : f32 to vector<16xf32>
          %mul3A_670 = arith.mulf %bitcast_convert_type3A_661, %mul3A_669 : vector<16xf32>
          %swap3A_671 = arith.index_cast %add3A_571 : i32 to index
          %swap3A_672 = arith.constant 112 : index
          %swap3A_673 = tpu.vector_load %arg12[%swap3A_671, %swap3A_672] {strides = array<i32>} : memref<128x128xf32, #tpu.memory_space<vmem>>, vector<1x16xf32>,
          %swap3A_674 = vector.shape_cast %swap3A_673 : vector<1x16xf32> to vector<16xf32>
          %swap3A_675 = vector.shape_cast %mul3A_670 : vector<16xf32> to vector<1x16xf32>
          tpu.vector_store %arg12[%swap3A_671, %swap3A_672], %swap3A_675 {strides = array<i32>} : memref<128x128xf32, #tpu.memory_space<vmem>>, vector<1x16xf32>,
          %slice3A_676 = vector.extract_strided_slice %get3A_131 {offsets = [5], sizes = [1], strides = [1]} : vector<16xf32> to vector<1xf32>
          %squeeze3A_677 = vector.extract %slice3A_676[0] : f32 from vector<1xf32>
          %mul3A_678 = arith.constant 16 : i32
          %mul3A_679 = arith.muli %scan3A_126, %mul3A_678 : i32
          %add3A_680 = arith.constant 5 : i32
          %add3A_681 = arith.addi %mul3A_679, %add3A_680 : i32
          %get3A_682 = arith.index_cast %add3A_681 : i32 to index
          %get3A_683 = arith.constant 0 : index
          %get3A_684 = tpu.vector_load %arg11[%get3A_682, %get3A_683] {strides = array<i32>} : memref<128x64xi32, #tpu.memory_space<vmem>>, vector<1x16xi32>,
          %get3A_685 = vector.shape_cast %get3A_684 : vector<1x16xi32> to vector<16xi32>
          %shift_left3A_686 = arith.constant 16 : i32
          %shift_left3A_687 = vector.broadcast %shift_left3A_686 : i32 to vector<16xi32>
          %shift_left3A_688 = arith.shli %get3A_685, %shift_left3A_687 : vector<16xi32>
          %bitcast_convert_type3A_689 = tpu.bitcast %shift_left3A_688 : vector<16xi32> -> vector<16xf32>
          %and3A_690 = arith.constant -65536 : i32
          %and3A_691 = vector.broadcast %and3A_690 : i32 to vector<16xi32>
          %and3A_692 = arith.andi %get3A_685, %and3A_691 : vector<16xi32>
          %bitcast_convert_type3A_693 = tpu.bitcast %and3A_692 : vector<16xi32> -> vector<16xf32>
          %mul3A_694 = vector.broadcast %squeeze3A_677 : f32 to vector<16xf32>
          %mul3A_695 = arith.mulf %bitcast_convert_type3A_689, %mul3A_694 : vector<16xf32>
          %swap3A_696 = arith.index_cast %add3A_681 : i32 to index
          %swap3A_697 = arith.constant 0 : index
          %swap3A_698 = tpu.vector_load %arg12[%swap3A_696, %swap3A_697] {strides = array<i32>} : memref<128x128xf32, #tpu.memory_space<vmem>>, vector<1x16xf32>,
          %swap3A_699 = vector.shape_cast %swap3A_698 : vector<1x16xf32> to vector<16xf32>
          %swap3A_700 = vector.shape_cast %mul3A_695 : vector<16xf32> to vector<1x16xf32>
          tpu.vector_store %arg12[%swap3A_696, %swap3A_697], %swap3A_700 {strides = array<i32>} : memref<128x128xf32, #tpu.memory_space<vmem>>, vector<1x16xf32>,
          %mul3A_701 = vector.broadcast %squeeze3A_677 : f32 to vector<16xf32>
          %mul3A_702 = arith.mulf %bitcast_convert_type3A_693, %mul3A_701 : vector<16xf32>
          %swap3A_703 = arith.index_cast %add3A_681 : i32 to index
          %swap3A_704 = arith.constant 16 : index
          %swap3A_705 = tpu.vector_load %arg12[%swap3A_703, %swap3A_704] {strides = array<i32>} : memref<128x128xf32, #tpu.memory_space<vmem>>, vector<1x16xf32>,
          %swap3A_706 = vector.shape_cast %swap3A_705 : vector<1x16xf32> to vector<16xf32>
          %swap3A_707 = vector.shape_cast %mul3A_702 : vector<16xf32> to vector<1x16xf32>
          tpu.vector_store %arg12[%swap3A_703, %swap3A_704], %swap3A_707 {strides = array<i32>} : memref<128x128xf32, #tpu.memory_space<vmem>>, vector<1x16xf32>,
          %get3A_708 = arith.index_cast %add3A_681 : i32 to index
          %get3A_709 = arith.constant 16 : index
          %get3A_710 = tpu.vector_load %arg11[%get3A_708, %get3A_709] {strides = array<i32>} : memref<128x64xi32, #tpu.memory_space<vmem>>, vector<1x16xi32>,
          %get3A_711 = vector.shape_cast %get3A_710 : vector<1x16xi32> to vector<16xi32>
          %shift_left3A_712 = arith.constant 16 : i32
          %shift_left3A_713 = vector.broadcast %shift_left3A_712 : i32 to vector<16xi32>
          %shift_left3A_714 = arith.shli %get3A_711, %shift_left3A_713 : vector<16xi32>
          %bitcast_convert_type3A_715 = tpu.bitcast %shift_left3A_714 : vector<16xi32> -> vector<16xf32>
          %and3A_716 = arith.constant -65536 : i32
          %and3A_717 = vector.broadcast %and3A_716 : i32 to vector<16xi32>
          %and3A_718 = arith.andi %get3A_711, %and3A_717 : vector<16xi32>
          %bitcast_convert_type3A_719 = tpu.bitcast %and3A_718 : vector<16xi32> -> vector<16xf32>
          %mul3A_720 = vector.broadcast %squeeze3A_677 : f32 to vector<16xf32>
          %mul3A_721 = arith.mulf %bitcast_convert_type3A_715, %mul3A_720 : vector<16xf32>
          %swap3A_722 = arith.index_cast %add3A_681 : i32 to index
          %swap3A_723 = arith.constant 32 : index
          %swap3A_724 = tpu.vector_load %arg12[%swap3A_722, %swap3A_723] {strides = array<i32>} : memref<128x128xf32, #tpu.memory_space<vmem>>, vector<1x16xf32>,
          %swap3A_725 = vector.shape_cast %swap3A_724 : vector<1x16xf32> to vector<16xf32>
          %swap3A_726 = vector.shape_cast %mul3A_721 : vector<16xf32> to vector<1x16xf32>
          tpu.vector_store %arg12[%swap3A_722, %swap3A_723], %swap3A_726 {strides = array<i32>} : memref<128x128xf32, #tpu.memory_space<vmem>>, vector<1x16xf32>,
          %mul3A_727 = vector.broadcast %squeeze3A_677 : f32 to vector<16xf32>
          %mul3A_728 = arith.mulf %bitcast_convert_type3A_719, %mul3A_727 : vector<16xf32>
          %swap3A_729 = arith.index_cast %add3A_681 : i32 to index
          %swap3A_730 = arith.constant 48 : index
          %swap3A_731 = tpu.vector_load %arg12[%swap3A_729, %swap3A_730] {strides = array<i32>} : memref<128x128xf32, #tpu.memory_space<vmem>>, vector<1x16xf32>,
          %swap3A_732 = vector.shape_cast %swap3A_731 : vector<1x16xf32> to vector<16xf32>
          %swap3A_733 = vector.shape_cast %mul3A_728 : vector<16xf32> to vector<1x16xf32>
          tpu.vector_store %arg12[%swap3A_729, %swap3A_730], %swap3A_733 {strides = array<i32>} : memref<128x128xf32, #tpu.memory_space<vmem>>, vector<1x16xf32>,
          %get3A_734 = arith.index_cast %add3A_681 : i32 to index
          %get3A_735 = arith.constant 32 : index
          %get3A_736 = tpu.vector_load %arg11[%get3A_734, %get3A_735] {strides = array<i32>} : memref<128x64xi32, #tpu.memory_space<vmem>>, vector<1x16xi32>,
          %get3A_737 = vector.shape_cast %get3A_736 : vector<1x16xi32> to vector<16xi32>
          %shift_left3A_738 = arith.constant 16 : i32
          %shift_left3A_739 = vector.broadcast %shift_left3A_738 : i32 to vector<16xi32>
          %shift_left3A_740 = arith.shli %get3A_737, %shift_left3A_739 : vector<16xi32>
          %bitcast_convert_type3A_741 = tpu.bitcast %shift_left3A_740 : vector<16xi32> -> vector<16xf32>
          %and3A_742 = arith.constant -65536 : i32
          %and3A_743 = vector.broadcast %and3A_742 : i32 to vector<16xi32>
          %and3A_744 = arith.andi %get3A_737, %and3A_743 : vector<16xi32>
          %bitcast_convert_type3A_745 = tpu.bitcast %and3A_744 : vector<16xi32> -> vector<16xf32>
          %mul3A_746 = vector.broadcast %squeeze3A_677 : f32 to vector<16xf32>
          %mul3A_747 = arith.mulf %bitcast_convert_type3A_741, %mul3A_746 : vector<16xf32>
          %swap3A_748 = arith.index_cast %add3A_681 : i32 to index
          %swap3A_749 = arith.constant 64 : index
          %swap3A_750 = tpu.vector_load %arg12[%swap3A_748, %swap3A_749] {strides = array<i32>} : memref<128x128xf32, #tpu.memory_space<vmem>>, vector<1x16xf32>,
          %swap3A_751 = vector.shape_cast %swap3A_750 : vector<1x16xf32> to vector<16xf32>
          %swap3A_752 = vector.shape_cast %mul3A_747 : vector<16xf32> to vector<1x16xf32>
          tpu.vector_store %arg12[%swap3A_748, %swap3A_749], %swap3A_752 {strides = array<i32>} : memref<128x128xf32, #tpu.memory_space<vmem>>, vector<1x16xf32>,
          %mul3A_753 = vector.broadcast %squeeze3A_677 : f32 to vector<16xf32>
          %mul3A_754 = arith.mulf %bitcast_convert_type3A_745, %mul3A_753 : vector<16xf32>
          %swap3A_755 = arith.index_cast %add3A_681 : i32 to index
          %swap3A_756 = arith.constant 80 : index
          %swap3A_757 = tpu.vector_load %arg12[%swap3A_755, %swap3A_756] {strides = array<i32>} : memref<128x128xf32, #tpu.memory_space<vmem>>, vector<1x16xf32>,
          %swap3A_758 = vector.shape_cast %swap3A_757 : vector<1x16xf32> to vector<16xf32>
          %swap3A_759 = vector.shape_cast %mul3A_754 : vector<16xf32> to vector<1x16xf32>
          tpu.vector_store %arg12[%swap3A_755, %swap3A_756], %swap3A_759 {strides = array<i32>} : memref<128x128xf32, #tpu.memory_space<vmem>>, vector<1x16xf32>,
          %get3A_760 = arith.index_cast %add3A_681 : i32 to index
          %get3A_761 = arith.constant 48 : index
          %get3A_762 = tpu.vector_load %arg11[%get3A_760, %get3A_761] {strides = array<i32>} : memref<128x64xi32, #tpu.memory_space<vmem>>, vector<1x16xi32>,
          %get3A_763 = vector.shape_cast %get3A_762 : vector<1x16xi32> to vector<16xi32>
          %shift_left3A_764 = arith.constant 16 : i32
          %shift_left3A_765 = vector.broadcast %shift_left3A_764 : i32 to vector<16xi32>
          %shift_left3A_766 = arith.shli %get3A_763, %shift_left3A_765 : vector<16xi32>
          %bitcast_convert_type3A_767 = tpu.bitcast %shift_left3A_766 : vector<16xi32> -> vector<16xf32>
          %and3A_768 = arith.constant -65536 : i32
          %and3A_769 = vector.broadcast %and3A_768 : i32 to vector<16xi32>
          %and3A_770 = arith.andi %get3A_763, %and3A_769 : vector<16xi32>
          %bitcast_convert_type3A_771 = tpu.bitcast %and3A_770 : vector<16xi32> -> vector<16xf32>
          %mul3A_772 = vector.broadcast %squeeze3A_677 : f32 to vector<16xf32>
          %mul3A_773 = arith.mulf %bitcast_convert_type3A_767, %mul3A_772 : vector<16xf32>
          %swap3A_774 = arith.index_cast %add3A_681 : i32 to index
          %swap3A_775 = arith.constant 96 : index
          %swap3A_776 = tpu.vector_load %arg12[%swap3A_774, %swap3A_775] {strides = array<i32>} : memref<128x128xf32, #tpu.memory_space<vmem>>, vector<1x16xf32>,
          %swap3A_777 = vector.shape_cast %swap3A_776 : vector<1x16xf32> to vector<16xf32>
          %swap3A_778 = vector.shape_cast %mul3A_773 : vector<16xf32> to vector<1x16xf32>
          tpu.vector_store %arg12[%swap3A_774, %swap3A_775], %swap3A_778 {strides = array<i32>} : memref<128x128xf32, #tpu.memory_space<vmem>>, vector<1x16xf32>,
          %mul3A_779 = vector.broadcast %squeeze3A_677 : f32 to vector<16xf32>
          %mul3A_780 = arith.mulf %bitcast_convert_type3A_771, %mul3A_779 : vector<16xf32>
          %swap3A_781 = arith.index_cast %add3A_681 : i32 to index
          %swap3A_782 = arith.constant 112 : index
          %swap3A_783 = tpu.vector_load %arg12[%swap3A_781, %swap3A_782] {strides = array<i32>} : memref<128x128xf32, #tpu.memory_space<vmem>>, vector<1x16xf32>,
          %swap3A_784 = vector.shape_cast %swap3A_783 : vector<1x16xf32> to vector<16xf32>
          %swap3A_785 = vector.shape_cast %mul3A_780 : vector<16xf32> to vector<1x16xf32>
          tpu.vector_store %arg12[%swap3A_781, %swap3A_782], %swap3A_785 {strides = array<i32>} : memref<128x128xf32, #tpu.memory_space<vmem>>, vector<1x16xf32>,
          %slice3A_786 = vector.extract_strided_slice %get3A_131 {offsets = [6], sizes = [1], strides = [1]} : vector<16xf32> to vector<1xf32>
          %squeeze3A_787 = vector.extract %slice3A_786[0] : f32 from vector<1xf32>
          %mul3A_788 = arith.constant 16 : i32
          %mul3A_789 = arith.muli %scan3A_126, %mul3A_788 : i32
          %add3A_790 = arith.constant 6 : i32
          %add3A_791 = arith.addi %mul3A_789, %add3A_790 : i32
          %get3A_792 = arith.index_cast %add3A_791 : i32 to index
          %get3A_793 = arith.constant 0 : index
          %get3A_794 = tpu.vector_load %arg11[%get3A_792, %get3A_793] {strides = array<i32>} : memref<128x64xi32, #tpu.memory_space<vmem>>, vector<1x16xi32>,
          %get3A_795 = vector.shape_cast %get3A_794 : vector<1x16xi32> to vector<16xi32>
          %shift_left3A_796 = arith.constant 16 : i32
          %shift_left3A_797 = vector.broadcast %shift_left3A_796 : i32 to vector<16xi32>
          %shift_left3A_798 = arith.shli %get3A_795, %shift_left3A_797 : vector<16xi32>
          %bitcast_convert_type3A_799 = tpu.bitcast %shift_left3A_798 : vector<16xi32> -> vector<16xf32>
          %and3A_800 = arith.constant -65536 : i32
          %and3A_801 = vector.broadcast %and3A_800 : i32 to vector<16xi32>
          %and3A_802 = arith.andi %get3A_795, %and3A_801 : vector<16xi32>
          %bitcast_convert_type3A_803 = tpu.bitcast %and3A_802 : vector<16xi32> -> vector<16xf32>
          %mul3A_804 = vector.broadcast %squeeze3A_787 : f32 to vector<16xf32>
          %mul3A_805 = arith.mulf %bitcast_convert_type3A_799, %mul3A_804 : vector<16xf32>
          %swap3A_806 = arith.index_cast %add3A_791 : i32 to index
          %swap3A_807 = arith.constant 0 : index
          %swap3A_808 = tpu.vector_load %arg12[%swap3A_806, %swap3A_807] {strides = array<i32>} : memref<128x128xf32, #tpu.memory_space<vmem>>, vector<1x16xf32>,
          %swap3A_809 = vector.shape_cast %swap3A_808 : vector<1x16xf32> to vector<16xf32>
          %swap3A_810 = vector.shape_cast %mul3A_805 : vector<16xf32> to vector<1x16xf32>
          tpu.vector_store %arg12[%swap3A_806, %swap3A_807], %swap3A_810 {strides = array<i32>} : memref<128x128xf32, #tpu.memory_space<vmem>>, vector<1x16xf32>,
          %mul3A_811 = vector.broadcast %squeeze3A_787 : f32 to vector<16xf32>
          %mul3A_812 = arith.mulf %bitcast_convert_type3A_803, %mul3A_811 : vector<16xf32>
          %swap3A_813 = arith.index_cast %add3A_791 : i32 to index
          %swap3A_814 = arith.constant 16 : index
          %swap3A_815 = tpu.vector_load %arg12[%swap3A_813, %swap3A_814] {strides = array<i32>} : memref<128x128xf32, #tpu.memory_space<vmem>>, vector<1x16xf32>,
          %swap3A_816 = vector.shape_cast %swap3A_815 : vector<1x16xf32> to vector<16xf32>
          %swap3A_817 = vector.shape_cast %mul3A_812 : vector<16xf32> to vector<1x16xf32>
          tpu.vector_store %arg12[%swap3A_813, %swap3A_814], %swap3A_817 {strides = array<i32>} : memref<128x128xf32, #tpu.memory_space<vmem>>, vector<1x16xf32>,
          %get3A_818 = arith.index_cast %add3A_791 : i32 to index
          %get3A_819 = arith.constant 16 : index
          %get3A_820 = tpu.vector_load %arg11[%get3A_818, %get3A_819] {strides = array<i32>} : memref<128x64xi32, #tpu.memory_space<vmem>>, vector<1x16xi32>,
          %get3A_821 = vector.shape_cast %get3A_820 : vector<1x16xi32> to vector<16xi32>
          %shift_left3A_822 = arith.constant 16 : i32
          %shift_left3A_823 = vector.broadcast %shift_left3A_822 : i32 to vector<16xi32>
          %shift_left3A_824 = arith.shli %get3A_821, %shift_left3A_823 : vector<16xi32>
          %bitcast_convert_type3A_825 = tpu.bitcast %shift_left3A_824 : vector<16xi32> -> vector<16xf32>
          %and3A_826 = arith.constant -65536 : i32
          %and3A_827 = vector.broadcast %and3A_826 : i32 to vector<16xi32>
          %and3A_828 = arith.andi %get3A_821, %and3A_827 : vector<16xi32>
          %bitcast_convert_type3A_829 = tpu.bitcast %and3A_828 : vector<16xi32> -> vector<16xf32>
          %mul3A_830 = vector.broadcast %squeeze3A_787 : f32 to vector<16xf32>
          %mul3A_831 = arith.mulf %bitcast_convert_type3A_825, %mul3A_830 : vector<16xf32>
          %swap3A_832 = arith.index_cast %add3A_791 : i32 to index
          %swap3A_833 = arith.constant 32 : index
          %swap3A_834 = tpu.vector_load %arg12[%swap3A_832, %swap3A_833] {strides = array<i32>} : memref<128x128xf32, #tpu.memory_space<vmem>>, vector<1x16xf32>,
          %swap3A_835 = vector.shape_cast %swap3A_834 : vector<1x16xf32> to vector<16xf32>
          %swap3A_836 = vector.shape_cast %mul3A_831 : vector<16xf32> to vector<1x16xf32>
          tpu.vector_store %arg12[%swap3A_832, %swap3A_833], %swap3A_836 {strides = array<i32>} : memref<128x128xf32, #tpu.memory_space<vmem>>, vector<1x16xf32>,
          %mul3A_837 = vector.broadcast %squeeze3A_787 : f32 to vector<16xf32>
          %mul3A_838 = arith.mulf %bitcast_convert_type3A_829, %mul3A_837 : vector<16xf32>
          %swap3A_839 = arith.index_cast %add3A_791 : i32 to index
          %swap3A_840 = arith.constant 48 : index
          %swap3A_841 = tpu.vector_load %arg12[%swap3A_839, %swap3A_840] {strides = array<i32>} : memref<128x128xf32, #tpu.memory_space<vmem>>, vector<1x16xf32>,
          %swap3A_842 = vector.shape_cast %swap3A_841 : vector<1x16xf32> to vector<16xf32>
          %swap3A_843 = vector.shape_cast %mul3A_838 : vector<16xf32> to vector<1x16xf32>
          tpu.vector_store %arg12[%swap3A_839, %swap3A_840], %swap3A_843 {strides = array<i32>} : memref<128x128xf32, #tpu.memory_space<vmem>>, vector<1x16xf32>,
          %get3A_844 = arith.index_cast %add3A_791 : i32 to index
          %get3A_845 = arith.constant 32 : index
          %get3A_846 = tpu.vector_load %arg11[%get3A_844, %get3A_845] {strides = array<i32>} : memref<128x64xi32, #tpu.memory_space<vmem>>, vector<1x16xi32>,
          %get3A_847 = vector.shape_cast %get3A_846 : vector<1x16xi32> to vector<16xi32>
          %shift_left3A_848 = arith.constant 16 : i32
          %shift_left3A_849 = vector.broadcast %shift_left3A_848 : i32 to vector<16xi32>
          %shift_left3A_850 = arith.shli %get3A_847, %shift_left3A_849 : vector<16xi32>
          %bitcast_convert_type3A_851 = tpu.bitcast %shift_left3A_850 : vector<16xi32> -> vector<16xf32>
          %and3A_852 = arith.constant -65536 : i32
          %and3A_853 = vector.broadcast %and3A_852 : i32 to vector<16xi32>
          %and3A_854 = arith.andi %get3A_847, %and3A_853 : vector<16xi32>
          %bitcast_convert_type3A_855 = tpu.bitcast %and3A_854 : vector<16xi32> -> vector<16xf32>
          %mul3A_856 = vector.broadcast %squeeze3A_787 : f32 to vector<16xf32>
          %mul3A_857 = arith.mulf %bitcast_convert_type3A_851, %mul3A_856 : vector<16xf32>
          %swap3A_858 = arith.index_cast %add3A_791 : i32 to index
          %swap3A_859 = arith.constant 64 : index
          %swap3A_860 = tpu.vector_load %arg12[%swap3A_858, %swap3A_859] {strides = array<i32>} : memref<128x128xf32, #tpu.memory_space<vmem>>, vector<1x16xf32>,
          %swap3A_861 = vector.shape_cast %swap3A_860 : vector<1x16xf32> to vector<16xf32>
          %swap3A_862 = vector.shape_cast %mul3A_857 : vector<16xf32> to vector<1x16xf32>
          tpu.vector_store %arg12[%swap3A_858, %swap3A_859], %swap3A_862 {strides = array<i32>} : memref<128x128xf32, #tpu.memory_space<vmem>>, vector<1x16xf32>,
          %mul3A_863 = vector.broadcast %squeeze3A_787 : f32 to vector<16xf32>
          %mul3A_864 = arith.mulf %bitcast_convert_type3A_855, %mul3A_863 : vector<16xf32>
          %swap3A_865 = arith.index_cast %add3A_791 : i32 to index
          %swap3A_866 = arith.constant 80 : index
          %swap3A_867 = tpu.vector_load %arg12[%swap3A_865, %swap3A_866] {strides = array<i32>} : memref<128x128xf32, #tpu.memory_space<vmem>>, vector<1x16xf32>,
          %swap3A_868 = vector.shape_cast %swap3A_867 : vector<1x16xf32> to vector<16xf32>
          %swap3A_869 = vector.shape_cast %mul3A_864 : vector<16xf32> to vector<1x16xf32>
          tpu.vector_store %arg12[%swap3A_865, %swap3A_866], %swap3A_869 {strides = array<i32>} : memref<128x128xf32, #tpu.memory_space<vmem>>, vector<1x16xf32>,
          %get3A_870 = arith.index_cast %add3A_791 : i32 to index
          %get3A_871 = arith.constant 48 : index
          %get3A_872 = tpu.vector_load %arg11[%get3A_870, %get3A_871] {strides = array<i32>} : memref<128x64xi32, #tpu.memory_space<vmem>>, vector<1x16xi32>,
          %get3A_873 = vector.shape_cast %get3A_872 : vector<1x16xi32> to vector<16xi32>
          %shift_left3A_874 = arith.constant 16 : i32
          %shift_left3A_875 = vector.broadcast %shift_left3A_874 : i32 to vector<16xi32>
          %shift_left3A_876 = arith.shli %get3A_873, %shift_left3A_875 : vector<16xi32>
          %bitcast_convert_type3A_877 = tpu.bitcast %shift_left3A_876 : vector<16xi32> -> vector<16xf32>
          %and3A_878 = arith.constant -65536 : i32
          %and3A_879 = vector.broadcast %and3A_878 : i32 to vector<16xi32>
          %and3A_880 = arith.andi %get3A_873, %and3A_879 : vector<16xi32>
          %bitcast_convert_type3A_881 = tpu.bitcast %and3A_880 : vector<16xi32> -> vector<16xf32>
          %mul3A_882 = vector.broadcast %squeeze3A_787 : f32 to vector<16xf32>
          %mul3A_883 = arith.mulf %bitcast_convert_type3A_877, %mul3A_882 : vector<16xf32>
          %swap3A_884 = arith.index_cast %add3A_791 : i32 to index
          %swap3A_885 = arith.constant 96 : index
          %swap3A_886 = tpu.vector_load %arg12[%swap3A_884, %swap3A_885] {strides = array<i32>} : memref<128x128xf32, #tpu.memory_space<vmem>>, vector<1x16xf32>,
          %swap3A_887 = vector.shape_cast %swap3A_886 : vector<1x16xf32> to vector<16xf32>
          %swap3A_888 = vector.shape_cast %mul3A_883 : vector<16xf32> to vector<1x16xf32>
          tpu.vector_store %arg12[%swap3A_884, %swap3A_885], %swap3A_888 {strides = array<i32>} : memref<128x128xf32, #tpu.memory_space<vmem>>, vector<1x16xf32>,
          %mul3A_889 = vector.broadcast %squeeze3A_787 : f32 to vector<16xf32>
          %mul3A_890 = arith.mulf %bitcast_convert_type3A_881, %mul3A_889 : vector<16xf32>
          %swap3A_891 = arith.index_cast %add3A_791 : i32 to index
          %swap3A_892 = arith.constant 112 : index
          %swap3A_893 = tpu.vector_load %arg12[%swap3A_891, %swap3A_892] {strides = array<i32>} : memref<128x128xf32, #tpu.memory_space<vmem>>, vector<1x16xf32>,
          %swap3A_894 = vector.shape_cast %swap3A_893 : vector<1x16xf32> to vector<16xf32>
          %swap3A_895 = vector.shape_cast %mul3A_890 : vector<16xf32> to vector<1x16xf32>
          tpu.vector_store %arg12[%swap3A_891, %swap3A_892], %swap3A_895 {strides = array<i32>} : memref<128x128xf32, #tpu.memory_space<vmem>>, vector<1x16xf32>,
          %slice3A_896 = vector.extract_strided_slice %get3A_131 {offsets = [7], sizes = [1], strides = [1]} : vector<16xf32> to vector<1xf32>
          %squeeze3A_897 = vector.extract %slice3A_896[0] : f32 from vector<1xf32>
          %mul3A_898 = arith.constant 16 : i32
          %mul3A_899 = arith.muli %scan3A_126, %mul3A_898 : i32
          %add3A_900 = arith.constant 7 : i32
          %add3A_901 = arith.addi %mul3A_899, %add3A_900 : i32
          %get3A_902 = arith.index_cast %add3A_901 : i32 to index
          %get3A_903 = arith.constant 0 : index
          %get3A_904 = tpu.vector_load %arg11[%get3A_902, %get3A_903] {strides = array<i32>} : memref<128x64xi32, #tpu.memory_space<vmem>>, vector<1x16xi32>,
          %get3A_905 = vector.shape_cast %get3A_904 : vector<1x16xi32> to vector<16xi32>
          %shift_left3A_906 = arith.constant 16 : i32
          %shift_left3A_907 = vector.broadcast %shift_left3A_906 : i32 to vector<16xi32>
          %shift_left3A_908 = arith.shli %get3A_905, %shift_left3A_907 : vector<16xi32>
          %bitcast_convert_type3A_909 = tpu.bitcast %shift_left3A_908 : vector<16xi32> -> vector<16xf32>
          %and3A_910 = arith.constant -65536 : i32
          %and3A_911 = vector.broadcast %and3A_910 : i32 to vector<16xi32>
          %and3A_912 = arith.andi %get3A_905, %and3A_911 : vector<16xi32>
          %bitcast_convert_type3A_913 = tpu.bitcast %and3A_912 : vector<16xi32> -> vector<16xf32>
          %mul3A_914 = vector.broadcast %squeeze3A_897 : f32 to vector<16xf32>
          %mul3A_915 = arith.mulf %bitcast_convert_type3A_909, %mul3A_914 : vector<16xf32>
          %swap3A_916 = arith.index_cast %add3A_901 : i32 to index
          %swap3A_917 = arith.constant 0 : index
          %swap3A_918 = tpu.vector_load %arg12[%swap3A_916, %swap3A_917] {strides = array<i32>} : memref<128x128xf32, #tpu.memory_space<vmem>>, vector<1x16xf32>,
          %swap3A_919 = vector.shape_cast %swap3A_918 : vector<1x16xf32> to vector<16xf32>
          %swap3A_920 = vector.shape_cast %mul3A_915 : vector<16xf32> to vector<1x16xf32>
          tpu.vector_store %arg12[%swap3A_916, %swap3A_917], %swap3A_920 {strides = array<i32>} : memref<128x128xf32, #tpu.memory_space<vmem>>, vector<1x16xf32>,
          %mul3A_921 = vector.broadcast %squeeze3A_897 : f32 to vector<16xf32>
          %mul3A_922 = arith.mulf %bitcast_convert_type3A_913, %mul3A_921 : vector<16xf32>
          %swap3A_923 = arith.index_cast %add3A_901 : i32 to index
          %swap3A_924 = arith.constant 16 : index
          %swap3A_925 = tpu.vector_load %arg12[%swap3A_923, %swap3A_924] {strides = array<i32>} : memref<128x128xf32, #tpu.memory_space<vmem>>, vector<1x16xf32>,
          %swap3A_926 = vector.shape_cast %swap3A_925 : vector<1x16xf32> to vector<16xf32>
          %swap3A_927 = vector.shape_cast %mul3A_922 : vector<16xf32> to vector<1x16xf32>
          tpu.vector_store %arg12[%swap3A_923, %swap3A_924], %swap3A_927 {strides = array<i32>} : memref<128x128xf32, #tpu.memory_space<vmem>>, vector<1x16xf32>,
          %get3A_928 = arith.index_cast %add3A_901 : i32 to index
          %get3A_929 = arith.constant 16 : index
          %get3A_930 = tpu.vector_load %arg11[%get3A_928, %get3A_929] {strides = array<i32>} : memref<128x64xi32, #tpu.memory_space<vmem>>, vector<1x16xi32>,
          %get3A_931 = vector.shape_cast %get3A_930 : vector<1x16xi32> to vector<16xi32>
          %shift_left3A_932 = arith.constant 16 : i32
          %shift_left3A_933 = vector.broadcast %shift_left3A_932 : i32 to vector<16xi32>
          %shift_left3A_934 = arith.shli %get3A_931, %shift_left3A_933 : vector<16xi32>
          %bitcast_convert_type3A_935 = tpu.bitcast %shift_left3A_934 : vector<16xi32> -> vector<16xf32>
          %and3A_936 = arith.constant -65536 : i32
          %and3A_937 = vector.broadcast %and3A_936 : i32 to vector<16xi32>
          %and3A_938 = arith.andi %get3A_931, %and3A_937 : vector<16xi32>
          %bitcast_convert_type3A_939 = tpu.bitcast %and3A_938 : vector<16xi32> -> vector<16xf32>
          %mul3A_940 = vector.broadcast %squeeze3A_897 : f32 to vector<16xf32>
          %mul3A_941 = arith.mulf %bitcast_convert_type3A_935, %mul3A_940 : vector<16xf32>
          %swap3A_942 = arith.index_cast %add3A_901 : i32 to index
          %swap3A_943 = arith.constant 32 : index
          %swap3A_944 = tpu.vector_load %arg12[%swap3A_942, %swap3A_943] {strides = array<i32>} : memref<128x128xf32, #tpu.memory_space<vmem>>, vector<1x16xf32>,
          %swap3A_945 = vector.shape_cast %swap3A_944 : vector<1x16xf32> to vector<16xf32>
          %swap3A_946 = vector.shape_cast %mul3A_941 : vector<16xf32> to vector<1x16xf32>
          tpu.vector_store %arg12[%swap3A_942, %swap3A_943], %swap3A_946 {strides = array<i32>} : memref<128x128xf32, #tpu.memory_space<vmem>>, vector<1x16xf32>,
          %mul3A_947 = vector.broadcast %squeeze3A_897 : f32 to vector<16xf32>
          %mul3A_948 = arith.mulf %bitcast_convert_type3A_939, %mul3A_947 : vector<16xf32>
          %swap3A_949 = arith.index_cast %add3A_901 : i32 to index
          %swap3A_950 = arith.constant 48 : index
          %swap3A_951 = tpu.vector_load %arg12[%swap3A_949, %swap3A_950] {strides = array<i32>} : memref<128x128xf32, #tpu.memory_space<vmem>>, vector<1x16xf32>,
          %swap3A_952 = vector.shape_cast %swap3A_951 : vector<1x16xf32> to vector<16xf32>
          %swap3A_953 = vector.shape_cast %mul3A_948 : vector<16xf32> to vector<1x16xf32>
          tpu.vector_store %arg12[%swap3A_949, %swap3A_950], %swap3A_953 {strides = array<i32>} : memref<128x128xf32, #tpu.memory_space<vmem>>, vector<1x16xf32>,
          %get3A_954 = arith.index_cast %add3A_901 : i32 to index
          %get3A_955 = arith.constant 32 : index
          %get3A_956 = tpu.vector_load %arg11[%get3A_954, %get3A_955] {strides = array<i32>} : memref<128x64xi32, #tpu.memory_space<vmem>>, vector<1x16xi32>,
          %get3A_957 = vector.shape_cast %get3A_956 : vector<1x16xi32> to vector<16xi32>
          %shift_left3A_958 = arith.constant 16 : i32
          %shift_left3A_959 = vector.broadcast %shift_left3A_958 : i32 to vector<16xi32>
          %shift_left3A_960 = arith.shli %get3A_957, %shift_left3A_959 : vector<16xi32>
          %bitcast_convert_type3A_961 = tpu.bitcast %shift_left3A_960 : vector<16xi32> -> vector<16xf32>
          %and3A_962 = arith.constant -65536 : i32
          %and3A_963 = vector.broadcast %and3A_962 : i32 to vector<16xi32>
          %and3A_964 = arith.andi %get3A_957, %and3A_963 : vector<16xi32>
          %bitcast_convert_type3A_965 = tpu.bitcast %and3A_964 : vector<16xi32> -> vector<16xf32>
          %mul3A_966 = vector.broadcast %squeeze3A_897 : f32 to vector<16xf32>
          %mul3A_967 = arith.mulf %bitcast_convert_type3A_961, %mul3A_966 : vector<16xf32>
          %swap3A_968 = arith.index_cast %add3A_901 : i32 to index
          %swap3A_969 = arith.constant 64 : index
          %swap3A_970 = tpu.vector_load %arg12[%swap3A_968, %swap3A_969] {strides = array<i32>} : memref<128x128xf32, #tpu.memory_space<vmem>>, vector<1x16xf32>,
          %swap3A_971 = vector.shape_cast %swap3A_970 : vector<1x16xf32> to vector<16xf32>
          %swap3A_972 = vector.shape_cast %mul3A_967 : vector<16xf32> to vector<1x16xf32>
          tpu.vector_store %arg12[%swap3A_968, %swap3A_969], %swap3A_972 {strides = array<i32>} : memref<128x128xf32, #tpu.memory_space<vmem>>, vector<1x16xf32>,
          %mul3A_973 = vector.broadcast %squeeze3A_897 : f32 to vector<16xf32>
          %mul3A_974 = arith.mulf %bitcast_convert_type3A_965, %mul3A_973 : vector<16xf32>
          %swap3A_975 = arith.index_cast %add3A_901 : i32 to index
          %swap3A_976 = arith.constant 80 : index
          %swap3A_977 = tpu.vector_load %arg12[%swap3A_975, %swap3A_976] {strides = array<i32>} : memref<128x128xf32, #tpu.memory_space<vmem>>, vector<1x16xf32>,
          %swap3A_978 = vector.shape_cast %swap3A_977 : vector<1x16xf32> to vector<16xf32>
          %swap3A_979 = vector.shape_cast %mul3A_974 : vector<16xf32> to vector<1x16xf32>
          tpu.vector_store %arg12[%swap3A_975, %swap3A_976], %swap3A_979 {strides = array<i32>} : memref<128x128xf32, #tpu.memory_space<vmem>>, vector<1x16xf32>,
          %get3A_980 = arith.index_cast %add3A_901 : i32 to index
          %get3A_981 = arith.constant 48 : index
          %get3A_982 = tpu.vector_load %arg11[%get3A_980, %get3A_981] {strides = array<i32>} : memref<128x64xi32, #tpu.memory_space<vmem>>, vector<1x16xi32>,
          %get3A_983 = vector.shape_cast %get3A_982 : vector<1x16xi32> to vector<16xi32>
          %shift_left3A_984 = arith.constant 16 : i32
          %shift_left3A_985 = vector.broadcast %shift_left3A_984 : i32 to vector<16xi32>
          %shift_left3A_986 = arith.shli %get3A_983, %shift_left3A_985 : vector<16xi32>
          %bitcast_convert_type3A_987 = tpu.bitcast %shift_left3A_986 : vector<16xi32> -> vector<16xf32>
          %and3A_988 = arith.constant -65536 : i32
          %and3A_989 = vector.broadcast %and3A_988 : i32 to vector<16xi32>
          %and3A_990 = arith.andi %get3A_983, %and3A_989 : vector<16xi32>
          %bitcast_convert_type3A_991 = tpu.bitcast %and3A_990 : vector<16xi32> -> vector<16xf32>
          %mul3A_992 = vector.broadcast %squeeze3A_897 : f32 to vector<16xf32>
          %mul3A_993 = arith.mulf %bitcast_convert_type3A_987, %mul3A_992 : vector<16xf32>
          %swap3A_994 = arith.index_cast %add3A_901 : i32 to index
          %swap3A_995 = arith.constant 96 : index
          %swap3A_996 = tpu.vector_load %arg12[%swap3A_994, %swap3A_995] {strides = array<i32>} : memref<128x128xf32, #tpu.memory_space<vmem>>, vector<1x16xf32>,
          %swap3A_997 = vector.shape_cast %swap3A_996 : vector<1x16xf32> to vector<16xf32>
          %swap3A_998 = vector.shape_cast %mul3A_993 : vector<16xf32> to vector<1x16xf32>
          tpu.vector_store %arg12[%swap3A_994, %swap3A_995], %swap3A_998 {strides = array<i32>} : memref<128x128xf32, #tpu.memory_space<vmem>>, vector<1x16xf32>,
          %mul3A_999 = vector.broadcast %squeeze3A_897 : f32 to vector<16xf32>
          %mul3A_1000 = arith.mulf %bitcast_convert_type3A_991, %mul3A_999 : vector<16xf32>
          %swap3A_1001 = arith.index_cast %add3A_901 : i32 to index
          %swap3A_1002 = arith.constant 112 : index
          %swap3A_1003 = tpu.vector_load %arg12[%swap3A_1001, %swap3A_1002] {strides = array<i32>} : memref<128x128xf32, #tpu.memory_space<vmem>>, vector<1x16xf32>,
          %swap3A_1004 = vector.shape_cast %swap3A_1003 : vector<1x16xf32> to vector<16xf32>
          %swap3A_1005 = vector.shape_cast %mul3A_1000 : vector<16xf32> to vector<1x16xf32>
          tpu.vector_store %arg12[%swap3A_1001, %swap3A_1002], %swap3A_1005 {strides = array<i32>} : memref<128x128xf32, #tpu.memory_space<vmem>>, vector<1x16xf32>,
          %slice3A_1006 = vector.extract_strided_slice %get3A_131 {offsets = [8], sizes = [1], strides = [1]} : vector<16xf32> to vector<1xf32>
          %squeeze3A_1007 = vector.extract %slice3A_1006[0] : f32 from vector<1xf32>
          %mul3A_1008 = arith.constant 16 : i32
          %mul3A_1009 = arith.muli %scan3A_126, %mul3A_1008 : i32
          %add3A_1010 = arith.constant 8 : i32
          %add3A_1011 = arith.addi %mul3A_1009, %add3A_1010 : i32
          %get3A_1012 = arith.index_cast %add3A_1011 : i32 to index
          %get3A_1013 = arith.constant 0 : index
          %get3A_1014 = tpu.vector_load %arg11[%get3A_1012, %get3A_1013] {strides = array<i32>} : memref<128x64xi32, #tpu.memory_space<vmem>>, vector<1x16xi32>,
          %get3A_1015 = vector.shape_cast %get3A_1014 : vector<1x16xi32> to vector<16xi32>
          %shift_left3A_1016 = arith.constant 16 : i32
          %shift_left3A_1017 = vector.broadcast %shift_left3A_1016 : i32 to vector<16xi32>
          %shift_left3A_1018 = arith.shli %get3A_1015, %shift_left3A_1017 : vector<16xi32>
          %bitcast_convert_type3A_1019 = tpu.bitcast %shift_left3A_1018 : vector<16xi32> -> vector<16xf32>
          %and3A_1020 = arith.constant -65536 : i32
          %and3A_1021 = vector.broadcast %and3A_1020 : i32 to vector<16xi32>
          %and3A_1022 = arith.andi %get3A_1015, %and3A_1021 : vector<16xi32>
          %bitcast_convert_type3A_1023 = tpu.bitcast %and3A_1022 : vector<16xi32> -> vector<16xf32>
          %mul3A_1024 = vector.broadcast %squeeze3A_1007 : f32 to vector<16xf32>
          %mul3A_1025 = arith.mulf %bitcast_convert_type3A_1019, %mul3A_1024 : vector<16xf32>
          %swap3A_1026 = arith.index_cast %add3A_1011 : i32 to index
          %swap3A_1027 = arith.constant 0 : index
          %swap3A_1028 = tpu.vector_load %arg12[%swap3A_1026, %swap3A_1027] {strides = array<i32>} : memref<128x128xf32, #tpu.memory_space<vmem>>, vector<1x16xf32>,
          %swap3A_1029 = vector.shape_cast %swap3A_1028 : vector<1x16xf32> to vector<16xf32>
          %swap3A_1030 = vector.shape_cast %mul3A_1025 : vector<16xf32> to vector<1x16xf32>
          tpu.vector_store %arg12[%swap3A_1026, %swap3A_1027], %swap3A_1030 {strides = array<i32>} : memref<128x128xf32, #tpu.memory_space<vmem>>, vector<1x16xf32>,
          %mul3A_1031 = vector.broadcast %squeeze3A_1007 : f32 to vector<16xf32>
          %mul3A_1032 = arith.mulf %bitcast_convert_type3A_1023, %mul3A_1031 : vector<16xf32>
          %swap3A_1033 = arith.index_cast %add3A_1011 : i32 to index
          %swap3A_1034 = arith.constant 16 : index
          %swap3A_1035 = tpu.vector_load %arg12[%swap3A_1033, %swap3A_1034] {strides = array<i32>} : memref<128x128xf32, #tpu.memory_space<vmem>>, vector<1x16xf32>,
          %swap3A_1036 = vector.shape_cast %swap3A_1035 : vector<1x16xf32> to vector<16xf32>
          %swap3A_1037 = vector.shape_cast %mul3A_1032 : vector<16xf32> to vector<1x16xf32>
          tpu.vector_store %arg12[%swap3A_1033, %swap3A_1034], %swap3A_1037 {strides = array<i32>} : memref<128x128xf32, #tpu.memory_space<vmem>>, vector<1x16xf32>,
          %get3A_1038 = arith.index_cast %add3A_1011 : i32 to index
          %get3A_1039 = arith.constant 16 : index
          %get3A_1040 = tpu.vector_load %arg11[%get3A_1038, %get3A_1039] {strides = array<i32>} : memref<128x64xi32, #tpu.memory_space<vmem>>, vector<1x16xi32>,
          %get3A_1041 = vector.shape_cast %get3A_1040 : vector<1x16xi32> to vector<16xi32>
          %shift_left3A_1042 = arith.constant 16 : i32
          %shift_left3A_1043 = vector.broadcast %shift_left3A_1042 : i32 to vector<16xi32>
          %shift_left3A_1044 = arith.shli %get3A_1041, %shift_left3A_1043 : vector<16xi32>
          %bitcast_convert_type3A_1045 = tpu.bitcast %shift_left3A_1044 : vector<16xi32> -> vector<16xf32>
          %and3A_1046 = arith.constant -65536 : i32
          %and3A_1047 = vector.broadcast %and3A_1046 : i32 to vector<16xi32>
          %and3A_1048 = arith.andi %get3A_1041, %and3A_1047 : vector<16xi32>
          %bitcast_convert_type3A_1049 = tpu.bitcast %and3A_1048 : vector<16xi32> -> vector<16xf32>
          %mul3A_1050 = vector.broadcast %squeeze3A_1007 : f32 to vector<16xf32>
          %mul3A_1051 = arith.mulf %bitcast_convert_type3A_1045, %mul3A_1050 : vector<16xf32>
          %swap3A_1052 = arith.index_cast %add3A_1011 : i32 to index
          %swap3A_1053 = arith.constant 32 : index
          %swap3A_1054 = tpu.vector_load %arg12[%swap3A_1052, %swap3A_1053] {strides = array<i32>} : memref<128x128xf32, #tpu.memory_space<vmem>>, vector<1x16xf32>,
          %swap3A_1055 = vector.shape_cast %swap3A_1054 : vector<1x16xf32> to vector<16xf32>
          %swap3A_1056 = vector.shape_cast %mul3A_1051 : vector<16xf32> to vector<1x16xf32>
          tpu.vector_store %arg12[%swap3A_1052, %swap3A_1053], %swap3A_1056 {strides = array<i32>} : memref<128x128xf32, #tpu.memory_space<vmem>>, vector<1x16xf32>,
          %mul3A_1057 = vector.broadcast %squeeze3A_1007 : f32 to vector<16xf32>
          %mul3A_1058 = arith.mulf %bitcast_convert_type3A_1049, %mul3A_1057 : vector<16xf32>
          %swap3A_1059 = arith.index_cast %add3A_1011 : i32 to index
          %swap3A_1060 = arith.constant 48 : index
          %swap3A_1061 = tpu.vector_load %arg12[%swap3A_1059, %swap3A_1060] {strides = array<i32>} : memref<128x128xf32, #tpu.memory_space<vmem>>, vector<1x16xf32>,
          %swap3A_1062 = vector.shape_cast %swap3A_1061 : vector<1x16xf32> to vector<16xf32>
          %swap3A_1063 = vector.shape_cast %mul3A_1058 : vector<16xf32> to vector<1x16xf32>
          tpu.vector_store %arg12[%swap3A_1059, %swap3A_1060], %swap3A_1063 {strides = array<i32>} : memref<128x128xf32, #tpu.memory_space<vmem>>, vector<1x16xf32>,
          %get3A_1064 = arith.index_cast %add3A_1011 : i32 to index
          %get3A_1065 = arith.constant 32 : index
          %get3A_1066 = tpu.vector_load %arg11[%get3A_1064, %get3A_1065] {strides = array<i32>} : memref<128x64xi32, #tpu.memory_space<vmem>>, vector<1x16xi32>,
          %get3A_1067 = vector.shape_cast %get3A_1066 : vector<1x16xi32> to vector<16xi32>
          %shift_left3A_1068 = arith.constant 16 : i32
          %shift_left3A_1069 = vector.broadcast %shift_left3A_1068 : i32 to vector<16xi32>
          %shift_left3A_1070 = arith.shli %get3A_1067, %shift_left3A_1069 : vector<16xi32>
          %bitcast_convert_type3A_1071 = tpu.bitcast %shift_left3A_1070 : vector<16xi32> -> vector<16xf32>
          %and3A_1072 = arith.constant -65536 : i32
          %and3A_1073 = vector.broadcast %and3A_1072 : i32 to vector<16xi32>
          %and3A_1074 = arith.andi %get3A_1067, %and3A_1073 : vector<16xi32>
          %bitcast_convert_type3A_1075 = tpu.bitcast %and3A_1074 : vector<16xi32> -> vector<16xf32>
          %mul3A_1076 = vector.broadcast %squeeze3A_1007 : f32 to vector<16xf32>
          %mul3A_1077 = arith.mulf %bitcast_convert_type3A_1071, %mul3A_1076 : vector<16xf32>
          %swap3A_1078 = arith.index_cast %add3A_1011 : i32 to index
          %swap3A_1079 = arith.constant 64 : index
          %swap3A_1080 = tpu.vector_load %arg12[%swap3A_1078, %swap3A_1079] {strides = array<i32>} : memref<128x128xf32, #tpu.memory_space<vmem>>, vector<1x16xf32>,
          %swap3A_1081 = vector.shape_cast %swap3A_1080 : vector<1x16xf32> to vector<16xf32>
          %swap3A_1082 = vector.shape_cast %mul3A_1077 : vector<16xf32> to vector<1x16xf32>
          tpu.vector_store %arg12[%swap3A_1078, %swap3A_1079], %swap3A_1082 {strides = array<i32>} : memref<128x128xf32, #tpu.memory_space<vmem>>, vector<1x16xf32>,
          %mul3A_1083 = vector.broadcast %squeeze3A_1007 : f32 to vector<16xf32>
          %mul3A_1084 = arith.mulf %bitcast_convert_type3A_1075, %mul3A_1083 : vector<16xf32>
          %swap3A_1085 = arith.index_cast %add3A_1011 : i32 to index
          %swap3A_1086 = arith.constant 80 : index
          %swap3A_1087 = tpu.vector_load %arg12[%swap3A_1085, %swap3A_1086] {strides = array<i32>} : memref<128x128xf32, #tpu.memory_space<vmem>>, vector<1x16xf32>,
          %swap3A_1088 = vector.shape_cast %swap3A_1087 : vector<1x16xf32> to vector<16xf32>
          %swap3A_1089 = vector.shape_cast %mul3A_1084 : vector<16xf32> to vector<1x16xf32>
          tpu.vector_store %arg12[%swap3A_1085, %swap3A_1086], %swap3A_1089 {strides = array<i32>} : memref<128x128xf32, #tpu.memory_space<vmem>>, vector<1x16xf32>,
          %get3A_1090 = arith.index_cast %add3A_1011 : i32 to index
          %get3A_1091 = arith.constant 48 : index
          %get3A_1092 = tpu.vector_load %arg11[%get3A_1090, %get3A_1091] {strides = array<i32>} : memref<128x64xi32, #tpu.memory_space<vmem>>, vector<1x16xi32>,
          %get3A_1093 = vector.shape_cast %get3A_1092 : vector<1x16xi32> to vector<16xi32>
          %shift_left3A_1094 = arith.constant 16 : i32
          %shift_left3A_1095 = vector.broadcast %shift_left3A_1094 : i32 to vector<16xi32>
          %shift_left3A_1096 = arith.shli %get3A_1093, %shift_left3A_1095 : vector<16xi32>
          %bitcast_convert_type3A_1097 = tpu.bitcast %shift_left3A_1096 : vector<16xi32> -> vector<16xf32>
          %and3A_1098 = arith.constant -65536 : i32
          %and3A_1099 = vector.broadcast %and3A_1098 : i32 to vector<16xi32>
          %and3A_1100 = arith.andi %get3A_1093, %and3A_1099 : vector<16xi32>
          %bitcast_convert_type3A_1101 = tpu.bitcast %and3A_1100 : vector<16xi32> -> vector<16xf32>
          %mul3A_1102 = vector.broadcast %squeeze3A_1007 : f32 to vector<16xf32>
          %mul3A_1103 = arith.mulf %bitcast_convert_type3A_1097, %mul3A_1102 : vector<16xf32>
          %swap3A_1104 = arith.index_cast %add3A_1011 : i32 to index
          %swap3A_1105 = arith.constant 96 : index
          %swap3A_1106 = tpu.vector_load %arg12[%swap3A_1104, %swap3A_1105] {strides = array<i32>} : memref<128x128xf32, #tpu.memory_space<vmem>>, vector<1x16xf32>,
          %swap3A_1107 = vector.shape_cast %swap3A_1106 : vector<1x16xf32> to vector<16xf32>
          %swap3A_1108 = vector.shape_cast %mul3A_1103 : vector<16xf32> to vector<1x16xf32>
          tpu.vector_store %arg12[%swap3A_1104, %swap3A_1105], %swap3A_1108 {strides = array<i32>} : memref<128x128xf32, #tpu.memory_space<vmem>>, vector<1x16xf32>,
          %mul3A_1109 = vector.broadcast %squeeze3A_1007 : f32 to vector<16xf32>
          %mul3A_1110 = arith.mulf %bitcast_convert_type3A_1101, %mul3A_1109 : vector<16xf32>
          %swap3A_1111 = arith.index_cast %add3A_1011 : i32 to index
          %swap3A_1112 = arith.constant 112 : index
          %swap3A_1113 = tpu.vector_load %arg12[%swap3A_1111, %swap3A_1112] {strides = array<i32>} : memref<128x128xf32, #tpu.memory_space<vmem>>, vector<1x16xf32>,
          %swap3A_1114 = vector.shape_cast %swap3A_1113 : vector<1x16xf32> to vector<16xf32>
          %swap3A_1115 = vector.shape_cast %mul3A_1110 : vector<16xf32> to vector<1x16xf32>
          tpu.vector_store %arg12[%swap3A_1111, %swap3A_1112], %swap3A_1115 {strides = array<i32>} : memref<128x128xf32, #tpu.memory_space<vmem>>, vector<1x16xf32>,
          %slice3A_1116 = vector.extract_strided_slice %get3A_131 {offsets = [9], sizes = [1], strides = [1]} : vector<16xf32> to vector<1xf32>
          %squeeze3A_1117 = vector.extract %slice3A_1116[0] : f32 from vector<1xf32>
          %mul3A_1118 = arith.constant 16 : i32
          %mul3A_1119 = arith.muli %scan3A_126, %mul3A_1118 : i32
          %add3A_1120 = arith.constant 9 : i32
          %add3A_1121 = arith.addi %mul3A_1119, %add3A_1120 : i32
          %get3A_1122 = arith.index_cast %add3A_1121 : i32 to index
          %get3A_1123 = arith.constant 0 : index
          %get3A_1124 = tpu.vector_load %arg11[%get3A_1122, %get3A_1123] {strides = array<i32>} : memref<128x64xi32, #tpu.memory_space<vmem>>, vector<1x16xi32>,
          %get3A_1125 = vector.shape_cast %get3A_1124 : vector<1x16xi32> to vector<16xi32>
          %shift_left3A_1126 = arith.constant 16 : i32
          %shift_left3A_1127 = vector.broadcast %shift_left3A_1126 : i32 to vector<16xi32>
          %shift_left3A_1128 = arith.shli %get3A_1125, %shift_left3A_1127 : vector<16xi32>
          %bitcast_convert_type3A_1129 = tpu.bitcast %shift_left3A_1128 : vector<16xi32> -> vector<16xf32>
          %and3A_1130 = arith.constant -65536 : i32
          %and3A_1131 = vector.broadcast %and3A_1130 : i32 to vector<16xi32>
          %and3A_1132 = arith.andi %get3A_1125, %and3A_1131 : vector<16xi32>
          %bitcast_convert_type3A_1133 = tpu.bitcast %and3A_1132 : vector<16xi32> -> vector<16xf32>
          %mul3A_1134 = vector.broadcast %squeeze3A_1117 : f32 to vector<16xf32>
          %mul3A_1135 = arith.mulf %bitcast_convert_type3A_1129, %mul3A_1134 : vector<16xf32>
          %swap3A_1136 = arith.index_cast %add3A_1121 : i32 to index
          %swap3A_1137 = arith.constant 0 : index
          %swap3A_1138 = tpu.vector_load %arg12[%swap3A_1136, %swap3A_1137] {strides = array<i32>} : memref<128x128xf32, #tpu.memory_space<vmem>>, vector<1x16xf32>,
          %swap3A_1139 = vector.shape_cast %swap3A_1138 : vector<1x16xf32> to vector<16xf32>
          %swap3A_1140 = vector.shape_cast %mul3A_1135 : vector<16xf32> to vector<1x16xf32>
          tpu.vector_store %arg12[%swap3A_1136, %swap3A_1137], %swap3A_1140 {strides = array<i32>} : memref<128x128xf32, #tpu.memory_space<vmem>>, vector<1x16xf32>,
          %mul3A_1141 = vector.broadcast %squeeze3A_1117 : f32 to vector<16xf32>
          %mul3A_1142 = arith.mulf %bitcast_convert_type3A_1133, %mul3A_1141 : vector<16xf32>
          %swap3A_1143 = arith.index_cast %add3A_1121 : i32 to index
          %swap3A_1144 = arith.constant 16 : index
          %swap3A_1145 = tpu.vector_load %arg12[%swap3A_1143, %swap3A_1144] {strides = array<i32>} : memref<128x128xf32, #tpu.memory_space<vmem>>, vector<1x16xf32>,
          %swap3A_1146 = vector.shape_cast %swap3A_1145 : vector<1x16xf32> to vector<16xf32>
          %swap3A_1147 = vector.shape_cast %mul3A_1142 : vector<16xf32> to vector<1x16xf32>
          tpu.vector_store %arg12[%swap3A_1143, %swap3A_1144], %swap3A_1147 {strides = array<i32>} : memref<128x128xf32, #tpu.memory_space<vmem>>, vector<1x16xf32>,
          %get3A_1148 = arith.index_cast %add3A_1121 : i32 to index
          %get3A_1149 = arith.constant 16 : index
          %get3A_1150 = tpu.vector_load %arg11[%get3A_1148, %get3A_1149] {strides = array<i32>} : memref<128x64xi32, #tpu.memory_space<vmem>>, vector<1x16xi32>,
          %get3A_1151 = vector.shape_cast %get3A_1150 : vector<1x16xi32> to vector<16xi32>
          %shift_left3A_1152 = arith.constant 16 : i32
          %shift_left3A_1153 = vector.broadcast %shift_left3A_1152 : i32 to vector<16xi32>
          %shift_left3A_1154 = arith.shli %get3A_1151, %shift_left3A_1153 : vector<16xi32>
          %bitcast_convert_type3A_1155 = tpu.bitcast %shift_left3A_1154 : vector<16xi32> -> vector<16xf32>
          %and3A_1156 = arith.constant -65536 : i32
          %and3A_1157 = vector.broadcast %and3A_1156 : i32 to vector<16xi32>
          %and3A_1158 = arith.andi %get3A_1151, %and3A_1157 : vector<16xi32>
          %bitcast_convert_type3A_1159 = tpu.bitcast %and3A_1158 : vector<16xi32> -> vector<16xf32>
          %mul3A_1160 = vector.broadcast %squeeze3A_1117 : f32 to vector<16xf32>
          %mul3A_1161 = arith.mulf %bitcast_convert_type3A_1155, %mul3A_1160 : vector<16xf32>
          %swap3A_1162 = arith.index_cast %add3A_1121 : i32 to index
          %swap3A_1163 = arith.constant 32 : index
          %swap3A_1164 = tpu.vector_load %arg12[%swap3A_1162, %swap3A_1163] {strides = array<i32>} : memref<128x128xf32, #tpu.memory_space<vmem>>, vector<1x16xf32>,
          %swap3A_1165 = vector.shape_cast %swap3A_1164 : vector<1x16xf32> to vector<16xf32>
          %swap3A_1166 = vector.shape_cast %mul3A_1161 : vector<16xf32> to vector<1x16xf32>
          tpu.vector_store %arg12[%swap3A_1162, %swap3A_1163], %swap3A_1166 {strides = array<i32>} : memref<128x128xf32, #tpu.memory_space<vmem>>, vector<1x16xf32>,
          %mul3A_1167 = vector.broadcast %squeeze3A_1117 : f32 to vector<16xf32>
          %mul3A_1168 = arith.mulf %bitcast_convert_type3A_1159, %mul3A_1167 : vector<16xf32>
          %swap3A_1169 = arith.index_cast %add3A_1121 : i32 to index
          %swap3A_1170 = arith.constant 48 : index
          %swap3A_1171 = tpu.vector_load %arg12[%swap3A_1169, %swap3A_1170] {strides = array<i32>} : memref<128x128xf32, #tpu.memory_space<vmem>>, vector<1x16xf32>,
          %swap3A_1172 = vector.shape_cast %swap3A_1171 : vector<1x16xf32> to vector<16xf32>
          %swap3A_1173 = vector.shape_cast %mul3A_1168 : vector<16xf32> to vector<1x16xf32>
          tpu.vector_store %arg12[%swap3A_1169, %swap3A_1170], %swap3A_1173 {strides = array<i32>} : memref<128x128xf32, #tpu.memory_space<vmem>>, vector<1x16xf32>,
          %get3A_1174 = arith.index_cast %add3A_1121 : i32 to index
          %get3A_1175 = arith.constant 32 : index
          %get3A_1176 = tpu.vector_load %arg11[%get3A_1174, %get3A_1175] {strides = array<i32>} : memref<128x64xi32, #tpu.memory_space<vmem>>, vector<1x16xi32>,
          %get3A_1177 = vector.shape_cast %get3A_1176 : vector<1x16xi32> to vector<16xi32>
          %shift_left3A_1178 = arith.constant 16 : i32
          %shift_left3A_1179 = vector.broadcast %shift_left3A_1178 : i32 to vector<16xi32>
          %shift_left3A_1180 = arith.shli %get3A_1177, %shift_left3A_1179 : vector<16xi32>
          %bitcast_convert_type3A_1181 = tpu.bitcast %shift_left3A_1180 : vector<16xi32> -> vector<16xf32>
          %and3A_1182 = arith.constant -65536 : i32
          %and3A_1183 = vector.broadcast %and3A_1182 : i32 to vector<16xi32>
          %and3A_1184 = arith.andi %get3A_1177, %and3A_1183 : vector<16xi32>
          %bitcast_convert_type3A_1185 = tpu.bitcast %and3A_1184 : vector<16xi32> -> vector<16xf32>
          %mul3A_1186 = vector.broadcast %squeeze3A_1117 : f32 to vector<16xf32>
          %mul3A_1187 = arith.mulf %bitcast_convert_type3A_1181, %mul3A_1186 : vector<16xf32>
          %swap3A_1188 = arith.index_cast %add3A_1121 : i32 to index
          %swap3A_1189 = arith.constant 64 : index
          %swap3A_1190 = tpu.vector_load %arg12[%swap3A_1188, %swap3A_1189] {strides = array<i32>} : memref<128x128xf32, #tpu.memory_space<vmem>>, vector<1x16xf32>,
          %swap3A_1191 = vector.shape_cast %swap3A_1190 : vector<1x16xf32> to vector<16xf32>
          %swap3A_1192 = vector.shape_cast %mul3A_1187 : vector<16xf32> to vector<1x16xf32>
          tpu.vector_store %arg12[%swap3A_1188, %swap3A_1189], %swap3A_1192 {strides = array<i32>} : memref<128x128xf32, #tpu.memory_space<vmem>>, vector<1x16xf32>,
          %mul3A_1193 = vector.broadcast %squeeze3A_1117 : f32 to vector<16xf32>
          %mul3A_1194 = arith.mulf %bitcast_convert_type3A_1185, %mul3A_1193 : vector<16xf32>
          %swap3A_1195 = arith.index_cast %add3A_1121 : i32 to index
          %swap3A_1196 = arith.constant 80 : index
          %swap3A_1197 = tpu.vector_load %arg12[%swap3A_1195, %swap3A_1196] {strides = array<i32>} : memref<128x128xf32, #tpu.memory_space<vmem>>, vector<1x16xf32>,
          %swap3A_1198 = vector.shape_cast %swap3A_1197 : vector<1x16xf32> to vector<16xf32>
          %swap3A_1199 = vector.shape_cast %mul3A_1194 : vector<16xf32> to vector<1x16xf32>
          tpu.vector_store %arg12[%swap3A_1195, %swap3A_1196], %swap3A_1199 {strides = array<i32>} : memref<128x128xf32, #tpu.memory_space<vmem>>, vector<1x16xf32>,
          %get3A_1200 = arith.index_cast %add3A_1121 : i32 to index
          %get3A_1201 = arith.constant 48 : index
          %get3A_1202 = tpu.vector_load %arg11[%get3A_1200, %get3A_1201] {strides = array<i32>} : memref<128x64xi32, #tpu.memory_space<vmem>>, vector<1x16xi32>,
          %get3A_1203 = vector.shape_cast %get3A_1202 : vector<1x16xi32> to vector<16xi32>
          %shift_left3A_1204 = arith.constant 16 : i32
          %shift_left3A_1205 = vector.broadcast %shift_left3A_1204 : i32 to vector<16xi32>
          %shift_left3A_1206 = arith.shli %get3A_1203, %shift_left3A_1205 : vector<16xi32>
          %bitcast_convert_type3A_1207 = tpu.bitcast %shift_left3A_1206 : vector<16xi32> -> vector<16xf32>
          %and3A_1208 = arith.constant -65536 : i32
          %and3A_1209 = vector.broadcast %and3A_1208 : i32 to vector<16xi32>
          %and3A_1210 = arith.andi %get3A_1203, %and3A_1209 : vector<16xi32>
          %bitcast_convert_type3A_1211 = tpu.bitcast %and3A_1210 : vector<16xi32> -> vector<16xf32>
          %mul3A_1212 = vector.broadcast %squeeze3A_1117 : f32 to vector<16xf32>
          %mul3A_1213 = arith.mulf %bitcast_convert_type3A_1207, %mul3A_1212 : vector<16xf32>
          %swap3A_1214 = arith.index_cast %add3A_1121 : i32 to index
          %swap3A_1215 = arith.constant 96 : index
          %swap3A_1216 = tpu.vector_load %arg12[%swap3A_1214, %swap3A_1215] {strides = array<i32>} : memref<128x128xf32, #tpu.memory_space<vmem>>, vector<1x16xf32>,
          %swap3A_1217 = vector.shape_cast %swap3A_1216 : vector<1x16xf32> to vector<16xf32>
          %swap3A_1218 = vector.shape_cast %mul3A_1213 : vector<16xf32> to vector<1x16xf32>
          tpu.vector_store %arg12[%swap3A_1214, %swap3A_1215], %swap3A_1218 {strides = array<i32>} : memref<128x128xf32, #tpu.memory_space<vmem>>, vector<1x16xf32>,
          %mul3A_1219 = vector.broadcast %squeeze3A_1117 : f32 to vector<16xf32>
          %mul3A_1220 = arith.mulf %bitcast_convert_type3A_1211, %mul3A_1219 : vector<16xf32>
          %swap3A_1221 = arith.index_cast %add3A_1121 : i32 to index
          %swap3A_1222 = arith.constant 112 : index
          %swap3A_1223 = tpu.vector_load %arg12[%swap3A_1221, %swap3A_1222] {strides = array<i32>} : memref<128x128xf32, #tpu.memory_space<vmem>>, vector<1x16xf32>,
          %swap3A_1224 = vector.shape_cast %swap3A_1223 : vector<1x16xf32> to vector<16xf32>
          %swap3A_1225 = vector.shape_cast %mul3A_1220 : vector<16xf32> to vector<1x16xf32>
          tpu.vector_store %arg12[%swap3A_1221, %swap3A_1222], %swap3A_1225 {strides = array<i32>} : memref<128x128xf32, #tpu.memory_space<vmem>>, vector<1x16xf32>,
          %slice3A_1226 = vector.extract_strided_slice %get3A_131 {offsets = [10], sizes = [1], strides = [1]} : vector<16xf32> to vector<1xf32>
          %squeeze3A_1227 = vector.extract %slice3A_1226[0] : f32 from vector<1xf32>
          %mul3A_1228 = arith.constant 16 : i32
          %mul3A_1229 = arith.muli %scan3A_126, %mul3A_1228 : i32
          %add3A_1230 = arith.constant 10 : i32
          %add3A_1231 = arith.addi %mul3A_1229, %add3A_1230 : i32
          %get3A_1232 = arith.index_cast %add3A_1231 : i32 to index
          %get3A_1233 = arith.constant 0 : index
          %get3A_1234 = tpu.vector_load %arg11[%get3A_1232, %get3A_1233] {strides = array<i32>} : memref<128x64xi32, #tpu.memory_space<vmem>>, vector<1x16xi32>,
          %get3A_1235 = vector.shape_cast %get3A_1234 : vector<1x16xi32> to vector<16xi32>
          %shift_left3A_1236 = arith.constant 16 : i32
          %shift_left3A_1237 = vector.broadcast %shift_left3A_1236 : i32 to vector<16xi32>
          %shift_left3A_1238 = arith.shli %get3A_1235, %shift_left3A_1237 : vector<16xi32>
          %bitcast_convert_type3A_1239 = tpu.bitcast %shift_left3A_1238 : vector<16xi32> -> vector<16xf32>
          %and3A_1240 = arith.constant -65536 : i32
          %and3A_1241 = vector.broadcast %and3A_1240 : i32 to vector<16xi32>
          %and3A_1242 = arith.andi %get3A_1235, %and3A_1241 : vector<16xi32>
          %bitcast_convert_type3A_1243 = tpu.bitcast %and3A_1242 : vector<16xi32> -> vector<16xf32>
          %mul3A_1244 = vector.broadcast %squeeze3A_1227 : f32 to vector<16xf32>
          %mul3A_1245 = arith.mulf %bitcast_convert_type3A_1239, %mul3A_1244 : vector<16xf32>
          %swap3A_1246 = arith.index_cast %add3A_1231 : i32 to index
          %swap3A_1247 = arith.constant 0 : index
          %swap3A_1248 = tpu.vector_load %arg12[%swap3A_1246, %swap3A_1247] {strides = array<i32>} : memref<128x128xf32, #tpu.memory_space<vmem>>, vector<1x16xf32>,
          %swap3A_1249 = vector.shape_cast %swap3A_1248 : vector<1x16xf32> to vector<16xf32>
          %swap3A_1250 = vector.shape_cast %mul3A_1245 : vector<16xf32> to vector<1x16xf32>
          tpu.vector_store %arg12[%swap3A_1246, %swap3A_1247], %swap3A_1250 {strides = array<i32>} : memref<128x128xf32, #tpu.memory_space<vmem>>, vector<1x16xf32>,
          %mul3A_1251 = vector.broadcast %squeeze3A_1227 : f32 to vector<16xf32>
          %mul3A_1252 = arith.mulf %bitcast_convert_type3A_1243, %mul3A_1251 : vector<16xf32>
          %swap3A_1253 = arith.index_cast %add3A_1231 : i32 to index
          %swap3A_1254 = arith.constant 16 : index
          %swap3A_1255 = tpu.vector_load %arg12[%swap3A_1253, %swap3A_1254] {strides = array<i32>} : memref<128x128xf32, #tpu.memory_space<vmem>>, vector<1x16xf32>,
          %swap3A_1256 = vector.shape_cast %swap3A_1255 : vector<1x16xf32> to vector<16xf32>
          %swap3A_1257 = vector.shape_cast %mul3A_1252 : vector<16xf32> to vector<1x16xf32>
          tpu.vector_store %arg12[%swap3A_1253, %swap3A_1254], %swap3A_1257 {strides = array<i32>} : memref<128x128xf32, #tpu.memory_space<vmem>>, vector<1x16xf32>,
          %get3A_1258 = arith.index_cast %add3A_1231 : i32 to index
          %get3A_1259 = arith.constant 16 : index
          %get3A_1260 = tpu.vector_load %arg11[%get3A_1258, %get3A_1259] {strides = array<i32>} : memref<128x64xi32, #tpu.memory_space<vmem>>, vector<1x16xi32>,
          %get3A_1261 = vector.shape_cast %get3A_1260 : vector<1x16xi32> to vector<16xi32>
          %shift_left3A_1262 = arith.constant 16 : i32
          %shift_left3A_1263 = vector.broadcast %shift_left3A_1262 : i32 to vector<16xi32>
          %shift_left3A_1264 = arith.shli %get3A_1261, %shift_left3A_1263 : vector<16xi32>
          %bitcast_convert_type3A_1265 = tpu.bitcast %shift_left3A_1264 : vector<16xi32> -> vector<16xf32>
          %and3A_1266 = arith.constant -65536 : i32
          %and3A_1267 = vector.broadcast %and3A_1266 : i32 to vector<16xi32>
          %and3A_1268 = arith.andi %get3A_1261, %and3A_1267 : vector<16xi32>
          %bitcast_convert_type3A_1269 = tpu.bitcast %and3A_1268 : vector<16xi32> -> vector<16xf32>
          %mul3A_1270 = vector.broadcast %squeeze3A_1227 : f32 to vector<16xf32>
          %mul3A_1271 = arith.mulf %bitcast_convert_type3A_1265, %mul3A_1270 : vector<16xf32>
          %swap3A_1272 = arith.index_cast %add3A_1231 : i32 to index
          %swap3A_1273 = arith.constant 32 : index
          %swap3A_1274 = tpu.vector_load %arg12[%swap3A_1272, %swap3A_1273] {strides = array<i32>} : memref<128x128xf32, #tpu.memory_space<vmem>>, vector<1x16xf32>,
          %swap3A_1275 = vector.shape_cast %swap3A_1274 : vector<1x16xf32> to vector<16xf32>
          %swap3A_1276 = vector.shape_cast %mul3A_1271 : vector<16xf32> to vector<1x16xf32>
          tpu.vector_store %arg12[%swap3A_1272, %swap3A_1273], %swap3A_1276 {strides = array<i32>} : memref<128x128xf32, #tpu.memory_space<vmem>>, vector<1x16xf32>,
          %mul3A_1277 = vector.broadcast %squeeze3A_1227 : f32 to vector<16xf32>
          %mul3A_1278 = arith.mulf %bitcast_convert_type3A_1269, %mul3A_1277 : vector<16xf32>
          %swap3A_1279 = arith.index_cast %add3A_1231 : i32 to index
          %swap3A_1280 = arith.constant 48 : index
          %swap3A_1281 = tpu.vector_load %arg12[%swap3A_1279, %swap3A_1280] {strides = array<i32>} : memref<128x128xf32, #tpu.memory_space<vmem>>, vector<1x16xf32>,
          %swap3A_1282 = vector.shape_cast %swap3A_1281 : vector<1x16xf32> to vector<16xf32>
          %swap3A_1283 = vector.shape_cast %mul3A_1278 : vector<16xf32> to vector<1x16xf32>
          tpu.vector_store %arg12[%swap3A_1279, %swap3A_1280], %swap3A_1283 {strides = array<i32>} : memref<128x128xf32, #tpu.memory_space<vmem>>, vector<1x16xf32>,
          %get3A_1284 = arith.index_cast %add3A_1231 : i32 to index
          %get3A_1285 = arith.constant 32 : index
          %get3A_1286 = tpu.vector_load %arg11[%get3A_1284, %get3A_1285] {strides = array<i32>} : memref<128x64xi32, #tpu.memory_space<vmem>>, vector<1x16xi32>,
          %get3A_1287 = vector.shape_cast %get3A_1286 : vector<1x16xi32> to vector<16xi32>
          %shift_left3A_1288 = arith.constant 16 : i32
          %shift_left3A_1289 = vector.broadcast %shift_left3A_1288 : i32 to vector<16xi32>
          %shift_left3A_1290 = arith.shli %get3A_1287, %shift_left3A_1289 : vector<16xi32>
          %bitcast_convert_type3A_1291 = tpu.bitcast %shift_left3A_1290 : vector<16xi32> -> vector<16xf32>
          %and3A_1292 = arith.constant -65536 : i32
          %and3A_1293 = vector.broadcast %and3A_1292 : i32 to vector<16xi32>
          %and3A_1294 = arith.andi %get3A_1287, %and3A_1293 : vector<16xi32>
          %bitcast_convert_type3A_1295 = tpu.bitcast %and3A_1294 : vector<16xi32> -> vector<16xf32>
          %mul3A_1296 = vector.broadcast %squeeze3A_1227 : f32 to vector<16xf32>
          %mul3A_1297 = arith.mulf %bitcast_convert_type3A_1291, %mul3A_1296 : vector<16xf32>
          %swap3A_1298 = arith.index_cast %add3A_1231 : i32 to index
          %swap3A_1299 = arith.constant 64 : index
          %swap3A_1300 = tpu.vector_load %arg12[%swap3A_1298, %swap3A_1299] {strides = array<i32>} : memref<128x128xf32, #tpu.memory_space<vmem>>, vector<1x16xf32>,
          %swap3A_1301 = vector.shape_cast %swap3A_1300 : vector<1x16xf32> to vector<16xf32>
          %swap3A_1302 = vector.shape_cast %mul3A_1297 : vector<16xf32> to vector<1x16xf32>
          tpu.vector_store %arg12[%swap3A_1298, %swap3A_1299], %swap3A_1302 {strides = array<i32>} : memref<128x128xf32, #tpu.memory_space<vmem>>, vector<1x16xf32>,
          %mul3A_1303 = vector.broadcast %squeeze3A_1227 : f32 to vector<16xf32>
          %mul3A_1304 = arith.mulf %bitcast_convert_type3A_1295, %mul3A_1303 : vector<16xf32>
          %swap3A_1305 = arith.index_cast %add3A_1231 : i32 to index
          %swap3A_1306 = arith.constant 80 : index
          %swap3A_1307 = tpu.vector_load %arg12[%swap3A_1305, %swap3A_1306] {strides = array<i32>} : memref<128x128xf32, #tpu.memory_space<vmem>>, vector<1x16xf32>,
          %swap3A_1308 = vector.shape_cast %swap3A_1307 : vector<1x16xf32> to vector<16xf32>
          %swap3A_1309 = vector.shape_cast %mul3A_1304 : vector<16xf32> to vector<1x16xf32>
          tpu.vector_store %arg12[%swap3A_1305, %swap3A_1306], %swap3A_1309 {strides = array<i32>} : memref<128x128xf32, #tpu.memory_space<vmem>>, vector<1x16xf32>,
          %get3A_1310 = arith.index_cast %add3A_1231 : i32 to index
          %get3A_1311 = arith.constant 48 : index
          %get3A_1312 = tpu.vector_load %arg11[%get3A_1310, %get3A_1311] {strides = array<i32>} : memref<128x64xi32, #tpu.memory_space<vmem>>, vector<1x16xi32>,
          %get3A_1313 = vector.shape_cast %get3A_1312 : vector<1x16xi32> to vector<16xi32>
          %shift_left3A_1314 = arith.constant 16 : i32
          %shift_left3A_1315 = vector.broadcast %shift_left3A_1314 : i32 to vector<16xi32>
          %shift_left3A_1316 = arith.shli %get3A_1313, %shift_left3A_1315 : vector<16xi32>
          %bitcast_convert_type3A_1317 = tpu.bitcast %shift_left3A_1316 : vector<16xi32> -> vector<16xf32>
          %and3A_1318 = arith.constant -65536 : i32
          %and3A_1319 = vector.broadcast %and3A_1318 : i32 to vector<16xi32>
          %and3A_1320 = arith.andi %get3A_1313, %and3A_1319 : vector<16xi32>
          %bitcast_convert_type3A_1321 = tpu.bitcast %and3A_1320 : vector<16xi32> -> vector<16xf32>
          %mul3A_1322 = vector.broadcast %squeeze3A_1227 : f32 to vector<16xf32>
          %mul3A_1323 = arith.mulf %bitcast_convert_type3A_1317, %mul3A_1322 : vector<16xf32>
          %swap3A_1324 = arith.index_cast %add3A_1231 : i32 to index
          %swap3A_1325 = arith.constant 96 : index
          %swap3A_1326 = tpu.vector_load %arg12[%swap3A_1324, %swap3A_1325] {strides = array<i32>} : memref<128x128xf32, #tpu.memory_space<vmem>>, vector<1x16xf32>,
          %swap3A_1327 = vector.shape_cast %swap3A_1326 : vector<1x16xf32> to vector<16xf32>
          %swap3A_1328 = vector.shape_cast %mul3A_1323 : vector<16xf32> to vector<1x16xf32>
          tpu.vector_store %arg12[%swap3A_1324, %swap3A_1325], %swap3A_1328 {strides = array<i32>} : memref<128x128xf32, #tpu.memory_space<vmem>>, vector<1x16xf32>,
          %mul3A_1329 = vector.broadcast %squeeze3A_1227 : f32 to vector<16xf32>
          %mul3A_1330 = arith.mulf %bitcast_convert_type3A_1321, %mul3A_1329 : vector<16xf32>
          %swap3A_1331 = arith.index_cast %add3A_1231 : i32 to index
          %swap3A_1332 = arith.constant 112 : index
          %swap3A_1333 = tpu.vector_load %arg12[%swap3A_1331, %swap3A_1332] {strides = array<i32>} : memref<128x128xf32, #tpu.memory_space<vmem>>, vector<1x16xf32>,
          %swap3A_1334 = vector.shape_cast %swap3A_1333 : vector<1x16xf32> to vector<16xf32>
          %swap3A_1335 = vector.shape_cast %mul3A_1330 : vector<16xf32> to vector<1x16xf32>
          tpu.vector_store %arg12[%swap3A_1331, %swap3A_1332], %swap3A_1335 {strides = array<i32>} : memref<128x128xf32, #tpu.memory_space<vmem>>, vector<1x16xf32>,
          %slice3A_1336 = vector.extract_strided_slice %get3A_131 {offsets = [11], sizes = [1], strides = [1]} : vector<16xf32> to vector<1xf32>
          %squeeze3A_1337 = vector.extract %slice3A_1336[0] : f32 from vector<1xf32>
          %mul3A_1338 = arith.constant 16 : i32
          %mul3A_1339 = arith.muli %scan3A_126, %mul3A_1338 : i32
          %add3A_1340 = arith.constant 11 : i32
          %add3A_1341 = arith.addi %mul3A_1339, %add3A_1340 : i32
          %get3A_1342 = arith.index_cast %add3A_1341 : i32 to index
          %get3A_1343 = arith.constant 0 : index
          %get3A_1344 = tpu.vector_load %arg11[%get3A_1342, %get3A_1343] {strides = array<i32>} : memref<128x64xi32, #tpu.memory_space<vmem>>, vector<1x16xi32>,
          %get3A_1345 = vector.shape_cast %get3A_1344 : vector<1x16xi32> to vector<16xi32>
          %shift_left3A_1346 = arith.constant 16 : i32
          %shift_left3A_1347 = vector.broadcast %shift_left3A_1346 : i32 to vector<16xi32>
          %shift_left3A_1348 = arith.shli %get3A_1345, %shift_left3A_1347 : vector<16xi32>
          %bitcast_convert_type3A_1349 = tpu.bitcast %shift_left3A_1348 : vector<16xi32> -> vector<16xf32>
          %and3A_1350 = arith.constant -65536 : i32
          %and3A_1351 = vector.broadcast %and3A_1350 : i32 to vector<16xi32>
          %and3A_1352 = arith.andi %get3A_1345, %and3A_1351 : vector<16xi32>
          %bitcast_convert_type3A_1353 = tpu.bitcast %and3A_1352 : vector<16xi32> -> vector<16xf32>
          %mul3A_1354 = vector.broadcast %squeeze3A_1337 : f32 to vector<16xf32>
          %mul3A_1355 = arith.mulf %bitcast_convert_type3A_1349, %mul3A_1354 : vector<16xf32>
          %swap3A_1356 = arith.index_cast %add3A_1341 : i32 to index
          %swap3A_1357 = arith.constant 0 : index
          %swap3A_1358 = tpu.vector_load %arg12[%swap3A_1356, %swap3A_1357] {strides = array<i32>} : memref<128x128xf32, #tpu.memory_space<vmem>>, vector<1x16xf32>,
          %swap3A_1359 = vector.shape_cast %swap3A_1358 : vector<1x16xf32> to vector<16xf32>
          %swap3A_1360 = vector.shape_cast %mul3A_1355 : vector<16xf32> to vector<1x16xf32>
          tpu.vector_store %arg12[%swap3A_1356, %swap3A_1357], %swap3A_1360 {strides = array<i32>} : memref<128x128xf32, #tpu.memory_space<vmem>>, vector<1x16xf32>,
          %mul3A_1361 = vector.broadcast %squeeze3A_1337 : f32 to vector<16xf32>
          %mul3A_1362 = arith.mulf %bitcast_convert_type3A_1353, %mul3A_1361 : vector<16xf32>
          %swap3A_1363 = arith.index_cast %add3A_1341 : i32 to index
          %swap3A_1364 = arith.constant 16 : index
          %swap3A_1365 = tpu.vector_load %arg12[%swap3A_1363, %swap3A_1364] {strides = array<i32>} : memref<128x128xf32, #tpu.memory_space<vmem>>, vector<1x16xf32>,
          %swap3A_1366 = vector.shape_cast %swap3A_1365 : vector<1x16xf32> to vector<16xf32>
          %swap3A_1367 = vector.shape_cast %mul3A_1362 : vector<16xf32> to vector<1x16xf32>
          tpu.vector_store %arg12[%swap3A_1363, %swap3A_1364], %swap3A_1367 {strides = array<i32>} : memref<128x128xf32, #tpu.memory_space<vmem>>, vector<1x16xf32>,
          %get3A_1368 = arith.index_cast %add3A_1341 : i32 to index
          %get3A_1369 = arith.constant 16 : index
          %get3A_1370 = tpu.vector_load %arg11[%get3A_1368, %get3A_1369] {strides = array<i32>} : memref<128x64xi32, #tpu.memory_space<vmem>>, vector<1x16xi32>,
          %get3A_1371 = vector.shape_cast %get3A_1370 : vector<1x16xi32> to vector<16xi32>
          %shift_left3A_1372 = arith.constant 16 : i32
          %shift_left3A_1373 = vector.broadcast %shift_left3A_1372 : i32 to vector<16xi32>
          %shift_left3A_1374 = arith.shli %get3A_1371, %shift_left3A_1373 : vector<16xi32>
          %bitcast_convert_type3A_1375 = tpu.bitcast %shift_left3A_1374 : vector<16xi32> -> vector<16xf32>
          %and3A_1376 = arith.constant -65536 : i32
          %and3A_1377 = vector.broadcast %and3A_1376 : i32 to vector<16xi32>
          %and3A_1378 = arith.andi %get3A_1371, %and3A_1377 : vector<16xi32>
          %bitcast_convert_type3A_1379 = tpu.bitcast %and3A_1378 : vector<16xi32> -> vector<16xf32>
          %mul3A_1380 = vector.broadcast %squeeze3A_1337 : f32 to vector<16xf32>
          %mul3A_1381 = arith.mulf %bitcast_convert_type3A_1375, %mul3A_1380 : vector<16xf32>
          %swap3A_1382 = arith.index_cast %add3A_1341 : i32 to index
          %swap3A_1383 = arith.constant 32 : index
          %swap3A_1384 = tpu.vector_load %arg12[%swap3A_1382, %swap3A_1383] {strides = array<i32>} : memref<128x128xf32, #tpu.memory_space<vmem>>, vector<1x16xf32>,
          %swap3A_1385 = vector.shape_cast %swap3A_1384 : vector<1x16xf32> to vector<16xf32>
          %swap3A_1386 = vector.shape_cast %mul3A_1381 : vector<16xf32> to vector<1x16xf32>
          tpu.vector_store %arg12[%swap3A_1382, %swap3A_1383], %swap3A_1386 {strides = array<i32>} : memref<128x128xf32, #tpu.memory_space<vmem>>, vector<1x16xf32>,
          %mul3A_1387 = vector.broadcast %squeeze3A_1337 : f32 to vector<16xf32>
          %mul3A_1388 = arith.mulf %bitcast_convert_type3A_1379, %mul3A_1387 : vector<16xf32>
          %swap3A_1389 = arith.index_cast %add3A_1341 : i32 to index
          %swap3A_1390 = arith.constant 48 : index
          %swap3A_1391 = tpu.vector_load %arg12[%swap3A_1389, %swap3A_1390] {strides = array<i32>} : memref<128x128xf32, #tpu.memory_space<vmem>>, vector<1x16xf32>,
          %swap3A_1392 = vector.shape_cast %swap3A_1391 : vector<1x16xf32> to vector<16xf32>
          %swap3A_1393 = vector.shape_cast %mul3A_1388 : vector<16xf32> to vector<1x16xf32>
          tpu.vector_store %arg12[%swap3A_1389, %swap3A_1390], %swap3A_1393 {strides = array<i32>} : memref<128x128xf32, #tpu.memory_space<vmem>>, vector<1x16xf32>,
          %get3A_1394 = arith.index_cast %add3A_1341 : i32 to index
          %get3A_1395 = arith.constant 32 : index
          %get3A_1396 = tpu.vector_load %arg11[%get3A_1394, %get3A_1395] {strides = array<i32>} : memref<128x64xi32, #tpu.memory_space<vmem>>, vector<1x16xi32>,
          %get3A_1397 = vector.shape_cast %get3A_1396 : vector<1x16xi32> to vector<16xi32>
          %shift_left3A_1398 = arith.constant 16 : i32
          %shift_left3A_1399 = vector.broadcast %shift_left3A_1398 : i32 to vector<16xi32>
          %shift_left3A_1400 = arith.shli %get3A_1397, %shift_left3A_1399 : vector<16xi32>
          %bitcast_convert_type3A_1401 = tpu.bitcast %shift_left3A_1400 : vector<16xi32> -> vector<16xf32>
          %and3A_1402 = arith.constant -65536 : i32
          %and3A_1403 = vector.broadcast %and3A_1402 : i32 to vector<16xi32>
          %and3A_1404 = arith.andi %get3A_1397, %and3A_1403 : vector<16xi32>
          %bitcast_convert_type3A_1405 = tpu.bitcast %and3A_1404 : vector<16xi32> -> vector<16xf32>
          %mul3A_1406 = vector.broadcast %squeeze3A_1337 : f32 to vector<16xf32>
          %mul3A_1407 = arith.mulf %bitcast_convert_type3A_1401, %mul3A_1406 : vector<16xf32>
          %swap3A_1408 = arith.index_cast %add3A_1341 : i32 to index
          %swap3A_1409 = arith.constant 64 : index
          %swap3A_1410 = tpu.vector_load %arg12[%swap3A_1408, %swap3A_1409] {strides = array<i32>} : memref<128x128xf32, #tpu.memory_space<vmem>>, vector<1x16xf32>,
          %swap3A_1411 = vector.shape_cast %swap3A_1410 : vector<1x16xf32> to vector<16xf32>
          %swap3A_1412 = vector.shape_cast %mul3A_1407 : vector<16xf32> to vector<1x16xf32>
          tpu.vector_store %arg12[%swap3A_1408, %swap3A_1409], %swap3A_1412 {strides = array<i32>} : memref<128x128xf32, #tpu.memory_space<vmem>>, vector<1x16xf32>,
          %mul3A_1413 = vector.broadcast %squeeze3A_1337 : f32 to vector<16xf32>
          %mul3A_1414 = arith.mulf %bitcast_convert_type3A_1405, %mul3A_1413 : vector<16xf32>
          %swap3A_1415 = arith.index_cast %add3A_1341 : i32 to index
          %swap3A_1416 = arith.constant 80 : index
          %swap3A_1417 = tpu.vector_load %arg12[%swap3A_1415, %swap3A_1416] {strides = array<i32>} : memref<128x128xf32, #tpu.memory_space<vmem>>, vector<1x16xf32>,
          %swap3A_1418 = vector.shape_cast %swap3A_1417 : vector<1x16xf32> to vector<16xf32>
          %swap3A_1419 = vector.shape_cast %mul3A_1414 : vector<16xf32> to vector<1x16xf32>
          tpu.vector_store %arg12[%swap3A_1415, %swap3A_1416], %swap3A_1419 {strides = array<i32>} : memref<128x128xf32, #tpu.memory_space<vmem>>, vector<1x16xf32>,
          %get3A_1420 = arith.index_cast %add3A_1341 : i32 to index
          %get3A_1421 = arith.constant 48 : index
          %get3A_1422 = tpu.vector_load %arg11[%get3A_1420, %get3A_1421] {strides = array<i32>} : memref<128x64xi32, #tpu.memory_space<vmem>>, vector<1x16xi32>,
          %get3A_1423 = vector.shape_cast %get3A_1422 : vector<1x16xi32> to vector<16xi32>
          %shift_left3A_1424 = arith.constant 16 : i32
          %shift_left3A_1425 = vector.broadcast %shift_left3A_1424 : i32 to vector<16xi32>
          %shift_left3A_1426 = arith.shli %get3A_1423, %shift_left3A_1425 : vector<16xi32>
          %bitcast_convert_type3A_1427 = tpu.bitcast %shift_left3A_1426 : vector<16xi32> -> vector<16xf32>
          %and3A_1428 = arith.constant -65536 : i32
          %and3A_1429 = vector.broadcast %and3A_1428 : i32 to vector<16xi32>
          %and3A_1430 = arith.andi %get3A_1423, %and3A_1429 : vector<16xi32>
          %bitcast_convert_type3A_1431 = tpu.bitcast %and3A_1430 : vector<16xi32> -> vector<16xf32>
          %mul3A_1432 = vector.broadcast %squeeze3A_1337 : f32 to vector<16xf32>
          %mul3A_1433 = arith.mulf %bitcast_convert_type3A_1427, %mul3A_1432 : vector<16xf32>
          %swap3A_1434 = arith.index_cast %add3A_1341 : i32 to index
          %swap3A_1435 = arith.constant 96 : index
          %swap3A_1436 = tpu.vector_load %arg12[%swap3A_1434, %swap3A_1435] {strides = array<i32>} : memref<128x128xf32, #tpu.memory_space<vmem>>, vector<1x16xf32>,
          %swap3A_1437 = vector.shape_cast %swap3A_1436 : vector<1x16xf32> to vector<16xf32>
          %swap3A_1438 = vector.shape_cast %mul3A_1433 : vector<16xf32> to vector<1x16xf32>
          tpu.vector_store %arg12[%swap3A_1434, %swap3A_1435], %swap3A_1438 {strides = array<i32>} : memref<128x128xf32, #tpu.memory_space<vmem>>, vector<1x16xf32>,
          %mul3A_1439 = vector.broadcast %squeeze3A_1337 : f32 to vector<16xf32>
          %mul3A_1440 = arith.mulf %bitcast_convert_type3A_1431, %mul3A_1439 : vector<16xf32>
          %swap3A_1441 = arith.index_cast %add3A_1341 : i32 to index
          %swap3A_1442 = arith.constant 112 : index
          %swap3A_1443 = tpu.vector_load %arg12[%swap3A_1441, %swap3A_1442] {strides = array<i32>} : memref<128x128xf32, #tpu.memory_space<vmem>>, vector<1x16xf32>,
          %swap3A_1444 = vector.shape_cast %swap3A_1443 : vector<1x16xf32> to vector<16xf32>
          %swap3A_1445 = vector.shape_cast %mul3A_1440 : vector<16xf32> to vector<1x16xf32>
          tpu.vector_store %arg12[%swap3A_1441, %swap3A_1442], %swap3A_1445 {strides = array<i32>} : memref<128x128xf32, #tpu.memory_space<vmem>>, vector<1x16xf32>,
          %slice3A_1446 = vector.extract_strided_slice %get3A_131 {offsets = [12], sizes = [1], strides = [1]} : vector<16xf32> to vector<1xf32>
          %squeeze3A_1447 = vector.extract %slice3A_1446[0] : f32 from vector<1xf32>
          %mul3A_1448 = arith.constant 16 : i32
          %mul3A_1449 = arith.muli %scan3A_126, %mul3A_1448 : i32
          %add3A_1450 = arith.constant 12 : i32
          %add3A_1451 = arith.addi %mul3A_1449, %add3A_1450 : i32
          %get3A_1452 = arith.index_cast %add3A_1451 : i32 to index
          %get3A_1453 = arith.constant 0 : index
          %get3A_1454 = tpu.vector_load %arg11[%get3A_1452, %get3A_1453] {strides = array<i32>} : memref<128x64xi32, #tpu.memory_space<vmem>>, vector<1x16xi32>,
          %get3A_1455 = vector.shape_cast %get3A_1454 : vector<1x16xi32> to vector<16xi32>
          %shift_left3A_1456 = arith.constant 16 : i32
          %shift_left3A_1457 = vector.broadcast %shift_left3A_1456 : i32 to vector<16xi32>
          %shift_left3A_1458 = arith.shli %get3A_1455, %shift_left3A_1457 : vector<16xi32>
          %bitcast_convert_type3A_1459 = tpu.bitcast %shift_left3A_1458 : vector<16xi32> -> vector<16xf32>
          %and3A_1460 = arith.constant -65536 : i32
          %and3A_1461 = vector.broadcast %and3A_1460 : i32 to vector<16xi32>
          %and3A_1462 = arith.andi %get3A_1455, %and3A_1461 : vector<16xi32>
          %bitcast_convert_type3A_1463 = tpu.bitcast %and3A_1462 : vector<16xi32> -> vector<16xf32>
          %mul3A_1464 = vector.broadcast %squeeze3A_1447 : f32 to vector<16xf32>
          %mul3A_1465 = arith.mulf %bitcast_convert_type3A_1459, %mul3A_1464 : vector<16xf32>
          %swap3A_1466 = arith.index_cast %add3A_1451 : i32 to index
          %swap3A_1467 = arith.constant 0 : index
          %swap3A_1468 = tpu.vector_load %arg12[%swap3A_1466, %swap3A_1467] {strides = array<i32>} : memref<128x128xf32, #tpu.memory_space<vmem>>, vector<1x16xf32>,
          %swap3A_1469 = vector.shape_cast %swap3A_1468 : vector<1x16xf32> to vector<16xf32>
          %swap3A_1470 = vector.shape_cast %mul3A_1465 : vector<16xf32> to vector<1x16xf32>
          tpu.vector_store %arg12[%swap3A_1466, %swap3A_1467], %swap3A_1470 {strides = array<i32>} : memref<128x128xf32, #tpu.memory_space<vmem>>, vector<1x16xf32>,
          %mul3A_1471 = vector.broadcast %squeeze3A_1447 : f32 to vector<16xf32>
          %mul3A_1472 = arith.mulf %bitcast_convert_type3A_1463, %mul3A_1471 : vector<16xf32>
          %swap3A_1473 = arith.index_cast %add3A_1451 : i32 to index
          %swap3A_1474 = arith.constant 16 : index
          %swap3A_1475 = tpu.vector_load %arg12[%swap3A_1473, %swap3A_1474] {strides = array<i32>} : memref<128x128xf32, #tpu.memory_space<vmem>>, vector<1x16xf32>,
          %swap3A_1476 = vector.shape_cast %swap3A_1475 : vector<1x16xf32> to vector<16xf32>
          %swap3A_1477 = vector.shape_cast %mul3A_1472 : vector<16xf32> to vector<1x16xf32>
          tpu.vector_store %arg12[%swap3A_1473, %swap3A_1474], %swap3A_1477 {strides = array<i32>} : memref<128x128xf32, #tpu.memory_space<vmem>>, vector<1x16xf32>,
          %get3A_1478 = arith.index_cast %add3A_1451 : i32 to index
          %get3A_1479 = arith.constant 16 : index
          %get3A_1480 = tpu.vector_load %arg11[%get3A_1478, %get3A_1479] {strides = array<i32>} : memref<128x64xi32, #tpu.memory_space<vmem>>, vector<1x16xi32>,
          %get3A_1481 = vector.shape_cast %get3A_1480 : vector<1x16xi32> to vector<16xi32>
          %shift_left3A_1482 = arith.constant 16 : i32
          %shift_left3A_1483 = vector.broadcast %shift_left3A_1482 : i32 to vector<16xi32>
          %shift_left3A_1484 = arith.shli %get3A_1481, %shift_left3A_1483 : vector<16xi32>
          %bitcast_convert_type3A_1485 = tpu.bitcast %shift_left3A_1484 : vector<16xi32> -> vector<16xf32>
          %and3A_1486 = arith.constant -65536 : i32
          %and3A_1487 = vector.broadcast %and3A_1486 : i32 to vector<16xi32>
          %and3A_1488 = arith.andi %get3A_1481, %and3A_1487 : vector<16xi32>
          %bitcast_convert_type3A_1489 = tpu.bitcast %and3A_1488 : vector<16xi32> -> vector<16xf32>
          %mul3A_1490 = vector.broadcast %squeeze3A_1447 : f32 to vector<16xf32>
          %mul3A_1491 = arith.mulf %bitcast_convert_type3A_1485, %mul3A_1490 : vector<16xf32>
          %swap3A_1492 = arith.index_cast %add3A_1451 : i32 to index
          %swap3A_1493 = arith.constant 32 : index
          %swap3A_1494 = tpu.vector_load %arg12[%swap3A_1492, %swap3A_1493] {strides = array<i32>} : memref<128x128xf32, #tpu.memory_space<vmem>>, vector<1x16xf32>,
          %swap3A_1495 = vector.shape_cast %swap3A_1494 : vector<1x16xf32> to vector<16xf32>
          %swap3A_1496 = vector.shape_cast %mul3A_1491 : vector<16xf32> to vector<1x16xf32>
          tpu.vector_store %arg12[%swap3A_1492, %swap3A_1493], %swap3A_1496 {strides = array<i32>} : memref<128x128xf32, #tpu.memory_space<vmem>>, vector<1x16xf32>,
          %mul3A_1497 = vector.broadcast %squeeze3A_1447 : f32 to vector<16xf32>
          %mul3A_1498 = arith.mulf %bitcast_convert_type3A_1489, %mul3A_1497 : vector<16xf32>
          %swap3A_1499 = arith.index_cast %add3A_1451 : i32 to index
          %swap3A_1500 = arith.constant 48 : index
          %swap3A_1501 = tpu.vector_load %arg12[%swap3A_1499, %swap3A_1500] {strides = array<i32>} : memref<128x128xf32, #tpu.memory_space<vmem>>, vector<1x16xf32>,
          %swap3A_1502 = vector.shape_cast %swap3A_1501 : vector<1x16xf32> to vector<16xf32>
          %swap3A_1503 = vector.shape_cast %mul3A_1498 : vector<16xf32> to vector<1x16xf32>
          tpu.vector_store %arg12[%swap3A_1499, %swap3A_1500], %swap3A_1503 {strides = array<i32>} : memref<128x128xf32, #tpu.memory_space<vmem>>, vector<1x16xf32>,
          %get3A_1504 = arith.index_cast %add3A_1451 : i32 to index
          %get3A_1505 = arith.constant 32 : index
          %get3A_1506 = tpu.vector_load %arg11[%get3A_1504, %get3A_1505] {strides = array<i32>} : memref<128x64xi32, #tpu.memory_space<vmem>>, vector<1x16xi32>,
          %get3A_1507 = vector.shape_cast %get3A_1506 : vector<1x16xi32> to vector<16xi32>
          %shift_left3A_1508 = arith.constant 16 : i32
          %shift_left3A_1509 = vector.broadcast %shift_left3A_1508 : i32 to vector<16xi32>
          %shift_left3A_1510 = arith.shli %get3A_1507, %shift_left3A_1509 : vector<16xi32>
          %bitcast_convert_type3A_1511 = tpu.bitcast %shift_left3A_1510 : vector<16xi32> -> vector<16xf32>
          %and3A_1512 = arith.constant -65536 : i32
          %and3A_1513 = vector.broadcast %and3A_1512 : i32 to vector<16xi32>
          %and3A_1514 = arith.andi %get3A_1507, %and3A_1513 : vector<16xi32>
          %bitcast_convert_type3A_1515 = tpu.bitcast %and3A_1514 : vector<16xi32> -> vector<16xf32>
          %mul3A_1516 = vector.broadcast %squeeze3A_1447 : f32 to vector<16xf32>
          %mul3A_1517 = arith.mulf %bitcast_convert_type3A_1511, %mul3A_1516 : vector<16xf32>
          %swap3A_1518 = arith.index_cast %add3A_1451 : i32 to index
          %swap3A_1519 = arith.constant 64 : index
          %swap3A_1520 = tpu.vector_load %arg12[%swap3A_1518, %swap3A_1519] {strides = array<i32>} : memref<128x128xf32, #tpu.memory_space<vmem>>, vector<1x16xf32>,
          %swap3A_1521 = vector.shape_cast %swap3A_1520 : vector<1x16xf32> to vector<16xf32>
          %swap3A_1522 = vector.shape_cast %mul3A_1517 : vector<16xf32> to vector<1x16xf32>
          tpu.vector_store %arg12[%swap3A_1518, %swap3A_1519], %swap3A_1522 {strides = array<i32>} : memref<128x128xf32, #tpu.memory_space<vmem>>, vector<1x16xf32>,
          %mul3A_1523 = vector.broadcast %squeeze3A_1447 : f32 to vector<16xf32>
          %mul3A_1524 = arith.mulf %bitcast_convert_type3A_1515, %mul3A_1523 : vector<16xf32>
          %swap3A_1525 = arith.index_cast %add3A_1451 : i32 to index
          %swap3A_1526 = arith.constant 80 : index
          %swap3A_1527 = tpu.vector_load %arg12[%swap3A_1525, %swap3A_1526] {strides = array<i32>} : memref<128x128xf32, #tpu.memory_space<vmem>>, vector<1x16xf32>,
          %swap3A_1528 = vector.shape_cast %swap3A_1527 : vector<1x16xf32> to vector<16xf32>
          %swap3A_1529 = vector.shape_cast %mul3A_1524 : vector<16xf32> to vector<1x16xf32>
          tpu.vector_store %arg12[%swap3A_1525, %swap3A_1526], %swap3A_1529 {strides = array<i32>} : memref<128x128xf32, #tpu.memory_space<vmem>>, vector<1x16xf32>,
          %get3A_1530 = arith.index_cast %add3A_1451 : i32 to index
          %get3A_1531 = arith.constant 48 : index
          %get3A_1532 = tpu.vector_load %arg11[%get3A_1530, %get3A_1531] {strides = array<i32>} : memref<128x64xi32, #tpu.memory_space<vmem>>, vector<1x16xi32>,
          %get3A_1533 = vector.shape_cast %get3A_1532 : vector<1x16xi32> to vector<16xi32>
          %shift_left3A_1534 = arith.constant 16 : i32
          %shift_left3A_1535 = vector.broadcast %shift_left3A_1534 : i32 to vector<16xi32>
          %shift_left3A_1536 = arith.shli %get3A_1533, %shift_left3A_1535 : vector<16xi32>
          %bitcast_convert_type3A_1537 = tpu.bitcast %shift_left3A_1536 : vector<16xi32> -> vector<16xf32>
          %and3A_1538 = arith.constant -65536 : i32
          %and3A_1539 = vector.broadcast %and3A_1538 : i32 to vector<16xi32>
          %and3A_1540 = arith.andi %get3A_1533, %and3A_1539 : vector<16xi32>
          %bitcast_convert_type3A_1541 = tpu.bitcast %and3A_1540 : vector<16xi32> -> vector<16xf32>
          %mul3A_1542 = vector.broadcast %squeeze3A_1447 : f32 to vector<16xf32>
          %mul3A_1543 = arith.mulf %bitcast_convert_type3A_1537, %mul3A_1542 : vector<16xf32>
          %swap3A_1544 = arith.index_cast %add3A_1451 : i32 to index
          %swap3A_1545 = arith.constant 96 : index
          %swap3A_1546 = tpu.vector_load %arg12[%swap3A_1544, %swap3A_1545] {strides = array<i32>} : memref<128x128xf32, #tpu.memory_space<vmem>>, vector<1x16xf32>,
          %swap3A_1547 = vector.shape_cast %swap3A_1546 : vector<1x16xf32> to vector<16xf32>
          %swap3A_1548 = vector.shape_cast %mul3A_1543 : vector<16xf32> to vector<1x16xf32>
          tpu.vector_store %arg12[%swap3A_1544, %swap3A_1545], %swap3A_1548 {strides = array<i32>} : memref<128x128xf32, #tpu.memory_space<vmem>>, vector<1x16xf32>,
          %mul3A_1549 = vector.broadcast %squeeze3A_1447 : f32 to vector<16xf32>
          %mul3A_1550 = arith.mulf %bitcast_convert_type3A_1541, %mul3A_1549 : vector<16xf32>
          %swap3A_1551 = arith.index_cast %add3A_1451 : i32 to index
          %swap3A_1552 = arith.constant 112 : index
          %swap3A_1553 = tpu.vector_load %arg12[%swap3A_1551, %swap3A_1552] {strides = array<i32>} : memref<128x128xf32, #tpu.memory_space<vmem>>, vector<1x16xf32>,
          %swap3A_1554 = vector.shape_cast %swap3A_1553 : vector<1x16xf32> to vector<16xf32>
          %swap3A_1555 = vector.shape_cast %mul3A_1550 : vector<16xf32> to vector<1x16xf32>
          tpu.vector_store %arg12[%swap3A_1551, %swap3A_1552], %swap3A_1555 {strides = array<i32>} : memref<128x128xf32, #tpu.memory_space<vmem>>, vector<1x16xf32>,
          %slice3A_1556 = vector.extract_strided_slice %get3A_131 {offsets = [13], sizes = [1], strides = [1]} : vector<16xf32> to vector<1xf32>
          %squeeze3A_1557 = vector.extract %slice3A_1556[0] : f32 from vector<1xf32>
          %mul3A_1558 = arith.constant 16 : i32
          %mul3A_1559 = arith.muli %scan3A_126, %mul3A_1558 : i32
          %add3A_1560 = arith.constant 13 : i32
          %add3A_1561 = arith.addi %mul3A_1559, %add3A_1560 : i32
          %get3A_1562 = arith.index_cast %add3A_1561 : i32 to index
          %get3A_1563 = arith.constant 0 : index
          %get3A_1564 = tpu.vector_load %arg11[%get3A_1562, %get3A_1563] {strides = array<i32>} : memref<128x64xi32, #tpu.memory_space<vmem>>, vector<1x16xi32>,
          %get3A_1565 = vector.shape_cast %get3A_1564 : vector<1x16xi32> to vector<16xi32>
          %shift_left3A_1566 = arith.constant 16 : i32
          %shift_left3A_1567 = vector.broadcast %shift_left3A_1566 : i32 to vector<16xi32>
          %shift_left3A_1568 = arith.shli %get3A_1565, %shift_left3A_1567 : vector<16xi32>
          %bitcast_convert_type3A_1569 = tpu.bitcast %shift_left3A_1568 : vector<16xi32> -> vector<16xf32>
          %and3A_1570 = arith.constant -65536 : i32
          %and3A_1571 = vector.broadcast %and3A_1570 : i32 to vector<16xi32>
          %and3A_1572 = arith.andi %get3A_1565, %and3A_1571 : vector<16xi32>
          %bitcast_convert_type3A_1573 = tpu.bitcast %and3A_1572 : vector<16xi32> -> vector<16xf32>
          %mul3A_1574 = vector.broadcast %squeeze3A_1557 : f32 to vector<16xf32>
          %mul3A_1575 = arith.mulf %bitcast_convert_type3A_1569, %mul3A_1574 : vector<16xf32>
          %swap3A_1576 = arith.index_cast %add3A_1561 : i32 to index
          %swap3A_1577 = arith.constant 0 : index
          %swap3A_1578 = tpu.vector_load %arg12[%swap3A_1576, %swap3A_1577] {strides = array<i32>} : memref<128x128xf32, #tpu.memory_space<vmem>>, vector<1x16xf32>,
          %swap3A_1579 = vector.shape_cast %swap3A_1578 : vector<1x16xf32> to vector<16xf32>
          %swap3A_1580 = vector.shape_cast %mul3A_1575 : vector<16xf32> to vector<1x16xf32>
          tpu.vector_store %arg12[%swap3A_1576, %swap3A_1577], %swap3A_1580 {strides = array<i32>} : memref<128x128xf32, #tpu.memory_space<vmem>>, vector<1x16xf32>,
          %mul3A_1581 = vector.broadcast %squeeze3A_1557 : f32 to vector<16xf32>
          %mul3A_1582 = arith.mulf %bitcast_convert_type3A_1573, %mul3A_1581 : vector<16xf32>
          %swap3A_1583 = arith.index_cast %add3A_1561 : i32 to index
          %swap3A_1584 = arith.constant 16 : index
          %swap3A_1585 = tpu.vector_load %arg12[%swap3A_1583, %swap3A_1584] {strides = array<i32>} : memref<128x128xf32, #tpu.memory_space<vmem>>, vector<1x16xf32>,
          %swap3A_1586 = vector.shape_cast %swap3A_1585 : vector<1x16xf32> to vector<16xf32>
          %swap3A_1587 = vector.shape_cast %mul3A_1582 : vector<16xf32> to vector<1x16xf32>
          tpu.vector_store %arg12[%swap3A_1583, %swap3A_1584], %swap3A_1587 {strides = array<i32>} : memref<128x128xf32, #tpu.memory_space<vmem>>, vector<1x16xf32>,
          %get3A_1588 = arith.index_cast %add3A_1561 : i32 to index
          %get3A_1589 = arith.constant 16 : index
          %get3A_1590 = tpu.vector_load %arg11[%get3A_1588, %get3A_1589] {strides = array<i32>} : memref<128x64xi32, #tpu.memory_space<vmem>>, vector<1x16xi32>,
          %get3A_1591 = vector.shape_cast %get3A_1590 : vector<1x16xi32> to vector<16xi32>
          %shift_left3A_1592 = arith.constant 16 : i32
          %shift_left3A_1593 = vector.broadcast %shift_left3A_1592 : i32 to vector<16xi32>
          %shift_left3A_1594 = arith.shli %get3A_1591, %shift_left3A_1593 : vector<16xi32>
          %bitcast_convert_type3A_1595 = tpu.bitcast %shift_left3A_1594 : vector<16xi32> -> vector<16xf32>
          %and3A_1596 = arith.constant -65536 : i32
          %and3A_1597 = vector.broadcast %and3A_1596 : i32 to vector<16xi32>
          %and3A_1598 = arith.andi %get3A_1591, %and3A_1597 : vector<16xi32>
          %bitcast_convert_type3A_1599 = tpu.bitcast %and3A_1598 : vector<16xi32> -> vector<16xf32>
          %mul3A_1600 = vector.broadcast %squeeze3A_1557 : f32 to vector<16xf32>
          %mul3A_1601 = arith.mulf %bitcast_convert_type3A_1595, %mul3A_1600 : vector<16xf32>
          %swap3A_1602 = arith.index_cast %add3A_1561 : i32 to index
          %swap3A_1603 = arith.constant 32 : index
          %swap3A_1604 = tpu.vector_load %arg12[%swap3A_1602, %swap3A_1603] {strides = array<i32>} : memref<128x128xf32, #tpu.memory_space<vmem>>, vector<1x16xf32>,
          %swap3A_1605 = vector.shape_cast %swap3A_1604 : vector<1x16xf32> to vector<16xf32>
          %swap3A_1606 = vector.shape_cast %mul3A_1601 : vector<16xf32> to vector<1x16xf32>
          tpu.vector_store %arg12[%swap3A_1602, %swap3A_1603], %swap3A_1606 {strides = array<i32>} : memref<128x128xf32, #tpu.memory_space<vmem>>, vector<1x16xf32>,
          %mul3A_1607 = vector.broadcast %squeeze3A_1557 : f32 to vector<16xf32>
          %mul3A_1608 = arith.mulf %bitcast_convert_type3A_1599, %mul3A_1607 : vector<16xf32>
          %swap3A_1609 = arith.index_cast %add3A_1561 : i32 to index
          %swap3A_1610 = arith.constant 48 : index
          %swap3A_1611 = tpu.vector_load %arg12[%swap3A_1609, %swap3A_1610] {strides = array<i32>} : memref<128x128xf32, #tpu.memory_space<vmem>>, vector<1x16xf32>,
          %swap3A_1612 = vector.shape_cast %swap3A_1611 : vector<1x16xf32> to vector<16xf32>
          %swap3A_1613 = vector.shape_cast %mul3A_1608 : vector<16xf32> to vector<1x16xf32>
          tpu.vector_store %arg12[%swap3A_1609, %swap3A_1610], %swap3A_1613 {strides = array<i32>} : memref<128x128xf32, #tpu.memory_space<vmem>>, vector<1x16xf32>,
          %get3A_1614 = arith.index_cast %add3A_1561 : i32 to index
          %get3A_1615 = arith.constant 32 : index
          %get3A_1616 = tpu.vector_load %arg11[%get3A_1614, %get3A_1615] {strides = array<i32>} : memref<128x64xi32, #tpu.memory_space<vmem>>, vector<1x16xi32>,
          %get3A_1617 = vector.shape_cast %get3A_1616 : vector<1x16xi32> to vector<16xi32>
          %shift_left3A_1618 = arith.constant 16 : i32
          %shift_left3A_1619 = vector.broadcast %shift_left3A_1618 : i32 to vector<16xi32>
          %shift_left3A_1620 = arith.shli %get3A_1617, %shift_left3A_1619 : vector<16xi32>
          %bitcast_convert_type3A_1621 = tpu.bitcast %shift_left3A_1620 : vector<16xi32> -> vector<16xf32>
          %and3A_1622 = arith.constant -65536 : i32
          %and3A_1623 = vector.broadcast %and3A_1622 : i32 to vector<16xi32>
          %and3A_1624 = arith.andi %get3A_1617, %and3A_1623 : vector<16xi32>
          %bitcast_convert_type3A_1625 = tpu.bitcast %and3A_1624 : vector<16xi32> -> vector<16xf32>
          %mul3A_1626 = vector.broadcast %squeeze3A_1557 : f32 to vector<16xf32>
          %mul3A_1627 = arith.mulf %bitcast_convert_type3A_1621, %mul3A_1626 : vector<16xf32>
          %swap3A_1628 = arith.index_cast %add3A_1561 : i32 to index
          %swap3A_1629 = arith.constant 64 : index
          %swap3A_1630 = tpu.vector_load %arg12[%swap3A_1628, %swap3A_1629] {strides = array<i32>} : memref<128x128xf32, #tpu.memory_space<vmem>>, vector<1x16xf32>,
          %swap3A_1631 = vector.shape_cast %swap3A_1630 : vector<1x16xf32> to vector<16xf32>
          %swap3A_1632 = vector.shape_cast %mul3A_1627 : vector<16xf32> to vector<1x16xf32>
          tpu.vector_store %arg12[%swap3A_1628, %swap3A_1629], %swap3A_1632 {strides = array<i32>} : memref<128x128xf32, #tpu.memory_space<vmem>>, vector<1x16xf32>,
          %mul3A_1633 = vector.broadcast %squeeze3A_1557 : f32 to vector<16xf32>
          %mul3A_1634 = arith.mulf %bitcast_convert_type3A_1625, %mul3A_1633 : vector<16xf32>
          %swap3A_1635 = arith.index_cast %add3A_1561 : i32 to index
          %swap3A_1636 = arith.constant 80 : index
          %swap3A_1637 = tpu.vector_load %arg12[%swap3A_1635, %swap3A_1636] {strides = array<i32>} : memref<128x128xf32, #tpu.memory_space<vmem>>, vector<1x16xf32>,
          %swap3A_1638 = vector.shape_cast %swap3A_1637 : vector<1x16xf32> to vector<16xf32>
          %swap3A_1639 = vector.shape_cast %mul3A_1634 : vector<16xf32> to vector<1x16xf32>
          tpu.vector_store %arg12[%swap3A_1635, %swap3A_1636], %swap3A_1639 {strides = array<i32>} : memref<128x128xf32, #tpu.memory_space<vmem>>, vector<1x16xf32>,
          %get3A_1640 = arith.index_cast %add3A_1561 : i32 to index
          %get3A_1641 = arith.constant 48 : index
          %get3A_1642 = tpu.vector_load %arg11[%get3A_1640, %get3A_1641] {strides = array<i32>} : memref<128x64xi32, #tpu.memory_space<vmem>>, vector<1x16xi32>,
          %get3A_1643 = vector.shape_cast %get3A_1642 : vector<1x16xi32> to vector<16xi32>
          %shift_left3A_1644 = arith.constant 16 : i32
          %shift_left3A_1645 = vector.broadcast %shift_left3A_1644 : i32 to vector<16xi32>
          %shift_left3A_1646 = arith.shli %get3A_1643, %shift_left3A_1645 : vector<16xi32>
          %bitcast_convert_type3A_1647 = tpu.bitcast %shift_left3A_1646 : vector<16xi32> -> vector<16xf32>
          %and3A_1648 = arith.constant -65536 : i32
          %and3A_1649 = vector.broadcast %and3A_1648 : i32 to vector<16xi32>
          %and3A_1650 = arith.andi %get3A_1643, %and3A_1649 : vector<16xi32>
          %bitcast_convert_type3A_1651 = tpu.bitcast %and3A_1650 : vector<16xi32> -> vector<16xf32>
          %mul3A_1652 = vector.broadcast %squeeze3A_1557 : f32 to vector<16xf32>
          %mul3A_1653 = arith.mulf %bitcast_convert_type3A_1647, %mul3A_1652 : vector<16xf32>
          %swap3A_1654 = arith.index_cast %add3A_1561 : i32 to index
          %swap3A_1655 = arith.constant 96 : index
          %swap3A_1656 = tpu.vector_load %arg12[%swap3A_1654, %swap3A_1655] {strides = array<i32>} : memref<128x128xf32, #tpu.memory_space<vmem>>, vector<1x16xf32>,
          %swap3A_1657 = vector.shape_cast %swap3A_1656 : vector<1x16xf32> to vector<16xf32>
          %swap3A_1658 = vector.shape_cast %mul3A_1653 : vector<16xf32> to vector<1x16xf32>
          tpu.vector_store %arg12[%swap3A_1654, %swap3A_1655], %swap3A_1658 {strides = array<i32>} : memref<128x128xf32, #tpu.memory_space<vmem>>, vector<1x16xf32>,
          %mul3A_1659 = vector.broadcast %squeeze3A_1557 : f32 to vector<16xf32>
          %mul3A_1660 = arith.mulf %bitcast_convert_type3A_1651, %mul3A_1659 : vector<16xf32>
          %swap3A_1661 = arith.index_cast %add3A_1561 : i32 to index
          %swap3A_1662 = arith.constant 112 : index
          %swap3A_1663 = tpu.vector_load %arg12[%swap3A_1661, %swap3A_1662] {strides = array<i32>} : memref<128x128xf32, #tpu.memory_space<vmem>>, vector<1x16xf32>,
          %swap3A_1664 = vector.shape_cast %swap3A_1663 : vector<1x16xf32> to vector<16xf32>
          %swap3A_1665 = vector.shape_cast %mul3A_1660 : vector<16xf32> to vector<1x16xf32>
          tpu.vector_store %arg12[%swap3A_1661, %swap3A_1662], %swap3A_1665 {strides = array<i32>} : memref<128x128xf32, #tpu.memory_space<vmem>>, vector<1x16xf32>,
          %slice3A_1666 = vector.extract_strided_slice %get3A_131 {offsets = [14], sizes = [1], strides = [1]} : vector<16xf32> to vector<1xf32>
          %squeeze3A_1667 = vector.extract %slice3A_1666[0] : f32 from vector<1xf32>
          %mul3A_1668 = arith.constant 16 : i32
          %mul3A_1669 = arith.muli %scan3A_126, %mul3A_1668 : i32
          %add3A_1670 = arith.constant 14 : i32
          %add3A_1671 = arith.addi %mul3A_1669, %add3A_1670 : i32
          %get3A_1672 = arith.index_cast %add3A_1671 : i32 to index
          %get3A_1673 = arith.constant 0 : index
          %get3A_1674 = tpu.vector_load %arg11[%get3A_1672, %get3A_1673] {strides = array<i32>} : memref<128x64xi32, #tpu.memory_space<vmem>>, vector<1x16xi32>,
          %get3A_1675 = vector.shape_cast %get3A_1674 : vector<1x16xi32> to vector<16xi32>
          %shift_left3A_1676 = arith.constant 16 : i32
          %shift_left3A_1677 = vector.broadcast %shift_left3A_1676 : i32 to vector<16xi32>
          %shift_left3A_1678 = arith.shli %get3A_1675, %shift_left3A_1677 : vector<16xi32>
          %bitcast_convert_type3A_1679 = tpu.bitcast %shift_left3A_1678 : vector<16xi32> -> vector<16xf32>
          %and3A_1680 = arith.constant -65536 : i32
          %and3A_1681 = vector.broadcast %and3A_1680 : i32 to vector<16xi32>
          %and3A_1682 = arith.andi %get3A_1675, %and3A_1681 : vector<16xi32>
          %bitcast_convert_type3A_1683 = tpu.bitcast %and3A_1682 : vector<16xi32> -> vector<16xf32>
          %mul3A_1684 = vector.broadcast %squeeze3A_1667 : f32 to vector<16xf32>
          %mul3A_1685 = arith.mulf %bitcast_convert_type3A_1679, %mul3A_1684 : vector<16xf32>
          %swap3A_1686 = arith.index_cast %add3A_1671 : i32 to index
          %swap3A_1687 = arith.constant 0 : index
          %swap3A_1688 = tpu.vector_load %arg12[%swap3A_1686, %swap3A_1687] {strides = array<i32>} : memref<128x128xf32, #tpu.memory_space<vmem>>, vector<1x16xf32>,
          %swap3A_1689 = vector.shape_cast %swap3A_1688 : vector<1x16xf32> to vector<16xf32>
          %swap3A_1690 = vector.shape_cast %mul3A_1685 : vector<16xf32> to vector<1x16xf32>
          tpu.vector_store %arg12[%swap3A_1686, %swap3A_1687], %swap3A_1690 {strides = array<i32>} : memref<128x128xf32, #tpu.memory_space<vmem>>, vector<1x16xf32>,
          %mul3A_1691 = vector.broadcast %squeeze3A_1667 : f32 to vector<16xf32>
          %mul3A_1692 = arith.mulf %bitcast_convert_type3A_1683, %mul3A_1691 : vector<16xf32>
          %swap3A_1693 = arith.index_cast %add3A_1671 : i32 to index
          %swap3A_1694 = arith.constant 16 : index
          %swap3A_1695 = tpu.vector_load %arg12[%swap3A_1693, %swap3A_1694] {strides = array<i32>} : memref<128x128xf32, #tpu.memory_space<vmem>>, vector<1x16xf32>,
          %swap3A_1696 = vector.shape_cast %swap3A_1695 : vector<1x16xf32> to vector<16xf32>
          %swap3A_1697 = vector.shape_cast %mul3A_1692 : vector<16xf32> to vector<1x16xf32>
          tpu.vector_store %arg12[%swap3A_1693, %swap3A_1694], %swap3A_1697 {strides = array<i32>} : memref<128x128xf32, #tpu.memory_space<vmem>>, vector<1x16xf32>,
          %get3A_1698 = arith.index_cast %add3A_1671 : i32 to index
          %get3A_1699 = arith.constant 16 : index
          %get3A_1700 = tpu.vector_load %arg11[%get3A_1698, %get3A_1699] {strides = array<i32>} : memref<128x64xi32, #tpu.memory_space<vmem>>, vector<1x16xi32>,
          %get3A_1701 = vector.shape_cast %get3A_1700 : vector<1x16xi32> to vector<16xi32>
          %shift_left3A_1702 = arith.constant 16 : i32
          %shift_left3A_1703 = vector.broadcast %shift_left3A_1702 : i32 to vector<16xi32>
          %shift_left3A_1704 = arith.shli %get3A_1701, %shift_left3A_1703 : vector<16xi32>
          %bitcast_convert_type3A_1705 = tpu.bitcast %shift_left3A_1704 : vector<16xi32> -> vector<16xf32>
          %and3A_1706 = arith.constant -65536 : i32
          %and3A_1707 = vector.broadcast %and3A_1706 : i32 to vector<16xi32>
          %and3A_1708 = arith.andi %get3A_1701, %and3A_1707 : vector<16xi32>
          %bitcast_convert_type3A_1709 = tpu.bitcast %and3A_1708 : vector<16xi32> -> vector<16xf32>
          %mul3A_1710 = vector.broadcast %squeeze3A_1667 : f32 to vector<16xf32>
          %mul3A_1711 = arith.mulf %bitcast_convert_type3A_1705, %mul3A_1710 : vector<16xf32>
          %swap3A_1712 = arith.index_cast %add3A_1671 : i32 to index
          %swap3A_1713 = arith.constant 32 : index
          %swap3A_1714 = tpu.vector_load %arg12[%swap3A_1712, %swap3A_1713] {strides = array<i32>} : memref<128x128xf32, #tpu.memory_space<vmem>>, vector<1x16xf32>,
          %swap3A_1715 = vector.shape_cast %swap3A_1714 : vector<1x16xf32> to vector<16xf32>
          %swap3A_1716 = vector.shape_cast %mul3A_1711 : vector<16xf32> to vector<1x16xf32>
          tpu.vector_store %arg12[%swap3A_1712, %swap3A_1713], %swap3A_1716 {strides = array<i32>} : memref<128x128xf32, #tpu.memory_space<vmem>>, vector<1x16xf32>,
          %mul3A_1717 = vector.broadcast %squeeze3A_1667 : f32 to vector<16xf32>
          %mul3A_1718 = arith.mulf %bitcast_convert_type3A_1709, %mul3A_1717 : vector<16xf32>
          %swap3A_1719 = arith.index_cast %add3A_1671 : i32 to index
          %swap3A_1720 = arith.constant 48 : index
          %swap3A_1721 = tpu.vector_load %arg12[%swap3A_1719, %swap3A_1720] {strides = array<i32>} : memref<128x128xf32, #tpu.memory_space<vmem>>, vector<1x16xf32>,
          %swap3A_1722 = vector.shape_cast %swap3A_1721 : vector<1x16xf32> to vector<16xf32>
          %swap3A_1723 = vector.shape_cast %mul3A_1718 : vector<16xf32> to vector<1x16xf32>
          tpu.vector_store %arg12[%swap3A_1719, %swap3A_1720], %swap3A_1723 {strides = array<i32>} : memref<128x128xf32, #tpu.memory_space<vmem>>, vector<1x16xf32>,
          %get3A_1724 = arith.index_cast %add3A_1671 : i32 to index
          %get3A_1725 = arith.constant 32 : index
          %get3A_1726 = tpu.vector_load %arg11[%get3A_1724, %get3A_1725] {strides = array<i32>} : memref<128x64xi32, #tpu.memory_space<vmem>>, vector<1x16xi32>,
          %get3A_1727 = vector.shape_cast %get3A_1726 : vector<1x16xi32> to vector<16xi32>
          %shift_left3A_1728 = arith.constant 16 : i32
          %shift_left3A_1729 = vector.broadcast %shift_left3A_1728 : i32 to vector<16xi32>
          %shift_left3A_1730 = arith.shli %get3A_1727, %shift_left3A_1729 : vector<16xi32>
          %bitcast_convert_type3A_1731 = tpu.bitcast %shift_left3A_1730 : vector<16xi32> -> vector<16xf32>
          %and3A_1732 = arith.constant -65536 : i32
          %and3A_1733 = vector.broadcast %and3A_1732 : i32 to vector<16xi32>
          %and3A_1734 = arith.andi %get3A_1727, %and3A_1733 : vector<16xi32>
          %bitcast_convert_type3A_1735 = tpu.bitcast %and3A_1734 : vector<16xi32> -> vector<16xf32>
          %mul3A_1736 = vector.broadcast %squeeze3A_1667 : f32 to vector<16xf32>
          %mul3A_1737 = arith.mulf %bitcast_convert_type3A_1731, %mul3A_1736 : vector<16xf32>
          %swap3A_1738 = arith.index_cast %add3A_1671 : i32 to index
          %swap3A_1739 = arith.constant 64 : index
          %swap3A_1740 = tpu.vector_load %arg12[%swap3A_1738, %swap3A_1739] {strides = array<i32>} : memref<128x128xf32, #tpu.memory_space<vmem>>, vector<1x16xf32>,
          %swap3A_1741 = vector.shape_cast %swap3A_1740 : vector<1x16xf32> to vector<16xf32>
          %swap3A_1742 = vector.shape_cast %mul3A_1737 : vector<16xf32> to vector<1x16xf32>
          tpu.vector_store %arg12[%swap3A_1738, %swap3A_1739], %swap3A_1742 {strides = array<i32>} : memref<128x128xf32, #tpu.memory_space<vmem>>, vector<1x16xf32>,
          %mul3A_1743 = vector.broadcast %squeeze3A_1667 : f32 to vector<16xf32>
          %mul3A_1744 = arith.mulf %bitcast_convert_type3A_1735, %mul3A_1743 : vector<16xf32>
          %swap3A_1745 = arith.index_cast %add3A_1671 : i32 to index
          %swap3A_1746 = arith.constant 80 : index
          %swap3A_1747 = tpu.vector_load %arg12[%swap3A_1745, %swap3A_1746] {strides = array<i32>} : memref<128x128xf32, #tpu.memory_space<vmem>>, vector<1x16xf32>,
          %swap3A_1748 = vector.shape_cast %swap3A_1747 : vector<1x16xf32> to vector<16xf32>
          %swap3A_1749 = vector.shape_cast %mul3A_1744 : vector<16xf32> to vector<1x16xf32>
          tpu.vector_store %arg12[%swap3A_1745, %swap3A_1746], %swap3A_1749 {strides = array<i32>} : memref<128x128xf32, #tpu.memory_space<vmem>>, vector<1x16xf32>,
          %get3A_1750 = arith.index_cast %add3A_1671 : i32 to index
          %get3A_1751 = arith.constant 48 : index
          %get3A_1752 = tpu.vector_load %arg11[%get3A_1750, %get3A_1751] {strides = array<i32>} : memref<128x64xi32, #tpu.memory_space<vmem>>, vector<1x16xi32>,
          %get3A_1753 = vector.shape_cast %get3A_1752 : vector<1x16xi32> to vector<16xi32>
          %shift_left3A_1754 = arith.constant 16 : i32
          %shift_left3A_1755 = vector.broadcast %shift_left3A_1754 : i32 to vector<16xi32>
          %shift_left3A_1756 = arith.shli %get3A_1753, %shift_left3A_1755 : vector<16xi32>
          %bitcast_convert_type3A_1757 = tpu.bitcast %shift_left3A_1756 : vector<16xi32> -> vector<16xf32>
          %and3A_1758 = arith.constant -65536 : i32
          %and3A_1759 = vector.broadcast %and3A_1758 : i32 to vector<16xi32>
          %and3A_1760 = arith.andi %get3A_1753, %and3A_1759 : vector<16xi32>
          %bitcast_convert_type3A_1761 = tpu.bitcast %and3A_1760 : vector<16xi32> -> vector<16xf32>
          %mul3A_1762 = vector.broadcast %squeeze3A_1667 : f32 to vector<16xf32>
          %mul3A_1763 = arith.mulf %bitcast_convert_type3A_1757, %mul3A_1762 : vector<16xf32>
          %swap3A_1764 = arith.index_cast %add3A_1671 : i32 to index
          %swap3A_1765 = arith.constant 96 : index
          %swap3A_1766 = tpu.vector_load %arg12[%swap3A_1764, %swap3A_1765] {strides = array<i32>} : memref<128x128xf32, #tpu.memory_space<vmem>>, vector<1x16xf32>,
          %swap3A_1767 = vector.shape_cast %swap3A_1766 : vector<1x16xf32> to vector<16xf32>
          %swap3A_1768 = vector.shape_cast %mul3A_1763 : vector<16xf32> to vector<1x16xf32>
          tpu.vector_store %arg12[%swap3A_1764, %swap3A_1765], %swap3A_1768 {strides = array<i32>} : memref<128x128xf32, #tpu.memory_space<vmem>>, vector<1x16xf32>,
          %mul3A_1769 = vector.broadcast %squeeze3A_1667 : f32 to vector<16xf32>
          %mul3A_1770 = arith.mulf %bitcast_convert_type3A_1761, %mul3A_1769 : vector<16xf32>
          %swap3A_1771 = arith.index_cast %add3A_1671 : i32 to index
          %swap3A_1772 = arith.constant 112 : index
          %swap3A_1773 = tpu.vector_load %arg12[%swap3A_1771, %swap3A_1772] {strides = array<i32>} : memref<128x128xf32, #tpu.memory_space<vmem>>, vector<1x16xf32>,
          %swap3A_1774 = vector.shape_cast %swap3A_1773 : vector<1x16xf32> to vector<16xf32>
          %swap3A_1775 = vector.shape_cast %mul3A_1770 : vector<16xf32> to vector<1x16xf32>
          tpu.vector_store %arg12[%swap3A_1771, %swap3A_1772], %swap3A_1775 {strides = array<i32>} : memref<128x128xf32, #tpu.memory_space<vmem>>, vector<1x16xf32>,
          %slice3A_1776 = vector.extract_strided_slice %get3A_131 {offsets = [15], sizes = [1], strides = [1]} : vector<16xf32> to vector<1xf32>
          %squeeze3A_1777 = vector.extract %slice3A_1776[0] : f32 from vector<1xf32>
          %mul3A_1778 = arith.constant 16 : i32
          %mul3A_1779 = arith.muli %scan3A_126, %mul3A_1778 : i32
          %add3A_1780 = arith.constant 15 : i32
          %add3A_1781 = arith.addi %mul3A_1779, %add3A_1780 : i32
          %get3A_1782 = arith.index_cast %add3A_1781 : i32 to index
          %get3A_1783 = arith.constant 0 : index
          %get3A_1784 = tpu.vector_load %arg11[%get3A_1782, %get3A_1783] {strides = array<i32>} : memref<128x64xi32, #tpu.memory_space<vmem>>, vector<1x16xi32>,
          %get3A_1785 = vector.shape_cast %get3A_1784 : vector<1x16xi32> to vector<16xi32>
          %shift_left3A_1786 = arith.constant 16 : i32
          %shift_left3A_1787 = vector.broadcast %shift_left3A_1786 : i32 to vector<16xi32>
          %shift_left3A_1788 = arith.shli %get3A_1785, %shift_left3A_1787 : vector<16xi32>
          %bitcast_convert_type3A_1789 = tpu.bitcast %shift_left3A_1788 : vector<16xi32> -> vector<16xf32>
          %and3A_1790 = arith.constant -65536 : i32
          %and3A_1791 = vector.broadcast %and3A_1790 : i32 to vector<16xi32>
          %and3A_1792 = arith.andi %get3A_1785, %and3A_1791 : vector<16xi32>
          %bitcast_convert_type3A_1793 = tpu.bitcast %and3A_1792 : vector<16xi32> -> vector<16xf32>
          %mul3A_1794 = vector.broadcast %squeeze3A_1777 : f32 to vector<16xf32>
          %mul3A_1795 = arith.mulf %bitcast_convert_type3A_1789, %mul3A_1794 : vector<16xf32>
          %swap3A_1796 = arith.index_cast %add3A_1781 : i32 to index
          %swap3A_1797 = arith.constant 0 : index
          %swap3A_1798 = tpu.vector_load %arg12[%swap3A_1796, %swap3A_1797] {strides = array<i32>} : memref<128x128xf32, #tpu.memory_space<vmem>>, vector<1x16xf32>,
          %swap3A_1799 = vector.shape_cast %swap3A_1798 : vector<1x16xf32> to vector<16xf32>
          %swap3A_1800 = vector.shape_cast %mul3A_1795 : vector<16xf32> to vector<1x16xf32>
          tpu.vector_store %arg12[%swap3A_1796, %swap3A_1797], %swap3A_1800 {strides = array<i32>} : memref<128x128xf32, #tpu.memory_space<vmem>>, vector<1x16xf32>,
          %mul3A_1801 = vector.broadcast %squeeze3A_1777 : f32 to vector<16xf32>
          %mul3A_1802 = arith.mulf %bitcast_convert_type3A_1793, %mul3A_1801 : vector<16xf32>
          %swap3A_1803 = arith.index_cast %add3A_1781 : i32 to index
          %swap3A_1804 = arith.constant 16 : index
          %swap3A_1805 = tpu.vector_load %arg12[%swap3A_1803, %swap3A_1804] {strides = array<i32>} : memref<128x128xf32, #tpu.memory_space<vmem>>, vector<1x16xf32>,
          %swap3A_1806 = vector.shape_cast %swap3A_1805 : vector<1x16xf32> to vector<16xf32>
          %swap3A_1807 = vector.shape_cast %mul3A_1802 : vector<16xf32> to vector<1x16xf32>
          tpu.vector_store %arg12[%swap3A_1803, %swap3A_1804], %swap3A_1807 {strides = array<i32>} : memref<128x128xf32, #tpu.memory_space<vmem>>, vector<1x16xf32>,
          %get3A_1808 = arith.index_cast %add3A_1781 : i32 to index
          %get3A_1809 = arith.constant 16 : index
          %get3A_1810 = tpu.vector_load %arg11[%get3A_1808, %get3A_1809] {strides = array<i32>} : memref<128x64xi32, #tpu.memory_space<vmem>>, vector<1x16xi32>,
          %get3A_1811 = vector.shape_cast %get3A_1810 : vector<1x16xi32> to vector<16xi32>
          %shift_left3A_1812 = arith.constant 16 : i32
          %shift_left3A_1813 = vector.broadcast %shift_left3A_1812 : i32 to vector<16xi32>
          %shift_left3A_1814 = arith.shli %get3A_1811, %shift_left3A_1813 : vector<16xi32>
          %bitcast_convert_type3A_1815 = tpu.bitcast %shift_left3A_1814 : vector<16xi32> -> vector<16xf32>
          %and3A_1816 = arith.constant -65536 : i32
          %and3A_1817 = vector.broadcast %and3A_1816 : i32 to vector<16xi32>
          %and3A_1818 = arith.andi %get3A_1811, %and3A_1817 : vector<16xi32>
          %bitcast_convert_type3A_1819 = tpu.bitcast %and3A_1818 : vector<16xi32> -> vector<16xf32>
          %mul3A_1820 = vector.broadcast %squeeze3A_1777 : f32 to vector<16xf32>
          %mul3A_1821 = arith.mulf %bitcast_convert_type3A_1815, %mul3A_1820 : vector<16xf32>
          %swap3A_1822 = arith.index_cast %add3A_1781 : i32 to index
          %swap3A_1823 = arith.constant 32 : index
          %swap3A_1824 = tpu.vector_load %arg12[%swap3A_1822, %swap3A_1823] {strides = array<i32>} : memref<128x128xf32, #tpu.memory_space<vmem>>, vector<1x16xf32>,
          %swap3A_1825 = vector.shape_cast %swap3A_1824 : vector<1x16xf32> to vector<16xf32>
          %swap3A_1826 = vector.shape_cast %mul3A_1821 : vector<16xf32> to vector<1x16xf32>
          tpu.vector_store %arg12[%swap3A_1822, %swap3A_1823], %swap3A_1826 {strides = array<i32>} : memref<128x128xf32, #tpu.memory_space<vmem>>, vector<1x16xf32>,
          %mul3A_1827 = vector.broadcast %squeeze3A_1777 : f32 to vector<16xf32>
          %mul3A_1828 = arith.mulf %bitcast_convert_type3A_1819, %mul3A_1827 : vector<16xf32>
          %swap3A_1829 = arith.index_cast %add3A_1781 : i32 to index
          %swap3A_1830 = arith.constant 48 : index
          %swap3A_1831 = tpu.vector_load %arg12[%swap3A_1829, %swap3A_1830] {strides = array<i32>} : memref<128x128xf32, #tpu.memory_space<vmem>>, vector<1x16xf32>,
          %swap3A_1832 = vector.shape_cast %swap3A_1831 : vector<1x16xf32> to vector<16xf32>
          %swap3A_1833 = vector.shape_cast %mul3A_1828 : vector<16xf32> to vector<1x16xf32>
          tpu.vector_store %arg12[%swap3A_1829, %swap3A_1830], %swap3A_1833 {strides = array<i32>} : memref<128x128xf32, #tpu.memory_space<vmem>>, vector<1x16xf32>,
          %get3A_1834 = arith.index_cast %add3A_1781 : i32 to index
          %get3A_1835 = arith.constant 32 : index
          %get3A_1836 = tpu.vector_load %arg11[%get3A_1834, %get3A_1835] {strides = array<i32>} : memref<128x64xi32, #tpu.memory_space<vmem>>, vector<1x16xi32>,
          %get3A_1837 = vector.shape_cast %get3A_1836 : vector<1x16xi32> to vector<16xi32>
          %shift_left3A_1838 = arith.constant 16 : i32
          %shift_left3A_1839 = vector.broadcast %shift_left3A_1838 : i32 to vector<16xi32>
          %shift_left3A_1840 = arith.shli %get3A_1837, %shift_left3A_1839 : vector<16xi32>
          %bitcast_convert_type3A_1841 = tpu.bitcast %shift_left3A_1840 : vector<16xi32> -> vector<16xf32>
          %and3A_1842 = arith.constant -65536 : i32
          %and3A_1843 = vector.broadcast %and3A_1842 : i32 to vector<16xi32>
          %and3A_1844 = arith.andi %get3A_1837, %and3A_1843 : vector<16xi32>
          %bitcast_convert_type3A_1845 = tpu.bitcast %and3A_1844 : vector<16xi32> -> vector<16xf32>
          %mul3A_1846 = vector.broadcast %squeeze3A_1777 : f32 to vector<16xf32>
          %mul3A_1847 = arith.mulf %bitcast_convert_type3A_1841, %mul3A_1846 : vector<16xf32>
          %swap3A_1848 = arith.index_cast %add3A_1781 : i32 to index
          %swap3A_1849 = arith.constant 64 : index
          %swap3A_1850 = tpu.vector_load %arg12[%swap3A_1848, %swap3A_1849] {strides = array<i32>} : memref<128x128xf32, #tpu.memory_space<vmem>>, vector<1x16xf32>,
          %swap3A_1851 = vector.shape_cast %swap3A_1850 : vector<1x16xf32> to vector<16xf32>
          %swap3A_1852 = vector.shape_cast %mul3A_1847 : vector<16xf32> to vector<1x16xf32>
          tpu.vector_store %arg12[%swap3A_1848, %swap3A_1849], %swap3A_1852 {strides = array<i32>} : memref<128x128xf32, #tpu.memory_space<vmem>>, vector<1x16xf32>,
          %mul3A_1853 = vector.broadcast %squeeze3A_1777 : f32 to vector<16xf32>
          %mul3A_1854 = arith.mulf %bitcast_convert_type3A_1845, %mul3A_1853 : vector<16xf32>
          %swap3A_1855 = arith.index_cast %add3A_1781 : i32 to index
          %swap3A_1856 = arith.constant 80 : index
          %swap3A_1857 = tpu.vector_load %arg12[%swap3A_1855, %swap3A_1856] {strides = array<i32>} : memref<128x128xf32, #tpu.memory_space<vmem>>, vector<1x16xf32>,
          %swap3A_1858 = vector.shape_cast %swap3A_1857 : vector<1x16xf32> to vector<16xf32>
          %swap3A_1859 = vector.shape_cast %mul3A_1854 : vector<16xf32> to vector<1x16xf32>
          tpu.vector_store %arg12[%swap3A_1855, %swap3A_1856], %swap3A_1859 {strides = array<i32>} : memref<128x128xf32, #tpu.memory_space<vmem>>, vector<1x16xf32>,
          %get3A_1860 = arith.index_cast %add3A_1781 : i32 to index
          %get3A_1861 = arith.constant 48 : index
          %get3A_1862 = tpu.vector_load %arg11[%get3A_1860, %get3A_1861] {strides = array<i32>} : memref<128x64xi32, #tpu.memory_space<vmem>>, vector<1x16xi32>,
          %get3A_1863 = vector.shape_cast %get3A_1862 : vector<1x16xi32> to vector<16xi32>
          %shift_left3A_1864 = arith.constant 16 : i32
          %shift_left3A_1865 = vector.broadcast %shift_left3A_1864 : i32 to vector<16xi32>
          %shift_left3A_1866 = arith.shli %get3A_1863, %shift_left3A_1865 : vector<16xi32>
          %bitcast_convert_type3A_1867 = tpu.bitcast %shift_left3A_1866 : vector<16xi32> -> vector<16xf32>
          %and3A_1868 = arith.constant -65536 : i32
          %and3A_1869 = vector.broadcast %and3A_1868 : i32 to vector<16xi32>
          %and3A_1870 = arith.andi %get3A_1863, %and3A_1869 : vector<16xi32>
          %bitcast_convert_type3A_1871 = tpu.bitcast %and3A_1870 : vector<16xi32> -> vector<16xf32>
          %mul3A_1872 = vector.broadcast %squeeze3A_1777 : f32 to vector<16xf32>
          %mul3A_1873 = arith.mulf %bitcast_convert_type3A_1867, %mul3A_1872 : vector<16xf32>
          %swap3A_1874 = arith.index_cast %add3A_1781 : i32 to index
          %swap3A_1875 = arith.constant 96 : index
          %swap3A_1876 = tpu.vector_load %arg12[%swap3A_1874, %swap3A_1875] {strides = array<i32>} : memref<128x128xf32, #tpu.memory_space<vmem>>, vector<1x16xf32>,
          %swap3A_1877 = vector.shape_cast %swap3A_1876 : vector<1x16xf32> to vector<16xf32>
          %swap3A_1878 = vector.shape_cast %mul3A_1873 : vector<16xf32> to vector<1x16xf32>
          tpu.vector_store %arg12[%swap3A_1874, %swap3A_1875], %swap3A_1878 {strides = array<i32>} : memref<128x128xf32, #tpu.memory_space<vmem>>, vector<1x16xf32>,
          %mul3A_1879 = vector.broadcast %squeeze3A_1777 : f32 to vector<16xf32>
          %mul3A_1880 = arith.mulf %bitcast_convert_type3A_1871, %mul3A_1879 : vector<16xf32>
          %swap3A_1881 = arith.index_cast %add3A_1781 : i32 to index
          %swap3A_1882 = arith.constant 112 : index
          %swap3A_1883 = tpu.vector_load %arg12[%swap3A_1881, %swap3A_1882] {strides = array<i32>} : memref<128x128xf32, #tpu.memory_space<vmem>>, vector<1x16xf32>,
          %swap3A_1884 = vector.shape_cast %swap3A_1883 : vector<1x16xf32> to vector<16xf32>
          %swap3A_1885 = vector.shape_cast %mul3A_1880 : vector<16xf32> to vector<1x16xf32>
          tpu.vector_store %arg12[%swap3A_1881, %swap3A_1882], %swap3A_1885 {strides = array<i32>} : memref<128x128xf32, #tpu.memory_space<vmem>>, vector<1x16xf32>,
        }
        %scan3A_118 = arith.constant 8 : i32
        "tpu.region"() ({
          %run_scoped3A = tpu.sem_alloc : memref<!tpu.dma_semaphore, #tpu.memory_space<semaphore_mem>>
          %dma_start3A_126 = arith.constant 0 : i32
          %dma_start3A_127 = tpu.memref_slice %arg8[%add3A_106, %dma_start3A_126] : memref<16x128xi32, #tpu.memory_space<vmem>> -> memref<1x128xi32, #tpu.memory_space<vmem>>
          %dma_start3A_128 = tpu.memref_squeeze %dma_start3A_127 : memref<1x128xi32, #tpu.memory_space<vmem>> -> memref<128xi32, #tpu.memory_space<vmem>>
          %dma_start3A_129 = arith.constant 0 : i32
          %dma_start3A_130 = arith.constant 0 : i32
          %dma_start3A_131 = tpu.memref_slice %arg13[%dma_start3A_129, %dma_start3A_130] : memref<10240x128xf32, #tpu.memory_space<vmem_shared>> -> memref<10240x128xf32, #tpu.memory_space<vmem_shared>>
          tpu.enqueue_indirect_dma source(%arg12 : memref<128x128xf32, #tpu.memory_space<vmem>>) target(%dma_start3A_131 : memref<10240x128xf32, #tpu.memory_space<vmem_shared>>) offsets(%dma_start3A_128 : memref<128xi32, #tpu.memory_space<vmem>>) semaphore(%run_scoped3A : memref<!tpu.dma_semaphore, #tpu.memory_space<semaphore_mem>>) {add = true}
          %dma_wait3A_132 = arith.constant 0 : i32
          %dma_wait3A_133 = tpu.memref_slice %arg8[%add3A_106, %dma_wait3A_132] : memref<16x128xi32, #tpu.memory_space<vmem>> -> memref<1x128xi32, #tpu.memory_space<vmem>>
          %dma_wait3A_134 = tpu.memref_squeeze %dma_wait3A_133 : memref<1x128xi32, #tpu.memory_space<vmem>> -> memref<128xi32, #tpu.memory_space<vmem>>
          %dma_wait3A_135 = arith.constant 0 : i32
          %dma_wait3A_136 = arith.constant 0 : i32
          %dma_wait3A_137 = tpu.memref_slice %arg13[%dma_wait3A_135, %dma_wait3A_136] : memref<10240x128xf32, #tpu.memory_space<vmem_shared>> -> memref<10240x128xf32, #tpu.memory_space<vmem_shared>>
          tpu.wait_indirect_dma semaphore(%run_scoped3A : memref<!tpu.dma_semaphore, #tpu.memory_space<semaphore_mem>>) src(%arg12 : memref<128x128xf32, #tpu.memory_space<vmem>>) dst(%dma_wait3A_137 : memref<10240x128xf32, #tpu.memory_space<vmem_shared>>)
          tpu.yield
        }) : () -> ()
        %add3A_119 = arith.constant 2 : i32
        %add3A_120 = arith.addi %add3A_106, %add3A_119 : i32
        %lt3A_121 = arith.constant 16 : i32
        %lt3A_122 = arith.cmpi slt, %add3A_120, %lt3A_121 : i32
        %convert_element_type3A_123 = arith.extui %lt3A_122 : i1 to i32
        %cond3A_124 = arith.constant 0 : i32
        %cond3A_125 = arith.cmpi ne, %convert_element_type3A_123, %cond3A_124 : i32
        scf.if %cond3A_125 {
          %add3A_126 = arith.constant 2 : i32
          %add3A_127 = arith.addi %add3A_106, %add3A_126 : i32
          %dma_start3A_128 = arith.constant 0 : i32
          %dma_start3A_129 = arith.constant 0 : i32
          %dma_start3A_130 = tpu.memref_slice %arg11[%dma_start3A_128, %dma_start3A_129] : memref<128x64xi32, #tpu.memory_space<vmem>> -> memref<64x64xi32, #tpu.memory_space<vmem>>
          %dma_start3A_131 = arith.constant 0 : i32
          %dma_start3A_132 = tpu.memref_slice %arg7[%add3A_127, %dma_start3A_131] : memref<16x128xi32, #tpu.memory_space<vmem>> -> memref<1x64xi32, #tpu.memory_space<vmem>>
          %dma_start3A_133 = tpu.memref_squeeze %dma_start3A_132 : memref<1x64xi32, #tpu.memory_space<vmem>> -> memref<64xi32, #tpu.memory_space<vmem>>
          %dma_start3A_134 = arith.constant 0 : i32
          %dma_start3A_135 = arith.constant 0 : i32
          %dma_start3A_136 = tpu.memref_slice %arg2[%dma_start3A_134, %dma_start3A_135] : memref<10000x64xi32, #tpu.memory_space<hbm>> -> memref<10000x64xi32, #tpu.memory_space<hbm>>
          tpu.enqueue_indirect_dma source(%dma_start3A_136 : memref<10000x64xi32, #tpu.memory_space<hbm>>) target(%dma_start3A_130 : memref<64x64xi32, #tpu.memory_space<vmem>>) offsets(%dma_start3A_133 : memref<64xi32, #tpu.memory_space<vmem>>) semaphore(%arg15 : memref<!tpu.dma_semaphore, #tpu.memory_space<semaphore_mem>>)
          %dma_start3A_137 = arith.constant 64 : i32
          %dma_start3A_138 = arith.constant 0 : i32
          %dma_start3A_139 = tpu.memref_slice %arg11[%dma_start3A_137, %dma_start3A_138] : memref<128x64xi32, #tpu.memory_space<vmem>> -> memref<64x64xi32, #tpu.memory_space<vmem>>
          %dma_start3A_140 = arith.constant 64 : i32
          %dma_start3A_141 = tpu.memref_slice %arg7[%add3A_127, %dma_start3A_140] : memref<16x128xi32, #tpu.memory_space<vmem>> -> memref<1x64xi32, #tpu.memory_space<vmem>>
          %dma_start3A_142 = tpu.memref_squeeze %dma_start3A_141 : memref<1x64xi32, #tpu.memory_space<vmem>> -> memref<64xi32, #tpu.memory_space<vmem>>
          %dma_start3A_143 = arith.constant 0 : i32
          %dma_start3A_144 = arith.constant 0 : i32
          %dma_start3A_145 = tpu.memref_slice %arg2[%dma_start3A_143, %dma_start3A_144] : memref<10000x64xi32, #tpu.memory_space<hbm>> -> memref<10000x64xi32, #tpu.memory_space<hbm>>
          tpu.enqueue_indirect_dma source(%dma_start3A_145 : memref<10000x64xi32, #tpu.memory_space<hbm>>) target(%dma_start3A_139 : memref<64x64xi32, #tpu.memory_space<vmem>>) offsets(%dma_start3A_142 : memref<64xi32, #tpu.memory_space<vmem>>) semaphore(%arg15 : memref<!tpu.dma_semaphore, #tpu.memory_space<semaphore_mem>>)
        } else {
        }
      }
      %scan3A_84 = arith.constant 8 : i32
    }
    %scan3A_31 = arith.constant 5 : i32
    %barrier3A_32 = arith.constant 0 : index
    tpu.barrier barrier_id(%barrier3A_32)
    %mul3A_33 = arith.constant 640 : i32
    %mul3A_34 = arith.muli %arg1, %mul3A_33 : i32
    %mul3A_35 = arith.constant 640 : i32
    %mul3A_36 = arith.muli %arg1, %mul3A_35 : i32
    "tpu.region"() ({
      %run_scoped3A = tpu.sem_alloc : memref<!tpu.dma_semaphore, #tpu.memory_space<semaphore_mem>>
      %dma_start3A = arith.constant 0 : i32
      %dma_start3A_37 = tpu.memref_slice %arg6[%arg0, %mul3A_36, %dma_start3A] : memref<2x10240x128xf32, #tpu.memory_space<hbm>> -> memref<1x640x128xf32, #tpu.memory_space<hbm>>
      %dma_start3A_38 = tpu.memref_squeeze %dma_start3A_37 : memref<1x640x128xf32, #tpu.memory_space<hbm>> -> memref<640x128xf32, #tpu.memory_space<hbm>>
      %dma_start3A_39 = arith.constant 0 : i32
      %dma_start3A_40 = tpu.memref_slice %arg13[%mul3A_34, %dma_start3A_39] : memref<10240x128xf32, #tpu.memory_space<vmem_shared>> -> memref<640x128xf32, #tpu.memory_space<vmem_shared>>
      tpu.enqueue_dma source(%dma_start3A_40 : memref<640x128xf32, #tpu.memory_space<vmem_shared>>) target(%dma_start3A_38 : memref<640x128xf32, #tpu.memory_space<hbm>>) target_semaphore(%run_scoped3A : memref<!tpu.dma_semaphore, #tpu.memory_space<semaphore_mem>>)
      %dma_wait3A = arith.constant 0 : i32
      %dma_wait3A_41 = tpu.memref_slice %arg6[%arg0, %mul3A_36, %dma_wait3A] : memref<2x10240x128xf32, #tpu.memory_space<hbm>> -> memref<1x640x128xf32, #tpu.memory_space<hbm>>
      %dma_wait3A_42 = tpu.memref_squeeze %dma_wait3A_41 : memref<1x640x128xf32, #tpu.memory_space<hbm>> -> memref<640x128xf32, #tpu.memory_space<hbm>>
      %dma_wait3A_43 = arith.constant 0 : i32
      %dma_wait3A_44 = tpu.memref_slice %arg13[%mul3A_34, %dma_wait3A_43] : memref<10240x128xf32, #tpu.memory_space<vmem_shared>> -> memref<640x128xf32, #tpu.memory_space<vmem_shared>>
      tpu.wait_dma2 semaphore(%run_scoped3A : memref<!tpu.dma_semaphore, #tpu.memory_space<semaphore_mem>>) src(%dma_wait3A_44 : memref<640x128xf32, #tpu.memory_space<vmem_shared>>) dst(%dma_wait3A_42 : memref<640x128xf32, #tpu.memory_space<hbm>>)
      tpu.yield
    }) : () -> ()
    return
  }
}

module attributes {stable_mosaic.version = 14 : i64} {
  func.func @_gate_body(%arg0: i32, %arg1: memref<1x2000x128xf32, #tpu.memory_space<vmem>>, %arg2: memref<1x2000x128xf32, #tpu.memory_space<vmem>>, %arg3: memref<2000x128xf32, #tpu.memory_space<vmem>>, %arg4: memref<128x128xf32, #tpu.memory_space<vmem>>, %arg5: memref<128x128xf32, #tpu.memory_space<vmem>>, %arg6: memref<128x128xf32, #tpu.memory_space<vmem>>, %arg7: memref<128x128xf32, #tpu.memory_space<vmem>>, %arg8: memref<128x128xf32, #tpu.memory_space<vmem>>, %arg9: memref<128x128xf32, #tpu.memory_space<vmem>>, %arg10: memref<1x128xf32, #tpu.memory_space<vmem>>, %arg11: memref<1x128xf32, #tpu.memory_space<vmem>>, %arg12: memref<1x128xf32, #tpu.memory_space<vmem>>, %arg13: memref<2000x128xf32, #tpu.memory_space<vmem>>, %arg14: memref<8x128xf32, #tpu.memory_space<vmem>>) attributes {dimension_semantics = [#tpu.dimension_semantics<arbitrary>], iteration_bounds = array<i64: 5>, scalar_prefetch = 0 : i64, scratch_operands = 0 : i64, tpu.core_type = #tpu.core_type<tc>, window_params = [{transform_indices = @transform_0, window_bounds = array<i64: 1, 2000, 128>}, {transform_indices = @transform_1, window_bounds = array<i64: 1, 2000, 128>}, {transform_indices = @transform_2, window_bounds = array<i64: 2000, 128>}, {pipeline_mode = #tpu.pipeline_mode<synchronous>, transform_indices = @transform_3, window_bounds = array<i64: 128, 128>}, {pipeline_mode = #tpu.pipeline_mode<synchronous>, transform_indices = @transform_4, window_bounds = array<i64: 128, 128>}, {pipeline_mode = #tpu.pipeline_mode<synchronous>, transform_indices = @transform_5, window_bounds = array<i64: 128, 128>}, {pipeline_mode = #tpu.pipeline_mode<synchronous>, transform_indices = @transform_6, window_bounds = array<i64: 128, 128>}, {pipeline_mode = #tpu.pipeline_mode<synchronous>, transform_indices = @transform_7, window_bounds = array<i64: 128, 128>}, {pipeline_mode = #tpu.pipeline_mode<synchronous>, transform_indices = @transform_8, window_bounds = array<i64: 128, 128>}, {pipeline_mode = #tpu.pipeline_mode<synchronous>, transform_indices = @transform_9, window_bounds = array<i64: 1, 128>}, {pipeline_mode = #tpu.pipeline_mode<synchronous>, transform_indices = @transform_10, window_bounds = array<i64: 1, 128>}, {pipeline_mode = #tpu.pipeline_mode<synchronous>, transform_indices = @transform_11, window_bounds = array<i64: 1, 128>}, {transform_indices = @transform_12, window_bounds = array<i64: 2000, 128>}, {pipeline_mode = #tpu.pipeline_mode<synchronous>, transform_indices = @transform_13, window_bounds = array<i64: 8, 128>}]} {
    %get3A = arith.constant 0 : index
    %get3A_0 = arith.constant 0 : index
    %get3A_1 = vector.load %arg3[%get3A, %get3A_0] : memref<2000x128xf32, #tpu.memory_space<vmem>>, vector<2000x128xf32>
    %get3A_2 = arith.constant 0 : index
    %get3A_3 = arith.constant 0 : index
    %get3A_4 = arith.constant 0 : index
    %get3A_5 = vector.load %arg1[%get3A_2, %get3A_3, %get3A_4] : memref<1x2000x128xf32, #tpu.memory_space<vmem>>, vector<1x2000x128xf32>
    %get3A_6 = vector.shape_cast %get3A_5 : vector<1x2000x128xf32> to vector<2000x128xf32>
    %get3A_7 = arith.constant 0 : index
    %get3A_8 = arith.constant 0 : index
    %get3A_9 = arith.constant 0 : index
    %get3A_10 = vector.load %arg2[%get3A_7, %get3A_8, %get3A_9] : memref<1x2000x128xf32, #tpu.memory_space<vmem>>, vector<1x2000x128xf32>
    %get3A_11 = vector.shape_cast %get3A_10 : vector<1x2000x128xf32> to vector<2000x128xf32>
    %add3A = arith.addf %get3A_6, %get3A_11 : vector<2000x128xf32>
    %get3A_12 = arith.constant 0 : index
    %get3A_13 = arith.constant 0 : index
    %get3A_14 = vector.load %arg4[%get3A_12, %get3A_13] : memref<128x128xf32, #tpu.memory_space<vmem>>, vector<128x128xf32>
    %dot_general3A = arith.constant dense<0.000000e+00> : vector<2000x128xf32>
    %dot_general3A_15 = tpu.matmul %add3A, %get3A_14, %dot_general3A {dimension_numbers = #tpu.dot_dimension_numbers<[1], [1], [0], [0], [0, 0, 1, 0], [], []>, transpose_lhs_hint = false} : vector<2000x128xf32>, vector<128x128xf32>, vector<2000x128xf32> -> vector<2000x128xf32>
    %get3A_16 = arith.constant 0 : index
    %get3A_17 = arith.constant 0 : index
    %get3A_18 = vector.load %arg5[%get3A_16, %get3A_17] : memref<128x128xf32, #tpu.memory_space<vmem>>, vector<128x128xf32>
    %dot_general3A_19 = arith.constant dense<0.000000e+00> : vector<2000x128xf32>
    %dot_general3A_20 = tpu.matmul %get3A_1, %get3A_18, %dot_general3A_19 {dimension_numbers = #tpu.dot_dimension_numbers<[1], [1], [0], [0], [0, 0, 1, 0], [], []>, transpose_lhs_hint = false} : vector<2000x128xf32>, vector<128x128xf32>, vector<2000x128xf32> -> vector<2000x128xf32>
    %add3A_21 = arith.addf %dot_general3A_15, %dot_general3A_20 : vector<2000x128xf32>
    %get3A_22 = arith.constant 0 : index
    %get3A_23 = arith.constant 0 : index
    %get3A_24 = vector.load %arg10[%get3A_22, %get3A_23] : memref<1x128xf32, #tpu.memory_space<vmem>>, vector<1x128xf32>
    %add3A_25 = vector.broadcast %get3A_24 : vector<1x128xf32> to vector<2000x128xf32>
    %add3A_26 = arith.addf %add3A_21, %add3A_25 : vector<2000x128xf32>
    %max3A = arith.constant 0.000000e+00 : f32
    %max3A_27 = vector.broadcast %max3A : f32 to vector<2000x128xf32>
    %max3A_28 = arith.maximumf %add3A_26, %max3A_27 : vector<2000x128xf32>
    %get3A_29 = arith.constant 0 : index
    %get3A_30 = arith.constant 0 : index
    %get3A_31 = vector.load %arg6[%get3A_29, %get3A_30] : memref<128x128xf32, #tpu.memory_space<vmem>>, vector<128x128xf32>
    %dot_general3A_32 = arith.constant dense<0.000000e+00> : vector<2000x128xf32>
    %dot_general3A_33 = tpu.matmul %add3A, %get3A_31, %dot_general3A_32 {dimension_numbers = #tpu.dot_dimension_numbers<[1], [1], [0], [0], [0, 0, 1, 0], [], []>, transpose_lhs_hint = false} : vector<2000x128xf32>, vector<128x128xf32>, vector<2000x128xf32> -> vector<2000x128xf32>
    %get3A_34 = arith.constant 0 : index
    %get3A_35 = arith.constant 0 : index
    %get3A_36 = vector.load %arg7[%get3A_34, %get3A_35] : memref<128x128xf32, #tpu.memory_space<vmem>>, vector<128x128xf32>
    %dot_general3A_37 = arith.constant dense<0.000000e+00> : vector<2000x128xf32>
    %dot_general3A_38 = tpu.matmul %get3A_1, %get3A_36, %dot_general3A_37 {dimension_numbers = #tpu.dot_dimension_numbers<[1], [1], [0], [0], [0, 0, 1, 0], [], []>, transpose_lhs_hint = false} : vector<2000x128xf32>, vector<128x128xf32>, vector<2000x128xf32> -> vector<2000x128xf32>
    %add3A_39 = arith.addf %dot_general3A_33, %dot_general3A_38 : vector<2000x128xf32>
    %get3A_40 = arith.constant 0 : index
    %get3A_41 = arith.constant 0 : index
    %get3A_42 = vector.load %arg11[%get3A_40, %get3A_41] : memref<1x128xf32, #tpu.memory_space<vmem>>, vector<1x128xf32>
    %add3A_43 = vector.broadcast %get3A_42 : vector<1x128xf32> to vector<2000x128xf32>
    %add3A_44 = arith.addf %add3A_39, %add3A_43 : vector<2000x128xf32>
    %max3A_45 = arith.constant 0.000000e+00 : f32
    %max3A_46 = vector.broadcast %max3A_45 : f32 to vector<2000x128xf32>
    %max3A_47 = arith.maximumf %add3A_44, %max3A_46 : vector<2000x128xf32>
    %get3A_48 = arith.constant 0 : index
    %get3A_49 = arith.constant 0 : index
    %get3A_50 = vector.load %arg8[%get3A_48, %get3A_49] : memref<128x128xf32, #tpu.memory_space<vmem>>, vector<128x128xf32>
    %dot_general3A_51 = arith.constant dense<0.000000e+00> : vector<2000x128xf32>
    %dot_general3A_52 = tpu.matmul %add3A, %get3A_50, %dot_general3A_51 {dimension_numbers = #tpu.dot_dimension_numbers<[1], [1], [0], [0], [0, 0, 1, 0], [], []>, transpose_lhs_hint = false} : vector<2000x128xf32>, vector<128x128xf32>, vector<2000x128xf32> -> vector<2000x128xf32>
    %mul3A = arith.mulf %max3A_47, %get3A_1 : vector<2000x128xf32>
    %get3A_53 = arith.constant 0 : index
    %get3A_54 = arith.constant 0 : index
    %get3A_55 = vector.load %arg9[%get3A_53, %get3A_54] : memref<128x128xf32, #tpu.memory_space<vmem>>, vector<128x128xf32>
    %dot_general3A_56 = arith.constant dense<0.000000e+00> : vector<2000x128xf32>
    %dot_general3A_57 = tpu.matmul %mul3A, %get3A_55, %dot_general3A_56 {dimension_numbers = #tpu.dot_dimension_numbers<[1], [1], [0], [0], [0, 0, 1, 0], [], []>, transpose_lhs_hint = false} : vector<2000x128xf32>, vector<128x128xf32>, vector<2000x128xf32> -> vector<2000x128xf32>
    %add3A_58 = arith.addf %dot_general3A_52, %dot_general3A_57 : vector<2000x128xf32>
    %get3A_59 = arith.constant 0 : index
    %get3A_60 = arith.constant 0 : index
    %get3A_61 = vector.load %arg12[%get3A_59, %get3A_60] : memref<1x128xf32, #tpu.memory_space<vmem>>, vector<1x128xf32>
    %add3A_62 = vector.broadcast %get3A_61 : vector<1x128xf32> to vector<2000x128xf32>
    %add3A_63 = arith.addf %add3A_58, %add3A_62 : vector<2000x128xf32>
    %tanh3A = math.tanh %add3A_63 : vector<2000x128xf32>
    %mul3A_64 = arith.mulf %max3A_28, %tanh3A : vector<2000x128xf32>
    %sub3A = arith.constant 1.000000e+00 : f32
    %sub3A_65 = vector.broadcast %sub3A : f32 to vector<2000x128xf32>
    %sub3A_66 = arith.subf %sub3A_65, %max3A_28 : vector<2000x128xf32>
    %mul3A_67 = arith.mulf %sub3A_66, %get3A_1 : vector<2000x128xf32>
    %add3A_68 = arith.addf %mul3A_64, %mul3A_67 : vector<2000x128xf32>
    %swap3A = arith.constant 0 : index
    %swap3A_69 = arith.constant 0 : index
    %swap3A_70 = vector.load %arg13[%swap3A, %swap3A_69] : memref<2000x128xf32, #tpu.memory_space<vmem>>, vector<2000x128xf32>
    tpu.vector_store %arg13[%swap3A, %swap3A_69], %add3A_68 {strides = array<i32>} : memref<2000x128xf32, #tpu.memory_space<vmem>>, vector<2000x128xf32>,
    %eq3A = arith.constant 0 : i32
    %eq3A_71 = arith.cmpi eq, %arg0, %eq3A : i32
    %convert_element_type3A = arith.extui %eq3A_71 : i1 to i32
    %cond3A = arith.constant 0 : i32
    %cond3A_72 = arith.cmpi ne, %convert_element_type3A, %cond3A : i32
    scf.if %cond3A_72 {
      %broadcast_in_dim3A_92 = arith.constant 0.000000e+00 : f32
      %broadcast_in_dim3A_93 = vector.broadcast %broadcast_in_dim3A_92 : f32 to vector<8x128xf32>
      %swap3A_94 = arith.constant 0 : index
      %swap3A_95 = arith.constant 0 : index
      %swap3A_96 = vector.load %arg14[%swap3A_94, %swap3A_95] : memref<8x128xf32, #tpu.memory_space<vmem>>, vector<8x128xf32>
      tpu.vector_store %arg14[%swap3A_94, %swap3A_95], %broadcast_in_dim3A_93 {strides = array<i32>} : memref<8x128xf32, #tpu.memory_space<vmem>>, vector<8x128xf32>,
    } else {
    }
    %get3A_73 = arith.constant 0 : index
    %get3A_74 = arith.constant 0 : index
    %get3A_75 = vector.load %arg14[%get3A_73, %get3A_74] : memref<8x128xf32, #tpu.memory_space<vmem>>, vector<1x128xf32>
    %reduce_sum3A = arith.constant dense<0.000000e+00> : vector<128xf32>
    %reduce_sum3A_76 = vector.multi_reduction <add>, %add3A_68, %reduce_sum3A [0] : vector<2000x128xf32> to vector<128xf32>
    %broadcast_in_dim3A = vector.shape_cast %reduce_sum3A_76 : vector<128xf32> to vector<1x128xf32>
    %add3A_77 = arith.addf %get3A_75, %broadcast_in_dim3A : vector<1x128xf32>
    %swap3A_78 = arith.constant 0 : index
    %swap3A_79 = arith.constant 0 : index
    %swap3A_80 = vector.load %arg14[%swap3A_78, %swap3A_79] : memref<8x128xf32, #tpu.memory_space<vmem>>, vector<1x128xf32>
    tpu.vector_store %arg14[%swap3A_78, %swap3A_79], %add3A_77 {strides = array<i32>} : memref<8x128xf32, #tpu.memory_space<vmem>>, vector<1x128xf32>,
    %get3A_81 = arith.constant 1 : index
    %get3A_82 = arith.constant 0 : index
    %get3A_83 = vector.load %arg14[%get3A_81, %get3A_82] : memref<8x128xf32, #tpu.memory_space<vmem>>, vector<1x128xf32>
    %mul3A_84 = arith.mulf %add3A_68, %add3A_68 : vector<2000x128xf32>
    %reduce_sum3A_85 = arith.constant dense<0.000000e+00> : vector<128xf32>
    %reduce_sum3A_86 = vector.multi_reduction <add>, %mul3A_84, %reduce_sum3A_85 [0] : vector<2000x128xf32> to vector<128xf32>
    %broadcast_in_dim3A_87 = vector.shape_cast %reduce_sum3A_86 : vector<128xf32> to vector<1x128xf32>
    %add3A_88 = arith.addf %get3A_83, %broadcast_in_dim3A_87 : vector<1x128xf32>
    %swap3A_89 = arith.constant 1 : index
    %swap3A_90 = arith.constant 0 : index
    %swap3A_91 = vector.load %arg14[%swap3A_89, %swap3A_90] : memref<8x128xf32, #tpu.memory_space<vmem>>, vector<1x128xf32>
    tpu.vector_store %arg14[%swap3A_89, %swap3A_90], %add3A_88 {strides = array<i32>} : memref<8x128xf32, #tpu.memory_space<vmem>>, vector<1x128xf32>,
    return
  }
  func.func @transform_0(%arg0: i32) -> (i32, i32, i32) {
    %c0_i32 = arith.constant 0 : i32
    %c0_i32_0 = arith.constant 0 : i32
    %c0_i32_1 = arith.constant 0 : i32
    return %c0_i32, %arg0, %c0_i32_0 : i32, i32, i32
  }
  func.func @transform_1(%arg0: i32) -> (i32, i32, i32) {
    %c1_i32 = arith.constant 1 : i32
    %c0_i32 = arith.constant 0 : i32
    %c0_i32_0 = arith.constant 0 : i32
    return %c1_i32, %arg0, %c0_i32 : i32, i32, i32
  }
  func.func @transform_2(%arg0: i32) -> (i32, i32) {
    %c0_i32 = arith.constant 0 : i32
    %c0_i32_0 = arith.constant 0 : i32
    return %arg0, %c0_i32 : i32, i32
  }
  func.func @transform_3(%arg0: i32) -> (i32, i32) {
    %c0_i32 = arith.constant 0 : i32
    %c0_i32_0 = arith.constant 0 : i32
    %c0_i32_1 = arith.constant 0 : i32
    return %c0_i32, %c0_i32_0 : i32, i32
  }
  func.func @transform_4(%arg0: i32) -> (i32, i32) {
    %c0_i32 = arith.constant 0 : i32
    %c0_i32_0 = arith.constant 0 : i32
    %c0_i32_1 = arith.constant 0 : i32
    return %c0_i32, %c0_i32_0 : i32, i32
  }
  func.func @transform_5(%arg0: i32) -> (i32, i32) {
    %c0_i32 = arith.constant 0 : i32
    %c0_i32_0 = arith.constant 0 : i32
    %c0_i32_1 = arith.constant 0 : i32
    return %c0_i32, %c0_i32_0 : i32, i32
  }
  func.func @transform_6(%arg0: i32) -> (i32, i32) {
    %c0_i32 = arith.constant 0 : i32
    %c0_i32_0 = arith.constant 0 : i32
    %c0_i32_1 = arith.constant 0 : i32
    return %c0_i32, %c0_i32_0 : i32, i32
  }
  func.func @transform_7(%arg0: i32) -> (i32, i32) {
    %c0_i32 = arith.constant 0 : i32
    %c0_i32_0 = arith.constant 0 : i32
    %c0_i32_1 = arith.constant 0 : i32
    return %c0_i32, %c0_i32_0 : i32, i32
  }
  func.func @transform_8(%arg0: i32) -> (i32, i32) {
    %c0_i32 = arith.constant 0 : i32
    %c0_i32_0 = arith.constant 0 : i32
    %c0_i32_1 = arith.constant 0 : i32
    return %c0_i32, %c0_i32_0 : i32, i32
  }
  func.func @transform_9(%arg0: i32) -> (i32, i32) {
    %c0_i32 = arith.constant 0 : i32
    %c0_i32_0 = arith.constant 0 : i32
    %c0_i32_1 = arith.constant 0 : i32
    return %c0_i32, %c0_i32_0 : i32, i32
  }
  func.func @transform_10(%arg0: i32) -> (i32, i32) {
    %c0_i32 = arith.constant 0 : i32
    %c0_i32_0 = arith.constant 0 : i32
    %c0_i32_1 = arith.constant 0 : i32
    return %c0_i32, %c0_i32_0 : i32, i32
  }
  func.func @transform_11(%arg0: i32) -> (i32, i32) {
    %c0_i32 = arith.constant 0 : i32
    %c0_i32_0 = arith.constant 0 : i32
    %c0_i32_1 = arith.constant 0 : i32
    return %c0_i32, %c0_i32_0 : i32, i32
  }
  func.func @transform_12(%arg0: i32) -> (i32, i32) {
    %c0_i32 = arith.constant 0 : i32
    %c0_i32_0 = arith.constant 0 : i32
    return %arg0, %c0_i32 : i32, i32
  }
  func.func @transform_13(%arg0: i32) -> (i32, i32) {
    %c0_i32 = arith.constant 0 : i32
    %c0_i32_0 = arith.constant 0 : i32
    %c0_i32_1 = arith.constant 0 : i32
    return %c0_i32, %c0_i32_0 : i32, i32
  }
}

module attributes {stable_mosaic.version = 14 : i64} {
  func.func @_bn_mlp_body(%arg0: i32, %arg1: memref<2000x128xf32, #tpu.memory_space<vmem>>, %arg2: memref<8x128xf32, #tpu.memory_space<vmem>>, %arg3: memref<1x128xf32, #tpu.memory_space<vmem>>, %arg4: memref<1x128xf32, #tpu.memory_space<vmem>>, %arg5: memref<128x128xf32, #tpu.memory_space<vmem>>, %arg6: memref<1x128xf32, #tpu.memory_space<vmem>>, %arg7: memref<2000x128xf32, #tpu.memory_space<vmem>>, %arg8: memref<8x128xf32, #tpu.memory_space<vmem>>) attributes {dimension_semantics = [#tpu.dimension_semantics<arbitrary>], iteration_bounds = array<i64: 5>, scalar_prefetch = 0 : i64, scratch_operands = 0 : i64, tpu.core_type = #tpu.core_type<tc>, window_params = [{transform_indices = @transform_0, window_bounds = array<i64: 2000, 128>}, {pipeline_mode = #tpu.pipeline_mode<synchronous>, transform_indices = @transform_1, window_bounds = array<i64: 8, 128>}, {pipeline_mode = #tpu.pipeline_mode<synchronous>, transform_indices = @transform_2, window_bounds = array<i64: 1, 128>}, {pipeline_mode = #tpu.pipeline_mode<synchronous>, transform_indices = @transform_3, window_bounds = array<i64: 1, 128>}, {pipeline_mode = #tpu.pipeline_mode<synchronous>, transform_indices = @transform_4, window_bounds = array<i64: 128, 128>}, {pipeline_mode = #tpu.pipeline_mode<synchronous>, transform_indices = @transform_5, window_bounds = array<i64: 1, 128>}, {transform_indices = @transform_6, window_bounds = array<i64: 2000, 128>}, {pipeline_mode = #tpu.pipeline_mode<synchronous>, transform_indices = @transform_7, window_bounds = array<i64: 8, 128>}]} {
    %get3A = arith.constant 0 : index
    %get3A_0 = arith.constant 0 : index
    %get3A_1 = vector.load %arg2[%get3A, %get3A_0] : memref<8x128xf32, #tpu.memory_space<vmem>>, vector<1x128xf32>
    %div3A = arith.constant 1.000000e+04 : f32
    %div3A_2 = vector.broadcast %div3A : f32 to vector<1x128xf32>
    %div3A_3 = arith.divf %get3A_1, %div3A_2 : vector<1x128xf32>
    %get3A_4 = arith.constant 1 : index
    %get3A_5 = arith.constant 0 : index
    %get3A_6 = vector.load %arg2[%get3A_4, %get3A_5] : memref<8x128xf32, #tpu.memory_space<vmem>>, vector<1x128xf32>
    %div3A_7 = arith.constant 1.000000e+04 : f32
    %div3A_8 = vector.broadcast %div3A_7 : f32 to vector<1x128xf32>
    %div3A_9 = arith.divf %get3A_6, %div3A_8 : vector<1x128xf32>
    %mul3A = arith.mulf %div3A_3, %div3A_3 : vector<1x128xf32>
    %sub3A = arith.subf %div3A_9, %mul3A : vector<1x128xf32>
    %add3A = arith.constant 9.99999974E-6 : f32
    %add3A_10 = vector.broadcast %add3A : f32 to vector<1x128xf32>
    %add3A_11 = arith.addf %sub3A, %add3A_10 : vector<1x128xf32>
    %rsqrt3A = math.rsqrt %add3A_11 : vector<1x128xf32>
    %get3A_12 = arith.constant 0 : index
    %get3A_13 = arith.constant 0 : index
    %get3A_14 = vector.load %arg1[%get3A_12, %get3A_13] : memref<2000x128xf32, #tpu.memory_space<vmem>>, vector<2000x128xf32>
    %sub3A_15 = vector.broadcast %div3A_3 : vector<1x128xf32> to vector<2000x128xf32>
    %sub3A_16 = arith.subf %get3A_14, %sub3A_15 : vector<2000x128xf32>
    %mul3A_17 = vector.broadcast %rsqrt3A : vector<1x128xf32> to vector<2000x128xf32>
    %mul3A_18 = arith.mulf %sub3A_16, %mul3A_17 : vector<2000x128xf32>
    %get3A_19 = arith.constant 0 : index
    %get3A_20 = arith.constant 0 : index
    %get3A_21 = vector.load %arg3[%get3A_19, %get3A_20] : memref<1x128xf32, #tpu.memory_space<vmem>>, vector<1x128xf32>
    %mul3A_22 = vector.broadcast %get3A_21 : vector<1x128xf32> to vector<2000x128xf32>
    %mul3A_23 = arith.mulf %mul3A_18, %mul3A_22 : vector<2000x128xf32>
    %get3A_24 = arith.constant 0 : index
    %get3A_25 = arith.constant 0 : index
    %get3A_26 = vector.load %arg4[%get3A_24, %get3A_25] : memref<1x128xf32, #tpu.memory_space<vmem>>, vector<1x128xf32>
    %add3A_27 = vector.broadcast %get3A_26 : vector<1x128xf32> to vector<2000x128xf32>
    %add3A_28 = arith.addf %mul3A_23, %add3A_27 : vector<2000x128xf32>
    %max3A = arith.constant 0.000000e+00 : f32
    %max3A_29 = vector.broadcast %max3A : f32 to vector<2000x128xf32>
    %max3A_30 = arith.maximumf %add3A_28, %max3A_29 : vector<2000x128xf32>
    %get3A_31 = arith.constant 0 : index
    %get3A_32 = arith.constant 0 : index
    %get3A_33 = vector.load %arg5[%get3A_31, %get3A_32] : memref<128x128xf32, #tpu.memory_space<vmem>>, vector<128x128xf32>
    %dot_general3A = arith.constant dense<0.000000e+00> : vector<2000x128xf32>
    %dot_general3A_34 = tpu.matmul %max3A_30, %get3A_33, %dot_general3A {dimension_numbers = #tpu.dot_dimension_numbers<[1], [1], [0], [0], [0, 0, 1, 0], [], []>, transpose_lhs_hint = false} : vector<2000x128xf32>, vector<128x128xf32>, vector<2000x128xf32> -> vector<2000x128xf32>
    %get3A_35 = arith.constant 0 : index
    %get3A_36 = arith.constant 0 : index
    %get3A_37 = vector.load %arg6[%get3A_35, %get3A_36] : memref<1x128xf32, #tpu.memory_space<vmem>>, vector<1x128xf32>
    %add3A_38 = vector.broadcast %get3A_37 : vector<1x128xf32> to vector<2000x128xf32>
    %add3A_39 = arith.addf %dot_general3A_34, %add3A_38 : vector<2000x128xf32>
    %swap3A = arith.constant 0 : index
    %swap3A_40 = arith.constant 0 : index
    %swap3A_41 = vector.load %arg7[%swap3A, %swap3A_40] : memref<2000x128xf32, #tpu.memory_space<vmem>>, vector<2000x128xf32>
    tpu.vector_store %arg7[%swap3A, %swap3A_40], %add3A_39 {strides = array<i32>} : memref<2000x128xf32, #tpu.memory_space<vmem>>, vector<2000x128xf32>,
    %eq3A = arith.constant 0 : i32
    %eq3A_42 = arith.cmpi eq, %arg0, %eq3A : i32
    %convert_element_type3A = arith.extui %eq3A_42 : i1 to i32
    %cond3A = arith.constant 0 : i32
    %cond3A_43 = arith.cmpi ne, %convert_element_type3A, %cond3A : i32
    scf.if %cond3A_43 {
      %broadcast_in_dim3A_63 = arith.constant 0.000000e+00 : f32
      %broadcast_in_dim3A_64 = vector.broadcast %broadcast_in_dim3A_63 : f32 to vector<8x128xf32>
      %swap3A_65 = arith.constant 0 : index
      %swap3A_66 = arith.constant 0 : index
      %swap3A_67 = vector.load %arg8[%swap3A_65, %swap3A_66] : memref<8x128xf32, #tpu.memory_space<vmem>>, vector<8x128xf32>
      tpu.vector_store %arg8[%swap3A_65, %swap3A_66], %broadcast_in_dim3A_64 {strides = array<i32>} : memref<8x128xf32, #tpu.memory_space<vmem>>, vector<8x128xf32>,
    } else {
    }
    %get3A_44 = arith.constant 0 : index
    %get3A_45 = arith.constant 0 : index
    %get3A_46 = vector.load %arg8[%get3A_44, %get3A_45] : memref<8x128xf32, #tpu.memory_space<vmem>>, vector<1x128xf32>
    %reduce_sum3A = arith.constant dense<0.000000e+00> : vector<128xf32>
    %reduce_sum3A_47 = vector.multi_reduction <add>, %add3A_39, %reduce_sum3A [0] : vector<2000x128xf32> to vector<128xf32>
    %broadcast_in_dim3A = vector.shape_cast %reduce_sum3A_47 : vector<128xf32> to vector<1x128xf32>
    %add3A_48 = arith.addf %get3A_46, %broadcast_in_dim3A : vector<1x128xf32>
    %swap3A_49 = arith.constant 0 : index
    %swap3A_50 = arith.constant 0 : index
    %swap3A_51 = vector.load %arg8[%swap3A_49, %swap3A_50] : memref<8x128xf32, #tpu.memory_space<vmem>>, vector<1x128xf32>
    tpu.vector_store %arg8[%swap3A_49, %swap3A_50], %add3A_48 {strides = array<i32>} : memref<8x128xf32, #tpu.memory_space<vmem>>, vector<1x128xf32>,
    %get3A_52 = arith.constant 1 : index
    %get3A_53 = arith.constant 0 : index
    %get3A_54 = vector.load %arg8[%get3A_52, %get3A_53] : memref<8x128xf32, #tpu.memory_space<vmem>>, vector<1x128xf32>
    %mul3A_55 = arith.mulf %add3A_39, %add3A_39 : vector<2000x128xf32>
    %reduce_sum3A_56 = arith.constant dense<0.000000e+00> : vector<128xf32>
    %reduce_sum3A_57 = vector.multi_reduction <add>, %mul3A_55, %reduce_sum3A_56 [0] : vector<2000x128xf32> to vector<128xf32>
    %broadcast_in_dim3A_58 = vector.shape_cast %reduce_sum3A_57 : vector<128xf32> to vector<1x128xf32>
    %add3A_59 = arith.addf %get3A_54, %broadcast_in_dim3A_58 : vector<1x128xf32>
    %swap3A_60 = arith.constant 1 : index
    %swap3A_61 = arith.constant 0 : index
    %swap3A_62 = vector.load %arg8[%swap3A_60, %swap3A_61] : memref<8x128xf32, #tpu.memory_space<vmem>>, vector<1x128xf32>
    tpu.vector_store %arg8[%swap3A_60, %swap3A_61], %add3A_59 {strides = array<i32>} : memref<8x128xf32, #tpu.memory_space<vmem>>, vector<1x128xf32>,
    return
  }
  func.func @transform_0(%arg0: i32) -> (i32, i32) {
    %c0_i32 = arith.constant 0 : i32
    %c0_i32_0 = arith.constant 0 : i32
    return %arg0, %c0_i32 : i32, i32
  }
  func.func @transform_1(%arg0: i32) -> (i32, i32) {
    %c0_i32 = arith.constant 0 : i32
    %c0_i32_0 = arith.constant 0 : i32
    %c0_i32_1 = arith.constant 0 : i32
    return %c0_i32, %c0_i32_0 : i32, i32
  }
  func.func @transform_2(%arg0: i32) -> (i32, i32) {
    %c0_i32 = arith.constant 0 : i32
    %c0_i32_0 = arith.constant 0 : i32
    %c0_i32_1 = arith.constant 0 : i32
    return %c0_i32, %c0_i32_0 : i32, i32
  }
  func.func @transform_3(%arg0: i32) -> (i32, i32) {
    %c0_i32 = arith.constant 0 : i32
    %c0_i32_0 = arith.constant 0 : i32
    %c0_i32_1 = arith.constant 0 : i32
    return %c0_i32, %c0_i32_0 : i32, i32
  }
  func.func @transform_4(%arg0: i32) -> (i32, i32) {
    %c0_i32 = arith.constant 0 : i32
    %c0_i32_0 = arith.constant 0 : i32
    %c0_i32_1 = arith.constant 0 : i32
    return %c0_i32, %c0_i32_0 : i32, i32
  }
  func.func @transform_5(%arg0: i32) -> (i32, i32) {
    %c0_i32 = arith.constant 0 : i32
    %c0_i32_0 = arith.constant 0 : i32
    %c0_i32_1 = arith.constant 0 : i32
    return %c0_i32, %c0_i32_0 : i32, i32
  }
  func.func @transform_6(%arg0: i32) -> (i32, i32) {
    %c0_i32 = arith.constant 0 : i32
    %c0_i32_0 = arith.constant 0 : i32
    return %arg0, %c0_i32 : i32, i32
  }
  func.func @transform_7(%arg0: i32) -> (i32, i32) {
    %c0_i32 = arith.constant 0 : i32
    %c0_i32_0 = arith.constant 0 : i32
    %c0_i32_1 = arith.constant 0 : i32
    return %c0_i32, %c0_i32_0 : i32, i32
  }
}

module attributes {stable_mosaic.version = 14 : i64} {
  func.func @_bn_final_body(%arg0: i32, %arg1: memref<2000x128xf32, #tpu.memory_space<vmem>>, %arg2: memref<8x128xf32, #tpu.memory_space<vmem>>, %arg3: memref<1x128xf32, #tpu.memory_space<vmem>>, %arg4: memref<1x128xf32, #tpu.memory_space<vmem>>, %arg5: memref<128x128xf32, #tpu.memory_space<vmem>>, %arg6: memref<1x128xf32, #tpu.memory_space<vmem>>, %arg7: memref<2000x128xf32, #tpu.memory_space<vmem>>) attributes {dimension_semantics = [#tpu.dimension_semantics<arbitrary>], iteration_bounds = array<i64: 5>, scalar_prefetch = 0 : i64, scratch_operands = 0 : i64, tpu.core_type = #tpu.core_type<tc>, window_params = [{transform_indices = @transform_0, window_bounds = array<i64: 2000, 128>}, {pipeline_mode = #tpu.pipeline_mode<synchronous>, transform_indices = @transform_1, window_bounds = array<i64: 8, 128>}, {pipeline_mode = #tpu.pipeline_mode<synchronous>, transform_indices = @transform_2, window_bounds = array<i64: 1, 128>}, {pipeline_mode = #tpu.pipeline_mode<synchronous>, transform_indices = @transform_3, window_bounds = array<i64: 1, 128>}, {pipeline_mode = #tpu.pipeline_mode<synchronous>, transform_indices = @transform_4, window_bounds = array<i64: 128, 128>}, {pipeline_mode = #tpu.pipeline_mode<synchronous>, transform_indices = @transform_5, window_bounds = array<i64: 1, 128>}, {transform_indices = @transform_6, window_bounds = array<i64: 2000, 128>}]} {
    %get3A = arith.constant 0 : index
    %get3A_0 = arith.constant 0 : index
    %get3A_1 = vector.load %arg2[%get3A, %get3A_0] : memref<8x128xf32, #tpu.memory_space<vmem>>, vector<1x128xf32>
    %div3A = arith.constant 1.000000e+04 : f32
    %div3A_2 = vector.broadcast %div3A : f32 to vector<1x128xf32>
    %div3A_3 = arith.divf %get3A_1, %div3A_2 : vector<1x128xf32>
    %get3A_4 = arith.constant 1 : index
    %get3A_5 = arith.constant 0 : index
    %get3A_6 = vector.load %arg2[%get3A_4, %get3A_5] : memref<8x128xf32, #tpu.memory_space<vmem>>, vector<1x128xf32>
    %div3A_7 = arith.constant 1.000000e+04 : f32
    %div3A_8 = vector.broadcast %div3A_7 : f32 to vector<1x128xf32>
    %div3A_9 = arith.divf %get3A_6, %div3A_8 : vector<1x128xf32>
    %mul3A = arith.mulf %div3A_3, %div3A_3 : vector<1x128xf32>
    %sub3A = arith.subf %div3A_9, %mul3A : vector<1x128xf32>
    %add3A = arith.constant 9.99999974E-6 : f32
    %add3A_10 = vector.broadcast %add3A : f32 to vector<1x128xf32>
    %add3A_11 = arith.addf %sub3A, %add3A_10 : vector<1x128xf32>
    %rsqrt3A = math.rsqrt %add3A_11 : vector<1x128xf32>
    %get3A_12 = arith.constant 0 : index
    %get3A_13 = arith.constant 0 : index
    %get3A_14 = vector.load %arg1[%get3A_12, %get3A_13] : memref<2000x128xf32, #tpu.memory_space<vmem>>, vector<2000x128xf32>
    %sub3A_15 = vector.broadcast %div3A_3 : vector<1x128xf32> to vector<2000x128xf32>
    %sub3A_16 = arith.subf %get3A_14, %sub3A_15 : vector<2000x128xf32>
    %mul3A_17 = vector.broadcast %rsqrt3A : vector<1x128xf32> to vector<2000x128xf32>
    %mul3A_18 = arith.mulf %sub3A_16, %mul3A_17 : vector<2000x128xf32>
    %get3A_19 = arith.constant 0 : index
    %get3A_20 = arith.constant 0 : index
    %get3A_21 = vector.load %arg3[%get3A_19, %get3A_20] : memref<1x128xf32, #tpu.memory_space<vmem>>, vector<1x128xf32>
    %mul3A_22 = vector.broadcast %get3A_21 : vector<1x128xf32> to vector<2000x128xf32>
    %mul3A_23 = arith.mulf %mul3A_18, %mul3A_22 : vector<2000x128xf32>
    %get3A_24 = arith.constant 0 : index
    %get3A_25 = arith.constant 0 : index
    %get3A_26 = vector.load %arg4[%get3A_24, %get3A_25] : memref<1x128xf32, #tpu.memory_space<vmem>>, vector<1x128xf32>
    %add3A_27 = vector.broadcast %get3A_26 : vector<1x128xf32> to vector<2000x128xf32>
    %add3A_28 = arith.addf %mul3A_23, %add3A_27 : vector<2000x128xf32>
    %max3A = arith.constant 0.000000e+00 : f32
    %max3A_29 = vector.broadcast %max3A : f32 to vector<2000x128xf32>
    %max3A_30 = arith.maximumf %add3A_28, %max3A_29 : vector<2000x128xf32>
    %get3A_31 = arith.constant 0 : index
    %get3A_32 = arith.constant 0 : index
    %get3A_33 = vector.load %arg5[%get3A_31, %get3A_32] : memref<128x128xf32, #tpu.memory_space<vmem>>, vector<128x128xf32>
    %dot_general3A = arith.constant dense<0.000000e+00> : vector<2000x128xf32>
    %dot_general3A_34 = tpu.matmul %max3A_30, %get3A_33, %dot_general3A {dimension_numbers = #tpu.dot_dimension_numbers<[1], [1], [0], [0], [0, 0, 1, 0], [], []>, transpose_lhs_hint = false} : vector<2000x128xf32>, vector<128x128xf32>, vector<2000x128xf32> -> vector<2000x128xf32>
    %get3A_35 = arith.constant 0 : index
    %get3A_36 = arith.constant 0 : index
    %get3A_37 = vector.load %arg6[%get3A_35, %get3A_36] : memref<1x128xf32, #tpu.memory_space<vmem>>, vector<1x128xf32>
    %add3A_38 = vector.broadcast %get3A_37 : vector<1x128xf32> to vector<2000x128xf32>
    %add3A_39 = arith.addf %dot_general3A_34, %add3A_38 : vector<2000x128xf32>
    %swap3A = arith.constant 0 : index
    %swap3A_40 = arith.constant 0 : index
    %swap3A_41 = vector.load %arg7[%swap3A, %swap3A_40] : memref<2000x128xf32, #tpu.memory_space<vmem>>, vector<2000x128xf32>
    tpu.vector_store %arg7[%swap3A, %swap3A_40], %add3A_39 {strides = array<i32>} : memref<2000x128xf32, #tpu.memory_space<vmem>>, vector<2000x128xf32>,
    return
  }
  func.func @transform_0(%arg0: i32) -> (i32, i32) {
    %c0_i32 = arith.constant 0 : i32
    %c0_i32_0 = arith.constant 0 : i32
    return %arg0, %c0_i32 : i32, i32
  }
  func.func @transform_1(%arg0: i32) -> (i32, i32) {
    %c0_i32 = arith.constant 0 : i32
    %c0_i32_0 = arith.constant 0 : i32
    %c0_i32_1 = arith.constant 0 : i32
    return %c0_i32, %c0_i32_0 : i32, i32
  }
  func.func @transform_2(%arg0: i32) -> (i32, i32) {
    %c0_i32 = arith.constant 0 : i32
    %c0_i32_0 = arith.constant 0 : i32
    %c0_i32_1 = arith.constant 0 : i32
    return %c0_i32, %c0_i32_0 : i32, i32
  }
  func.func @transform_3(%arg0: i32) -> (i32, i32) {
    %c0_i32 = arith.constant 0 : i32
    %c0_i32_0 = arith.constant 0 : i32
    %c0_i32_1 = arith.constant 0 : i32
    return %c0_i32, %c0_i32_0 : i32, i32
  }
  func.func @transform_4(%arg0: i32) -> (i32, i32) {
    %c0_i32 = arith.constant 0 : i32
    %c0_i32_0 = arith.constant 0 : i32
    %c0_i32_1 = arith.constant 0 : i32
    return %c0_i32, %c0_i32_0 : i32, i32
  }
  func.func @transform_5(%arg0: i32) -> (i32, i32) {
    %c0_i32 = arith.constant 0 : i32
    %c0_i32_0 = arith.constant 0 : i32
    %c0_i32_1 = arith.constant 0 : i32
    return %c0_i32, %c0_i32_0 : i32, i32
  }
  func.func @transform_6(%arg0: i32) -> (i32, i32) {
    %c0_i32 = arith.constant 0 : i32
    %c0_i32_0 = arith.constant 0 : i32
    return %arg0, %c0_i32 : i32, i32
  }
}

</mosaic_0001>

<sc_bundles>
// kernel: kernel.6.cloned.1.call-start
scs
__scs_entry_jumppad:
0x0: {  	(pc) =	sbr.rel $0x88, $3  }
0x1: {  	(tag) =	ssettag $0x0;
	lr =	simm.s32 $0x1  }
0x2: {  	[smem:$0x3F8A] =	sst lr;
	_ =	strace $0xD0000000  }
0x3: {  	_ = 	snop  }
0x4: {  	_ = 	snop  }
0x5: {  	_ = 	snop  }
0x6: {  	_ = 	snop  }
0x7: {  	_ = 	snop  }
__scs_overlays_trampoline_lowered:
0x8: {  	[smem:$0x3F99] =	sst s0  }
0x9: {  	[smem:$0x3F9A] =	sst s1  }
0xa: {  	[smem:$0x3F9B] =	sst s2  }
0xb: {  	[smem:$0x3F9C] =	sst s3  }
0xc: {  	[smem:$0x3F9D] =	sst s4  }
0xd: {  	[smem:$0x3F9E] =	sst s5  }
0xe: {  	[smem:$0x3F9F] =	sst s6  }
0xf: {  	[smem:$0x3FA0] =	sst s7  }
0x10: {  	[smem:$0x3FA1] =	sst s8  }
0x11: {  	[smem:$0x3FA2] =	sst s9;
	s0 =	simm.s32 @!p0 $0x0  }
0x12: {  	s1 =	sld [smem:$0x3F88];
	s0 =	simm.s32 @p0 $0x1  }
0x13: {  	[smem:$0x3FA3] =	sst s0;
	s0 =	simm.s32 @!p1 $0x0  }
0x14: {  	s2 =	sld [smem:$0x3F87];
	s0 =	simm.s32 @p1 $0x1  }
0x15: {  	[smem:$0x3FA4] =	sst s0;
	s0 =	simm.s32 @!p2 $0x0  }
0x16: {  	s3 =	sld [smem:$0x3FDB];
	s0 =	simm.s32 @p2 $0x1  }
0x17: {  	s4 =	simm.s32 $0x1BF5;
	[smem:$0x3FA6] =	sst s0  }
0x18: {  	s0 =	sld [smem:$0x3F89];
	_ =	swait.ge [sflag:s4], $0x0  }
0x19: {  	s7 =	sld [smem:$0x3F8A]  }
0x1a: {  	s8 =	sadd.s32 $0xFFFFE003, lr  }
0x1b: {  	s9 =	sadd.s32 $0xFFFFFEF7, lr;
	s5 =	simm.s32 $0xFFFFFFFF;
	p2 =	slt.u32 s8, $0xFFFFF086  }
0x1c: {  	p1 =	slt.u32 s9, $0xF7A;
	s5 =	simm.s32 @!p2 $0x0  }
0x1d: {  	s5 =	simm.s32 @p1 $0x1;
	p0 =	seq.s32 s7, s2  }
0x1e: {  	s7 =	smul.u32 @!p0 $0xF7A, s2;
	p2 =	seq.s32 @!p0 s5, $0x0  }
0x1f: {  	s9 =	smul.u32 $0xF7A, s1;
	s8 =	simm.s32 @!p0 $0x1BF5;
	p2 =	por !p2, p0  }
0x20: {  	[sflag:s8] =	ssyncset.s32 @!p0 $0xFFFFF086;
	s6 =	sadd.s32 @!p0 s3, s7;
	s7 =	simm.s32 @!p0 $0x108  }
0x21: {  	s3 =	sadd.s32 s3, s9;
	s6 =	sadd.s32 @!p0 $0x88, s6;
	s7 =	simm.s32 @p2 $0x1082  }
0x22: {  	[simem:s7], [sflag:s8] =	dma.local @!p0 [hbm:s6], $0xF7A  }
0x23: {  	s9 =	sor.u32 $0xD0000000, s2;
	s6 =	simm.s32 $0x108;
	_ =	swait.ge @!p0 [sflag:s8], $0x0  }
0x24: {  	s3 =	sadd.s32 $0x88, s3;
	s6 =	simm.s32 @!p1 $0x1082;
	[sflag:s4] =	ssyncset.s32 $0xFFFFF086  }
0x25: {  	[simem:s6], [sflag:s4] =	dma.local [hbm:s3], $0xF7A  }
0x26: {  	[smem:$0x3F8A] =	sst s1;
	(tag) =	ssettag s2;
	_ =	strace s9  }
0x27: {  	s1 =	sld [smem:$0x3F9A]  }
0x28: {  	s2 =	sld [smem:$0x3F9B]  }
0x29: {  	s4 =	sld [smem:$0x3F9D]  }
0x2a: {  	p0 =	seq.s32 s5, $0x0;
	s5 =	sld [smem:$0x3F9E]  }
0x2b: {  	s6 =	sld [smem:$0x3F9F]  }
0x2c: {  	s7 =	sld [smem:$0x3FA0]  }
0x2d: {  	s3 =	simm.s32 $0x108;
	s8 =	sld [smem:$0x3FA1]  }
0x2e: {  	s3 =	simm.s32 @!p0 $0x1082;
	s9 =	sld [smem:$0x3FA2]  }
0x2f: {  	lr =	sadd.s32 s0, s3;
	s0 =	sld [smem:$0x3F99]  }
0x30: {  	s3 =	sld [smem:$0x3F9C]  }
0x31: {  	[smem:$0x3FA5] =	sst s10  }
0x32: {  	s10 =	sld [smem:$0x3FA3];
	_ =	sdelay $0x3  }
0x33: {  	p0 =	seq.s32 s10, $0x1;
	s10 =	sld [smem:$0x3FA5];
	_ =	sdelay $0x3  }
0x34: {  	[smem:$0x3FA5] =	sst s10  }
0x35: {  	s10 =	sld [smem:$0x3FA4];
	_ =	sdelay $0x3  }
0x36: {  	p1 =	seq.s32 s10, $0x1;
	s10 =	sld [smem:$0x3FA5];
	_ =	sdelay $0x3  }
0x37: {  	[smem:$0x3FA5] =	sst s10  }
0x38: {  	s10 =	sld [smem:$0x3FA6]  }
0x39: {  	_ = 	snop;
	(pc) =	sbr.ind lr, $3  }
0x3a: {  	_ = 	snop  }
0x3b: {  	_ = 	snop  }
0x3c: {  	p2 =	seq.s32 s10, $0x1;
	s10 =	sld [smem:$0x3FA5]  }
0x3d: {  	_ =	shalt  }
0x3e: {  	_ =	shalt  }
0x3f: {  	_ =	shalt  }
0x40: {  	_ =	shalt  }
0x41: {  	_ =	shalt  }
0x42: {  	_ =	shalt  }
0x43: {  	_ =	shalt  }
0x44: {  	_ =	shalt  }
0x45: {  	_ =	shalt  }
0x46: {  	_ =	shalt  }
0x47: {  	_ =	shalt  }
0x48: {  	_ =	shalt  }
0x49: {  	_ =	shalt  }
0x4a: {  	_ =	shalt  }
0x4b: {  	_ =	shalt  }
0x4c: {  	_ =	shalt  }
0x4d: {  	_ =	shalt  }
0x4e: {  	_ =	shalt  }
0x4f: {  	_ =	shalt  }
0x50: {  	_ =	shalt  }
0x51: {  	_ =	shalt  }
0x52: {  	_ =	shalt  }
0x53: {  	_ =	shalt  }
0x54: {  	_ =	shalt  }
0x55: {  	_ =	shalt  }
0x56: {  	_ =	shalt  }
0x57: {  	_ =	shalt  }
0x58: {  	_ =	shalt  }
0x59: {  	_ =	shalt  }
0x5a: {  	_ =	shalt  }
0x5b: {  	_ =	shalt  }
0x5c: {  	_ =	shalt  }
0x5d: {  	_ =	shalt  }
0x5e: {  	_ =	shalt  }
0x5f: {  	_ =	shalt  }
0x60: {  	_ =	shalt  }
0x61: {  	_ =	shalt  }
0x62: {  	_ =	shalt  }
0x63: {  	_ =	shalt  }
0x64: {  	_ =	shalt  }
0x65: {  	_ =	shalt  }
0x66: {  	_ =	shalt  }
0x67: {  	_ =	shalt  }
0x68: {  	_ =	shalt  }
0x69: {  	_ =	shalt  }
0x6a: {  	_ =	shalt  }
0x6b: {  	_ =	shalt  }
0x6c: {  	_ =	shalt  }
0x6d: {  	_ =	shalt  }
0x6e: {  	_ =	shalt  }
0x6f: {  	_ =	shalt  }
0x70: {  	_ =	shalt  }
0x71: {  	_ =	shalt  }
0x72: {  	_ =	shalt  }
0x73: {  	_ =	shalt  }
0x74: {  	_ =	shalt  }
0x75: {  	_ =	shalt  }
0x76: {  	_ =	shalt  }
0x77: {  	_ =	shalt  }
0x78: {  	_ =	shalt  }
0x79: {  	_ =	shalt  }
0x7a: {  	_ =	shalt  }
0x7b: {  	_ =	shalt  }
0x7c: {  	_ =	shalt  }
0x7d: {  	_ =	shalt  }
0x7e: {  	_ =	shalt  }
0x7f: {  	_ =	shalt  }
0x80: {  	_ =	shalt  }
0x81: {  	_ =	shalt  }
0x82: {  	_ =	shalt  }
0x83: {  	_ =	shalt  }
0x84: {  	_ =	shalt  }
0x85: {  	_ =	shalt  }
0x86: {  	_ =	shalt  }
0x87: {  	_ =	shalt  }
.Lfunc_end0:
.L_simem_size_0:
called_computation_lowered:
.L_overlay_start_0:
0x88: {  	s2 =	sld [smem:$0x3FD9]  }
0x89: {  	s3 =	sld [smem:$0x3FFE];
	_ =	sdelay $0x1  }
0x8a: {  	s1 =	srdreg.scid  }
0x8b: {  	s0 =	sand.u32 $0x1, s1  }
0x8c: {  	s17 =	sshll.u32 s0, $0xA;
	s2 =	sadd.s32 s3, s2  }
0x8d: {  	s2 =	sadd.s32 s2, s17  }
0x8e: {  	[smem:$0x3FB1] =	sst s2  }
0x8f: {  	_ = 	snop  }
0x90: {  	s2 =	sld [smem:$0x3FD0];
	(tm) =	ssettm $0x1  }
0x91: {  	s18 =	sld [smem:$0x3FFB];
	_ =	sdelay $0x3  }
0x92: {  	_ =	strace s18  }
0x93: {  	s3 =	sld [smem:$0x3FFC];
	_ =	sdelay $0x3  }
0x94: {  	_ =	strace s3  }
0x95: {  	s3 =	sld [smem:$0x3FFD];
	_ =	sdelay $0x3  }
0x96: {  	_ =	strace s3  }
0x97: {  	_ =	strace $0x8FFFFFFF  }
0x98: {  	s19 =	sld [smem:$0x3FDB];
	_ =	sdelay $0x1  }
0x99: {  	s4 =	simm.s32 $_scs_section_size  }
0x9a: {  	s5 =	simm.s32 $_size__tile_overlayer_lowered;
	s6 =	simm.s32 $_tile_overlayer_lowered  }
0x9b: {  	s22 =	simm.s32 $0x1BFF;
	s21 =	sshll.u32 s6, $0x1;
	s3 =	sadd.s32 s4, s19  }
0x9c: {  	s7 =	simm.s32 $0x0;
	s20 =	sshll.u32 s5, $0x1;
	s5 =	sadd.s32 s21, s3  }
0x9d: {  	[timem:s7], [sflag:s22] =	dma.local [hbm:s5], s20  }
0x9e: {  	_ =	swait.ge [sflag:s22], s20  }
0x9f: {  	s4 =	ssub.s32 $0x0, s20;
	[sflag:s22] =	ssyncset.done $0x0  }
0xa0: {  	[sflag:s22] =	ssyncadd.s32 s4;
	_ =	sdelay $0x1  }
0xa1: {  	s23 =	simm.s32 $0x1B8B  }
0xa2: {  	_ =	swait.ge [sflag:s23], $0x1  }
0xa3: {  	[sflag:s23] =	ssyncset.done $0x0  }
0xa4: {  	s25 =	simm.s32 $0x1B8E;
	s24 =	sld [smem:$0x3FFE];
	[sflag:s23] =	ssyncadd.s32 $0xFFFFFFFF  }
0xa5: {  	s26 =	simm.s32 $execute0_lowered;
	[smem:$0x3FD2] =	sst s25  }
0xa6: {  	s5 =	sshll.u32 s26, $0x1;
	_ =	strace $0x80000046;
	[dreg:$0x1] =	wrdreg $0xFFFFFFFF  }
0xa7: {  	s28 =	simm.s32 $_size_execute0_lowered;
	s3 =	sadd.s32 s3, s5;
	[dreg:$0x0] =	wrdreg $0x0  }
0xa8: {  	s5 =	sshll.u32 s28, $0x1;
	[dreg:$0x2] =	wrdreg s3  }
0xa9: {  	[dreg:$0x3] =	wrdreg s5  }
0xaa: {  	[dreg:$0x4] =	wrdreg $0xC0  }
0xab: {  	_ =	task [dreg:s7], $0x5FFFF  }
0xac: {  	[dreg:$0x1] =	wrdreg $0xFFFFFFFF  }
0xad: {  	[dreg:$0x0] =	wrdreg $0x60  }
0xae: {  	[dreg:$0x2] =	wrdreg s2  }
0xaf: {  	[dreg:$0x3] =	wrdreg s24  }
0xb0: {  	[dreg:$0x4] =	wrdreg $0x98000  }
0xb1: {  	[dreg:$0x5] =	wrdreg $0x9  }
0xb2: {  	_ =	task.clear_ibuf [dreg:s7], $0x6FFFF;
	_ =	strace $0x90000046  }
0xb3: {  	s29 =	simm.s32 $0x9;
	_ =	strace $0x80000048  }
0xb4: {  	_ =	swait.ge [sflag:s29], $0x1  }
0xb5: {  	[sflag:s29] =	ssyncadd.s32 $0xFFFFFFFF  }
0xb6: {  	_ =	strace $0x90000048  }
0xb7: {  	_ =	sfence  }
0xb8: {  	s30 =	sld [smem:$0x0];
	_ =	sdelay $0x2  }
0xb9: {  	s31 =	sshll.u32 s1, $0xD;
	s1 =	sshrl.u32 s1, $0x2  }
0xba: {  	s3 =	sand.u32 $0x4000, s31;
	s1 =	sadd.s32 s1, s30  }
0xbb: {  	s0 =	sor.u32 s3, s0;
	s1 =	sshll.u32 s1, $0x11  }
0xbc: {  	s0 =	sor.u32 s1, s0  }
0xbd: {  	s0 =	sadd.s32 $0x8F2B, s0  }
0xbe: {  	[sflag:s0] =	ssyncadd.remote.s32 $0x1  }
0xbf: {  	_ =	sfence.sel $0xFFFF  }
0xc0: {  	[dreg:$0x0] =	wrdreg $0xFFFFFFFF;
	(pc) =	sbr.abs _section_cstart, $3  }
0xc1: {  	[dreg:$0x1] =	wrdreg $0xFFFFFFFF  }
0xc2: {  	_ =	task.clear_ibuf [dreg:s7], $0x2FFFF;
	_ =	strace $0x9FFFFFFF  }
0xc3: {  	(tm) =	ssettm $0x7FFFFFFF  }
tec
execute0_lowered:
.L_overlay_start_1:
0x0: {  	(tag) =	ssettag $0x1  }
0x1: {  	s1 =	rddreg [dreg:$0x0]  }
0x2: {  	s0 =	rddreg [dreg:$0x1]  }
0x3: {  	s3 =	rddreg [dreg:$0x2]  }
0x4: {  	s2 =	srdreg.scid;
	s12 =	stileid.u32  }
0x5: {  	s4 =	simm.s32 $0x0;
	s16 =	simm.s32 $0x5800;
	s17 =	simm.s32 $0x3  }
0x6: {  	s18 =	simm.s32 $0x800;
	s19 =	simm.s32 $0x40;
	s20 =	simm.s32 $0x1800  }
0x7: {  	s21 =	simm.s32 $0x2800;
	s22 =	simm.s32 $0x80;
	s28 =	simm.s32 $0x2  }
0x8: {  	s29 =	simm.s32 $0x0;
	s2 =	sand.u32 $0x1, s2;
	s8 =	smul.u32 $0x14000, s12  }
0x9: {  	[smem:$0x7FF] =	sst s4;
	s5 =	sadd.s32 $0xCA00, s0;
	s10 =	smul.u32 $0x50000, s12  }
0xa: {  	s6 =	sadd.s32 $0x2A00, s0;
	s24 =	sshll.u32 s12, $0x1;
	s7 =	smul.u32 $0x140000, s2  }
0xb: {  	_ =	strace $0x80000047;
	s11 =	ssub.s32 $0x2, s2;
	s2 =	sor.u32 s2, s24  }
0xc: {  	s24 =	simm.s32 $0xC0;
	s23 =	sshrl.u32 s11, $0x1;
	s10 =	sshrl.u32 s10, $0x2  }
0xd: {  	s13 =	smul.u32 $0x2800, s2;
	s9 =	sadd.s32 s8, s7;
	s10 =	sadd.s32 s10, s3  }
0xe: {  	s7 =	sadd.s32 $0x16A00, s0;
	s8 =	sadd.s32 s8, s3;
	s25 =	sadd.s32 $0x4000, s10  }
0xf: {  	s9 =	sshrl.u32 s9, $0x3;
	s26 =	sadd.s32 $0x8000, s10;
	[dreg:$0x4] =	wrdreg s25  }
.Ltmp0:
0x10: {  	s30 =	sadd.s32 $0xC000, s10;
	[dreg:$0x5] =	wrdreg s26;
	(pc) =	sbr.rel .LBB2_1-.Ltmp0, $4  }
0x11: {  	s10 =	sadd.s32 $0x10000, s10;
	s0 =	sadd.s32 s9, s0;
	[dreg:$0x6] =	wrdreg s30  }
0x12: {  	s9 =	ssub.s32 s11, s23;
	[dreg:$0x7] =	wrdreg s10;
	s0 =	sadd.s32 $0x20A00, s0  }
0x13: {  	s23 =	simm.s32 $0x3800;
	s31 =	smax.u32 s9, $0x1;
	[dreg:$0x8] =	wrdreg s0  }
0x14: {  	v0 =	vimm.f32 $0.0e+00;
	s25 =	simm.s32 $0x4800;
	s26 =	simm.s32 $0x1;
	[dreg:$0x9] =	wrdreg s31  }
.LBB2_12:
0x15: {  	s0 =	stileid.u32  }
0x16: {  	[bflag:$0x0] =	sbarrier.arrive $0xFFFF;
	s0 =	sshll.u32 s0, $0x6  }
0x17: {  	s2 =	sshrl.u32 s8, $0x3;
	s9 =	rddreg [dreg:$0x8];
	s0 =	sor.u32 $0x1C03, s0  }
0x18: {  	[hbm:s9], [sflag:s0] =	dma.local [spmem:s2], $0x2800  }
0x19: {  	_ =	swait.ge [sflag:s17], $0x2800  }
0x1a: {  	s4 =	sadd.s32 $0x1, s4;
	s31 =	rddreg [dreg:$0x9]  }
0x1b: {  	p0 =	sne.s32 s4, s31  }
.Ltmp1:
0x1c: {  	_ = 	snop;
	(pc) =	sbr.rel @!p0 .LBB2_13-.Ltmp1, $3  }
0x1d: {  	_ =	sdelay $0x1  }
0x1e: {  	[sflag:s17] =	ssyncset.done $0x0  }
0x1f: {  	[sflag:s17] =	ssyncadd.s32 $0xFFFFD800  }
.LBB2_1:
0x20: {  	s0 =	simm.s32 $0x0;
	s2 =	simm.s32 $0x200  }
.LBB2_2:
0x21: {  	p0 =	sne.s32 s2, $0xFE00;
	[tilespmem:s0+$0x5870] =	vst v0  }
0x22: {  	[tilespmem:s0+$0x5800] =	vst v0  }
0x23: {  	[tilespmem:s0+$0x5810] =	vst v0  }
.Ltmp2:
0x24: {  	[tilespmem:s0+$0x5820] =	vst v0;
	(pc) =	sbr.rel @p0 .LBB2_2-.Ltmp2, $4  }
0x25: {  	[tilespmem:s0+$0x5830] =	vst v0  }
0x26: {  	[tilespmem:s0+$0x5840] =	vst v0  }
0x27: {  	[tilespmem:s0+$0x5850] =	vst v0  }
0x28: {  	[tilespmem:s0+$0x5860] =	vst v0;
	s0 =	sshra.s32 s2, $0x2;
	s2 =	sadd.s32 $0x200, s2  }
0x29: {  	[tilespmem:s0+$0x5870] =	vst v0  }
0x2a: {  	[tilespmem:s0+$0x5800] =	vst v0  }
0x2b: {  	[tilespmem:s0+$0x5810] =	vst v0  }
0x2c: {  	[tilespmem:s0+$0x5820] =	vst v0  }
0x2d: {  	[tilespmem:s0+$0x5830] =	vst v0  }
0x2e: {  	[tilespmem:s0+$0x5840] =	vst v0  }
0x2f: {  	[tilespmem:s0+$0x5850] =	vst v0  }
0x30: {  	[tilespmem:s0+$0x5860] =	vst v0  }
0x31: {  	[spmem:s8] =	stream.linear.scatter [tilespmem:s16], [sflag:$0x3], $0x4000, $0x38;
	[tilespmem:$0x1D800] =	vst v63  }
0x32: {  	_ =	swait.ge [sflag:s17], $0x4000  }
0x33: {  	[sflag:s17] =	ssyncset.done $0x0  }
0x34: {  	s12 =	rddreg [dreg:$0x4];
	[sflag:s17] =	ssyncadd.s32 $0xFFFFC000  }
0x35: {  	[spmem:s12] =	stream.linear.scatter [tilespmem:s16], [sflag:$0x3], $0x4000, $0x38;
	[tilespmem:$0x1D800] =	vst v63  }
0x36: {  	_ =	swait.ge [sflag:s17], $0x4000  }
0x37: {  	[sflag:s17] =	ssyncset.done $0x0  }
0x38: {  	s14 =	rddreg [dreg:$0x5];
	[sflag:s17] =	ssyncadd.s32 $0xFFFFC000  }
0x39: {  	[spmem:s14] =	stream.linear.scatter [tilespmem:s16], [sflag:$0x3], $0x4000, $0x38;
	[tilespmem:$0x1D800] =	vst v63  }
0x3a: {  	_ =	swait.ge [sflag:s17], $0x4000  }
0x3b: {  	[sflag:s17] =	ssyncset.done $0x0  }
0x3c: {  	s15 =	rddreg [dreg:$0x6];
	[sflag:s17] =	ssyncadd.s32 $0xFFFFC000  }
0x3d: {  	[spmem:s15] =	stream.linear.scatter [tilespmem:s16], [sflag:$0x3], $0x4000, $0x38;
	[tilespmem:$0x1D800] =	vst v63  }
0x3e: {  	_ =	swait.ge [sflag:s17], $0x4000  }
0x3f: {  	[sflag:s17] =	ssyncset.done $0x0  }
0x40: {  	s31 =	rddreg [dreg:$0x7];
	[sflag:s17] =	ssyncadd.s32 $0xFFFFC000  }
0x41: {  	[spmem:s31] =	stream.linear.scatter [tilespmem:s16], [sflag:$0x3], $0x4000, $0x38;
	[tilespmem:$0x1D800] =	vst v63  }
.Ltmp3:
0x42: {  	_ =	swait.ge [sflag:s17], $0x4000;
	(pc) =	sbr.rel .LBB2_4-.Ltmp3, $4  }
0x43: {  	[sflag:s17] =	ssyncset.done $0x0  }
0x44: {  	[sflag:s17] =	ssyncadd.s32 $0xFFFFC000  }
0x45: {  	[bflag:$0x0] =	sbarrier.arrive $0xFFFF  }
0x46: {  	s30 =	simm.s32 $0x0  }
.LBB2_11:
0x47: {  	s30 =	sadd.s32 $0x1, s30  }
0x48: {  	p0 =	sne.s32 s30, $0x5  }
.Ltmp4:
0x49: {  	_ = 	snop;
	(pc) =	sbr.rel @!p0 .LBB2_12-.Ltmp4, $1  }
0x4a: {  	_ =	sdelay $0x3  }
.LBB2_4:
0x4b: {  	s0 =	sshll.u32 s30, $0xB  }
0x4c: {  	s0 =	sadd.s32 s13, s0  }
0x4d: {  	s0 =	sshrl.u32 s0, $0x3  }
0x4e: {  	s2 =	sadd.s32 s5, s0  }
0x4f: {  	[tilespmem:s29], [sflag:$0x3] =	stream.linear.gather [hbm4b:s2+s29], $0x800, $0x38;
	[tilespmem:$0x1D800] =	vst v63  }
0x50: {  	_ =	swait.ge [sflag:s17], $0x800  }
0x51: {  	[sflag:s17] =	ssyncset.done $0x0  }
0x52: {  	s15 =	sadd.s32 s6, s0;
	[sflag:s17] =	ssyncadd.s32 $0xFFFFF800  }
0x53: {  	[tilespmem:s18], [sflag:$0x3] =	stream.linear.gather [hbm4b:s15+s29], $0x800, $0x38;
	[tilespmem:$0x1D800] =	vst v63  }
0x54: {  	_ =	swait.ge [sflag:s17], $0x800  }
0x55: {  	[sflag:s17] =	ssyncset.done $0x0  }
0x56: {  	s31 =	simm.s32 $0x1000;
	s0 =	sadd.s32 s7, s0;
	[sflag:s17] =	ssyncadd.s32 $0xFFFFF800  }
0x57: {  	[tilespmem:s31], [sflag:$0x3] =	stream.linear.gather [hbm4b:s0+s29], $0x800, $0x38;
	[tilespmem:$0x1D800] =	vst v63  }
0x58: {  	_ =	swait.ge [sflag:s17], $0x800  }
0x59: {  	[sflag:s17] =	ssyncset.done $0x0  }
0x5a: {  	[sflag:s17] =	ssyncadd.s32 $0xFFFFF800  }
0x5b: {  	[tilespmem:s20], [sflag:$0x1] =	stream.indirect.gather [hbm4b:s1+s19], $0x40, s29, s19, $0xb8;
	[tilespmem:$0x1D800] =	vst v63  }
0x5c: {  	_ = 	snop  }
0x5d: {  	[tilespmem:s21], [sflag:$0x1] =	stream.indirect.gather [hbm4b:s1+s19], $0x40, s19, s19, $0xb8;
	[tilespmem:$0x1D800] =	vst v63  }
0x5e: {  	_ = 	snop  }
0x5f: {  	[tilespmem:s23], [sflag:$0x2] =	stream.indirect.gather [hbm4b:s1+s19], $0x40, s22, s19, $0xb8;
	[tilespmem:$0x1D800] =	vst v63  }
0x60: {  	s2 =	simm.s32 $0x0;
	s0 =	simm.s32 $0x1080  }
0x61: {  	[tilespmem:s25], [sflag:$0x2] =	stream.indirect.gather [hbm4b:s1+s19], $0x40, s24, s19, $0xb8;
	[tilespmem:$0x1D800] =	vst v63  }
.LBB2_5:
0x62: {  	v1 =	vmov s31  }
0x63: {  	_ =	swait.ge [sflag:s26], $0x2000  }
0x64: {  	s10 =	sshll.u32 s2, $0xA;
	s9 =	simm.s32 $0x0;
	[sflag:s26] =	ssyncset.done $0x0  }
0x65: {  	s11 =	simm.s32 $0x1A00;
	s12 =	simm.s32 $0x5C00;
	[sflag:s26] =	ssyncadd.s32 $0xFFFFE000  }
.LBB2_6:
0x66: {  	s14 =	sshra.s32 s9, $0x2  }
0x67: {  	v2 =	vld.idx.msk [tilespmem:v1+s14+$0x0 ss:$0x1], $0xffff  }
0x68: {  	v3 =	vld [tilespmem:s11+$0xFFFFFE00];
	_ =	sdelay $0x3  }
0x69: {  	v4 =	vbroadcast v2, $0x0  }
0x6a: {  	v5 =	vshll.u32 v3, $0x10  }
0x6b: {  	v3 =	vand.u32 $0xFFFF0000, v3;
	v5 =	vmul.f32 v5, v4  }
0x6c: {  	v3 =	vmul.f32 v3, v4  }
0x6d: {  	[tilespmem:s12+$0xFFFFFC00] =	vst v5  }
0x6e: {  	[tilespmem:s12+$0xFFFFFC10] =	vst v3  }
0x6f: {  	v3 =	vld [tilespmem:s11+$0xFFFFFE10];
	_ =	sdelay $0x4  }
0x70: {  	v43 =	vshll.u32 v3, $0x10  }
0x71: {  	v3 =	vand.u32 $0xFFFF0000, v3;
	v5 =	vmul.f32 v43, v4  }
0x72: {  	v3 =	vmul.f32 v3, v4  }
0x73: {  	[tilespmem:s12+$0xFFFFFC20] =	vst v5  }
0x74: {  	[tilespmem:s12+$0xFFFFFC30] =	vst v3  }
0x75: {  	v3 =	vld [tilespmem:s11+$0xFFFFFE20];
	_ =	sdelay $0x4  }
0x76: {  	v44 =	vshll.u32 v3, $0x10  }
0x77: {  	v3 =	vand.u32 $0xFFFF0000, v3;
	v5 =	vmul.f32 v44, v4  }
0x78: {  	v3 =	vmul.f32 v3, v4  }
0x79: {  	[tilespmem:s12+$0xFFFFFC40] =	vst v5  }
0x7a: {  	[tilespmem:s12+$0xFFFFFC50] =	vst v3  }
0x7b: {  	v3 =	vld [tilespmem:s11+$0xFFFFFE30];
	_ =	sdelay $0x4  }
0x7c: {  	v45 =	vshll.u32 v3, $0x10  }
0x7d: {  	v3 =	vand.u32 $0xFFFF0000, v3;
	v5 =	vmul.f32 v45, v4  }
0x7e: {  	v3 =	vmul.f32 v3, v4  }
0x7f: {  	[tilespmem:s12+$0xFFFFFC60] =	vst v5  }
0x80: {  	[tilespmem:s12+$0xFFFFFC70] =	vst v3  }
0x81: {  	v3 =	vld [tilespmem:s11+$0xFFFFFE40];
	_ =	sdelay $0x3  }
0x82: {  	v46 =	vbroadcast v2, $0x1  }
0x83: {  	v47 =	vshll.u32 v3, $0x10  }
0x84: {  	v3 =	vand.u32 $0xFFFF0000, v3;
	v5 =	vmul.f32 v47, v46  }
0x85: {  	v3 =	vmul.f32 v3, v46  }
0x86: {  	[tilespmem:s12+$0xFFFFFC80] =	vst v5  }
0x87: {  	[tilespmem:s12+$0xFFFFFC90] =	vst v3  }
0x88: {  	v3 =	vld [tilespmem:s11+$0xFFFFFE50];
	_ =	sdelay $0x4  }
0x89: {  	v48 =	vshll.u32 v3, $0x10  }
0x8a: {  	v3 =	vand.u32 $0xFFFF0000, v3;
	v5 =	vmul.f32 v48, v46  }
0x8b: {  	v3 =	vmul.f32 v3, v46  }
0x8c: {  	[tilespmem:s12+$0xFFFFFCA0] =	vst v5  }
0x8d: {  	[tilespmem:s12+$0xFFFFFCB0] =	vst v3  }
0x8e: {  	v3 =	vld [tilespmem:s11+$0xFFFFFE60];
	_ =	sdelay $0x4  }
0x8f: {  	v49 =	vshll.u32 v3, $0x10  }
0x90: {  	v3 =	vand.u32 $0xFFFF0000, v3;
	v5 =	vmul.f32 v49, v46  }
0x91: {  	v3 =	vmul.f32 v3, v46  }
0x92: {  	[tilespmem:s12+$0xFFFFFCC0] =	vst v5  }
0x93: {  	[tilespmem:s12+$0xFFFFFCD0] =	vst v3  }
0x94: {  	v3 =	vld [tilespmem:s11+$0xFFFFFE70];
	_ =	sdelay $0x4  }
0x95: {  	v50 =	vshll.u32 v3, $0x10  }
0x96: {  	v3 =	vand.u32 $0xFFFF0000, v3;
	v5 =	vmul.f32 v50, v46  }
0x97: {  	v3 =	vmul.f32 v3, v46  }
0x98: {  	[tilespmem:s12+$0xFFFFFCE0] =	vst v5  }
0x99: {  	[tilespmem:s12+$0xFFFFFCF0] =	vst v3  }
0x9a: {  	v3 =	vld [tilespmem:s11+$0xFFFFFE80];
	_ =	sdelay $0x3  }
0x9b: {  	v51 =	vbroadcast v2, $0x2  }
0x9c: {  	v52 =	vshll.u32 v3, $0x10  }
0x9d: {  	v3 =	vand.u32 $0xFFFF0000, v3;
	v5 =	vmul.f32 v52, v51  }
0x9e: {  	v3 =	vmul.f32 v3, v51  }
0x9f: {  	[tilespmem:s12+$0xFFFFFD00] =	vst v5  }
0xa0: {  	[tilespmem:s12+$0xFFFFFD10] =	vst v3  }
0xa1: {  	v3 =	vld [tilespmem:s11+$0xFFFFFE90];
	_ =	sdelay $0x4  }
0xa2: {  	v53 =	vshll.u32 v3, $0x10  }
0xa3: {  	v3 =	vand.u32 $0xFFFF0000, v3;
	v5 =	vmul.f32 v53, v51  }
0xa4: {  	v3 =	vmul.f32 v3, v51  }
0xa5: {  	[tilespmem:s12+$0xFFFFFD20] =	vst v5  }
0xa6: {  	[tilespmem:s12+$0xFFFFFD30] =	vst v3  }
0xa7: {  	v3 =	vld [tilespmem:s11+$0xFFFFFEA0];
	_ =	sdelay $0x4  }
0xa8: {  	v54 =	vshll.u32 v3, $0x10  }
0xa9: {  	v3 =	vand.u32 $0xFFFF0000, v3;
	v5 =	vmul.f32 v54, v51  }
0xaa: {  	v3 =	vmul.f32 v3, v51  }
0xab: {  	[tilespmem:s12+$0xFFFFFD40] =	vst v5  }
0xac: {  	[tilespmem:s12+$0xFFFFFD50] =	vst v3  }
0xad: {  	v3 =	vld [tilespmem:s11+$0xFFFFFEB0];
	_ =	sdelay $0x4  }
0xae: {  	v55 =	vshll.u32 v3, $0x10  }
0xaf: {  	v3 =	vand.u32 $0xFFFF0000, v3;
	v5 =	vmul.f32 v55, v51  }
0xb0: {  	v3 =	vmul.f32 v3, v51  }
0xb1: {  	[tilespmem:s12+$0xFFFFFD60] =	vst v5  }
0xb2: {  	[tilespmem:s12+$0xFFFFFD70] =	vst v3  }
0xb3: {  	v3 =	vld [tilespmem:s11+$0xFFFFFEC0];
	_ =	sdelay $0x3  }
0xb4: {  	v56 =	vbroadcast v2, $0x3  }
0xb5: {  	v57 =	vshll.u32 v3, $0x10  }
0xb6: {  	v3 =	vand.u32 $0xFFFF0000, v3;
	v5 =	vmul.f32 v57, v56  }
0xb7: {  	v3 =	vmul.f32 v3, v56  }
0xb8: {  	[tilespmem:s12+$0xFFFFFD80] =	vst v5  }
0xb9: {  	[tilespmem:s12+$0xFFFFFD90] =	vst v3  }
0xba: {  	v3 =	vld [tilespmem:s11+$0xFFFFFED0];
	_ =	sdelay $0x4  }
0xbb: {  	v58 =	vshll.u32 v3, $0x10  }
0xbc: {  	v3 =	vand.u32 $0xFFFF0000, v3;
	v5 =	vmul.f32 v58, v56  }
0xbd: {  	v3 =	vmul.f32 v3, v56  }
0xbe: {  	[tilespmem:s12+$0xFFFFFDA0] =	vst v5  }
0xbf: {  	[tilespmem:s12+$0xFFFFFDB0] =	vst v3  }
0xc0: {  	v3 =	vld [tilespmem:s11+$0xFFFFFEE0];
	_ =	sdelay $0x4  }
0xc1: {  	v59 =	vshll.u32 v3, $0x10  }
0xc2: {  	v3 =	vand.u32 $0xFFFF0000, v3;
	v5 =	vmul.f32 v59, v56  }
0xc3: {  	v3 =	vmul.f32 v3, v56  }
0xc4: {  	[tilespmem:s12+$0xFFFFFDC0] =	vst v5  }
0xc5: {  	[tilespmem:s12+$0xFFFFFDD0] =	vst v3  }
0xc6: {  	v3 =	vld [tilespmem:s11+$0xFFFFFEF0];
	_ =	sdelay $0x4  }
0xc7: {  	v60 =	vshll.u32 v3, $0x10  }
0xc8: {  	v3 =	vand.u32 $0xFFFF0000, v3;
	v5 =	vmul.f32 v60, v56  }
0xc9: {  	v3 =	vmul.f32 v3, v56  }
0xca: {  	[tilespmem:s12+$0xFFFFFDE0] =	vst v5  }
0xcb: {  	[tilespmem:s12+$0xFFFFFDF0] =	vst v3  }
0xcc: {  	v3 =	vld [tilespmem:s11+$0xFFFFFF00];
	_ =	sdelay $0x3  }
0xcd: {  	v61 =	vbroadcast v2, $0x4  }
0xce: {  	v62 =	vshll.u32 v3, $0x10  }
0xcf: {  	v3 =	vand.u32 $0xFFFF0000, v3;
	v5 =	vmul.f32 v62, v61  }
0xd0: {  	v3 =	vmul.f32 v3, v61  }
0xd1: {  	[tilespmem:s12+$0xFFFFFE00] =	vst v5  }
0xd2: {  	[tilespmem:s12+$0xFFFFFE10] =	vst v3  }
0xd3: {  	v3 =	vld [tilespmem:s11+$0xFFFFFF10];
	_ =	sdelay $0x4  }
0xd4: {  	v63 =	vshll.u32 v3, $0x10  }
0xd5: {  	v3 =	vand.u32 $0xFFFF0000, v3;
	v5 =	vmul.f32 v63, v61  }
0xd6: {  	v3 =	vmul.f32 v3, v61  }
0xd7: {  	[tilespmem:s12+$0xFFFFFE20] =	vst v5  }
0xd8: {  	[tilespmem:s12+$0xFFFFFE30] =	vst v3  }
0xd9: {  	v3 =	vld [tilespmem:s11+$0xFFFFFF20];
	_ =	sdelay $0x4  }
0xda: {  	v8 =	vshll.u32 v3, $0x10  }
0xdb: {  	v3 =	vand.u32 $0xFFFF0000, v3;
	v5 =	vmul.f32 v8, v61  }
0xdc: {  	v3 =	vmul.f32 v3, v61  }
0xdd: {  	[tilespmem:s12+$0xFFFFFE40] =	vst v5  }
0xde: {  	[tilespmem:s12+$0xFFFFFE50] =	vst v3  }
0xdf: {  	v3 =	vld [tilespmem:s11+$0xFFFFFF30];
	_ =	sdelay $0x4  }
0xe0: {  	v9 =	vshll.u32 v3, $0x10  }
0xe1: {  	v3 =	vand.u32 $0xFFFF0000, v3;
	v5 =	vmul.f32 v9, v61  }
0xe2: {  	v3 =	vmul.f32 v3, v61  }
0xe3: {  	[tilespmem:s12+$0xFFFFFE60] =	vst v5  }
0xe4: {  	[tilespmem:s12+$0xFFFFFE70] =	vst v3  }
0xe5: {  	v3 =	vld [tilespmem:s11+$0xFFFFFF40];
	_ =	sdelay $0x3  }
0xe6: {  	v10 =	vbroadcast v2, $0x5  }
0xe7: {  	v11 =	vshll.u32 v3, $0x10  }
0xe8: {  	v3 =	vand.u32 $0xFFFF0000, v3;
	v5 =	vmul.f32 v11, v10  }
0xe9: {  	v3 =	vmul.f32 v3, v10  }
0xea: {  	[tilespmem:s12+$0xFFFFFE80] =	vst v5  }
0xeb: {  	[tilespmem:s12+$0xFFFFFE90] =	vst v3  }
0xec: {  	v3 =	vld [tilespmem:s11+$0xFFFFFF50];
	_ =	sdelay $0x4  }
0xed: {  	v12 =	vshll.u32 v3, $0x10  }
0xee: {  	v3 =	vand.u32 $0xFFFF0000, v3;
	v5 =	vmul.f32 v12, v10  }
0xef: {  	v3 =	vmul.f32 v3, v10  }
0xf0: {  	[tilespmem:s12+$0xFFFFFEA0] =	vst v5  }
0xf1: {  	[tilespmem:s12+$0xFFFFFEB0] =	vst v3  }
0xf2: {  	v3 =	vld [tilespmem:s11+$0xFFFFFF60];
	_ =	sdelay $0x4  }
0xf3: {  	v13 =	vshll.u32 v3, $0x10  }
0xf4: {  	v3 =	vand.u32 $0xFFFF0000, v3;
	v5 =	vmul.f32 v13, v10  }
0xf5: {  	v3 =	vmul.f32 v3, v10  }
0xf6: {  	[tilespmem:s12+$0xFFFFFEC0] =	vst v5  }
0xf7: {  	[tilespmem:s12+$0xFFFFFED0] =	vst v3  }
0xf8: {  	v3 =	vld [tilespmem:s11+$0xFFFFFF70];
	_ =	sdelay $0x4  }
0xf9: {  	v14 =	vshll.u32 v3, $0x10  }
0xfa: {  	v3 =	vand.u32 $0xFFFF0000, v3;
	v5 =	vmul.f32 v14, v10  }
0xfb: {  	v3 =	vmul.f32 v3, v10  }
0xfc: {  	[tilespmem:s12+$0xFFFFFEE0] =	vst v5  }
0xfd: {  	[tilespmem:s12+$0xFFFFFEF0] =	vst v3  }
0xfe: {  	v3 =	vld [tilespmem:s11+$0xFFFFFF80];
	_ =	sdelay $0x3  }
0xff: {  	v15 =	vbroadcast v2, $0x6  }
0x100: {  	v16 =	vshll.u32 v3, $0x10  }
0x101: {  	v3 =	vand.u32 $0xFFFF0000, v3;
	v5 =	vmul.f32 v16, v15  }
0x102: {  	v3 =	vmul.f32 v3, v15  }
0x103: {  	[tilespmem:s12+$0xFFFFFF00] =	vst v5  }
0x104: {  	[tilespmem:s12+$0xFFFFFF10] =	vst v3  }
0x105: {  	v3 =	vld [tilespmem:s11+$0xFFFFFF90];
	_ =	sdelay $0x4  }
0x106: {  	v17 =	vshll.u32 v3, $0x10  }
0x107: {  	v3 =	vand.u32 $0xFFFF0000, v3;
	v5 =	vmul.f32 v17, v15  }
0x108: {  	v3 =	vmul.f32 v3, v15  }
0x109: {  	[tilespmem:s12+$0xFFFFFF20] =	vst v5  }
0x10a: {  	[tilespmem:s12+$0xFFFFFF30] =	vst v3  }
0x10b: {  	v3 =	vld [tilespmem:s11+$0xFFFFFFA0];
	_ =	sdelay $0x4  }
0x10c: {  	v18 =	vshll.u32 v3, $0x10  }
0x10d: {  	v3 =	vand.u32 $0xFFFF0000, v3;
	v5 =	vmul.f32 v18, v15  }
0x10e: {  	v3 =	vmul.f32 v3, v15  }
0x10f: {  	[tilespmem:s12+$0xFFFFFF40] =	vst v5  }
0x110: {  	[tilespmem:s12+$0xFFFFFF50] =	vst v3  }
0x111: {  	v3 =	vld [tilespmem:s11+$0xFFFFFFB0];
	_ =	sdelay $0x4  }
0x112: {  	v19 =	vshll.u32 v3, $0x10  }
0x113: {  	v3 =	vand.u32 $0xFFFF0000, v3;
	v5 =	vmul.f32 v19, v15  }
0x114: {  	v3 =	vmul.f32 v3, v15  }
0x115: {  	[tilespmem:s12+$0xFFFFFF60] =	vst v5  }
0x116: {  	[tilespmem:s12+$0xFFFFFF70] =	vst v3  }
0x117: {  	v3 =	vld [tilespmem:s11+$0xFFFFFFC0];
	_ =	sdelay $0x3  }
0x118: {  	v20 =	vbroadcast v2, $0x7  }
0x119: {  	v21 =	vshll.u32 v3, $0x10  }
0x11a: {  	v3 =	vand.u32 $0xFFFF0000, v3;
	v5 =	vmul.f32 v21, v20  }
0x11b: {  	v3 =	vmul.f32 v3, v20  }
0x11c: {  	[tilespmem:s12+$0xFFFFFF80] =	vst v5  }
0x11d: {  	[tilespmem:s12+$0xFFFFFF90] =	vst v3  }
0x11e: {  	v3 =	vld [tilespmem:s11+$0xFFFFFFD0];
	_ =	sdelay $0x4  }
0x11f: {  	v22 =	vshll.u32 v3, $0x10  }
0x120: {  	v3 =	vand.u32 $0xFFFF0000, v3;
	v5 =	vmul.f32 v22, v20  }
0x121: {  	v3 =	vmul.f32 v3, v20  }
0x122: {  	[tilespmem:s12+$0xFFFFFFA0] =	vst v5  }
0x123: {  	[tilespmem:s12+$0xFFFFFFB0] =	vst v3  }
0x124: {  	v3 =	vld [tilespmem:s11+$0xFFFFFFE0];
	_ =	sdelay $0x4  }
0x125: {  	v23 =	vshll.u32 v3, $0x10  }
0x126: {  	v3 =	vand.u32 $0xFFFF0000, v3;
	v5 =	vmul.f32 v23, v20  }
0x127: {  	v3 =	vmul.f32 v3, v20  }
0x128: {  	[tilespmem:s12+$0xFFFFFFC0] =	vst v5  }
0x129: {  	[tilespmem:s12+$0xFFFFFFD0] =	vst v3  }
0x12a: {  	v3 =	vld [tilespmem:s11+$0xFFFFFFF0];
	_ =	sdelay $0x4  }
0x12b: {  	v24 =	vshll.u32 v3, $0x10  }
0x12c: {  	v3 =	vand.u32 $0xFFFF0000, v3;
	v5 =	vmul.f32 v24, v20  }
0x12d: {  	v3 =	vmul.f32 v3, v20  }
0x12e: {  	[tilespmem:s12+$0xFFFFFFE0] =	vst v5  }
0x12f: {  	[tilespmem:s12+$0xFFFFFFF0] =	vst v3  }
0x130: {  	v3 =	vld [tilespmem:s11+$0x0];
	_ =	sdelay $0x3  }
0x131: {  	v25 =	vbroadcast v2, $0x8  }
0x132: {  	v26 =	vshll.u32 v3, $0x10  }
0x133: {  	v3 =	vand.u32 $0xFFFF0000, v3;
	v5 =	vmul.f32 v26, v25  }
0x134: {  	v3 =	vmul.f32 v3, v25  }
0x135: {  	[tilespmem:s12+$0x0] =	vst v5  }
0x136: {  	[tilespmem:s12+$0x10] =	vst v3  }
0x137: {  	v3 =	vld [tilespmem:s11+$0x10];
	_ =	sdelay $0x4  }
0x138: {  	v27 =	vshll.u32 v3, $0x10  }
0x139: {  	v3 =	vand.u32 $0xFFFF0000, v3;
	v5 =	vmul.f32 v27, v25  }
0x13a: {  	v3 =	vmul.f32 v3, v25  }
0x13b: {  	[tilespmem:s12+$0x20] =	vst v5  }
0x13c: {  	[tilespmem:s12+$0x30] =	vst v3  }
0x13d: {  	v3 =	vld [tilespmem:s11+$0x20];
	_ =	sdelay $0x4  }
0x13e: {  	v28 =	vshll.u32 v3, $0x10  }
0x13f: {  	v3 =	vand.u32 $0xFFFF0000, v3;
	v5 =	vmul.f32 v28, v25  }
0x140: {  	v3 =	vmul.f32 v3, v25  }
0x141: {  	[tilespmem:s12+$0x40] =	vst v5  }
0x142: {  	[tilespmem:s12+$0x50] =	vst v3  }
0x143: {  	v3 =	vld [tilespmem:s11+$0x30];
	_ =	sdelay $0x4  }
0x144: {  	v29 =	vshll.u32 v3, $0x10  }
0x145: {  	v3 =	vand.u32 $0xFFFF0000, v3;
	v5 =	vmul.f32 v29, v25  }
0x146: {  	v3 =	vmul.f32 v3, v25  }
0x147: {  	[tilespmem:s12+$0x60] =	vst v5  }
0x148: {  	[tilespmem:s12+$0x70] =	vst v3  }
0x149: {  	v3 =	vld [tilespmem:s11+$0x40];
	_ =	sdelay $0x3  }
0x14a: {  	v30 =	vbroadcast v2, $0x9  }
0x14b: {  	v31 =	vshll.u32 v3, $0x10  }
0x14c: {  	v3 =	vand.u32 $0xFFFF0000, v3;
	v5 =	vmul.f32 v31, v30  }
0x14d: {  	v3 =	vmul.f32 v3, v30  }
0x14e: {  	[tilespmem:s12+$0x80] =	vst v5  }
0x14f: {  	[tilespmem:s12+$0x90] =	vst v3  }
0x150: {  	v3 =	vld [tilespmem:s11+$0x50];
	_ =	sdelay $0x4  }
0x151: {  	v32 =	vshll.u32 v3, $0x10  }
0x152: {  	v3 =	vand.u32 $0xFFFF0000, v3;
	v5 =	vmul.f32 v32, v30  }
0x153: {  	v3 =	vmul.f32 v3, v30  }
0x154: {  	[tilespmem:s12+$0xA0] =	vst v5  }
0x155: {  	[tilespmem:s12+$0xB0] =	vst v3  }
0x156: {  	v3 =	vld [tilespmem:s11+$0x60];
	_ =	sdelay $0x4  }
0x157: {  	v33 =	vshll.u32 v3, $0x10  }
0x158: {  	v3 =	vand.u32 $0xFFFF0000, v3;
	v5 =	vmul.f32 v33, v30  }
0x159: {  	v3 =	vmul.f32 v3, v30  }
0x15a: {  	[tilespmem:s12+$0xC0] =	vst v5  }
0x15b: {  	[tilespmem:s12+$0xD0] =	vst v3  }
0x15c: {  	v3 =	vld [tilespmem:s11+$0x70];
	_ =	sdelay $0x4  }
0x15d: {  	v34 =	vshll.u32 v3, $0x10  }
0x15e: {  	v3 =	vand.u32 $0xFFFF0000, v3;
	v5 =	vmul.f32 v34, v30  }
0x15f: {  	v3 =	vmul.f32 v3, v30  }
0x160: {  	[tilespmem:s12+$0xE0] =	vst v5  }
0x161: {  	[tilespmem:s12+$0xF0] =	vst v3  }
0x162: {  	v3 =	vld [tilespmem:s11+$0x80];
	_ =	sdelay $0x3  }
0x163: {  	v35 =	vbroadcast v2, $0xA  }
0x164: {  	v36 =	vshll.u32 v3, $0x10  }
0x165: {  	v3 =	vand.u32 $0xFFFF0000, v3;
	v5 =	vmul.f32 v36, v35  }
0x166: {  	v3 =	vmul.f32 v3, v35  }
0x167: {  	[tilespmem:s12+$0x100] =	vst v5  }
0x168: {  	[tilespmem:s12+$0x110] =	vst v3  }
0x169: {  	v3 =	vld [tilespmem:s11+$0x90];
	_ =	sdelay $0x4  }
0x16a: {  	v37 =	vshll.u32 v3, $0x10  }
0x16b: {  	v3 =	vand.u32 $0xFFFF0000, v3;
	v5 =	vmul.f32 v37, v35  }
0x16c: {  	v3 =	vmul.f32 v3, v35  }
0x16d: {  	[tilespmem:s12+$0x120] =	vst v5  }
0x16e: {  	[tilespmem:s12+$0x130] =	vst v3  }
0x16f: {  	v3 =	vld [tilespmem:s11+$0xA0];
	_ =	sdelay $0x4  }
0x170: {  	v38 =	vshll.u32 v3, $0x10  }
0x171: {  	v3 =	vand.u32 $0xFFFF0000, v3;
	v5 =	vmul.f32 v38, v35  }
0x172: {  	v3 =	vmul.f32 v3, v35  }
0x173: {  	[tilespmem:s12+$0x140] =	vst v5  }
0x174: {  	[tilespmem:s12+$0x150] =	vst v3  }
0x175: {  	v3 =	vld [tilespmem:s11+$0xB0];
	_ =	sdelay $0x4  }
0x176: {  	v39 =	vshll.u32 v3, $0x10  }
0x177: {  	v3 =	vand.u32 $0xFFFF0000, v3;
	v5 =	vmul.f32 v39, v35  }
0x178: {  	v3 =	vmul.f32 v3, v35  }
0x179: {  	[tilespmem:s12+$0x160] =	vst v5  }
0x17a: {  	[tilespmem:s12+$0x170] =	vst v3  }
0x17b: {  	v3 =	vld [tilespmem:s11+$0xC0];
	_ =	sdelay $0x3  }
0x17c: {  	v40 =	vbroadcast v2, $0xB  }
0x17d: {  	v41 =	vshll.u32 v3, $0x10  }
0x17e: {  	v3 =	vand.u32 $0xFFFF0000, v3;
	v5 =	vmul.f32 v41, v40  }
0x17f: {  	v3 =	vmul.f32 v3, v40  }
0x180: {  	[tilespmem:s12+$0x180] =	vst v5  }
0x181: {  	[tilespmem:s12+$0x190] =	vst v3  }
0x182: {  	v3 =	vld [tilespmem:s11+$0xD0];
	_ =	sdelay $0x4  }
0x183: {  	v42 =	vshll.u32 v3, $0x10  }
0x184: {  	v3 =	vand.u32 $0xFFFF0000, v3;
	v5 =	vmul.f32 v42, v40  }
0x185: {  	v3 =	vmul.f32 v3, v40  }
0x186: {  	[tilespmem:s12+$0x1A0] =	vst v5  }
0x187: {  	[tilespmem:s12+$0x1B0] =	vst v3  }
0x188: {  	v3 =	vld [tilespmem:s11+$0xE0];
	_ =	sdelay $0x4  }
0x189: {  	v43 =	vshll.u32 v3, $0x10  }
0x18a: {  	v3 =	vand.u32 $0xFFFF0000, v3;
	v5 =	vmul.f32 v43, v40  }
0x18b: {  	v3 =	vmul.f32 v3, v40  }
0x18c: {  	[tilespmem:s12+$0x1C0] =	vst v5  }
0x18d: {  	[tilespmem:s12+$0x1D0] =	vst v3  }
0x18e: {  	v3 =	vld [tilespmem:s11+$0xF0];
	_ =	sdelay $0x4  }
0x18f: {  	v44 =	vshll.u32 v3, $0x10  }
0x190: {  	v3 =	vand.u32 $0xFFFF0000, v3;
	v5 =	vmul.f32 v44, v40  }
0x191: {  	v3 =	vmul.f32 v3, v40  }
0x192: {  	[tilespmem:s12+$0x1E0] =	vst v5  }
0x193: {  	[tilespmem:s12+$0x1F0] =	vst v3  }
0x194: {  	v3 =	vld [tilespmem:s11+$0x100];
	_ =	sdelay $0x3  }
0x195: {  	v45 =	vbroadcast v2, $0xC  }
0x196: {  	v46 =	vshll.u32 v3, $0x10  }
0x197: {  	v3 =	vand.u32 $0xFFFF0000, v3;
	v5 =	vmul.f32 v46, v45  }
0x198: {  	v3 =	vmul.f32 v3, v45  }
0x199: {  	[tilespmem:s12+$0x200] =	vst v5  }
0x19a: {  	[tilespmem:s12+$0x210] =	vst v3  }
0x19b: {  	v3 =	vld [tilespmem:s11+$0x110];
	_ =	sdelay $0x4  }
0x19c: {  	v47 =	vshll.u32 v3, $0x10  }
0x19d: {  	v3 =	vand.u32 $0xFFFF0000, v3;
	v5 =	vmul.f32 v47, v45  }
0x19e: {  	v3 =	vmul.f32 v3, v45  }
0x19f: {  	[tilespmem:s12+$0x220] =	vst v5  }
0x1a0: {  	[tilespmem:s12+$0x230] =	vst v3  }
0x1a1: {  	v3 =	vld [tilespmem:s11+$0x120];
	_ =	sdelay $0x4  }
0x1a2: {  	v48 =	vshll.u32 v3, $0x10  }
0x1a3: {  	v3 =	vand.u32 $0xFFFF0000, v3;
	v5 =	vmul.f32 v48, v45  }
0x1a4: {  	v3 =	vmul.f32 v3, v45  }
0x1a5: {  	[tilespmem:s12+$0x240] =	vst v5  }
0x1a6: {  	[tilespmem:s12+$0x250] =	vst v3  }
0x1a7: {  	v3 =	vld [tilespmem:s11+$0x130];
	_ =	sdelay $0x4  }
0x1a8: {  	v49 =	vshll.u32 v3, $0x10  }
0x1a9: {  	v3 =	vand.u32 $0xFFFF0000, v3;
	v5 =	vmul.f32 v49, v45  }
0x1aa: {  	v3 =	vmul.f32 v3, v45  }
0x1ab: {  	[tilespmem:s12+$0x260] =	vst v5  }
0x1ac: {  	[tilespmem:s12+$0x270] =	vst v3  }
0x1ad: {  	v3 =	vld [tilespmem:s11+$0x140];
	_ =	sdelay $0x3  }
0x1ae: {  	v50 =	vbroadcast v2, $0xD  }
0x1af: {  	v51 =	vshll.u32 v3, $0x10  }
0x1b0: {  	v3 =	vand.u32 $0xFFFF0000, v3;
	v5 =	vmul.f32 v51, v50  }
0x1b1: {  	v3 =	vmul.f32 v3, v50  }
0x1b2: {  	[tilespmem:s12+$0x280] =	vst v5  }
0x1b3: {  	[tilespmem:s12+$0x290] =	vst v3  }
0x1b4: {  	v3 =	vld [tilespmem:s11+$0x150];
	_ =	sdelay $0x4  }
0x1b5: {  	v52 =	vshll.u32 v3, $0x10  }
0x1b6: {  	v3 =	vand.u32 $0xFFFF0000, v3;
	v5 =	vmul.f32 v52, v50  }
0x1b7: {  	v3 =	vmul.f32 v3, v50  }
0x1b8: {  	[tilespmem:s12+$0x2A0] =	vst v5  }
0x1b9: {  	[tilespmem:s12+$0x2B0] =	vst v3  }
0x1ba: {  	v3 =	vld [tilespmem:s11+$0x160];
	_ =	sdelay $0x4  }
0x1bb: {  	v53 =	vshll.u32 v3, $0x10  }
0x1bc: {  	v3 =	vand.u32 $0xFFFF0000, v3;
	v5 =	vmul.f32 v53, v50  }
0x1bd: {  	v3 =	vmul.f32 v3, v50  }
0x1be: {  	[tilespmem:s12+$0x2C0] =	vst v5  }
0x1bf: {  	[tilespmem:s12+$0x2D0] =	vst v3  }
0x1c0: {  	v3 =	vld [tilespmem:s11+$0x170];
	_ =	sdelay $0x4  }
0x1c1: {  	v54 =	vshll.u32 v3, $0x10  }
0x1c2: {  	v3 =	vand.u32 $0xFFFF0000, v3;
	v5 =	vmul.f32 v54, v50  }
0x1c3: {  	v3 =	vmul.f32 v3, v50  }
0x1c4: {  	[tilespmem:s12+$0x2E0] =	vst v5  }
0x1c5: {  	[tilespmem:s12+$0x2F0] =	vst v3  }
0x1c6: {  	v3 =	vld [tilespmem:s11+$0x180];
	_ =	sdelay $0x3  }
0x1c7: {  	v55 =	vbroadcast v2, $0xE  }
0x1c8: {  	v56 =	vshll.u32 v3, $0x10  }
0x1c9: {  	v3 =	vand.u32 $0xFFFF0000, v3;
	v5 =	vmul.f32 v56, v55  }
0x1ca: {  	v3 =	vmul.f32 v3, v55  }
0x1cb: {  	[tilespmem:s12+$0x300] =	vst v5  }
0x1cc: {  	[tilespmem:s12+$0x310] =	vst v3  }
0x1cd: {  	v3 =	vld [tilespmem:s11+$0x190];
	_ =	sdelay $0x4  }
0x1ce: {  	v57 =	vshll.u32 v3, $0x10  }
0x1cf: {  	v3 =	vand.u32 $0xFFFF0000, v3;
	v5 =	vmul.f32 v57, v55  }
0x1d0: {  	v3 =	vmul.f32 v3, v55  }
0x1d1: {  	[tilespmem:s12+$0x320] =	vst v5  }
0x1d2: {  	[tilespmem:s12+$0x330] =	vst v3  }
0x1d3: {  	v3 =	vld [tilespmem:s11+$0x1A0];
	_ =	sdelay $0x4  }
0x1d4: {  	v58 =	vshll.u32 v3, $0x10  }
0x1d5: {  	v3 =	vand.u32 $0xFFFF0000, v3;
	v5 =	vmul.f32 v58, v55  }
0x1d6: {  	v3 =	vmul.f32 v3, v55  }
0x1d7: {  	[tilespmem:s12+$0x340] =	vst v5  }
0x1d8: {  	[tilespmem:s12+$0x350] =	vst v3  }
0x1d9: {  	v3 =	vld [tilespmem:s11+$0x1B0];
	_ =	sdelay $0x4  }
0x1da: {  	v59 =	vshll.u32 v3, $0x10  }
0x1db: {  	v3 =	vand.u32 $0xFFFF0000, v3;
	v5 =	vmul.f32 v59, v55  }
0x1dc: {  	v3 =	vmul.f32 v3, v55  }
0x1dd: {  	[tilespmem:s12+$0x360] =	vst v5  }
0x1de: {  	[tilespmem:s12+$0x370] =	vst v3  }
0x1df: {  	v3 =	vld [tilespmem:s11+$0x1C0];
	_ =	sdelay $0x3  }
0x1e0: {  	v2 =	vbroadcast v2, $0xF  }
0x1e1: {  	v60 =	vshll.u32 v3, $0x10  }
0x1e2: {  	v3 =	vand.u32 $0xFFFF0000, v3;
	v4 =	vmul.f32 v60, v2  }
0x1e3: {  	v3 =	vmul.f32 v3, v2  }
0x1e4: {  	[tilespmem:s12+$0x380] =	vst v4  }
0x1e5: {  	[tilespmem:s12+$0x390] =	vst v3  }
0x1e6: {  	v3 =	vld [tilespmem:s11+$0x1D0];
	_ =	sdelay $0x4  }
0x1e7: {  	v61 =	vshll.u32 v3, $0x10  }
0x1e8: {  	v3 =	vand.u32 $0xFFFF0000, v3;
	v4 =	vmul.f32 v61, v2  }
0x1e9: {  	v3 =	vmul.f32 v3, v2  }
0x1ea: {  	[tilespmem:s12+$0x3A0] =	vst v4  }
0x1eb: {  	[tilespmem:s12+$0x3B0] =	vst v3  }
0x1ec: {  	v3 =	vld [tilespmem:s11+$0x1E0];
	_ =	sdelay $0x4  }
0x1ed: {  	v62 =	vshll.u32 v3, $0x10  }
0x1ee: {  	v3 =	vand.u32 $0xFFFF0000, v3;
	v4 =	vmul.f32 v62, v2  }
0x1ef: {  	v3 =	vmul.f32 v3, v2  }
0x1f0: {  	[tilespmem:s12+$0x3C0] =	vst v4  }
0x1f1: {  	[tilespmem:s12+$0x3D0] =	vst v3  }
0x1f2: {  	v3 =	vld [tilespmem:s11+$0x1F0];
	_ =	sdelay $0x3  }
0x1f3: {  	p0 =	sne.s32 s9, $0x1C0  }
.Ltmp5:
0x1f4: {  	v63 =	vshll.u32 v3, $0x10;
	(pc) =	sbr.rel @p0 .LBB2_6-.Ltmp5, $4  }
0x1f5: {  	v3 =	vand.u32 $0xFFFF0000, v3;
	v4 =	vmul.f32 v63, v2  }
0x1f6: {  	v2 =	vmul.f32 v3, v2  }
0x1f7: {  	[tilespmem:s12+$0x3E0] =	vst v4  }
0x1f8: {  	s9 =	sadd.s32 $0x40, s9;
	s11 =	sadd.s32 $0x400, s11;
	[tilespmem:s12+$0x3F0] =	vst v2;
	s12 =	sadd.s32 $0x800, s12  }
0x1f9: {  	s9 =	sshrl.u32 s10, $0x2  }
0x1fa: {  	s11 =	sadd.s32 $0x800, s9  }
0x1fb: {  	[spmem:s3] =	stream.indirect.scatter.add.f32 [tilespmem:s16], [sflag:$0x3], $0x80, s11, s22, $0xb8;
	[tilespmem:$0x1D800] =	vst v63  }
0x1fc: {  	p0 =	seq.s32 s2, $0x7;
	_ =	swait.ge [sflag:s17], $0x4000  }
0x1fd: {  	s14 =	simm.s32 @!p0 $0x40;
	s11 =	sshrl.u32 @!p0 s10, $0x2;
	[sflag:s17] =	ssyncset.done $0x0  }
0x1fe: {  	s15 =	simm.s32 @!p0 $0x1800;
	s12 =	sadd.s32 @!p0 $0x100, s11;
	[sflag:s17] =	ssyncadd.s32 $0xFFFFC000  }
0x1ff: {  	[tilespmem:s15], [sflag:$0x1] =	stream.indirect.gather @!p0 [hbm4b:s1+s14], $0x40, s12, s14, $0xb8;
	[tilespmem:$0x1D800] =	vst v63  }
0x200: {  	s11 =	sadd.s32 @!p0 $0x140, s11;
	s12 =	simm.s32 @!p0 $0x2800  }
0x201: {  	v1 =	vmov s0;
	[tilespmem:s12], [sflag:$0x1] =	stream.indirect.gather @!p0 [hbm4b:s1+s14], $0x40, s11, s14, $0xb8;
	[tilespmem:$0x1D800] =	vst v63  }
0x202: {  	_ =	swait.ge [sflag:s28], $0x2000  }
0x203: {  	s10 =	sor.u32 $0x200, s10;
	s11 =	simm.s32 $0x0;
	[sflag:s28] =	ssyncset.done $0x0  }
0x204: {  	s12 =	simm.s32 $0x3A00;
	s14 =	simm.s32 $0x5C00;
	[sflag:s28] =	ssyncadd.s32 $0xFFFFE000  }
.LBB2_8:
0x205: {  	s15 =	sshra.s32 s11, $0x2  }
0x206: {  	v2 =	vld.idx.msk [tilespmem:v1+s15+$0x0 ss:$0x1], $0xffff  }
0x207: {  	v3 =	vld [tilespmem:s12+$0xFFFFFE00];
	_ =	sdelay $0x3  }
0x208: {  	v4 =	vbroadcast v2, $0x0  }
0x209: {  	v5 =	vshll.u32 v3, $0x10  }
0x20a: {  	v3 =	vand.u32 $0xFFFF0000, v3;
	v5 =	vmul.f32 v5, v4  }
0x20b: {  	v3 =	vmul.f32 v3, v4  }
0x20c: {  	[tilespmem:s14+$0xFFFFFC00] =	vst v5  }
0x20d: {  	[tilespmem:s14+$0xFFFFFC10] =	vst v3  }
0x20e: {  	v3 =	vld [tilespmem:s12+$0xFFFFFE10];
	_ =	sdelay $0x4  }
0x20f: {  	v43 =	vshll.u32 v3, $0x10  }
0x210: {  	v3 =	vand.u32 $0xFFFF0000, v3;
	v5 =	vmul.f32 v43, v4  }
0x211: {  	v3 =	vmul.f32 v3, v4  }
0x212: {  	[tilespmem:s14+$0xFFFFFC20] =	vst v5  }
0x213: {  	[tilespmem:s14+$0xFFFFFC30] =	vst v3  }
0x214: {  	v3 =	vld [tilespmem:s12+$0xFFFFFE20];
	_ =	sdelay $0x4  }
0x215: {  	v44 =	vshll.u32 v3, $0x10  }
0x216: {  	v3 =	vand.u32 $0xFFFF0000, v3;
	v5 =	vmul.f32 v44, v4  }
0x217: {  	v3 =	vmul.f32 v3, v4  }
0x218: {  	[tilespmem:s14+$0xFFFFFC40] =	vst v5  }
0x219: {  	[tilespmem:s14+$0xFFFFFC50] =	vst v3  }
0x21a: {  	v3 =	vld [tilespmem:s12+$0xFFFFFE30];
	_ =	sdelay $0x4  }
0x21b: {  	v45 =	vshll.u32 v3, $0x10  }
0x21c: {  	v3 =	vand.u32 $0xFFFF0000, v3;
	v5 =	vmul.f32 v45, v4  }
0x21d: {  	v3 =	vmul.f32 v3, v4  }
0x21e: {  	[tilespmem:s14+$0xFFFFFC60] =	vst v5  }
0x21f: {  	[tilespmem:s14+$0xFFFFFC70] =	vst v3  }
0x220: {  	v3 =	vld [tilespmem:s12+$0xFFFFFE40];
	_ =	sdelay $0x3  }
0x221: {  	v46 =	vbroadcast v2, $0x1  }
0x222: {  	v47 =	vshll.u32 v3, $0x10  }
0x223: {  	v3 =	vand.u32 $0xFFFF0000, v3;
	v5 =	vmul.f32 v47, v46  }
0x224: {  	v3 =	vmul.f32 v3, v46  }
0x225: {  	[tilespmem:s14+$0xFFFFFC80] =	vst v5  }
0x226: {  	[tilespmem:s14+$0xFFFFFC90] =	vst v3  }
0x227: {  	v3 =	vld [tilespmem:s12+$0xFFFFFE50];
	_ =	sdelay $0x4  }
0x228: {  	v48 =	vshll.u32 v3, $0x10  }
0x229: {  	v3 =	vand.u32 $0xFFFF0000, v3;
	v5 =	vmul.f32 v48, v46  }
0x22a: {  	v3 =	vmul.f32 v3, v46  }
0x22b: {  	[tilespmem:s14+$0xFFFFFCA0] =	vst v5  }
0x22c: {  	[tilespmem:s14+$0xFFFFFCB0] =	vst v3  }
0x22d: {  	v3 =	vld [tilespmem:s12+$0xFFFFFE60];
	_ =	sdelay $0x4  }
0x22e: {  	v49 =	vshll.u32 v3, $0x10  }
0x22f: {  	v3 =	vand.u32 $0xFFFF0000, v3;
	v5 =	vmul.f32 v49, v46  }
0x230: {  	v3 =	vmul.f32 v3, v46  }
0x231: {  	[tilespmem:s14+$0xFFFFFCC0] =	vst v5  }
0x232: {  	[tilespmem:s14+$0xFFFFFCD0] =	vst v3  }
0x233: {  	v3 =	vld [tilespmem:s12+$0xFFFFFE70];
	_ =	sdelay $0x4  }
0x234: {  	v50 =	vshll.u32 v3, $0x10  }
0x235: {  	v3 =	vand.u32 $0xFFFF0000, v3;
	v5 =	vmul.f32 v50, v46  }
0x236: {  	v3 =	vmul.f32 v3, v46  }
0x237: {  	[tilespmem:s14+$0xFFFFFCE0] =	vst v5  }
0x238: {  	[tilespmem:s14+$0xFFFFFCF0] =	vst v3  }
0x239: {  	v3 =	vld [tilespmem:s12+$0xFFFFFE80];
	_ =	sdelay $0x3  }
0x23a: {  	v51 =	vbroadcast v2, $0x2  }
0x23b: {  	v52 =	vshll.u32 v3, $0x10  }
0x23c: {  	v3 =	vand.u32 $0xFFFF0000, v3;
	v5 =	vmul.f32 v52, v51  }
0x23d: {  	v3 =	vmul.f32 v3, v51  }
0x23e: {  	[tilespmem:s14+$0xFFFFFD00] =	vst v5  }
0x23f: {  	[tilespmem:s14+$0xFFFFFD10] =	vst v3  }
0x240: {  	v3 =	vld [tilespmem:s12+$0xFFFFFE90];
	_ =	sdelay $0x4  }
0x241: {  	v53 =	vshll.u32 v3, $0x10  }
0x242: {  	v3 =	vand.u32 $0xFFFF0000, v3;
	v5 =	vmul.f32 v53, v51  }
0x243: {  	v3 =	vmul.f32 v3, v51  }
0x244: {  	[tilespmem:s14+$0xFFFFFD20] =	vst v5  }
0x245: {  	[tilespmem:s14+$0xFFFFFD30] =	vst v3  }
0x246: {  	v3 =	vld [tilespmem:s12+$0xFFFFFEA0];
	_ =	sdelay $0x4  }
0x247: {  	v54 =	vshll.u32 v3, $0x10  }
0x248: {  	v3 =	vand.u32 $0xFFFF0000, v3;
	v5 =	vmul.f32 v54, v51  }
0x249: {  	v3 =	vmul.f32 v3, v51  }
0x24a: {  	[tilespmem:s14+$0xFFFFFD40] =	vst v5  }
0x24b: {  	[tilespmem:s14+$0xFFFFFD50] =	vst v3  }
0x24c: {  	v3 =	vld [tilespmem:s12+$0xFFFFFEB0];
	_ =	sdelay $0x4  }
0x24d: {  	v55 =	vshll.u32 v3, $0x10  }
0x24e: {  	v3 =	vand.u32 $0xFFFF0000, v3;
	v5 =	vmul.f32 v55, v51  }
0x24f: {  	v3 =	vmul.f32 v3, v51  }
0x250: {  	[tilespmem:s14+$0xFFFFFD60] =	vst v5  }
0x251: {  	[tilespmem:s14+$0xFFFFFD70] =	vst v3  }
0x252: {  	v3 =	vld [tilespmem:s12+$0xFFFFFEC0];
	_ =	sdelay $0x3  }
0x253: {  	v56 =	vbroadcast v2, $0x3  }
0x254: {  	v57 =	vshll.u32 v3, $0x10  }
0x255: {  	v3 =	vand.u32 $0xFFFF0000, v3;
	v5 =	vmul.f32 v57, v56  }
0x256: {  	v3 =	vmul.f32 v3, v56  }
0x257: {  	[tilespmem:s14+$0xFFFFFD80] =	vst v5  }
0x258: {  	[tilespmem:s14+$0xFFFFFD90] =	vst v3  }
0x259: {  	v3 =	vld [tilespmem:s12+$0xFFFFFED0];
	_ =	sdelay $0x4  }
0x25a: {  	v58 =	vshll.u32 v3, $0x10  }
0x25b: {  	v3 =	vand.u32 $0xFFFF0000, v3;
	v5 =	vmul.f32 v58, v56  }
0x25c: {  	v3 =	vmul.f32 v3, v56  }
0x25d: {  	[tilespmem:s14+$0xFFFFFDA0] =	vst v5  }
0x25e: {  	[tilespmem:s14+$0xFFFFFDB0] =	vst v3  }
0x25f: {  	v3 =	vld [tilespmem:s12+$0xFFFFFEE0];
	_ =	sdelay $0x4  }
0x260: {  	v59 =	vshll.u32 v3, $0x10  }
0x261: {  	v3 =	vand.u32 $0xFFFF0000, v3;
	v5 =	vmul.f32 v59, v56  }
0x262: {  	v3 =	vmul.f32 v3, v56  }
0x263: {  	[tilespmem:s14+$0xFFFFFDC0] =	vst v5  }
0x264: {  	[tilespmem:s14+$0xFFFFFDD0] =	vst v3  }
0x265: {  	v3 =	vld [tilespmem:s12+$0xFFFFFEF0];
	_ =	sdelay $0x4  }
0x266: {  	v60 =	vshll.u32 v3, $0x10  }
0x267: {  	v3 =	vand.u32 $0xFFFF0000, v3;
	v5 =	vmul.f32 v60, v56  }
0x268: {  	v3 =	vmul.f32 v3, v56  }
0x269: {  	[tilespmem:s14+$0xFFFFFDE0] =	vst v5  }
0x26a: {  	[tilespmem:s14+$0xFFFFFDF0] =	vst v3  }
0x26b: {  	v3 =	vld [tilespmem:s12+$0xFFFFFF00];
	_ =	sdelay $0x3  }
0x26c: {  	v61 =	vbroadcast v2, $0x4  }
0x26d: {  	v62 =	vshll.u32 v3, $0x10  }
0x26e: {  	v3 =	vand.u32 $0xFFFF0000, v3;
	v5 =	vmul.f32 v62, v61  }
0x26f: {  	v3 =	vmul.f32 v3, v61  }
0x270: {  	[tilespmem:s14+$0xFFFFFE00] =	vst v5  }
0x271: {  	[tilespmem:s14+$0xFFFFFE10] =	vst v3  }
0x272: {  	v3 =	vld [tilespmem:s12+$0xFFFFFF10];
	_ =	sdelay $0x4  }
0x273: {  	v63 =	vshll.u32 v3, $0x10  }
0x274: {  	v3 =	vand.u32 $0xFFFF0000, v3;
	v5 =	vmul.f32 v63, v61  }
0x275: {  	v3 =	vmul.f32 v3, v61  }
0x276: {  	[tilespmem:s14+$0xFFFFFE20] =	vst v5  }
0x277: {  	[tilespmem:s14+$0xFFFFFE30] =	vst v3  }
0x278: {  	v3 =	vld [tilespmem:s12+$0xFFFFFF20];
	_ =	sdelay $0x4  }
0x279: {  	v8 =	vshll.u32 v3, $0x10  }
0x27a: {  	v3 =	vand.u32 $0xFFFF0000, v3;
	v5 =	vmul.f32 v8, v61  }
0x27b: {  	v3 =	vmul.f32 v3, v61  }
0x27c: {  	[tilespmem:s14+$0xFFFFFE40] =	vst v5  }
0x27d: {  	[tilespmem:s14+$0xFFFFFE50] =	vst v3  }
0x27e: {  	v3 =	vld [tilespmem:s12+$0xFFFFFF30];
	_ =	sdelay $0x4  }
0x27f: {  	v9 =	vshll.u32 v3, $0x10  }
0x280: {  	v3 =	vand.u32 $0xFFFF0000, v3;
	v5 =	vmul.f32 v9, v61  }
0x281: {  	v3 =	vmul.f32 v3, v61  }
0x282: {  	[tilespmem:s14+$0xFFFFFE60] =	vst v5  }
0x283: {  	[tilespmem:s14+$0xFFFFFE70] =	vst v3  }
0x284: {  	v3 =	vld [tilespmem:s12+$0xFFFFFF40];
	_ =	sdelay $0x3  }
0x285: {  	v10 =	vbroadcast v2, $0x5  }
0x286: {  	v11 =	vshll.u32 v3, $0x10  }
0x287: {  	v3 =	vand.u32 $0xFFFF0000, v3;
	v5 =	vmul.f32 v11, v10  }
0x288: {  	v3 =	vmul.f32 v3, v10  }
0x289: {  	[tilespmem:s14+$0xFFFFFE80] =	vst v5  }
0x28a: {  	[tilespmem:s14+$0xFFFFFE90] =	vst v3  }
0x28b: {  	v3 =	vld [tilespmem:s12+$0xFFFFFF50];
	_ =	sdelay $0x4  }
0x28c: {  	v12 =	vshll.u32 v3, $0x10  }
0x28d: {  	v3 =	vand.u32 $0xFFFF0000, v3;
	v5 =	vmul.f32 v12, v10  }
0x28e: {  	v3 =	vmul.f32 v3, v10  }
0x28f: {  	[tilespmem:s14+$0xFFFFFEA0] =	vst v5  }
0x290: {  	[tilespmem:s14+$0xFFFFFEB0] =	vst v3  }
0x291: {  	v3 =	vld [tilespmem:s12+$0xFFFFFF60];
	_ =	sdelay $0x4  }
0x292: {  	v13 =	vshll.u32 v3, $0x10  }
0x293: {  	v3 =	vand.u32 $0xFFFF0000, v3;
	v5 =	vmul.f32 v13, v10  }
0x294: {  	v3 =	vmul.f32 v3, v10  }
0x295: {  	[tilespmem:s14+$0xFFFFFEC0] =	vst v5  }
0x296: {  	[tilespmem:s14+$0xFFFFFED0] =	vst v3  }
0x297: {  	v3 =	vld [tilespmem:s12+$0xFFFFFF70];
	_ =	sdelay $0x4  }
0x298: {  	v14 =	vshll.u32 v3, $0x10  }
0x299: {  	v3 =	vand.u32 $0xFFFF0000, v3;
	v5 =	vmul.f32 v14, v10  }
0x29a: {  	v3 =	vmul.f32 v3, v10  }
0x29b: {  	[tilespmem:s14+$0xFFFFFEE0] =	vst v5  }
0x29c: {  	[tilespmem:s14+$0xFFFFFEF0] =	vst v3  }
0x29d: {  	v3 =	vld [tilespmem:s12+$0xFFFFFF80];
	_ =	sdelay $0x3  }
0x29e: {  	v15 =	vbroadcast v2, $0x6  }
0x29f: {  	v16 =	vshll.u32 v3, $0x10  }
0x2a0: {  	v3 =	vand.u32 $0xFFFF0000, v3;
	v5 =	vmul.f32 v16, v15  }
0x2a1: {  	v3 =	vmul.f32 v3, v15  }
0x2a2: {  	[tilespmem:s14+$0xFFFFFF00] =	vst v5  }
0x2a3: {  	[tilespmem:s14+$0xFFFFFF10] =	vst v3  }
0x2a4: {  	v3 =	vld [tilespmem:s12+$0xFFFFFF90];
	_ =	sdelay $0x4  }
0x2a5: {  	v17 =	vshll.u32 v3, $0x10  }
0x2a6: {  	v3 =	vand.u32 $0xFFFF0000, v3;
	v5 =	vmul.f32 v17, v15  }
0x2a7: {  	v3 =	vmul.f32 v3, v15  }
0x2a8: {  	[tilespmem:s14+$0xFFFFFF20] =	vst v5  }
0x2a9: {  	[tilespmem:s14+$0xFFFFFF30] =	vst v3  }
0x2aa: {  	v3 =	vld [tilespmem:s12+$0xFFFFFFA0];
	_ =	sdelay $0x4  }
0x2ab: {  	v18 =	vshll.u32 v3, $0x10  }
0x2ac: {  	v3 =	vand.u32 $0xFFFF0000, v3;
	v5 =	vmul.f32 v18, v15  }
0x2ad: {  	v3 =	vmul.f32 v3, v15  }
0x2ae: {  	[tilespmem:s14+$0xFFFFFF40] =	vst v5  }
0x2af: {  	[tilespmem:s14+$0xFFFFFF50] =	vst v3  }
0x2b0: {  	v3 =	vld [tilespmem:s12+$0xFFFFFFB0];
	_ =	sdelay $0x4  }
0x2b1: {  	v19 =	vshll.u32 v3, $0x10  }
0x2b2: {  	v3 =	vand.u32 $0xFFFF0000, v3;
	v5 =	vmul.f32 v19, v15  }
0x2b3: {  	v3 =	vmul.f32 v3, v15  }
0x2b4: {  	[tilespmem:s14+$0xFFFFFF60] =	vst v5  }
0x2b5: {  	[tilespmem:s14+$0xFFFFFF70] =	vst v3  }
0x2b6: {  	v3 =	vld [tilespmem:s12+$0xFFFFFFC0];
	_ =	sdelay $0x3  }
0x2b7: {  	v20 =	vbroadcast v2, $0x7  }
0x2b8: {  	v21 =	vshll.u32 v3, $0x10  }
0x2b9: {  	v3 =	vand.u32 $0xFFFF0000, v3;
	v5 =	vmul.f32 v21, v20  }
0x2ba: {  	v3 =	vmul.f32 v3, v20  }
0x2bb: {  	[tilespmem:s14+$0xFFFFFF80] =	vst v5  }
0x2bc: {  	[tilespmem:s14+$0xFFFFFF90] =	vst v3  }
0x2bd: {  	v3 =	vld [tilespmem:s12+$0xFFFFFFD0];
	_ =	sdelay $0x4  }
0x2be: {  	v22 =	vshll.u32 v3, $0x10  }
0x2bf: {  	v3 =	vand.u32 $0xFFFF0000, v3;
	v5 =	vmul.f32 v22, v20  }
0x2c0: {  	v3 =	vmul.f32 v3, v20  }
0x2c1: {  	[tilespmem:s14+$0xFFFFFFA0] =	vst v5  }
0x2c2: {  	[tilespmem:s14+$0xFFFFFFB0] =	vst v3  }
0x2c3: {  	v3 =	vld [tilespmem:s12+$0xFFFFFFE0];
	_ =	sdelay $0x4  }
0x2c4: {  	v23 =	vshll.u32 v3, $0x10  }
0x2c5: {  	v3 =	vand.u32 $0xFFFF0000, v3;
	v5 =	vmul.f32 v23, v20  }
0x2c6: {  	v3 =	vmul.f32 v3, v20  }
0x2c7: {  	[tilespmem:s14+$0xFFFFFFC0] =	vst v5  }
0x2c8: {  	[tilespmem:s14+$0xFFFFFFD0] =	vst v3  }
0x2c9: {  	v3 =	vld [tilespmem:s12+$0xFFFFFFF0];
	_ =	sdelay $0x4  }
0x2ca: {  	v24 =	vshll.u32 v3, $0x10  }
0x2cb: {  	v3 =	vand.u32 $0xFFFF0000, v3;
	v5 =	vmul.f32 v24, v20  }
0x2cc: {  	v3 =	vmul.f32 v3, v20  }
0x2cd: {  	[tilespmem:s14+$0xFFFFFFE0] =	vst v5  }
0x2ce: {  	[tilespmem:s14+$0xFFFFFFF0] =	vst v3  }
0x2cf: {  	v3 =	vld [tilespmem:s12+$0x0];
	_ =	sdelay $0x3  }
0x2d0: {  	v25 =	vbroadcast v2, $0x8  }
0x2d1: {  	v26 =	vshll.u32 v3, $0x10  }
0x2d2: {  	v3 =	vand.u32 $0xFFFF0000, v3;
	v5 =	vmul.f32 v26, v25  }
0x2d3: {  	v3 =	vmul.f32 v3, v25  }
0x2d4: {  	[tilespmem:s14+$0x0] =	vst v5  }
0x2d5: {  	[tilespmem:s14+$0x10] =	vst v3  }
0x2d6: {  	v3 =	vld [tilespmem:s12+$0x10];
	_ =	sdelay $0x4  }
0x2d7: {  	v27 =	vshll.u32 v3, $0x10  }
0x2d8: {  	v3 =	vand.u32 $0xFFFF0000, v3;
	v5 =	vmul.f32 v27, v25  }
0x2d9: {  	v3 =	vmul.f32 v3, v25  }
0x2da: {  	[tilespmem:s14+$0x20] =	vst v5  }
0x2db: {  	[tilespmem:s14+$0x30] =	vst v3  }
0x2dc: {  	v3 =	vld [tilespmem:s12+$0x20];
	_ =	sdelay $0x4  }
0x2dd: {  	v28 =	vshll.u32 v3, $0x10  }
0x2de: {  	v3 =	vand.u32 $0xFFFF0000, v3;
	v5 =	vmul.f32 v28, v25  }
0x2df: {  	v3 =	vmul.f32 v3, v25  }
0x2e0: {  	[tilespmem:s14+$0x40] =	vst v5  }
0x2e1: {  	[tilespmem:s14+$0x50] =	vst v3  }
0x2e2: {  	v3 =	vld [tilespmem:s12+$0x30];
	_ =	sdelay $0x4  }
0x2e3: {  	v29 =	vshll.u32 v3, $0x10  }
0x2e4: {  	v3 =	vand.u32 $0xFFFF0000, v3;
	v5 =	vmul.f32 v29, v25  }
0x2e5: {  	v3 =	vmul.f32 v3, v25  }
0x2e6: {  	[tilespmem:s14+$0x60] =	vst v5  }
0x2e7: {  	[tilespmem:s14+$0x70] =	vst v3  }
0x2e8: {  	v3 =	vld [tilespmem:s12+$0x40];
	_ =	sdelay $0x3  }
0x2e9: {  	v30 =	vbroadcast v2, $0x9  }
0x2ea: {  	v31 =	vshll.u32 v3, $0x10  }
0x2eb: {  	v3 =	vand.u32 $0xFFFF0000, v3;
	v5 =	vmul.f32 v31, v30  }
0x2ec: {  	v3 =	vmul.f32 v3, v30  }
0x2ed: {  	[tilespmem:s14+$0x80] =	vst v5  }
0x2ee: {  	[tilespmem:s14+$0x90] =	vst v3  }
0x2ef: {  	v3 =	vld [tilespmem:s12+$0x50];
	_ =	sdelay $0x4  }
0x2f0: {  	v32 =	vshll.u32 v3, $0x10  }
0x2f1: {  	v3 =	vand.u32 $0xFFFF0000, v3;
	v5 =	vmul.f32 v32, v30  }
0x2f2: {  	v3 =	vmul.f32 v3, v30  }
0x2f3: {  	[tilespmem:s14+$0xA0] =	vst v5  }
0x2f4: {  	[tilespmem:s14+$0xB0] =	vst v3  }
0x2f5: {  	v3 =	vld [tilespmem:s12+$0x60];
	_ =	sdelay $0x4  }
0x2f6: {  	v33 =	vshll.u32 v3, $0x10  }
0x2f7: {  	v3 =	vand.u32 $0xFFFF0000, v3;
	v5 =	vmul.f32 v33, v30  }
0x2f8: {  	v3 =	vmul.f32 v3, v30  }
0x2f9: {  	[tilespmem:s14+$0xC0] =	vst v5  }
0x2fa: {  	[tilespmem:s14+$0xD0] =	vst v3  }
0x2fb: {  	v3 =	vld [tilespmem:s12+$0x70];
	_ =	sdelay $0x4  }
0x2fc: {  	v34 =	vshll.u32 v3, $0x10  }
0x2fd: {  	v3 =	vand.u32 $0xFFFF0000, v3;
	v5 =	vmul.f32 v34, v30  }
0x2fe: {  	v3 =	vmul.f32 v3, v30  }
0x2ff: {  	[tilespmem:s14+$0xE0] =	vst v5  }
0x300: {  	[tilespmem:s14+$0xF0] =	vst v3  }
0x301: {  	v3 =	vld [tilespmem:s12+$0x80];
	_ =	sdelay $0x3  }
0x302: {  	v35 =	vbroadcast v2, $0xA  }
0x303: {  	v36 =	vshll.u32 v3, $0x10  }
0x304: {  	v3 =	vand.u32 $0xFFFF0000, v3;
	v5 =	vmul.f32 v36, v35  }
0x305: {  	v3 =	vmul.f32 v3, v35  }
0x306: {  	[tilespmem:s14+$0x100] =	vst v5  }
0x307: {  	[tilespmem:s14+$0x110] =	vst v3  }
0x308: {  	v3 =	vld [tilespmem:s12+$0x90];
	_ =	sdelay $0x4  }
0x309: {  	v37 =	vshll.u32 v3, $0x10  }
0x30a: {  	v3 =	vand.u32 $0xFFFF0000, v3;
	v5 =	vmul.f32 v37, v35  }
0x30b: {  	v3 =	vmul.f32 v3, v35  }
0x30c: {  	[tilespmem:s14+$0x120] =	vst v5  }
0x30d: {  	[tilespmem:s14+$0x130] =	vst v3  }
0x30e: {  	v3 =	vld [tilespmem:s12+$0xA0];
	_ =	sdelay $0x4  }
0x30f: {  	v38 =	vshll.u32 v3, $0x10  }
0x310: {  	v3 =	vand.u32 $0xFFFF0000, v3;
	v5 =	vmul.f32 v38, v35  }
0x311: {  	v3 =	vmul.f32 v3, v35  }
0x312: {  	[tilespmem:s14+$0x140] =	vst v5  }
0x313: {  	[tilespmem:s14+$0x150] =	vst v3  }
0x314: {  	v3 =	vld [tilespmem:s12+$0xB0];
	_ =	sdelay $0x4  }
0x315: {  	v39 =	vshll.u32 v3, $0x10  }
0x316: {  	v3 =	vand.u32 $0xFFFF0000, v3;
	v5 =	vmul.f32 v39, v35  }
0x317: {  	v3 =	vmul.f32 v3, v35  }
0x318: {  	[tilespmem:s14+$0x160] =	vst v5  }
0x319: {  	[tilespmem:s14+$0x170] =	vst v3  }
0x31a: {  	v3 =	vld [tilespmem:s12+$0xC0];
	_ =	sdelay $0x3  }
0x31b: {  	v40 =	vbroadcast v2, $0xB  }
0x31c: {  	v41 =	vshll.u32 v3, $0x10  }
0x31d: {  	v3 =	vand.u32 $0xFFFF0000, v3;
	v5 =	vmul.f32 v41, v40  }
0x31e: {  	v3 =	vmul.f32 v3, v40  }
0x31f: {  	[tilespmem:s14+$0x180] =	vst v5  }
0x320: {  	[tilespmem:s14+$0x190] =	vst v3  }
0x321: {  	v3 =	vld [tilespmem:s12+$0xD0];
	_ =	sdelay $0x4  }
0x322: {  	v42 =	vshll.u32 v3, $0x10  }
0x323: {  	v3 =	vand.u32 $0xFFFF0000, v3;
	v5 =	vmul.f32 v42, v40  }
0x324: {  	v3 =	vmul.f32 v3, v40  }
0x325: {  	[tilespmem:s14+$0x1A0] =	vst v5  }
0x326: {  	[tilespmem:s14+$0x1B0] =	vst v3  }
0x327: {  	v3 =	vld [tilespmem:s12+$0xE0];
	_ =	sdelay $0x4  }
0x328: {  	v43 =	vshll.u32 v3, $0x10  }
0x329: {  	v3 =	vand.u32 $0xFFFF0000, v3;
	v5 =	vmul.f32 v43, v40  }
0x32a: {  	v3 =	vmul.f32 v3, v40  }
0x32b: {  	[tilespmem:s14+$0x1C0] =	vst v5  }
0x32c: {  	[tilespmem:s14+$0x1D0] =	vst v3  }
0x32d: {  	v3 =	vld [tilespmem:s12+$0xF0];
	_ =	sdelay $0x4  }
0x32e: {  	v44 =	vshll.u32 v3, $0x10  }
0x32f: {  	v3 =	vand.u32 $0xFFFF0000, v3;
	v5 =	vmul.f32 v44, v40  }
0x330: {  	v3 =	vmul.f32 v3, v40  }
0x331: {  	[tilespmem:s14+$0x1E0] =	vst v5  }
0x332: {  	[tilespmem:s14+$0x1F0] =	vst v3  }
0x333: {  	v3 =	vld [tilespmem:s12+$0x100];
	_ =	sdelay $0x3  }
0x334: {  	v45 =	vbroadcast v2, $0xC  }
0x335: {  	v46 =	vshll.u32 v3, $0x10  }
0x336: {  	v3 =	vand.u32 $0xFFFF0000, v3;
	v5 =	vmul.f32 v46, v45  }
0x337: {  	v3 =	vmul.f32 v3, v45  }
0x338: {  	[tilespmem:s14+$0x200] =	vst v5  }
0x339: {  	[tilespmem:s14+$0x210] =	vst v3  }
0x33a: {  	v3 =	vld [tilespmem:s12+$0x110];
	_ =	sdelay $0x4  }
0x33b: {  	v47 =	vshll.u32 v3, $0x10  }
0x33c: {  	v3 =	vand.u32 $0xFFFF0000, v3;
	v5 =	vmul.f32 v47, v45  }
0x33d: {  	v3 =	vmul.f32 v3, v45  }
0x33e: {  	[tilespmem:s14+$0x220] =	vst v5  }
0x33f: {  	[tilespmem:s14+$0x230] =	vst v3  }
0x340: {  	v3 =	vld [tilespmem:s12+$0x120];
	_ =	sdelay $0x4  }
0x341: {  	v48 =	vshll.u32 v3, $0x10  }
0x342: {  	v3 =	vand.u32 $0xFFFF0000, v3;
	v5 =	vmul.f32 v48, v45  }
0x343: {  	v3 =	vmul.f32 v3, v45  }
0x344: {  	[tilespmem:s14+$0x240] =	vst v5  }
0x345: {  	[tilespmem:s14+$0x250] =	vst v3  }
0x346: {  	v3 =	vld [tilespmem:s12+$0x130];
	_ =	sdelay $0x4  }
0x347: {  	v49 =	vshll.u32 v3, $0x10  }
0x348: {  	v3 =	vand.u32 $0xFFFF0000, v3;
	v5 =	vmul.f32 v49, v45  }
0x349: {  	v3 =	vmul.f32 v3, v45  }
0x34a: {  	[tilespmem:s14+$0x260] =	vst v5  }
0x34b: {  	[tilespmem:s14+$0x270] =	vst v3  }
0x34c: {  	v3 =	vld [tilespmem:s12+$0x140];
	_ =	sdelay $0x3  }
0x34d: {  	v50 =	vbroadcast v2, $0xD  }
0x34e: {  	v51 =	vshll.u32 v3, $0x10  }
0x34f: {  	v3 =	vand.u32 $0xFFFF0000, v3;
	v5 =	vmul.f32 v51, v50  }
0x350: {  	v3 =	vmul.f32 v3, v50  }
0x351: {  	[tilespmem:s14+$0x280] =	vst v5  }
0x352: {  	[tilespmem:s14+$0x290] =	vst v3  }
0x353: {  	v3 =	vld [tilespmem:s12+$0x150];
	_ =	sdelay $0x4  }
0x354: {  	v52 =	vshll.u32 v3, $0x10  }
0x355: {  	v3 =	vand.u32 $0xFFFF0000, v3;
	v5 =	vmul.f32 v52, v50  }
0x356: {  	v3 =	vmul.f32 v3, v50  }
0x357: {  	[tilespmem:s14+$0x2A0] =	vst v5  }
0x358: {  	[tilespmem:s14+$0x2B0] =	vst v3  }
0x359: {  	v3 =	vld [tilespmem:s12+$0x160];
	_ =	sdelay $0x4  }
0x35a: {  	v53 =	vshll.u32 v3, $0x10  }
0x35b: {  	v3 =	vand.u32 $0xFFFF0000, v3;
	v5 =	vmul.f32 v53, v50  }
0x35c: {  	v3 =	vmul.f32 v3, v50  }
0x35d: {  	[tilespmem:s14+$0x2C0] =	vst v5  }
0x35e: {  	[tilespmem:s14+$0x2D0] =	vst v3  }
0x35f: {  	v3 =	vld [tilespmem:s12+$0x170];
	_ =	sdelay $0x4  }
0x360: {  	v54 =	vshll.u32 v3, $0x10  }
0x361: {  	v3 =	vand.u32 $0xFFFF0000, v3;
	v5 =	vmul.f32 v54, v50  }
0x362: {  	v3 =	vmul.f32 v3, v50  }
0x363: {  	[tilespmem:s14+$0x2E0] =	vst v5  }
0x364: {  	[tilespmem:s14+$0x2F0] =	vst v3  }
0x365: {  	v3 =	vld [tilespmem:s12+$0x180];
	_ =	sdelay $0x3  }
0x366: {  	v55 =	vbroadcast v2, $0xE  }
0x367: {  	v56 =	vshll.u32 v3, $0x10  }
0x368: {  	v3 =	vand.u32 $0xFFFF0000, v3;
	v5 =	vmul.f32 v56, v55  }
0x369: {  	v3 =	vmul.f32 v3, v55  }
0x36a: {  	[tilespmem:s14+$0x300] =	vst v5  }
0x36b: {  	[tilespmem:s14+$0x310] =	vst v3  }
0x36c: {  	v3 =	vld [tilespmem:s12+$0x190];
	_ =	sdelay $0x4  }
0x36d: {  	v57 =	vshll.u32 v3, $0x10  }
0x36e: {  	v3 =	vand.u32 $0xFFFF0000, v3;
	v5 =	vmul.f32 v57, v55  }
0x36f: {  	v3 =	vmul.f32 v3, v55  }
0x370: {  	[tilespmem:s14+$0x320] =	vst v5  }
0x371: {  	[tilespmem:s14+$0x330] =	vst v3  }
0x372: {  	v3 =	vld [tilespmem:s12+$0x1A0];
	_ =	sdelay $0x4  }
0x373: {  	v58 =	vshll.u32 v3, $0x10  }
0x374: {  	v3 =	vand.u32 $0xFFFF0000, v3;
	v5 =	vmul.f32 v58, v55  }
0x375: {  	v3 =	vmul.f32 v3, v55  }
0x376: {  	[tilespmem:s14+$0x340] =	vst v5  }
0x377: {  	[tilespmem:s14+$0x350] =	vst v3  }
0x378: {  	v3 =	vld [tilespmem:s12+$0x1B0];
	_ =	sdelay $0x4  }
0x379: {  	v59 =	vshll.u32 v3, $0x10  }
0x37a: {  	v3 =	vand.u32 $0xFFFF0000, v3;
	v5 =	vmul.f32 v59, v55  }
0x37b: {  	v3 =	vmul.f32 v3, v55  }
0x37c: {  	[tilespmem:s14+$0x360] =	vst v5  }
0x37d: {  	[tilespmem:s14+$0x370] =	vst v3  }
0x37e: {  	v3 =	vld [tilespmem:s12+$0x1C0];
	_ =	sdelay $0x3  }
0x37f: {  	v2 =	vbroadcast v2, $0xF  }
0x380: {  	v60 =	vshll.u32 v3, $0x10  }
0x381: {  	v3 =	vand.u32 $0xFFFF0000, v3;
	v4 =	vmul.f32 v60, v2  }
0x382: {  	v3 =	vmul.f32 v3, v2  }
0x383: {  	[tilespmem:s14+$0x380] =	vst v4  }
0x384: {  	[tilespmem:s14+$0x390] =	vst v3  }
0x385: {  	v3 =	vld [tilespmem:s12+$0x1D0];
	_ =	sdelay $0x4  }
0x386: {  	v61 =	vshll.u32 v3, $0x10  }
0x387: {  	v3 =	vand.u32 $0xFFFF0000, v3;
	v4 =	vmul.f32 v61, v2  }
0x388: {  	v3 =	vmul.f32 v3, v2  }
0x389: {  	[tilespmem:s14+$0x3A0] =	vst v4  }
0x38a: {  	[tilespmem:s14+$0x3B0] =	vst v3  }
0x38b: {  	v3 =	vld [tilespmem:s12+$0x1E0];
	_ =	sdelay $0x4  }
0x38c: {  	v62 =	vshll.u32 v3, $0x10  }
0x38d: {  	v3 =	vand.u32 $0xFFFF0000, v3;
	v4 =	vmul.f32 v62, v2  }
0x38e: {  	v3 =	vmul.f32 v3, v2  }
0x38f: {  	[tilespmem:s14+$0x3C0] =	vst v4  }
0x390: {  	[tilespmem:s14+$0x3D0] =	vst v3  }
0x391: {  	v3 =	vld [tilespmem:s12+$0x1F0];
	_ =	sdelay $0x3  }
0x392: {  	p1 =	sne.s32 s11, $0x1C0  }
.Ltmp6:
0x393: {  	v63 =	vshll.u32 v3, $0x10;
	(pc) =	sbr.rel @p1 .LBB2_8-.Ltmp6, $4  }
0x394: {  	v3 =	vand.u32 $0xFFFF0000, v3;
	v4 =	vmul.f32 v63, v2  }
0x395: {  	v2 =	vmul.f32 v3, v2  }
0x396: {  	[tilespmem:s14+$0x3E0] =	vst v4  }
0x397: {  	s11 =	sadd.s32 $0x40, s11;
	s12 =	sadd.s32 $0x400, s12;
	[tilespmem:s14+$0x3F0] =	vst v2;
	s14 =	sadd.s32 $0x800, s14  }
0x398: {  	s10 =	sshrl.u32 s10, $0x2  }
.Ltmp7:
0x399: {  	s10 =	sadd.s32 $0x800, s10;
	(pc) =	sbr.rel @p0 .LBB2_11-.Ltmp7, $4  }
0x39a: {  	[spmem:s3] =	stream.indirect.scatter.add.f32 [tilespmem:s16], [sflag:$0x3], $0x80, s10, s22, $0xb8;
	[tilespmem:$0x1D800] =	vst v63  }
0x39b: {  	_ =	swait.ge [sflag:s17], $0x4000  }
0x39c: {  	[sflag:s17] =	ssyncset.done $0x0  }
0x39d: {  	[sflag:s17] =	ssyncadd.s32 $0xFFFFC000  }
.Ltmp8:
0x39e: {  	(pc) =	sbr.rel .LBB2_5-.Ltmp8, $4  }
0x39f: {  	s10 =	sadd.s32 $0x180, s9;
	s15 =	sadd.s32 $0x1C0, s9  }
0x3a0: {  	[tilespmem:s23], [sflag:$0x2] =	stream.indirect.gather [hbm4b:s1+s19], $0x40, s10, s19, $0xb8;
	[tilespmem:$0x1D800] =	vst v63  }
0x3a1: {  	s2 =	sadd.s32 $0x1, s2;
	s31 =	sadd.s32 $0x100, s31;
	s0 =	sadd.s32 $0x100, s0  }
0x3a2: {  	[tilespmem:s25], [sflag:$0x2] =	stream.indirect.gather [hbm4b:s1+s19], $0x40, s15, s19, $0xb8;
	[tilespmem:$0x1D800] =	vst v63  }
.LBB2_13:
0x3a3: {  	_ =	sfence.sel $0x180000  }
0x3a4: {  	[bflag:$0x0] =	sbarrier.arrive $0xFFFF  }
0x3a5: {  	_ =	strace $0x90000047  }
0x3a6: {  	s0 =	stileid.u32;
	[bflag:$0x2] =	sbarrier.arrive $0xFFFF  }
0x3a7: {  	p0 =	sne.s32 s0, $0x0;
	s0 =	rddreg [dreg:$0x3]  }
0x3a8: {  	s0 =	sadd.s32 @!p0 $0x100000, s0  }
0x3a9: {  	[sflag:s0] =	ssyncadd.tile.s32 @!p0 $0x1;
	_ =	shalt  }
.Lfunc_end2:
_tile_overlayer_lowered:
.L_overlay_start_2:
0x3aa: {  	(tag) =	ssettag $0x2  }
0x3ab: {  	s0 =	rddreg [dreg:$0x0];
	s2 =	stileid.u32  }
0x3ac: {  	s1 =	rddreg [dreg:$0x1];
	p0 =	sne.s32 s2, $0x0  }
0x3ad: {  	s3 =	rddreg [dreg:$0x2];
	[bflag:$0x3] =	sbarrier.arrive $0xFFFF;
	s2 =	simm.s32 @!p0 $0x1C03  }
0x3ae: {  	[timem:s3], [sflag:s2] =	dma.local @!p0 [hbm:s0], s1  }
0x3af: {  	s0 =	simm.s32 @!p0 $0x3  }
0x3b0: {  	_ =	swait.ge @!p0 [sflag:s0], s1  }
0x3b1: {  	s1 =	ssub.s32 @!p0 $0x0, s1;
	[sflag:s0] =	ssyncset.done @!p0 $0x0  }
0x3b2: {  	[sflag:s0] =	ssyncadd.s32 @!p0 s1  }
0x3b3: {  	[bflag:$0x3] =	sbarrier.arrive $0xFFFF  }
0x3b4: {  	_ =	shalt  }

</sc_bundles>
